<compile_context>
chip_gen: v7x
topology: tpu7x:2x2x1
jax: 0.10.2.dev20260603
libtpu: 0.0.44.dev20260713+nightly
codegen_flags: <defaults>
</compile_context>

<pallas_src>
import functools

import jax
import jax.numpy as jnp
from jax import lax
from jax.experimental import pallas as pl
from jax.experimental.pallas import tpu as pltpu
from jax.experimental.pallas import tpu_sc as plsc

NN = 10000
EE = 320000
DD = 128
NPAD = 10240
NC = 2
NS = 16
NW = NC * NS
EPW = EE // NW
CH = 80
NCH = EPW // CH
RPT = NPAD // NS


def _mesh():
    return plsc.VectorSubcoreMesh(core_axis_name="c", subcore_axis_name="s",
                                  num_cores=NC, num_subcores=NS)


_NBUF = 3
assert (NCH - 2) % _NBUF == 0


def _sc_agg_body(h_hbm, src_hbm, dst_hbm, zeros_hbm, out_hbm,
                 src_v, dstr_v, stage_v, zero_v, acc_sh,
                 g0, g1, g2, d0, d1, d2, s0, s1, s2, zsem):
    gsems = (g0, g1, g2)
    dsems = (d0, d1, d2)
    ssems = (s0, s1, s2)
    c = lax.axis_index("c")
    s = lax.axis_index("s")
    wid = c * NS + s
    base = s * RPT

    def start_fetch(j, b):
        pltpu.async_copy(dst_hbm.at[wid, pl.ds(j, 1)],
                         dstr_v.at[pl.ds(b, 1)], dsems[b])
        pltpu.async_copy(h_hbm.at[src_v.at[pl.ds(j * CH, CH)]],
                         stage_v.at[b], gsems[b])

    def wait_fetch(j, b):
        pltpu.make_async_copy(dst_hbm.at[wid, pl.ds(j, 1)],
                              dstr_v.at[pl.ds(b, 1)], dsems[b]).wait()
        pltpu.make_async_copy(h_hbm.at[src_v.at[pl.ds(j * CH, CH)]],
                              stage_v.at[b], gsems[b]).wait()

    def start_scatter(b):
        pltpu.async_copy(stage_v.at[b], acc_sh.at[dstr_v.at[b]], ssems[b],
                         add=True)

    def wait_scatter(b):
        pltpu.make_async_copy(stage_v.at[b], acc_sh.at[dstr_v.at[b]],
                              ssems[b]).wait()

    pltpu.sync_copy(src_hbm.at[wid], src_v)
    start_fetch(0, 0)
    start_fetch(1, 1)
    pltpu.sync_copy(zeros_hbm, zero_v)
    nz = RPT // 40
    for k in range(nz):
        pltpu.async_copy(zero_v, acc_sh.at[pl.ds(base + k * 40, 40)], zsem)
    for k in range(nz):
        pltpu.make_async_copy(zero_v, acc_sh.at[pl.ds(base + k * 40, 40)],
                              zsem).wait()
    plsc.subcore_barrier()

    def body(g, carry):
        for b in range(_NBUF):
            j = 3 * g + b
            bn = (b + 2) % _NBUF

            @pl.when(j >= 1)
            def _():
                wait_scatter(bn)
            start_fetch(j + 2, bn)
            wait_fetch(j, b)
            start_scatter(b)
        return carry

    ngrp = (NCH - 2) // _NBUF
    lax.fori_loop(0, ngrp, body, 0)
    for j in range(_NBUF * ngrp, NCH):
        b = j % _NBUF
        wait_scatter((b + 2) % _NBUF)
        wait_fetch(j, b)
        start_scatter(b)
    wait_scatter((NCH - 1) % _NBUF)
    plsc.subcore_barrier()
    pltpu.sync_copy(acc_sh.at[pl.ds(base, RPT)],
                    out_hbm.at[pl.ds(c * NPAD + base, RPT)])


def _sc_deg_body(dst_hbm, zeros_hbm, out_hbm, dst_v, acc_v):
    c = lax.axis_index("c")
    s = lax.axis_index("s")
    wid = c * NS + s
    pltpu.sync_copy(zeros_hbm, acc_v)
    pltpu.sync_copy(dst_hbm.at[wid], dst_v)
    ones = jnp.full((16,), 1.0, jnp.float32)

    def body(i, carry):
        for u in range(5):
            idx = dst_v[pl.ds((5 * i + u) * 16, 16)]
            plsc.addupdate_scatter(acc_v, [idx], ones)
        return carry

    lax.fori_loop(0, EPW // 80, body, 0)
    pltpu.sync_copy(acc_v, out_hbm.at[wid])


@functools.lru_cache(maxsize=None)
def _sc_kernels():
    agg = pl.kernel(
        _sc_agg_body,
        mesh=_mesh(),
        out_type=jax.ShapeDtypeStruct((NC * NPAD, DD), jnp.float32),
        scratch_types=(
            [
                pltpu.VMEM((EPW,), jnp.int32),
                pltpu.VMEM((_NBUF, CH), jnp.int32),
                pltpu.VMEM((_NBUF, CH, DD), jnp.float32),
                pltpu.VMEM((40, DD), jnp.float32),
                pltpu.VMEM_SHARED((NPAD, DD), jnp.float32),
            ]
            + [pltpu.SemaphoreType.DMA] * 10
        ),
    )
    deg = pl.kernel(
        _sc_deg_body,
        mesh=_mesh(),
        compiler_params=pltpu.CompilerParams(needs_layout_passes=False),
        out_type=jax.ShapeDtypeStruct((NW, NPAD), jnp.float32),
        scratch_types=[
            pltpu.VMEM((EPW,), jnp.int32),
            pltpu.VMEM((NPAD,), jnp.float32),
        ],
    )
    return agg, deg


def _tc_body(relu):
    def f(p0, p1, d, h, wl, blp, wr, o):
        deg = jnp.maximum(jnp.sum(d[...], axis=0), 1.0)[:, None]
        agg = (p0[...] + p1[...]) / deg
        y = lax.dot_general(agg, wl[...], (((1,), (1,)), ((), ())),
                            preferred_element_type=jnp.float32)
        y = y + blp[...][0:1, :]
        y = y + lax.dot_general(h[...], wr[...], (((1,), (1,)), ((), ())),
                                preferred_element_type=jnp.float32)
        if relu:
            y = jnp.maximum(y, 0.0)
        o[...] = y
    return f


_BM = 1024
_NBLK = NPAD // _BM


def _dense(parts, deg, h, wl, bl, wr, relu):
    blp = jnp.broadcast_to(bl[None, :], (8, DD))
    return pl.pallas_call(
        _tc_body(relu),
        grid=(_NBLK,),
        in_specs=[
            pl.BlockSpec((_BM, DD), lambda i: (i, 0)),
            pl.BlockSpec((_BM, DD), lambda i: (_NBLK + i, 0)),
            pl.BlockSpec((NW, _BM), lambda i: (0, i)),
            pl.BlockSpec((_BM, DD), lambda i: (i, 0)),
            pl.BlockSpec((DD, DD), lambda i: (0, 0)),
            pl.BlockSpec((8, DD), lambda i: (0, 0)),
            pl.BlockSpec((DD, DD), lambda i: (0, 0)),
        ],
        out_specs=pl.BlockSpec((_BM, DD), lambda i: (i, 0)),
        out_shape=jax.ShapeDtypeStruct((NPAD, DD), jnp.float32),
    )(parts, parts, deg, h, wl, blp, wr)


def kernel(x, edge_index, Wl1, bl1, Wr1, Wl2, bl2, Wr2, Wl3, bl3, Wr3):
    src = edge_index[0].reshape(NW, EPW)
    dst = edge_index[1].reshape(NW, NCH, CH)
    xp = jnp.pad(x, ((0, NPAD - NN), (0, 0)))
    zeros_d = jnp.zeros((40, DD), jnp.float32)
    zeros_1 = jnp.zeros((NPAD,), jnp.float32)

    sc_agg, sc_deg = _sc_kernels()
    deg = sc_deg(edge_index[1].reshape(NW, EPW), zeros_1)
    h = xp
    for wl, bl, wr, relu in ((Wl1, bl1, Wr1, True),
                             (Wl2, bl2, Wr2, False),
                             (Wl3, bl3, Wr3, False)):
        parts = sc_agg(h, src, dst, zeros_d)
        h = _dense(parts, deg, h, wl, bl, wr, relu)
    return h[:NN]

# --- scband reference (transcript-rebuilt; emitter-appended) ---
"""Pipeline reference for scband-gnn-17205638988431 (READ-ONLY COPY).

The authoritative reference and input builder live on the scoring server;
editing this copy changes nothing except your own understanding.
"""

import jax, jax.numpy as jnp
import numpy as np

N = 10000
E = 320000
D = 128


def setup_inputs(seed: int = 0) -> dict:
    key = jax.random.key(seed)
    ks = jax.random.split(key, 16)
    inp = {}
    inp["x"] = jax.random.normal(ks[0], (N, D), dtype=jnp.float32)
    inp["edge_index"] = jax.random.randint(ks[1], (2, E), 0, N, dtype=jnp.int32)
    s = 1.0 / np.sqrt(D)
    # 3 SAGEConv layers, each with lin_l (weight+bias, applied to aggregated
    # neighbor features) and lin_r (weight only, applied to root features).
    param_names = [("Wl1", "bl1", "Wr1"), ("Wl2", "bl2", "Wr2"), ("Wl3", "bl3", "Wr3")]
    ki = 2
    for (wl, bl, wr) in param_names:
        inp[wl] = jax.random.uniform(ks[ki], (D, D), dtype=jnp.float32, minval=-s, maxval=s); ki += 1
        inp[bl] = jax.random.uniform(ks[ki], (D,), dtype=jnp.float32, minval=-s, maxval=s); ki += 1
        inp[wr] = jax.random.uniform(ks[ki], (D, D), dtype=jnp.float32, minval=-s, maxval=s); ki += 1
    return inp


def _sage_conv(x, src, dst, Wl, bl, Wr):
    # PyG SAGEConv with mean aggregation:
    #   out = lin_l(mean_{j in N(i)} x_j) + lin_r(x_i)
    msg = x[src]                                   # gather source node features
    agg = jax.ops.segment_sum(msg, dst, num_segments=N)
    cnt = jax.ops.segment_sum(jnp.ones((src.shape[0],), dtype=x.dtype), dst, num_segments=N)
    agg = agg / jnp.clip(cnt, 1.0)[:, None]        # mean aggregation
    return agg @ Wl.T + bl + x @ Wr.T


def reference(x, edge_index, Wl1, bl1, Wr1, Wl2, bl2, Wr2, Wl3, bl3, Wr3):
    src = edge_index[0]
    dst = edge_index[1]
    h = jax.nn.relu(_sage_conv(x, src, dst, Wl1, bl1, Wr1))
    h = _sage_conv(h, src, dst, Wl2, bl2, Wr2)
    h = _sage_conv(h, src, dst, Wl3, bl3, Wr3)
    return h

if __name__ == "__main__":
    import jax
    _d = setup_inputs()
    print(jax.jit(kernel)(*tuple(_d.values())))

</pallas_src>

<mosaic_0001>
#map = affine_map<(d0, d1) -> (0, 0)>
#map1 = affine_map<(d0, d1) -> (0, 0, 0)>
module attributes {stable_mosaic.version = 14 : i64} {
  func.func @_sc_agg_body(%arg0: i32, %arg1: i32, %arg2: memref<10240x128xf32, #tpu.memory_space<hbm>>, %arg3: memref<32x10000xi32, #tpu.memory_space<hbm>>, %arg4: memref<32x125x80xi32, #tpu.memory_space<hbm>>, %arg5: memref<40x128xf32, #tpu.memory_space<hbm>>, %arg6: memref<20480x128xf32, #tpu.memory_space<hbm>>, %arg7: memref<10000xi32, #tpu.memory_space<vmem>>, %arg8: memref<3x80xi32, #tpu.memory_space<vmem>>, %arg9: memref<3x80x128xf32, #tpu.memory_space<vmem>>, %arg10: memref<40x128xf32, #tpu.memory_space<vmem>>, %arg11: memref<10240x128xf32, #tpu.memory_space<vmem_shared>>, %arg12: memref<!tpu.dma_semaphore, #tpu.memory_space<semaphore_mem>>, %arg13: memref<!tpu.dma_semaphore, #tpu.memory_space<semaphore_mem>>, %arg14: memref<!tpu.dma_semaphore, #tpu.memory_space<semaphore_mem>>, %arg15: memref<!tpu.dma_semaphore, #tpu.memory_space<semaphore_mem>>, %arg16: memref<!tpu.dma_semaphore, #tpu.memory_space<semaphore_mem>>, %arg17: memref<!tpu.dma_semaphore, #tpu.memory_space<semaphore_mem>>, %arg18: memref<!tpu.dma_semaphore, #tpu.memory_space<semaphore_mem>>, %arg19: memref<!tpu.dma_semaphore, #tpu.memory_space<semaphore_mem>>, %arg20: memref<!tpu.dma_semaphore, #tpu.memory_space<semaphore_mem>>, %arg21: memref<!tpu.dma_semaphore, #tpu.memory_space<semaphore_mem>>) attributes {dimension_semantics = [#tpu.dimension_semantics<core_parallel>, #tpu.dimension_semantics<subcore_parallel>], iteration_bounds = array<i64: 2, 16>, scalar_prefetch = 0 : i64, scratch_operands = 15 : i64, tpu.core_type = #tpu.core_type<sc_vector_subcore>, window_params = [{transform_indices = #map}, {transform_indices = #map}, {transform_indices = #map1}, {transform_indices = #map}, {transform_indices = #map}]} {
    %mul3A = arith.constant 16 : i32
    %mul3A_0 = arith.muli %arg0, %mul3A : i32
    %add3A = arith.addi %mul3A_0, %arg1 : i32
    %mul3A_1 = arith.constant 640 : i32
    %mul3A_2 = arith.muli %arg1, %mul3A_1 : i32
    "tpu.region"() ({
      %run_scoped3A = tpu.sem_alloc : memref<!tpu.dma_semaphore, #tpu.memory_space<semaphore_mem>>
      %dma_start3A_358 = arith.constant 0 : i32
      %dma_start3A_359 = tpu.memref_slice %arg3[%add3A, %dma_start3A_358] : memref<32x10000xi32, #tpu.memory_space<hbm>> -> memref<1x10000xi32, #tpu.memory_space<hbm>>
      %dma_start3A_360 = tpu.memref_squeeze %dma_start3A_359 : memref<1x10000xi32, #tpu.memory_space<hbm>> -> memref<10000xi32, #tpu.memory_space<hbm>>
      %dma_start3A_361 = arith.constant 0 : i32
      %dma_start3A_362 = tpu.memref_slice %arg3[%add3A, %dma_start3A_361] : memref<32x10000xi32, #tpu.memory_space<hbm>> -> memref<1x10000xi32, #tpu.memory_space<hbm>>
      %dma_start3A_363 = tpu.memref_squeeze %dma_start3A_362 : memref<1x10000xi32, #tpu.memory_space<hbm>> -> memref<10000xi32, #tpu.memory_space<hbm>>
      tpu.enqueue_dma source(%dma_start3A_363 : memref<10000xi32, #tpu.memory_space<hbm>>) target(%arg7 : memref<10000xi32, #tpu.memory_space<vmem>>) target_semaphore(%run_scoped3A : memref<!tpu.dma_semaphore, #tpu.memory_space<semaphore_mem>>)
      %dma_wait3A_364 = arith.constant 0 : i32
      %dma_wait3A_365 = tpu.memref_slice %arg3[%add3A, %dma_wait3A_364] : memref<32x10000xi32, #tpu.memory_space<hbm>> -> memref<1x10000xi32, #tpu.memory_space<hbm>>
      %dma_wait3A_366 = tpu.memref_squeeze %dma_wait3A_365 : memref<1x10000xi32, #tpu.memory_space<hbm>> -> memref<10000xi32, #tpu.memory_space<hbm>>
      %dma_wait3A_367 = arith.constant 0 : i32
      %dma_wait3A_368 = tpu.memref_slice %arg3[%add3A, %dma_wait3A_367] : memref<32x10000xi32, #tpu.memory_space<hbm>> -> memref<1x10000xi32, #tpu.memory_space<hbm>>
      %dma_wait3A_369 = tpu.memref_squeeze %dma_wait3A_368 : memref<1x10000xi32, #tpu.memory_space<hbm>> -> memref<10000xi32, #tpu.memory_space<hbm>>
      tpu.wait_dma2 semaphore(%run_scoped3A : memref<!tpu.dma_semaphore, #tpu.memory_space<semaphore_mem>>) src(%dma_wait3A_369 : memref<10000xi32, #tpu.memory_space<hbm>>) dst(%arg7 : memref<10000xi32, #tpu.memory_space<vmem>>)
      tpu.yield
    }) : () -> ()
    %dma_start3A = arith.constant 0 : i32
    %dma_start3A_3 = arith.constant 0 : i32
    %dma_start3A_4 = tpu.memref_slice %arg8[%dma_start3A, %dma_start3A_3] : memref<3x80xi32, #tpu.memory_space<vmem>> -> memref<1x80xi32, #tpu.memory_space<vmem>>
    %dma_start3A_5 = arith.constant 0 : i32
    %dma_start3A_6 = arith.constant 0 : i32
    %dma_start3A_7 = tpu.memref_slice %arg4[%add3A, %dma_start3A_5, %dma_start3A_6] : memref<32x125x80xi32, #tpu.memory_space<hbm>> -> memref<1x1x80xi32, #tpu.memory_space<hbm>>
    %dma_start3A_8 = tpu.memref_squeeze %dma_start3A_7 : memref<1x1x80xi32, #tpu.memory_space<hbm>> -> memref<1x80xi32, #tpu.memory_space<hbm>>
    %dma_start3A_9 = arith.constant 0 : i32
    %dma_start3A_10 = arith.constant 0 : i32
    %dma_start3A_11 = tpu.memref_slice %arg8[%dma_start3A_9, %dma_start3A_10] : memref<3x80xi32, #tpu.memory_space<vmem>> -> memref<1x80xi32, #tpu.memory_space<vmem>>
    %dma_start3A_12 = arith.constant 0 : i32
    %dma_start3A_13 = arith.constant 0 : i32
    %dma_start3A_14 = tpu.memref_slice %arg4[%add3A, %dma_start3A_12, %dma_start3A_13] : memref<32x125x80xi32, #tpu.memory_space<hbm>> -> memref<1x1x80xi32, #tpu.memory_space<hbm>>
    %dma_start3A_15 = tpu.memref_squeeze %dma_start3A_14 : memref<1x1x80xi32, #tpu.memory_space<hbm>> -> memref<1x80xi32, #tpu.memory_space<hbm>>
    tpu.enqueue_dma source(%dma_start3A_15 : memref<1x80xi32, #tpu.memory_space<hbm>>) target(%dma_start3A_11 : memref<1x80xi32, #tpu.memory_space<vmem>>) target_semaphore(%arg15 : memref<!tpu.dma_semaphore, #tpu.memory_space<semaphore_mem>>)
    %dma_start3A_16 = arith.constant 0 : i32
    %dma_start3A_17 = arith.constant 0 : i32
    %dma_start3A_18 = arith.constant 0 : i32
    %dma_start3A_19 = tpu.memref_slice %arg9[%dma_start3A_16, %dma_start3A_17, %dma_start3A_18] : memref<3x80x128xf32, #tpu.memory_space<vmem>> -> memref<1x80x128xf32, #tpu.memory_space<vmem>>
    %dma_start3A_20 = tpu.memref_squeeze %dma_start3A_19 : memref<1x80x128xf32, #tpu.memory_space<vmem>> -> memref<80x128xf32, #tpu.memory_space<vmem>>
    %dma_start3A_21 = arith.constant 0 : i32
    %dma_start3A_22 = tpu.memref_slice %arg7[%dma_start3A_21] : memref<10000xi32, #tpu.memory_space<vmem>> -> memref<80xi32, #tpu.memory_space<vmem>>
    %dma_start3A_23 = arith.constant 0 : i32
    %dma_start3A_24 = arith.constant 0 : i32
    %dma_start3A_25 = tpu.memref_slice %arg2[%dma_start3A_23, %dma_start3A_24] : memref<10240x128xf32, #tpu.memory_space<hbm>> -> memref<10240x128xf32, #tpu.memory_space<hbm>>
    tpu.enqueue_indirect_dma source(%dma_start3A_25 : memref<10240x128xf32, #tpu.memory_space<hbm>>) target(%dma_start3A_20 : memref<80x128xf32, #tpu.memory_space<vmem>>) offsets(%dma_start3A_22 : memref<80xi32, #tpu.memory_space<vmem>>) semaphore(%arg12 : memref<!tpu.dma_semaphore, #tpu.memory_space<semaphore_mem>>)
    %dma_start3A_26 = arith.constant 1 : i32
    %dma_start3A_27 = arith.constant 0 : i32
    %dma_start3A_28 = tpu.memref_slice %arg8[%dma_start3A_26, %dma_start3A_27] : memref<3x80xi32, #tpu.memory_space<vmem>> -> memref<1x80xi32, #tpu.memory_space<vmem>>
    %dma_start3A_29 = arith.constant 1 : i32
    %dma_start3A_30 = arith.constant 0 : i32
    %dma_start3A_31 = tpu.memref_slice %arg4[%add3A, %dma_start3A_29, %dma_start3A_30] : memref<32x125x80xi32, #tpu.memory_space<hbm>> -> memref<1x1x80xi32, #tpu.memory_space<hbm>>
    %dma_start3A_32 = tpu.memref_squeeze %dma_start3A_31 : memref<1x1x80xi32, #tpu.memory_space<hbm>> -> memref<1x80xi32, #tpu.memory_space<hbm>>
    %dma_start3A_33 = arith.constant 1 : i32
    %dma_start3A_34 = arith.constant 0 : i32
    %dma_start3A_35 = tpu.memref_slice %arg8[%dma_start3A_33, %dma_start3A_34] : memref<3x80xi32, #tpu.memory_space<vmem>> -> memref<1x80xi32, #tpu.memory_space<vmem>>
    %dma_start3A_36 = arith.constant 1 : i32
    %dma_start3A_37 = arith.constant 0 : i32
    %dma_start3A_38 = tpu.memref_slice %arg4[%add3A, %dma_start3A_36, %dma_start3A_37] : memref<32x125x80xi32, #tpu.memory_space<hbm>> -> memref<1x1x80xi32, #tpu.memory_space<hbm>>
    %dma_start3A_39 = tpu.memref_squeeze %dma_start3A_38 : memref<1x1x80xi32, #tpu.memory_space<hbm>> -> memref<1x80xi32, #tpu.memory_space<hbm>>
    tpu.enqueue_dma source(%dma_start3A_39 : memref<1x80xi32, #tpu.memory_space<hbm>>) target(%dma_start3A_35 : memref<1x80xi32, #tpu.memory_space<vmem>>) target_semaphore(%arg16 : memref<!tpu.dma_semaphore, #tpu.memory_space<semaphore_mem>>)
    %dma_start3A_40 = arith.constant 1 : i32
    %dma_start3A_41 = arith.constant 0 : i32
    %dma_start3A_42 = arith.constant 0 : i32
    %dma_start3A_43 = tpu.memref_slice %arg9[%dma_start3A_40, %dma_start3A_41, %dma_start3A_42] : memref<3x80x128xf32, #tpu.memory_space<vmem>> -> memref<1x80x128xf32, #tpu.memory_space<vmem>>
    %dma_start3A_44 = tpu.memref_squeeze %dma_start3A_43 : memref<1x80x128xf32, #tpu.memory_space<vmem>> -> memref<80x128xf32, #tpu.memory_space<vmem>>
    %dma_start3A_45 = arith.constant 80 : i32
    %dma_start3A_46 = tpu.memref_slice %arg7[%dma_start3A_45] : memref<10000xi32, #tpu.memory_space<vmem>> -> memref<80xi32, #tpu.memory_space<vmem>>
    %dma_start3A_47 = arith.constant 0 : i32
    %dma_start3A_48 = arith.constant 0 : i32
    %dma_start3A_49 = tpu.memref_slice %arg2[%dma_start3A_47, %dma_start3A_48] : memref<10240x128xf32, #tpu.memory_space<hbm>> -> memref<10240x128xf32, #tpu.memory_space<hbm>>
    tpu.enqueue_indirect_dma source(%dma_start3A_49 : memref<10240x128xf32, #tpu.memory_space<hbm>>) target(%dma_start3A_44 : memref<80x128xf32, #tpu.memory_space<vmem>>) offsets(%dma_start3A_46 : memref<80xi32, #tpu.memory_space<vmem>>) semaphore(%arg13 : memref<!tpu.dma_semaphore, #tpu.memory_space<semaphore_mem>>)
    "tpu.region"() ({
      %run_scoped3A = tpu.sem_alloc : memref<!tpu.dma_semaphore, #tpu.memory_space<semaphore_mem>>
      tpu.enqueue_dma source(%arg5 : memref<40x128xf32, #tpu.memory_space<hbm>>) target(%arg10 : memref<40x128xf32, #tpu.memory_space<vmem>>) target_semaphore(%run_scoped3A : memref<!tpu.dma_semaphore, #tpu.memory_space<semaphore_mem>>)
      tpu.wait_dma2 semaphore(%run_scoped3A : memref<!tpu.dma_semaphore, #tpu.memory_space<semaphore_mem>>) src(%arg5 : memref<40x128xf32, #tpu.memory_space<hbm>>) dst(%arg10 : memref<40x128xf32, #tpu.memory_space<vmem>>)
      tpu.yield
    }) : () -> ()
    %add3A_50 = arith.constant 0 : i32
    %add3A_51 = arith.addi %mul3A_2, %add3A_50 : i32
    %dma_start3A_52 = arith.constant 0 : i32
    %dma_start3A_53 = tpu.memref_slice %arg11[%add3A_51, %dma_start3A_52] : memref<10240x128xf32, #tpu.memory_space<vmem_shared>> -> memref<40x128xf32, #tpu.memory_space<vmem_shared>>
    %dma_start3A_54 = arith.constant 0 : i32
    %dma_start3A_55 = tpu.memref_slice %arg11[%add3A_51, %dma_start3A_54] : memref<10240x128xf32, #tpu.memory_space<vmem_shared>> -> memref<40x128xf32, #tpu.memory_space<vmem_shared>>
    tpu.enqueue_dma source(%arg10 : memref<40x128xf32, #tpu.memory_space<vmem>>) target(%dma_start3A_55 : memref<40x128xf32, #tpu.memory_space<vmem_shared>>) target_semaphore(%arg21 : memref<!tpu.dma_semaphore, #tpu.memory_space<semaphore_mem>>)
    %add3A_56 = arith.constant 40 : i32
    %add3A_57 = arith.addi %mul3A_2, %add3A_56 : i32
    %dma_start3A_58 = arith.constant 0 : i32
    %dma_start3A_59 = tpu.memref_slice %arg11[%add3A_57, %dma_start3A_58] : memref<10240x128xf32, #tpu.memory_space<vmem_shared>> -> memref<40x128xf32, #tpu.memory_space<vmem_shared>>
    %dma_start3A_60 = arith.constant 0 : i32
    %dma_start3A_61 = tpu.memref_slice %arg11[%add3A_57, %dma_start3A_60] : memref<10240x128xf32, #tpu.memory_space<vmem_shared>> -> memref<40x128xf32, #tpu.memory_space<vmem_shared>>
    tpu.enqueue_dma source(%arg10 : memref<40x128xf32, #tpu.memory_space<vmem>>) target(%dma_start3A_61 : memref<40x128xf32, #tpu.memory_space<vmem_shared>>) target_semaphore(%arg21 : memref<!tpu.dma_semaphore, #tpu.memory_space<semaphore_mem>>)
    %add3A_62 = arith.constant 80 : i32
    %add3A_63 = arith.addi %mul3A_2, %add3A_62 : i32
    %dma_start3A_64 = arith.constant 0 : i32
    %dma_start3A_65 = tpu.memref_slice %arg11[%add3A_63, %dma_start3A_64] : memref<10240x128xf32, #tpu.memory_space<vmem_shared>> -> memref<40x128xf32, #tpu.memory_space<vmem_shared>>
    %dma_start3A_66 = arith.constant 0 : i32
    %dma_start3A_67 = tpu.memref_slice %arg11[%add3A_63, %dma_start3A_66] : memref<10240x128xf32, #tpu.memory_space<vmem_shared>> -> memref<40x128xf32, #tpu.memory_space<vmem_shared>>
    tpu.enqueue_dma source(%arg10 : memref<40x128xf32, #tpu.memory_space<vmem>>) target(%dma_start3A_67 : memref<40x128xf32, #tpu.memory_space<vmem_shared>>) target_semaphore(%arg21 : memref<!tpu.dma_semaphore, #tpu.memory_space<semaphore_mem>>)
    %add3A_68 = arith.constant 120 : i32
    %add3A_69 = arith.addi %mul3A_2, %add3A_68 : i32
    %dma_start3A_70 = arith.constant 0 : i32
    %dma_start3A_71 = tpu.memref_slice %arg11[%add3A_69, %dma_start3A_70] : memref<10240x128xf32, #tpu.memory_space<vmem_shared>> -> memref<40x128xf32, #tpu.memory_space<vmem_shared>>
    %dma_start3A_72 = arith.constant 0 : i32
    %dma_start3A_73 = tpu.memref_slice %arg11[%add3A_69, %dma_start3A_72] : memref<10240x128xf32, #tpu.memory_space<vmem_shared>> -> memref<40x128xf32, #tpu.memory_space<vmem_shared>>
    tpu.enqueue_dma source(%arg10 : memref<40x128xf32, #tpu.memory_space<vmem>>) target(%dma_start3A_73 : memref<40x128xf32, #tpu.memory_space<vmem_shared>>) target_semaphore(%arg21 : memref<!tpu.dma_semaphore, #tpu.memory_space<semaphore_mem>>)
    %add3A_74 = arith.constant 160 : i32
    %add3A_75 = arith.addi %mul3A_2, %add3A_74 : i32
    %dma_start3A_76 = arith.constant 0 : i32
    %dma_start3A_77 = tpu.memref_slice %arg11[%add3A_75, %dma_start3A_76] : memref<10240x128xf32, #tpu.memory_space<vmem_shared>> -> memref<40x128xf32, #tpu.memory_space<vmem_shared>>
    %dma_start3A_78 = arith.constant 0 : i32
    %dma_start3A_79 = tpu.memref_slice %arg11[%add3A_75, %dma_start3A_78] : memref<10240x128xf32, #tpu.memory_space<vmem_shared>> -> memref<40x128xf32, #tpu.memory_space<vmem_shared>>
    tpu.enqueue_dma source(%arg10 : memref<40x128xf32, #tpu.memory_space<vmem>>) target(%dma_start3A_79 : memref<40x128xf32, #tpu.memory_space<vmem_shared>>) target_semaphore(%arg21 : memref<!tpu.dma_semaphore, #tpu.memory_space<semaphore_mem>>)
    %add3A_80 = arith.constant 200 : i32
    %add3A_81 = arith.addi %mul3A_2, %add3A_80 : i32
    %dma_start3A_82 = arith.constant 0 : i32
    %dma_start3A_83 = tpu.memref_slice %arg11[%add3A_81, %dma_start3A_82] : memref<10240x128xf32, #tpu.memory_space<vmem_shared>> -> memref<40x128xf32, #tpu.memory_space<vmem_shared>>
    %dma_start3A_84 = arith.constant 0 : i32
    %dma_start3A_85 = tpu.memref_slice %arg11[%add3A_81, %dma_start3A_84] : memref<10240x128xf32, #tpu.memory_space<vmem_shared>> -> memref<40x128xf32, #tpu.memory_space<vmem_shared>>
    tpu.enqueue_dma source(%arg10 : memref<40x128xf32, #tpu.memory_space<vmem>>) target(%dma_start3A_85 : memref<40x128xf32, #tpu.memory_space<vmem_shared>>) target_semaphore(%arg21 : memref<!tpu.dma_semaphore, #tpu.memory_space<semaphore_mem>>)
    %add3A_86 = arith.constant 240 : i32
    %add3A_87 = arith.addi %mul3A_2, %add3A_86 : i32
    %dma_start3A_88 = arith.constant 0 : i32
    %dma_start3A_89 = tpu.memref_slice %arg11[%add3A_87, %dma_start3A_88] : memref<10240x128xf32, #tpu.memory_space<vmem_shared>> -> memref<40x128xf32, #tpu.memory_space<vmem_shared>>
    %dma_start3A_90 = arith.constant 0 : i32
    %dma_start3A_91 = tpu.memref_slice %arg11[%add3A_87, %dma_start3A_90] : memref<10240x128xf32, #tpu.memory_space<vmem_shared>> -> memref<40x128xf32, #tpu.memory_space<vmem_shared>>
    tpu.enqueue_dma source(%arg10 : memref<40x128xf32, #tpu.memory_space<vmem>>) target(%dma_start3A_91 : memref<40x128xf32, #tpu.memory_space<vmem_shared>>) target_semaphore(%arg21 : memref<!tpu.dma_semaphore, #tpu.memory_space<semaphore_mem>>)
    %add3A_92 = arith.constant 280 : i32
    %add3A_93 = arith.addi %mul3A_2, %add3A_92 : i32
    %dma_start3A_94 = arith.constant 0 : i32
    %dma_start3A_95 = tpu.memref_slice %arg11[%add3A_93, %dma_start3A_94] : memref<10240x128xf32, #tpu.memory_space<vmem_shared>> -> memref<40x128xf32, #tpu.memory_space<vmem_shared>>
    %dma_start3A_96 = arith.constant 0 : i32
    %dma_start3A_97 = tpu.memref_slice %arg11[%add3A_93, %dma_start3A_96] : memref<10240x128xf32, #tpu.memory_space<vmem_shared>> -> memref<40x128xf32, #tpu.memory_space<vmem_shared>>
    tpu.enqueue_dma source(%arg10 : memref<40x128xf32, #tpu.memory_space<vmem>>) target(%dma_start3A_97 : memref<40x128xf32, #tpu.memory_space<vmem_shared>>) target_semaphore(%arg21 : memref<!tpu.dma_semaphore, #tpu.memory_space<semaphore_mem>>)
    %add3A_98 = arith.constant 320 : i32
    %add3A_99 = arith.addi %mul3A_2, %add3A_98 : i32
    %dma_start3A_100 = arith.constant 0 : i32
    %dma_start3A_101 = tpu.memref_slice %arg11[%add3A_99, %dma_start3A_100] : memref<10240x128xf32, #tpu.memory_space<vmem_shared>> -> memref<40x128xf32, #tpu.memory_space<vmem_shared>>
    %dma_start3A_102 = arith.constant 0 : i32
    %dma_start3A_103 = tpu.memref_slice %arg11[%add3A_99, %dma_start3A_102] : memref<10240x128xf32, #tpu.memory_space<vmem_shared>> -> memref<40x128xf32, #tpu.memory_space<vmem_shared>>
    tpu.enqueue_dma source(%arg10 : memref<40x128xf32, #tpu.memory_space<vmem>>) target(%dma_start3A_103 : memref<40x128xf32, #tpu.memory_space<vmem_shared>>) target_semaphore(%arg21 : memref<!tpu.dma_semaphore, #tpu.memory_space<semaphore_mem>>)
    %add3A_104 = arith.constant 360 : i32
    %add3A_105 = arith.addi %mul3A_2, %add3A_104 : i32
    %dma_start3A_106 = arith.constant 0 : i32
    %dma_start3A_107 = tpu.memref_slice %arg11[%add3A_105, %dma_start3A_106] : memref<10240x128xf32, #tpu.memory_space<vmem_shared>> -> memref<40x128xf32, #tpu.memory_space<vmem_shared>>
    %dma_start3A_108 = arith.constant 0 : i32
    %dma_start3A_109 = tpu.memref_slice %arg11[%add3A_105, %dma_start3A_108] : memref<10240x128xf32, #tpu.memory_space<vmem_shared>> -> memref<40x128xf32, #tpu.memory_space<vmem_shared>>
    tpu.enqueue_dma source(%arg10 : memref<40x128xf32, #tpu.memory_space<vmem>>) target(%dma_start3A_109 : memref<40x128xf32, #tpu.memory_space<vmem_shared>>) target_semaphore(%arg21 : memref<!tpu.dma_semaphore, #tpu.memory_space<semaphore_mem>>)
    %add3A_110 = arith.constant 400 : i32
    %add3A_111 = arith.addi %mul3A_2, %add3A_110 : i32
    %dma_start3A_112 = arith.constant 0 : i32
    %dma_start3A_113 = tpu.memref_slice %arg11[%add3A_111, %dma_start3A_112] : memref<10240x128xf32, #tpu.memory_space<vmem_shared>> -> memref<40x128xf32, #tpu.memory_space<vmem_shared>>
    %dma_start3A_114 = arith.constant 0 : i32
    %dma_start3A_115 = tpu.memref_slice %arg11[%add3A_111, %dma_start3A_114] : memref<10240x128xf32, #tpu.memory_space<vmem_shared>> -> memref<40x128xf32, #tpu.memory_space<vmem_shared>>
    tpu.enqueue_dma source(%arg10 : memref<40x128xf32, #tpu.memory_space<vmem>>) target(%dma_start3A_115 : memref<40x128xf32, #tpu.memory_space<vmem_shared>>) target_semaphore(%arg21 : memref<!tpu.dma_semaphore, #tpu.memory_space<semaphore_mem>>)
    %add3A_116 = arith.constant 440 : i32
    %add3A_117 = arith.addi %mul3A_2, %add3A_116 : i32
    %dma_start3A_118 = arith.constant 0 : i32
    %dma_start3A_119 = tpu.memref_slice %arg11[%add3A_117, %dma_start3A_118] : memref<10240x128xf32, #tpu.memory_space<vmem_shared>> -> memref<40x128xf32, #tpu.memory_space<vmem_shared>>
    %dma_start3A_120 = arith.constant 0 : i32
    %dma_start3A_121 = tpu.memref_slice %arg11[%add3A_117, %dma_start3A_120] : memref<10240x128xf32, #tpu.memory_space<vmem_shared>> -> memref<40x128xf32, #tpu.memory_space<vmem_shared>>
    tpu.enqueue_dma source(%arg10 : memref<40x128xf32, #tpu.memory_space<vmem>>) target(%dma_start3A_121 : memref<40x128xf32, #tpu.memory_space<vmem_shared>>) target_semaphore(%arg21 : memref<!tpu.dma_semaphore, #tpu.memory_space<semaphore_mem>>)
    %add3A_122 = arith.constant 480 : i32
    %add3A_123 = arith.addi %mul3A_2, %add3A_122 : i32
    %dma_start3A_124 = arith.constant 0 : i32
    %dma_start3A_125 = tpu.memref_slice %arg11[%add3A_123, %dma_start3A_124] : memref<10240x128xf32, #tpu.memory_space<vmem_shared>> -> memref<40x128xf32, #tpu.memory_space<vmem_shared>>
    %dma_start3A_126 = arith.constant 0 : i32
    %dma_start3A_127 = tpu.memref_slice %arg11[%add3A_123, %dma_start3A_126] : memref<10240x128xf32, #tpu.memory_space<vmem_shared>> -> memref<40x128xf32, #tpu.memory_space<vmem_shared>>
    tpu.enqueue_dma source(%arg10 : memref<40x128xf32, #tpu.memory_space<vmem>>) target(%dma_start3A_127 : memref<40x128xf32, #tpu.memory_space<vmem_shared>>) target_semaphore(%arg21 : memref<!tpu.dma_semaphore, #tpu.memory_space<semaphore_mem>>)
    %add3A_128 = arith.constant 520 : i32
    %add3A_129 = arith.addi %mul3A_2, %add3A_128 : i32
    %dma_start3A_130 = arith.constant 0 : i32
    %dma_start3A_131 = tpu.memref_slice %arg11[%add3A_129, %dma_start3A_130] : memref<10240x128xf32, #tpu.memory_space<vmem_shared>> -> memref<40x128xf32, #tpu.memory_space<vmem_shared>>
    %dma_start3A_132 = arith.constant 0 : i32
    %dma_start3A_133 = tpu.memref_slice %arg11[%add3A_129, %dma_start3A_132] : memref<10240x128xf32, #tpu.memory_space<vmem_shared>> -> memref<40x128xf32, #tpu.memory_space<vmem_shared>>
    tpu.enqueue_dma source(%arg10 : memref<40x128xf32, #tpu.memory_space<vmem>>) target(%dma_start3A_133 : memref<40x128xf32, #tpu.memory_space<vmem_shared>>) target_semaphore(%arg21 : memref<!tpu.dma_semaphore, #tpu.memory_space<semaphore_mem>>)
    %add3A_134 = arith.constant 560 : i32
    %add3A_135 = arith.addi %mul3A_2, %add3A_134 : i32
    %dma_start3A_136 = arith.constant 0 : i32
    %dma_start3A_137 = tpu.memref_slice %arg11[%add3A_135, %dma_start3A_136] : memref<10240x128xf32, #tpu.memory_space<vmem_shared>> -> memref<40x128xf32, #tpu.memory_space<vmem_shared>>
    %dma_start3A_138 = arith.constant 0 : i32
    %dma_start3A_139 = tpu.memref_slice %arg11[%add3A_135, %dma_start3A_138] : memref<10240x128xf32, #tpu.memory_space<vmem_shared>> -> memref<40x128xf32, #tpu.memory_space<vmem_shared>>
    tpu.enqueue_dma source(%arg10 : memref<40x128xf32, #tpu.memory_space<vmem>>) target(%dma_start3A_139 : memref<40x128xf32, #tpu.memory_space<vmem_shared>>) target_semaphore(%arg21 : memref<!tpu.dma_semaphore, #tpu.memory_space<semaphore_mem>>)
    %add3A_140 = arith.constant 600 : i32
    %add3A_141 = arith.addi %mul3A_2, %add3A_140 : i32
    %dma_start3A_142 = arith.constant 0 : i32
    %dma_start3A_143 = tpu.memref_slice %arg11[%add3A_141, %dma_start3A_142] : memref<10240x128xf32, #tpu.memory_space<vmem_shared>> -> memref<40x128xf32, #tpu.memory_space<vmem_shared>>
    %dma_start3A_144 = arith.constant 0 : i32
    %dma_start3A_145 = tpu.memref_slice %arg11[%add3A_141, %dma_start3A_144] : memref<10240x128xf32, #tpu.memory_space<vmem_shared>> -> memref<40x128xf32, #tpu.memory_space<vmem_shared>>
    tpu.enqueue_dma source(%arg10 : memref<40x128xf32, #tpu.memory_space<vmem>>) target(%dma_start3A_145 : memref<40x128xf32, #tpu.memory_space<vmem_shared>>) target_semaphore(%arg21 : memref<!tpu.dma_semaphore, #tpu.memory_space<semaphore_mem>>)
    %add3A_146 = arith.constant 0 : i32
    %add3A_147 = arith.addi %mul3A_2, %add3A_146 : i32
    %dma_wait3A = arith.constant 0 : i32
    %dma_wait3A_148 = tpu.memref_slice %arg11[%add3A_147, %dma_wait3A] : memref<10240x128xf32, #tpu.memory_space<vmem_shared>> -> memref<40x128xf32, #tpu.memory_space<vmem_shared>>
    %dma_wait3A_149 = arith.constant 0 : i32
    %dma_wait3A_150 = tpu.memref_slice %arg11[%add3A_147, %dma_wait3A_149] : memref<10240x128xf32, #tpu.memory_space<vmem_shared>> -> memref<40x128xf32, #tpu.memory_space<vmem_shared>>
    tpu.wait_dma2 semaphore(%arg21 : memref<!tpu.dma_semaphore, #tpu.memory_space<semaphore_mem>>) src(%arg10 : memref<40x128xf32, #tpu.memory_space<vmem>>) dst(%dma_wait3A_150 : memref<40x128xf32, #tpu.memory_space<vmem_shared>>)
    %add3A_151 = arith.constant 40 : i32
    %add3A_152 = arith.addi %mul3A_2, %add3A_151 : i32
    %dma_wait3A_153 = arith.constant 0 : i32
    %dma_wait3A_154 = tpu.memref_slice %arg11[%add3A_152, %dma_wait3A_153] : memref<10240x128xf32, #tpu.memory_space<vmem_shared>> -> memref<40x128xf32, #tpu.memory_space<vmem_shared>>
    %dma_wait3A_155 = arith.constant 0 : i32
    %dma_wait3A_156 = tpu.memref_slice %arg11[%add3A_152, %dma_wait3A_155] : memref<10240x128xf32, #tpu.memory_space<vmem_shared>> -> memref<40x128xf32, #tpu.memory_space<vmem_shared>>
    tpu.wait_dma2 semaphore(%arg21 : memref<!tpu.dma_semaphore, #tpu.memory_space<semaphore_mem>>) src(%arg10 : memref<40x128xf32, #tpu.memory_space<vmem>>) dst(%dma_wait3A_156 : memref<40x128xf32, #tpu.memory_space<vmem_shared>>)
    %add3A_157 = arith.constant 80 : i32
    %add3A_158 = arith.addi %mul3A_2, %add3A_157 : i32
    %dma_wait3A_159 = arith.constant 0 : i32
    %dma_wait3A_160 = tpu.memref_slice %arg11[%add3A_158, %dma_wait3A_159] : memref<10240x128xf32, #tpu.memory_space<vmem_shared>> -> memref<40x128xf32, #tpu.memory_space<vmem_shared>>
    %dma_wait3A_161 = arith.constant 0 : i32
    %dma_wait3A_162 = tpu.memref_slice %arg11[%add3A_158, %dma_wait3A_161] : memref<10240x128xf32, #tpu.memory_space<vmem_shared>> -> memref<40x128xf32, #tpu.memory_space<vmem_shared>>
    tpu.wait_dma2 semaphore(%arg21 : memref<!tpu.dma_semaphore, #tpu.memory_space<semaphore_mem>>) src(%arg10 : memref<40x128xf32, #tpu.memory_space<vmem>>) dst(%dma_wait3A_162 : memref<40x128xf32, #tpu.memory_space<vmem_shared>>)
    %add3A_163 = arith.constant 120 : i32
    %add3A_164 = arith.addi %mul3A_2, %add3A_163 : i32
    %dma_wait3A_165 = arith.constant 0 : i32
    %dma_wait3A_166 = tpu.memref_slice %arg11[%add3A_164, %dma_wait3A_165] : memref<10240x128xf32, #tpu.memory_space<vmem_shared>> -> memref<40x128xf32, #tpu.memory_space<vmem_shared>>
    %dma_wait3A_167 = arith.constant 0 : i32
    %dma_wait3A_168 = tpu.memref_slice %arg11[%add3A_164, %dma_wait3A_167] : memref<10240x128xf32, #tpu.memory_space<vmem_shared>> -> memref<40x128xf32, #tpu.memory_space<vmem_shared>>
    tpu.wait_dma2 semaphore(%arg21 : memref<!tpu.dma_semaphore, #tpu.memory_space<semaphore_mem>>) src(%arg10 : memref<40x128xf32, #tpu.memory_space<vmem>>) dst(%dma_wait3A_168 : memref<40x128xf32, #tpu.memory_space<vmem_shared>>)
    %add3A_169 = arith.constant 160 : i32
    %add3A_170 = arith.addi %mul3A_2, %add3A_169 : i32
    %dma_wait3A_171 = arith.constant 0 : i32
    %dma_wait3A_172 = tpu.memref_slice %arg11[%add3A_170, %dma_wait3A_171] : memref<10240x128xf32, #tpu.memory_space<vmem_shared>> -> memref<40x128xf32, #tpu.memory_space<vmem_shared>>
    %dma_wait3A_173 = arith.constant 0 : i32
    %dma_wait3A_174 = tpu.memref_slice %arg11[%add3A_170, %dma_wait3A_173] : memref<10240x128xf32, #tpu.memory_space<vmem_shared>> -> memref<40x128xf32, #tpu.memory_space<vmem_shared>>
    tpu.wait_dma2 semaphore(%arg21 : memref<!tpu.dma_semaphore, #tpu.memory_space<semaphore_mem>>) src(%arg10 : memref<40x128xf32, #tpu.memory_space<vmem>>) dst(%dma_wait3A_174 : memref<40x128xf32, #tpu.memory_space<vmem_shared>>)
    %add3A_175 = arith.constant 200 : i32
    %add3A_176 = arith.addi %mul3A_2, %add3A_175 : i32
    %dma_wait3A_177 = arith.constant 0 : i32
    %dma_wait3A_178 = tpu.memref_slice %arg11[%add3A_176, %dma_wait3A_177] : memref<10240x128xf32, #tpu.memory_space<vmem_shared>> -> memref<40x128xf32, #tpu.memory_space<vmem_shared>>
    %dma_wait3A_179 = arith.constant 0 : i32
    %dma_wait3A_180 = tpu.memref_slice %arg11[%add3A_176, %dma_wait3A_179] : memref<10240x128xf32, #tpu.memory_space<vmem_shared>> -> memref<40x128xf32, #tpu.memory_space<vmem_shared>>
    tpu.wait_dma2 semaphore(%arg21 : memref<!tpu.dma_semaphore, #tpu.memory_space<semaphore_mem>>) src(%arg10 : memref<40x128xf32, #tpu.memory_space<vmem>>) dst(%dma_wait3A_180 : memref<40x128xf32, #tpu.memory_space<vmem_shared>>)
    %add3A_181 = arith.constant 240 : i32
    %add3A_182 = arith.addi %mul3A_2, %add3A_181 : i32
    %dma_wait3A_183 = arith.constant 0 : i32
    %dma_wait3A_184 = tpu.memref_slice %arg11[%add3A_182, %dma_wait3A_183] : memref<10240x128xf32, #tpu.memory_space<vmem_shared>> -> memref<40x128xf32, #tpu.memory_space<vmem_shared>>
    %dma_wait3A_185 = arith.constant 0 : i32
    %dma_wait3A_186 = tpu.memref_slice %arg11[%add3A_182, %dma_wait3A_185] : memref<10240x128xf32, #tpu.memory_space<vmem_shared>> -> memref<40x128xf32, #tpu.memory_space<vmem_shared>>
    tpu.wait_dma2 semaphore(%arg21 : memref<!tpu.dma_semaphore, #tpu.memory_space<semaphore_mem>>) src(%arg10 : memref<40x128xf32, #tpu.memory_space<vmem>>) dst(%dma_wait3A_186 : memref<40x128xf32, #tpu.memory_space<vmem_shared>>)
    %add3A_187 = arith.constant 280 : i32
    %add3A_188 = arith.addi %mul3A_2, %add3A_187 : i32
    %dma_wait3A_189 = arith.constant 0 : i32
    %dma_wait3A_190 = tpu.memref_slice %arg11[%add3A_188, %dma_wait3A_189] : memref<10240x128xf32, #tpu.memory_space<vmem_shared>> -> memref<40x128xf32, #tpu.memory_space<vmem_shared>>
    %dma_wait3A_191 = arith.constant 0 : i32
    %dma_wait3A_192 = tpu.memref_slice %arg11[%add3A_188, %dma_wait3A_191] : memref<10240x128xf32, #tpu.memory_space<vmem_shared>> -> memref<40x128xf32, #tpu.memory_space<vmem_shared>>
    tpu.wait_dma2 semaphore(%arg21 : memref<!tpu.dma_semaphore, #tpu.memory_space<semaphore_mem>>) src(%arg10 : memref<40x128xf32, #tpu.memory_space<vmem>>) dst(%dma_wait3A_192 : memref<40x128xf32, #tpu.memory_space<vmem_shared>>)
    %add3A_193 = arith.constant 320 : i32
    %add3A_194 = arith.addi %mul3A_2, %add3A_193 : i32
    %dma_wait3A_195 = arith.constant 0 : i32
    %dma_wait3A_196 = tpu.memref_slice %arg11[%add3A_194, %dma_wait3A_195] : memref<10240x128xf32, #tpu.memory_space<vmem_shared>> -> memref<40x128xf32, #tpu.memory_space<vmem_shared>>
    %dma_wait3A_197 = arith.constant 0 : i32
    %dma_wait3A_198 = tpu.memref_slice %arg11[%add3A_194, %dma_wait3A_197] : memref<10240x128xf32, #tpu.memory_space<vmem_shared>> -> memref<40x128xf32, #tpu.memory_space<vmem_shared>>
    tpu.wait_dma2 semaphore(%arg21 : memref<!tpu.dma_semaphore, #tpu.memory_space<semaphore_mem>>) src(%arg10 : memref<40x128xf32, #tpu.memory_space<vmem>>) dst(%dma_wait3A_198 : memref<40x128xf32, #tpu.memory_space<vmem_shared>>)
    %add3A_199 = arith.constant 360 : i32
    %add3A_200 = arith.addi %mul3A_2, %add3A_199 : i32
    %dma_wait3A_201 = arith.constant 0 : i32
    %dma_wait3A_202 = tpu.memref_slice %arg11[%add3A_200, %dma_wait3A_201] : memref<10240x128xf32, #tpu.memory_space<vmem_shared>> -> memref<40x128xf32, #tpu.memory_space<vmem_shared>>
    %dma_wait3A_203 = arith.constant 0 : i32
    %dma_wait3A_204 = tpu.memref_slice %arg11[%add3A_200, %dma_wait3A_203] : memref<10240x128xf32, #tpu.memory_space<vmem_shared>> -> memref<40x128xf32, #tpu.memory_space<vmem_shared>>
    tpu.wait_dma2 semaphore(%arg21 : memref<!tpu.dma_semaphore, #tpu.memory_space<semaphore_mem>>) src(%arg10 : memref<40x128xf32, #tpu.memory_space<vmem>>) dst(%dma_wait3A_204 : memref<40x128xf32, #tpu.memory_space<vmem_shared>>)
    %add3A_205 = arith.constant 400 : i32
    %add3A_206 = arith.addi %mul3A_2, %add3A_205 : i32
    %dma_wait3A_207 = arith.constant 0 : i32
    %dma_wait3A_208 = tpu.memref_slice %arg11[%add3A_206, %dma_wait3A_207] : memref<10240x128xf32, #tpu.memory_space<vmem_shared>> -> memref<40x128xf32, #tpu.memory_space<vmem_shared>>
    %dma_wait3A_209 = arith.constant 0 : i32
    %dma_wait3A_210 = tpu.memref_slice %arg11[%add3A_206, %dma_wait3A_209] : memref<10240x128xf32, #tpu.memory_space<vmem_shared>> -> memref<40x128xf32, #tpu.memory_space<vmem_shared>>
    tpu.wait_dma2 semaphore(%arg21 : memref<!tpu.dma_semaphore, #tpu.memory_space<semaphore_mem>>) src(%arg10 : memref<40x128xf32, #tpu.memory_space<vmem>>) dst(%dma_wait3A_210 : memref<40x128xf32, #tpu.memory_space<vmem_shared>>)
    %add3A_211 = arith.constant 440 : i32
    %add3A_212 = arith.addi %mul3A_2, %add3A_211 : i32
    %dma_wait3A_213 = arith.constant 0 : i32
    %dma_wait3A_214 = tpu.memref_slice %arg11[%add3A_212, %dma_wait3A_213] : memref<10240x128xf32, #tpu.memory_space<vmem_shared>> -> memref<40x128xf32, #tpu.memory_space<vmem_shared>>
    %dma_wait3A_215 = arith.constant 0 : i32
    %dma_wait3A_216 = tpu.memref_slice %arg11[%add3A_212, %dma_wait3A_215] : memref<10240x128xf32, #tpu.memory_space<vmem_shared>> -> memref<40x128xf32, #tpu.memory_space<vmem_shared>>
    tpu.wait_dma2 semaphore(%arg21 : memref<!tpu.dma_semaphore, #tpu.memory_space<semaphore_mem>>) src(%arg10 : memref<40x128xf32, #tpu.memory_space<vmem>>) dst(%dma_wait3A_216 : memref<40x128xf32, #tpu.memory_space<vmem_shared>>)
    %add3A_217 = arith.constant 480 : i32
    %add3A_218 = arith.addi %mul3A_2, %add3A_217 : i32
    %dma_wait3A_219 = arith.constant 0 : i32
    %dma_wait3A_220 = tpu.memref_slice %arg11[%add3A_218, %dma_wait3A_219] : memref<10240x128xf32, #tpu.memory_space<vmem_shared>> -> memref<40x128xf32, #tpu.memory_space<vmem_shared>>
    %dma_wait3A_221 = arith.constant 0 : i32
    %dma_wait3A_222 = tpu.memref_slice %arg11[%add3A_218, %dma_wait3A_221] : memref<10240x128xf32, #tpu.memory_space<vmem_shared>> -> memref<40x128xf32, #tpu.memory_space<vmem_shared>>
    tpu.wait_dma2 semaphore(%arg21 : memref<!tpu.dma_semaphore, #tpu.memory_space<semaphore_mem>>) src(%arg10 : memref<40x128xf32, #tpu.memory_space<vmem>>) dst(%dma_wait3A_222 : memref<40x128xf32, #tpu.memory_space<vmem_shared>>)
    %add3A_223 = arith.constant 520 : i32
    %add3A_224 = arith.addi %mul3A_2, %add3A_223 : i32
    %dma_wait3A_225 = arith.constant 0 : i32
    %dma_wait3A_226 = tpu.memref_slice %arg11[%add3A_224, %dma_wait3A_225] : memref<10240x128xf32, #tpu.memory_space<vmem_shared>> -> memref<40x128xf32, #tpu.memory_space<vmem_shared>>
    %dma_wait3A_227 = arith.constant 0 : i32
    %dma_wait3A_228 = tpu.memref_slice %arg11[%add3A_224, %dma_wait3A_227] : memref<10240x128xf32, #tpu.memory_space<vmem_shared>> -> memref<40x128xf32, #tpu.memory_space<vmem_shared>>
    tpu.wait_dma2 semaphore(%arg21 : memref<!tpu.dma_semaphore, #tpu.memory_space<semaphore_mem>>) src(%arg10 : memref<40x128xf32, #tpu.memory_space<vmem>>) dst(%dma_wait3A_228 : memref<40x128xf32, #tpu.memory_space<vmem_shared>>)
    %add3A_229 = arith.constant 560 : i32
    %add3A_230 = arith.addi %mul3A_2, %add3A_229 : i32
    %dma_wait3A_231 = arith.constant 0 : i32
    %dma_wait3A_232 = tpu.memref_slice %arg11[%add3A_230, %dma_wait3A_231] : memref<10240x128xf32, #tpu.memory_space<vmem_shared>> -> memref<40x128xf32, #tpu.memory_space<vmem_shared>>
    %dma_wait3A_233 = arith.constant 0 : i32
    %dma_wait3A_234 = tpu.memref_slice %arg11[%add3A_230, %dma_wait3A_233] : memref<10240x128xf32, #tpu.memory_space<vmem_shared>> -> memref<40x128xf32, #tpu.memory_space<vmem_shared>>
    tpu.wait_dma2 semaphore(%arg21 : memref<!tpu.dma_semaphore, #tpu.memory_space<semaphore_mem>>) src(%arg10 : memref<40x128xf32, #tpu.memory_space<vmem>>) dst(%dma_wait3A_234 : memref<40x128xf32, #tpu.memory_space<vmem_shared>>)
    %add3A_235 = arith.constant 600 : i32
    %add3A_236 = arith.addi %mul3A_2, %add3A_235 : i32
    %dma_wait3A_237 = arith.constant 0 : i32
    %dma_wait3A_238 = tpu.memref_slice %arg11[%add3A_236, %dma_wait3A_237] : memref<10240x128xf32, #tpu.memory_space<vmem_shared>> -> memref<40x128xf32, #tpu.memory_space<vmem_shared>>
    %dma_wait3A_239 = arith.constant 0 : i32
    %dma_wait3A_240 = tpu.memref_slice %arg11[%add3A_236, %dma_wait3A_239] : memref<10240x128xf32, #tpu.memory_space<vmem_shared>> -> memref<40x128xf32, #tpu.memory_space<vmem_shared>>
    tpu.wait_dma2 semaphore(%arg21 : memref<!tpu.dma_semaphore, #tpu.memory_space<semaphore_mem>>) src(%arg10 : memref<40x128xf32, #tpu.memory_space<vmem>>) dst(%dma_wait3A_240 : memref<40x128xf32, #tpu.memory_space<vmem_shared>>)
    %barrier3A = arith.constant 0 : index
    tpu.barrier barrier_id(%barrier3A)
    %scan3A = arith.constant 0 : i32
    %scan3A_241 = arith.constant 0 : i32
    %scan3A_242 = arith.constant 41 : i32
    %scan3A_243 = arith.addi %scan3A_241, %scan3A_242 : i32
    %scan3A_244 = arith.constant 1 : i32
    scf.for %scan3A_358 = %scan3A_241 to %scan3A_243 step %scan3A_244  : i32 {
      %mul3A_359 = arith.constant 3 : i32
      %mul3A_360 = arith.muli %mul3A_359, %scan3A_358 : i32
      %add3A_361 = arith.constant 0 : i32
      %add3A_362 = arith.addi %mul3A_360, %add3A_361 : i32
      %ge3A = arith.constant 1 : i32
      %ge3A_363 = arith.cmpi sge, %add3A_362, %ge3A : i32
      %convert_element_type3A = arith.extui %ge3A_363 : i1 to i32
      %cond3A = arith.constant 0 : i32
      %cond3A_364 = arith.cmpi ne, %convert_element_type3A, %cond3A : i32
      scf.if %cond3A_364 {
        %dma_wait3A_563 = arith.constant 2 : i32
        %dma_wait3A_564 = arith.constant 2 : i32
        %dma_wait3A_565 = arith.constant 0 : i32
        %dma_wait3A_566 = arith.constant 0 : i32
        %dma_wait3A_567 = tpu.memref_slice %arg9[%dma_wait3A_563, %dma_wait3A_565, %dma_wait3A_566] : memref<3x80x128xf32, #tpu.memory_space<vmem>> -> memref<1x80x128xf32, #tpu.memory_space<vmem>>
        %dma_wait3A_568 = tpu.memref_squeeze %dma_wait3A_567 : memref<1x80x128xf32, #tpu.memory_space<vmem>> -> memref<80x128xf32, #tpu.memory_space<vmem>>
        %dma_wait3A_569 = arith.constant 0 : i32
        %dma_wait3A_570 = tpu.memref_slice %arg8[%dma_wait3A_564, %dma_wait3A_569] : memref<3x80xi32, #tpu.memory_space<vmem>> -> memref<1x80xi32, #tpu.memory_space<vmem>>
        %dma_wait3A_571 = tpu.memref_squeeze %dma_wait3A_570 : memref<1x80xi32, #tpu.memory_space<vmem>> -> memref<80xi32, #tpu.memory_space<vmem>>
        %dma_wait3A_572 = arith.constant 0 : i32
        %dma_wait3A_573 = arith.constant 0 : i32
        %dma_wait3A_574 = tpu.memref_slice %arg11[%dma_wait3A_572, %dma_wait3A_573] : memref<10240x128xf32, #tpu.memory_space<vmem_shared>> -> memref<10240x128xf32, #tpu.memory_space<vmem_shared>>
        tpu.wait_indirect_dma semaphore(%arg20 : memref<!tpu.dma_semaphore, #tpu.memory_space<semaphore_mem>>) src(%dma_wait3A_568 : memref<80x128xf32, #tpu.memory_space<vmem>>) dst(%dma_wait3A_574 : memref<10240x128xf32, #tpu.memory_space<vmem_shared>>)
      } else {
      }
      %add3A_365 = arith.constant 2 : i32
      %add3A_366 = arith.addi %add3A_362, %add3A_365 : i32
      %dma_start3A_367 = arith.constant 2 : i32
      %dma_start3A_368 = arith.constant 0 : i32
      %dma_start3A_369 = tpu.memref_slice %arg8[%dma_start3A_367, %dma_start3A_368] : memref<3x80xi32, #tpu.memory_space<vmem>> -> memref<1x80xi32, #tpu.memory_space<vmem>>
      %dma_start3A_370 = arith.constant 0 : i32
      %dma_start3A_371 = tpu.memref_slice %arg4[%add3A, %add3A_366, %dma_start3A_370] : memref<32x125x80xi32, #tpu.memory_space<hbm>> -> memref<1x1x80xi32, #tpu.memory_space<hbm>>
      %dma_start3A_372 = tpu.memref_squeeze %dma_start3A_371 : memref<1x1x80xi32, #tpu.memory_space<hbm>> -> memref<1x80xi32, #tpu.memory_space<hbm>>
      %dma_start3A_373 = arith.constant 2 : i32
      %dma_start3A_374 = arith.constant 0 : i32
      %dma_start3A_375 = tpu.memref_slice %arg8[%dma_start3A_373, %dma_start3A_374] : memref<3x80xi32, #tpu.memory_space<vmem>> -> memref<1x80xi32, #tpu.memory_space<vmem>>
      %dma_start3A_376 = arith.constant 0 : i32
      %dma_start3A_377 = tpu.memref_slice %arg4[%add3A, %add3A_366, %dma_start3A_376] : memref<32x125x80xi32, #tpu.memory_space<hbm>> -> memref<1x1x80xi32, #tpu.memory_space<hbm>>
      %dma_start3A_378 = tpu.memref_squeeze %dma_start3A_377 : memref<1x1x80xi32, #tpu.memory_space<hbm>> -> memref<1x80xi32, #tpu.memory_space<hbm>>
      tpu.enqueue_dma source(%dma_start3A_378 : memref<1x80xi32, #tpu.memory_space<hbm>>) target(%dma_start3A_375 : memref<1x80xi32, #tpu.memory_space<vmem>>) target_semaphore(%arg17 : memref<!tpu.dma_semaphore, #tpu.memory_space<semaphore_mem>>)
      %mul3A_379 = arith.constant 80 : i32
      %mul3A_380 = arith.muli %add3A_366, %mul3A_379 : i32
      %dma_start3A_381 = arith.constant 2 : i32
      %dma_start3A_382 = arith.constant 0 : i32
      %dma_start3A_383 = arith.constant 0 : i32
      %dma_start3A_384 = tpu.memref_slice %arg9[%dma_start3A_381, %dma_start3A_382, %dma_start3A_383] : memref<3x80x128xf32, #tpu.memory_space<vmem>> -> memref<1x80x128xf32, #tpu.memory_space<vmem>>
      %dma_start3A_385 = tpu.memref_squeeze %dma_start3A_384 : memref<1x80x128xf32, #tpu.memory_space<vmem>> -> memref<80x128xf32, #tpu.memory_space<vmem>>
      %dma_start3A_386 = tpu.memref_slice %arg7[%mul3A_380] : memref<10000xi32, #tpu.memory_space<vmem>> -> memref<80xi32, #tpu.memory_space<vmem>>
      %dma_start3A_387 = arith.constant 0 : i32
      %dma_start3A_388 = arith.constant 0 : i32
      %dma_start3A_389 = tpu.memref_slice %arg2[%dma_start3A_387, %dma_start3A_388] : memref<10240x128xf32, #tpu.memory_space<hbm>> -> memref<10240x128xf32, #tpu.memory_space<hbm>>
      tpu.enqueue_indirect_dma source(%dma_start3A_389 : memref<10240x128xf32, #tpu.memory_space<hbm>>) target(%dma_start3A_385 : memref<80x128xf32, #tpu.memory_space<vmem>>) offsets(%dma_start3A_386 : memref<80xi32, #tpu.memory_space<vmem>>) semaphore(%arg14 : memref<!tpu.dma_semaphore, #tpu.memory_space<semaphore_mem>>)
      %dma_wait3A_390 = arith.constant 0 : i32
      %dma_wait3A_391 = arith.constant 0 : i32
      %dma_wait3A_392 = tpu.memref_slice %arg8[%dma_wait3A_390, %dma_wait3A_391] : memref<3x80xi32, #tpu.memory_space<vmem>> -> memref<1x80xi32, #tpu.memory_space<vmem>>
      %dma_wait3A_393 = arith.constant 0 : i32
      %dma_wait3A_394 = tpu.memref_slice %arg4[%add3A, %add3A_362, %dma_wait3A_393] : memref<32x125x80xi32, #tpu.memory_space<hbm>> -> memref<1x1x80xi32, #tpu.memory_space<hbm>>
      %dma_wait3A_395 = tpu.memref_squeeze %dma_wait3A_394 : memref<1x1x80xi32, #tpu.memory_space<hbm>> -> memref<1x80xi32, #tpu.memory_space<hbm>>
      %dma_wait3A_396 = arith.constant 0 : i32
      %dma_wait3A_397 = arith.constant 0 : i32
      %dma_wait3A_398 = tpu.memref_slice %arg8[%dma_wait3A_396, %dma_wait3A_397] : memref<3x80xi32, #tpu.memory_space<vmem>> -> memref<1x80xi32, #tpu.memory_space<vmem>>
      %dma_wait3A_399 = arith.constant 0 : i32
      %dma_wait3A_400 = tpu.memref_slice %arg4[%add3A, %add3A_362, %dma_wait3A_399] : memref<32x125x80xi32, #tpu.memory_space<hbm>> -> memref<1x1x80xi32, #tpu.memory_space<hbm>>
      %dma_wait3A_401 = tpu.memref_squeeze %dma_wait3A_400 : memref<1x1x80xi32, #tpu.memory_space<hbm>> -> memref<1x80xi32, #tpu.memory_space<hbm>>
      tpu.wait_dma2 semaphore(%arg15 : memref<!tpu.dma_semaphore, #tpu.memory_space<semaphore_mem>>) src(%dma_wait3A_401 : memref<1x80xi32, #tpu.memory_space<hbm>>) dst(%dma_wait3A_398 : memref<1x80xi32, #tpu.memory_space<vmem>>)
      %mul3A_402 = arith.constant 80 : i32
      %mul3A_403 = arith.muli %add3A_362, %mul3A_402 : i32
      %dma_wait3A_404 = arith.constant 0 : i32
      %dma_wait3A_405 = arith.constant 0 : i32
      %dma_wait3A_406 = arith.constant 0 : i32
      %dma_wait3A_407 = tpu.memref_slice %arg9[%dma_wait3A_404, %dma_wait3A_405, %dma_wait3A_406] : memref<3x80x128xf32, #tpu.memory_space<vmem>> -> memref<1x80x128xf32, #tpu.memory_space<vmem>>
      %dma_wait3A_408 = tpu.memref_squeeze %dma_wait3A_407 : memref<1x80x128xf32, #tpu.memory_space<vmem>> -> memref<80x128xf32, #tpu.memory_space<vmem>>
      %dma_wait3A_409 = tpu.memref_slice %arg7[%mul3A_403] : memref<10000xi32, #tpu.memory_space<vmem>> -> memref<80xi32, #tpu.memory_space<vmem>>
      %dma_wait3A_410 = arith.constant 0 : i32
      %dma_wait3A_411 = arith.constant 0 : i32
      %dma_wait3A_412 = tpu.memref_slice %arg2[%dma_wait3A_410, %dma_wait3A_411] : memref<10240x128xf32, #tpu.memory_space<hbm>> -> memref<10240x128xf32, #tpu.memory_space<hbm>>
      tpu.wait_indirect_dma semaphore(%arg12 : memref<!tpu.dma_semaphore, #tpu.memory_space<semaphore_mem>>) src(%dma_wait3A_412 : memref<10240x128xf32, #tpu.memory_space<hbm>>) dst(%dma_wait3A_408 : memref<80x128xf32, #tpu.memory_space<vmem>>)
      %dma_start3A_413 = arith.constant 0 : i32
      %dma_start3A_414 = arith.constant 0 : i32
      %dma_start3A_415 = arith.constant 0 : i32
      %dma_start3A_416 = arith.constant 0 : i32
      %dma_start3A_417 = tpu.memref_slice %arg9[%dma_start3A_413, %dma_start3A_415, %dma_start3A_416] : memref<3x80x128xf32, #tpu.memory_space<vmem>> -> memref<1x80x128xf32, #tpu.memory_space<vmem>>
      %dma_start3A_418 = tpu.memref_squeeze %dma_start3A_417 : memref<1x80x128xf32, #tpu.memory_space<vmem>> -> memref<80x128xf32, #tpu.memory_space<vmem>>
      %dma_start3A_419 = arith.constant 0 : i32
      %dma_start3A_420 = tpu.memref_slice %arg8[%dma_start3A_414, %dma_start3A_419] : memref<3x80xi32, #tpu.memory_space<vmem>> -> memref<1x80xi32, #tpu.memory_space<vmem>>
      %dma_start3A_421 = tpu.memref_squeeze %dma_start3A_420 : memref<1x80xi32, #tpu.memory_space<vmem>> -> memref<80xi32, #tpu.memory_space<vmem>>
      %dma_start3A_422 = arith.constant 0 : i32
      %dma_start3A_423 = arith.constant 0 : i32
      %dma_start3A_424 = tpu.memref_slice %arg11[%dma_start3A_422, %dma_start3A_423] : memref<10240x128xf32, #tpu.memory_space<vmem_shared>> -> memref<10240x128xf32, #tpu.memory_space<vmem_shared>>
      tpu.enqueue_indirect_dma source(%dma_start3A_418 : memref<80x128xf32, #tpu.memory_space<vmem>>) target(%dma_start3A_424 : memref<10240x128xf32, #tpu.memory_space<vmem_shared>>) offsets(%dma_start3A_421 : memref<80xi32, #tpu.memory_space<vmem>>) semaphore(%arg18 : memref<!tpu.dma_semaphore, #tpu.memory_space<semaphore_mem>>) {add = true}
      %mul3A_425 = arith.constant 3 : i32
      %mul3A_426 = arith.muli %mul3A_425, %scan3A_358 : i32
      %add3A_427 = arith.constant 1 : i32
      %add3A_428 = arith.addi %mul3A_426, %add3A_427 : i32
      %ge3A_429 = arith.constant 1 : i32
      %ge3A_430 = arith.cmpi sge, %add3A_428, %ge3A_429 : i32
      %convert_element_type3A_431 = arith.extui %ge3A_430 : i1 to i32
      %cond3A_432 = arith.constant 0 : i32
      %cond3A_433 = arith.cmpi ne, %convert_element_type3A_431, %cond3A_432 : i32
      scf.if %cond3A_433 {
        %dma_wait3A_563 = arith.constant 0 : i32
        %dma_wait3A_564 = arith.constant 0 : i32
        %dma_wait3A_565 = arith.constant 0 : i32
        %dma_wait3A_566 = arith.constant 0 : i32
        %dma_wait3A_567 = tpu.memref_slice %arg9[%dma_wait3A_563, %dma_wait3A_565, %dma_wait3A_566] : memref<3x80x128xf32, #tpu.memory_space<vmem>> -> memref<1x80x128xf32, #tpu.memory_space<vmem>>
        %dma_wait3A_568 = tpu.memref_squeeze %dma_wait3A_567 : memref<1x80x128xf32, #tpu.memory_space<vmem>> -> memref<80x128xf32, #tpu.memory_space<vmem>>
        %dma_wait3A_569 = arith.constant 0 : i32
        %dma_wait3A_570 = tpu.memref_slice %arg8[%dma_wait3A_564, %dma_wait3A_569] : memref<3x80xi32, #tpu.memory_space<vmem>> -> memref<1x80xi32, #tpu.memory_space<vmem>>
        %dma_wait3A_571 = tpu.memref_squeeze %dma_wait3A_570 : memref<1x80xi32, #tpu.memory_space<vmem>> -> memref<80xi32, #tpu.memory_space<vmem>>
        %dma_wait3A_572 = arith.constant 0 : i32
        %dma_wait3A_573 = arith.constant 0 : i32
        %dma_wait3A_574 = tpu.memref_slice %arg11[%dma_wait3A_572, %dma_wait3A_573] : memref<10240x128xf32, #tpu.memory_space<vmem_shared>> -> memref<10240x128xf32, #tpu.memory_space<vmem_shared>>
        tpu.wait_indirect_dma semaphore(%arg18 : memref<!tpu.dma_semaphore, #tpu.memory_space<semaphore_mem>>) src(%dma_wait3A_568 : memref<80x128xf32, #tpu.memory_space<vmem>>) dst(%dma_wait3A_574 : memref<10240x128xf32, #tpu.memory_space<vmem_shared>>)
      } else {
      }
      %add3A_434 = arith.constant 2 : i32
      %add3A_435 = arith.addi %add3A_428, %add3A_434 : i32
      %dma_start3A_436 = arith.constant 0 : i32
      %dma_start3A_437 = arith.constant 0 : i32
      %dma_start3A_438 = tpu.memref_slice %arg8[%dma_start3A_436, %dma_start3A_437] : memref<3x80xi32, #tpu.memory_space<vmem>> -> memref<1x80xi32, #tpu.memory_space<vmem>>
      %dma_start3A_439 = arith.constant 0 : i32
      %dma_start3A_440 = tpu.memref_slice %arg4[%add3A, %add3A_435, %dma_start3A_439] : memref<32x125x80xi32, #tpu.memory_space<hbm>> -> memref<1x1x80xi32, #tpu.memory_space<hbm>>
      %dma_start3A_441 = tpu.memref_squeeze %dma_start3A_440 : memref<1x1x80xi32, #tpu.memory_space<hbm>> -> memref<1x80xi32, #tpu.memory_space<hbm>>
      %dma_start3A_442 = arith.constant 0 : i32
      %dma_start3A_443 = arith.constant 0 : i32
      %dma_start3A_444 = tpu.memref_slice %arg8[%dma_start3A_442, %dma_start3A_443] : memref<3x80xi32, #tpu.memory_space<vmem>> -> memref<1x80xi32, #tpu.memory_space<vmem>>
      %dma_start3A_445 = arith.constant 0 : i32
      %dma_start3A_446 = tpu.memref_slice %arg4[%add3A, %add3A_435, %dma_start3A_445] : memref<32x125x80xi32, #tpu.memory_space<hbm>> -> memref<1x1x80xi32, #tpu.memory_space<hbm>>
      %dma_start3A_447 = tpu.memref_squeeze %dma_start3A_446 : memref<1x1x80xi32, #tpu.memory_space<hbm>> -> memref<1x80xi32, #tpu.memory_space<hbm>>
      tpu.enqueue_dma source(%dma_start3A_447 : memref<1x80xi32, #tpu.memory_space<hbm>>) target(%dma_start3A_444 : memref<1x80xi32, #tpu.memory_space<vmem>>) target_semaphore(%arg15 : memref<!tpu.dma_semaphore, #tpu.memory_space<semaphore_mem>>)
      %mul3A_448 = arith.constant 80 : i32
      %mul3A_449 = arith.muli %add3A_435, %mul3A_448 : i32
      %dma_start3A_450 = arith.constant 0 : i32
      %dma_start3A_451 = arith.constant 0 : i32
      %dma_start3A_452 = arith.constant 0 : i32
      %dma_start3A_453 = tpu.memref_slice %arg9[%dma_start3A_450, %dma_start3A_451, %dma_start3A_452] : memref<3x80x128xf32, #tpu.memory_space<vmem>> -> memref<1x80x128xf32, #tpu.memory_space<vmem>>
      %dma_start3A_454 = tpu.memref_squeeze %dma_start3A_453 : memref<1x80x128xf32, #tpu.memory_space<vmem>> -> memref<80x128xf32, #tpu.memory_space<vmem>>
      %dma_start3A_455 = tpu.memref_slice %arg7[%mul3A_449] : memref<10000xi32, #tpu.memory_space<vmem>> -> memref<80xi32, #tpu.memory_space<vmem>>
      %dma_start3A_456 = arith.constant 0 : i32
      %dma_start3A_457 = arith.constant 0 : i32
      %dma_start3A_458 = tpu.memref_slice %arg2[%dma_start3A_456, %dma_start3A_457] : memref<10240x128xf32, #tpu.memory_space<hbm>> -> memref<10240x128xf32, #tpu.memory_space<hbm>>
      tpu.enqueue_indirect_dma source(%dma_start3A_458 : memref<10240x128xf32, #tpu.memory_space<hbm>>) target(%dma_start3A_454 : memref<80x128xf32, #tpu.memory_space<vmem>>) offsets(%dma_start3A_455 : memref<80xi32, #tpu.memory_space<vmem>>) semaphore(%arg12 : memref<!tpu.dma_semaphore, #tpu.memory_space<semaphore_mem>>)
      %dma_wait3A_459 = arith.constant 1 : i32
      %dma_wait3A_460 = arith.constant 0 : i32
      %dma_wait3A_461 = tpu.memref_slice %arg8[%dma_wait3A_459, %dma_wait3A_460] : memref<3x80xi32, #tpu.memory_space<vmem>> -> memref<1x80xi32, #tpu.memory_space<vmem>>
      %dma_wait3A_462 = arith.constant 0 : i32
      %dma_wait3A_463 = tpu.memref_slice %arg4[%add3A, %add3A_428, %dma_wait3A_462] : memref<32x125x80xi32, #tpu.memory_space<hbm>> -> memref<1x1x80xi32, #tpu.memory_space<hbm>>
      %dma_wait3A_464 = tpu.memref_squeeze %dma_wait3A_463 : memref<1x1x80xi32, #tpu.memory_space<hbm>> -> memref<1x80xi32, #tpu.memory_space<hbm>>
      %dma_wait3A_465 = arith.constant 1 : i32
      %dma_wait3A_466 = arith.constant 0 : i32
      %dma_wait3A_467 = tpu.memref_slice %arg8[%dma_wait3A_465, %dma_wait3A_466] : memref<3x80xi32, #tpu.memory_space<vmem>> -> memref<1x80xi32, #tpu.memory_space<vmem>>
      %dma_wait3A_468 = arith.constant 0 : i32
      %dma_wait3A_469 = tpu.memref_slice %arg4[%add3A, %add3A_428, %dma_wait3A_468] : memref<32x125x80xi32, #tpu.memory_space<hbm>> -> memref<1x1x80xi32, #tpu.memory_space<hbm>>
      %dma_wait3A_470 = tpu.memref_squeeze %dma_wait3A_469 : memref<1x1x80xi32, #tpu.memory_space<hbm>> -> memref<1x80xi32, #tpu.memory_space<hbm>>
      tpu.wait_dma2 semaphore(%arg16 : memref<!tpu.dma_semaphore, #tpu.memory_space<semaphore_mem>>) src(%dma_wait3A_470 : memref<1x80xi32, #tpu.memory_space<hbm>>) dst(%dma_wait3A_467 : memref<1x80xi32, #tpu.memory_space<vmem>>)
      %mul3A_471 = arith.constant 80 : i32
      %mul3A_472 = arith.muli %add3A_428, %mul3A_471 : i32
      %dma_wait3A_473 = arith.constant 1 : i32
      %dma_wait3A_474 = arith.constant 0 : i32
      %dma_wait3A_475 = arith.constant 0 : i32
      %dma_wait3A_476 = tpu.memref_slice %arg9[%dma_wait3A_473, %dma_wait3A_474, %dma_wait3A_475] : memref<3x80x128xf32, #tpu.memory_space<vmem>> -> memref<1x80x128xf32, #tpu.memory_space<vmem>>
      %dma_wait3A_477 = tpu.memref_squeeze %dma_wait3A_476 : memref<1x80x128xf32, #tpu.memory_space<vmem>> -> memref<80x128xf32, #tpu.memory_space<vmem>>
      %dma_wait3A_478 = tpu.memref_slice %arg7[%mul3A_472] : memref<10000xi32, #tpu.memory_space<vmem>> -> memref<80xi32, #tpu.memory_space<vmem>>
      %dma_wait3A_479 = arith.constant 0 : i32
      %dma_wait3A_480 = arith.constant 0 : i32
      %dma_wait3A_481 = tpu.memref_slice %arg2[%dma_wait3A_479, %dma_wait3A_480] : memref<10240x128xf32, #tpu.memory_space<hbm>> -> memref<10240x128xf32, #tpu.memory_space<hbm>>
      tpu.wait_indirect_dma semaphore(%arg13 : memref<!tpu.dma_semaphore, #tpu.memory_space<semaphore_mem>>) src(%dma_wait3A_481 : memref<10240x128xf32, #tpu.memory_space<hbm>>) dst(%dma_wait3A_477 : memref<80x128xf32, #tpu.memory_space<vmem>>)
      %dma_start3A_482 = arith.constant 1 : i32
      %dma_start3A_483 = arith.constant 1 : i32
      %dma_start3A_484 = arith.constant 0 : i32
      %dma_start3A_485 = arith.constant 0 : i32
      %dma_start3A_486 = tpu.memref_slice %arg9[%dma_start3A_482, %dma_start3A_484, %dma_start3A_485] : memref<3x80x128xf32, #tpu.memory_space<vmem>> -> memref<1x80x128xf32, #tpu.memory_space<vmem>>
      %dma_start3A_487 = tpu.memref_squeeze %dma_start3A_486 : memref<1x80x128xf32, #tpu.memory_space<vmem>> -> memref<80x128xf32, #tpu.memory_space<vmem>>
      %dma_start3A_488 = arith.constant 0 : i32
      %dma_start3A_489 = tpu.memref_slice %arg8[%dma_start3A_483, %dma_start3A_488] : memref<3x80xi32, #tpu.memory_space<vmem>> -> memref<1x80xi32, #tpu.memory_space<vmem>>
      %dma_start3A_490 = tpu.memref_squeeze %dma_start3A_489 : memref<1x80xi32, #tpu.memory_space<vmem>> -> memref<80xi32, #tpu.memory_space<vmem>>
      %dma_start3A_491 = arith.constant 0 : i32
      %dma_start3A_492 = arith.constant 0 : i32
      %dma_start3A_493 = tpu.memref_slice %arg11[%dma_start3A_491, %dma_start3A_492] : memref<10240x128xf32, #tpu.memory_space<vmem_shared>> -> memref<10240x128xf32, #tpu.memory_space<vmem_shared>>
      tpu.enqueue_indirect_dma source(%dma_start3A_487 : memref<80x128xf32, #tpu.memory_space<vmem>>) target(%dma_start3A_493 : memref<10240x128xf32, #tpu.memory_space<vmem_shared>>) offsets(%dma_start3A_490 : memref<80xi32, #tpu.memory_space<vmem>>) semaphore(%arg19 : memref<!tpu.dma_semaphore, #tpu.memory_space<semaphore_mem>>) {add = true}
      %mul3A_494 = arith.constant 3 : i32
      %mul3A_495 = arith.muli %mul3A_494, %scan3A_358 : i32
      %add3A_496 = arith.constant 2 : i32
      %add3A_497 = arith.addi %mul3A_495, %add3A_496 : i32
      %ge3A_498 = arith.constant 1 : i32
      %ge3A_499 = arith.cmpi sge, %add3A_497, %ge3A_498 : i32
      %convert_element_type3A_500 = arith.extui %ge3A_499 : i1 to i32
      %cond3A_501 = arith.constant 0 : i32
      %cond3A_502 = arith.cmpi ne, %convert_element_type3A_500, %cond3A_501 : i32
      scf.if %cond3A_502 {
        %dma_wait3A_563 = arith.constant 1 : i32
        %dma_wait3A_564 = arith.constant 1 : i32
        %dma_wait3A_565 = arith.constant 0 : i32
        %dma_wait3A_566 = arith.constant 0 : i32
        %dma_wait3A_567 = tpu.memref_slice %arg9[%dma_wait3A_563, %dma_wait3A_565, %dma_wait3A_566] : memref<3x80x128xf32, #tpu.memory_space<vmem>> -> memref<1x80x128xf32, #tpu.memory_space<vmem>>
        %dma_wait3A_568 = tpu.memref_squeeze %dma_wait3A_567 : memref<1x80x128xf32, #tpu.memory_space<vmem>> -> memref<80x128xf32, #tpu.memory_space<vmem>>
        %dma_wait3A_569 = arith.constant 0 : i32
        %dma_wait3A_570 = tpu.memref_slice %arg8[%dma_wait3A_564, %dma_wait3A_569] : memref<3x80xi32, #tpu.memory_space<vmem>> -> memref<1x80xi32, #tpu.memory_space<vmem>>
        %dma_wait3A_571 = tpu.memref_squeeze %dma_wait3A_570 : memref<1x80xi32, #tpu.memory_space<vmem>> -> memref<80xi32, #tpu.memory_space<vmem>>
        %dma_wait3A_572 = arith.constant 0 : i32
        %dma_wait3A_573 = arith.constant 0 : i32
        %dma_wait3A_574 = tpu.memref_slice %arg11[%dma_wait3A_572, %dma_wait3A_573] : memref<10240x128xf32, #tpu.memory_space<vmem_shared>> -> memref<10240x128xf32, #tpu.memory_space<vmem_shared>>
        tpu.wait_indirect_dma semaphore(%arg19 : memref<!tpu.dma_semaphore, #tpu.memory_space<semaphore_mem>>) src(%dma_wait3A_568 : memref<80x128xf32, #tpu.memory_space<vmem>>) dst(%dma_wait3A_574 : memref<10240x128xf32, #tpu.memory_space<vmem_shared>>)
      } else {
      }
      %add3A_503 = arith.constant 2 : i32
      %add3A_504 = arith.addi %add3A_497, %add3A_503 : i32
      %dma_start3A_505 = arith.constant 1 : i32
      %dma_start3A_506 = arith.constant 0 : i32
      %dma_start3A_507 = tpu.memref_slice %arg8[%dma_start3A_505, %dma_start3A_506] : memref<3x80xi32, #tpu.memory_space<vmem>> -> memref<1x80xi32, #tpu.memory_space<vmem>>
      %dma_start3A_508 = arith.constant 0 : i32
      %dma_start3A_509 = tpu.memref_slice %arg4[%add3A, %add3A_504, %dma_start3A_508] : memref<32x125x80xi32, #tpu.memory_space<hbm>> -> memref<1x1x80xi32, #tpu.memory_space<hbm>>
      %dma_start3A_510 = tpu.memref_squeeze %dma_start3A_509 : memref<1x1x80xi32, #tpu.memory_space<hbm>> -> memref<1x80xi32, #tpu.memory_space<hbm>>
      %dma_start3A_511 = arith.constant 1 : i32
      %dma_start3A_512 = arith.constant 0 : i32
      %dma_start3A_513 = tpu.memref_slice %arg8[%dma_start3A_511, %dma_start3A_512] : memref<3x80xi32, #tpu.memory_space<vmem>> -> memref<1x80xi32, #tpu.memory_space<vmem>>
      %dma_start3A_514 = arith.constant 0 : i32
      %dma_start3A_515 = tpu.memref_slice %arg4[%add3A, %add3A_504, %dma_start3A_514] : memref<32x125x80xi32, #tpu.memory_space<hbm>> -> memref<1x1x80xi32, #tpu.memory_space<hbm>>
      %dma_start3A_516 = tpu.memref_squeeze %dma_start3A_515 : memref<1x1x80xi32, #tpu.memory_space<hbm>> -> memref<1x80xi32, #tpu.memory_space<hbm>>
      tpu.enqueue_dma source(%dma_start3A_516 : memref<1x80xi32, #tpu.memory_space<hbm>>) target(%dma_start3A_513 : memref<1x80xi32, #tpu.memory_space<vmem>>) target_semaphore(%arg16 : memref<!tpu.dma_semaphore, #tpu.memory_space<semaphore_mem>>)
      %mul3A_517 = arith.constant 80 : i32
      %mul3A_518 = arith.muli %add3A_504, %mul3A_517 : i32
      %dma_start3A_519 = arith.constant 1 : i32
      %dma_start3A_520 = arith.constant 0 : i32
      %dma_start3A_521 = arith.constant 0 : i32
      %dma_start3A_522 = tpu.memref_slice %arg9[%dma_start3A_519, %dma_start3A_520, %dma_start3A_521] : memref<3x80x128xf32, #tpu.memory_space<vmem>> -> memref<1x80x128xf32, #tpu.memory_space<vmem>>
      %dma_start3A_523 = tpu.memref_squeeze %dma_start3A_522 : memref<1x80x128xf32, #tpu.memory_space<vmem>> -> memref<80x128xf32, #tpu.memory_space<vmem>>
      %dma_start3A_524 = tpu.memref_slice %arg7[%mul3A_518] : memref<10000xi32, #tpu.memory_space<vmem>> -> memref<80xi32, #tpu.memory_space<vmem>>
      %dma_start3A_525 = arith.constant 0 : i32
      %dma_start3A_526 = arith.constant 0 : i32
      %dma_start3A_527 = tpu.memref_slice %arg2[%dma_start3A_525, %dma_start3A_526] : memref<10240x128xf32, #tpu.memory_space<hbm>> -> memref<10240x128xf32, #tpu.memory_space<hbm>>
      tpu.enqueue_indirect_dma source(%dma_start3A_527 : memref<10240x128xf32, #tpu.memory_space<hbm>>) target(%dma_start3A_523 : memref<80x128xf32, #tpu.memory_space<vmem>>) offsets(%dma_start3A_524 : memref<80xi32, #tpu.memory_space<vmem>>) semaphore(%arg13 : memref<!tpu.dma_semaphore, #tpu.memory_space<semaphore_mem>>)
      %dma_wait3A_528 = arith.constant 2 : i32
      %dma_wait3A_529 = arith.constant 0 : i32
      %dma_wait3A_530 = tpu.memref_slice %arg8[%dma_wait3A_528, %dma_wait3A_529] : memref<3x80xi32, #tpu.memory_space<vmem>> -> memref<1x80xi32, #tpu.memory_space<vmem>>
      %dma_wait3A_531 = arith.constant 0 : i32
      %dma_wait3A_532 = tpu.memref_slice %arg4[%add3A, %add3A_497, %dma_wait3A_531] : memref<32x125x80xi32, #tpu.memory_space<hbm>> -> memref<1x1x80xi32, #tpu.memory_space<hbm>>
      %dma_wait3A_533 = tpu.memref_squeeze %dma_wait3A_532 : memref<1x1x80xi32, #tpu.memory_space<hbm>> -> memref<1x80xi32, #tpu.memory_space<hbm>>
      %dma_wait3A_534 = arith.constant 2 : i32
      %dma_wait3A_535 = arith.constant 0 : i32
      %dma_wait3A_536 = tpu.memref_slice %arg8[%dma_wait3A_534, %dma_wait3A_535] : memref<3x80xi32, #tpu.memory_space<vmem>> -> memref<1x80xi32, #tpu.memory_space<vmem>>
      %dma_wait3A_537 = arith.constant 0 : i32
      %dma_wait3A_538 = tpu.memref_slice %arg4[%add3A, %add3A_497, %dma_wait3A_537] : memref<32x125x80xi32, #tpu.memory_space<hbm>> -> memref<1x1x80xi32, #tpu.memory_space<hbm>>
      %dma_wait3A_539 = tpu.memref_squeeze %dma_wait3A_538 : memref<1x1x80xi32, #tpu.memory_space<hbm>> -> memref<1x80xi32, #tpu.memory_space<hbm>>
      tpu.wait_dma2 semaphore(%arg17 : memref<!tpu.dma_semaphore, #tpu.memory_space<semaphore_mem>>) src(%dma_wait3A_539 : memref<1x80xi32, #tpu.memory_space<hbm>>) dst(%dma_wait3A_536 : memref<1x80xi32, #tpu.memory_space<vmem>>)
      %mul3A_540 = arith.constant 80 : i32
      %mul3A_541 = arith.muli %add3A_497, %mul3A_540 : i32
      %dma_wait3A_542 = arith.constant 2 : i32
      %dma_wait3A_543 = arith.constant 0 : i32
      %dma_wait3A_544 = arith.constant 0 : i32
      %dma_wait3A_545 = tpu.memref_slice %arg9[%dma_wait3A_542, %dma_wait3A_543, %dma_wait3A_544] : memref<3x80x128xf32, #tpu.memory_space<vmem>> -> memref<1x80x128xf32, #tpu.memory_space<vmem>>
      %dma_wait3A_546 = tpu.memref_squeeze %dma_wait3A_545 : memref<1x80x128xf32, #tpu.memory_space<vmem>> -> memref<80x128xf32, #tpu.memory_space<vmem>>
      %dma_wait3A_547 = tpu.memref_slice %arg7[%mul3A_541] : memref<10000xi32, #tpu.memory_space<vmem>> -> memref<80xi32, #tpu.memory_space<vmem>>
      %dma_wait3A_548 = arith.constant 0 : i32
      %dma_wait3A_549 = arith.constant 0 : i32
      %dma_wait3A_550 = tpu.memref_slice %arg2[%dma_wait3A_548, %dma_wait3A_549] : memref<10240x128xf32, #tpu.memory_space<hbm>> -> memref<10240x128xf32, #tpu.memory_space<hbm>>
      tpu.wait_indirect_dma semaphore(%arg14 : memref<!tpu.dma_semaphore, #tpu.memory_space<semaphore_mem>>) src(%dma_wait3A_550 : memref<10240x128xf32, #tpu.memory_space<hbm>>) dst(%dma_wait3A_546 : memref<80x128xf32, #tpu.memory_space<vmem>>)
      %dma_start3A_551 = arith.constant 2 : i32
      %dma_start3A_552 = arith.constant 2 : i32
      %dma_start3A_553 = arith.constant 0 : i32
      %dma_start3A_554 = arith.constant 0 : i32
      %dma_start3A_555 = tpu.memref_slice %arg9[%dma_start3A_551, %dma_start3A_553, %dma_start3A_554] : memref<3x80x128xf32, #tpu.memory_space<vmem>> -> memref<1x80x128xf32, #tpu.memory_space<vmem>>
      %dma_start3A_556 = tpu.memref_squeeze %dma_start3A_555 : memref<1x80x128xf32, #tpu.memory_space<vmem>> -> memref<80x128xf32, #tpu.memory_space<vmem>>
      %dma_start3A_557 = arith.constant 0 : i32
      %dma_start3A_558 = tpu.memref_slice %arg8[%dma_start3A_552, %dma_start3A_557] : memref<3x80xi32, #tpu.memory_space<vmem>> -> memref<1x80xi32, #tpu.memory_space<vmem>>
      %dma_start3A_559 = tpu.memref_squeeze %dma_start3A_558 : memref<1x80xi32, #tpu.memory_space<vmem>> -> memref<80xi32, #tpu.memory_space<vmem>>
      %dma_start3A_560 = arith.constant 0 : i32
      %dma_start3A_561 = arith.constant 0 : i32
      %dma_start3A_562 = tpu.memref_slice %arg11[%dma_start3A_560, %dma_start3A_561] : memref<10240x128xf32, #tpu.memory_space<vmem_shared>> -> memref<10240x128xf32, #tpu.memory_space<vmem_shared>>
      tpu.enqueue_indirect_dma source(%dma_start3A_556 : memref<80x128xf32, #tpu.memory_space<vmem>>) target(%dma_start3A_562 : memref<10240x128xf32, #tpu.memory_space<vmem_shared>>) offsets(%dma_start3A_559 : memref<80xi32, #tpu.memory_space<vmem>>) semaphore(%arg20 : memref<!tpu.dma_semaphore, #tpu.memory_space<semaphore_mem>>) {add = true}
    }
    %scan3A_245 = arith.constant 41 : i32
    %dma_wait3A_246 = arith.constant 2 : i32
    %dma_wait3A_247 = arith.constant 2 : i32
    %dma_wait3A_248 = arith.constant 0 : i32
    %dma_wait3A_249 = arith.constant 0 : i32
    %dma_wait3A_250 = tpu.memref_slice %arg9[%dma_wait3A_246, %dma_wait3A_248, %dma_wait3A_249] : memref<3x80x128xf32, #tpu.memory_space<vmem>> -> memref<1x80x128xf32, #tpu.memory_space<vmem>>
    %dma_wait3A_251 = tpu.memref_squeeze %dma_wait3A_250 : memref<1x80x128xf32, #tpu.memory_space<vmem>> -> memref<80x128xf32, #tpu.memory_space<vmem>>
    %dma_wait3A_252 = arith.constant 0 : i32
    %dma_wait3A_253 = tpu.memref_slice %arg8[%dma_wait3A_247, %dma_wait3A_252] : memref<3x80xi32, #tpu.memory_space<vmem>> -> memref<1x80xi32, #tpu.memory_space<vmem>>
    %dma_wait3A_254 = tpu.memref_squeeze %dma_wait3A_253 : memref<1x80xi32, #tpu.memory_space<vmem>> -> memref<80xi32, #tpu.memory_space<vmem>>
    %dma_wait3A_255 = arith.constant 0 : i32
    %dma_wait3A_256 = arith.constant 0 : i32
    %dma_wait3A_257 = tpu.memref_slice %arg11[%dma_wait3A_255, %dma_wait3A_256] : memref<10240x128xf32, #tpu.memory_space<vmem_shared>> -> memref<10240x128xf32, #tpu.memory_space<vmem_shared>>
    tpu.wait_indirect_dma semaphore(%arg20 : memref<!tpu.dma_semaphore, #tpu.memory_space<semaphore_mem>>) src(%dma_wait3A_251 : memref<80x128xf32, #tpu.memory_space<vmem>>) dst(%dma_wait3A_257 : memref<10240x128xf32, #tpu.memory_space<vmem_shared>>)
    %dma_wait3A_258 = arith.constant 0 : i32
    %dma_wait3A_259 = arith.constant 0 : i32
    %dma_wait3A_260 = tpu.memref_slice %arg8[%dma_wait3A_258, %dma_wait3A_259] : memref<3x80xi32, #tpu.memory_space<vmem>> -> memref<1x80xi32, #tpu.memory_space<vmem>>
    %dma_wait3A_261 = arith.constant 123 : i32
    %dma_wait3A_262 = arith.constant 0 : i32
    %dma_wait3A_263 = tpu.memref_slice %arg4[%add3A, %dma_wait3A_261, %dma_wait3A_262] : memref<32x125x80xi32, #tpu.memory_space<hbm>> -> memref<1x1x80xi32, #tpu.memory_space<hbm>>
    %dma_wait3A_264 = tpu.memref_squeeze %dma_wait3A_263 : memref<1x1x80xi32, #tpu.memory_space<hbm>> -> memref<1x80xi32, #tpu.memory_space<hbm>>
    %dma_wait3A_265 = arith.constant 0 : i32
    %dma_wait3A_266 = arith.constant 0 : i32
    %dma_wait3A_267 = tpu.memref_slice %arg8[%dma_wait3A_265, %dma_wait3A_266] : memref<3x80xi32, #tpu.memory_space<vmem>> -> memref<1x80xi32, #tpu.memory_space<vmem>>
    %dma_wait3A_268 = arith.constant 123 : i32
    %dma_wait3A_269 = arith.constant 0 : i32
    %dma_wait3A_270 = tpu.memref_slice %arg4[%add3A, %dma_wait3A_268, %dma_wait3A_269] : memref<32x125x80xi32, #tpu.memory_space<hbm>> -> memref<1x1x80xi32, #tpu.memory_space<hbm>>
    %dma_wait3A_271 = tpu.memref_squeeze %dma_wait3A_270 : memref<1x1x80xi32, #tpu.memory_space<hbm>> -> memref<1x80xi32, #tpu.memory_space<hbm>>
    tpu.wait_dma2 semaphore(%arg15 : memref<!tpu.dma_semaphore, #tpu.memory_space<semaphore_mem>>) src(%dma_wait3A_271 : memref<1x80xi32, #tpu.memory_space<hbm>>) dst(%dma_wait3A_267 : memref<1x80xi32, #tpu.memory_space<vmem>>)
    %dma_wait3A_272 = arith.constant 0 : i32
    %dma_wait3A_273 = arith.constant 0 : i32
    %dma_wait3A_274 = arith.constant 0 : i32
    %dma_wait3A_275 = tpu.memref_slice %arg9[%dma_wait3A_272, %dma_wait3A_273, %dma_wait3A_274] : memref<3x80x128xf32, #tpu.memory_space<vmem>> -> memref<1x80x128xf32, #tpu.memory_space<vmem>>
    %dma_wait3A_276 = tpu.memref_squeeze %dma_wait3A_275 : memref<1x80x128xf32, #tpu.memory_space<vmem>> -> memref<80x128xf32, #tpu.memory_space<vmem>>
    %dma_wait3A_277 = arith.constant 9840 : i32
    %dma_wait3A_278 = tpu.memref_slice %arg7[%dma_wait3A_277] : memref<10000xi32, #tpu.memory_space<vmem>> -> memref<80xi32, #tpu.memory_space<vmem>>
    %dma_wait3A_279 = arith.constant 0 : i32
    %dma_wait3A_280 = arith.constant 0 : i32
    %dma_wait3A_281 = tpu.memref_slice %arg2[%dma_wait3A_279, %dma_wait3A_280] : memref<10240x128xf32, #tpu.memory_space<hbm>> -> memref<10240x128xf32, #tpu.memory_space<hbm>>
    tpu.wait_indirect_dma semaphore(%arg12 : memref<!tpu.dma_semaphore, #tpu.memory_space<semaphore_mem>>) src(%dma_wait3A_281 : memref<10240x128xf32, #tpu.memory_space<hbm>>) dst(%dma_wait3A_276 : memref<80x128xf32, #tpu.memory_space<vmem>>)
    %dma_start3A_282 = arith.constant 0 : i32
    %dma_start3A_283 = arith.constant 0 : i32
    %dma_start3A_284 = arith.constant 0 : i32
    %dma_start3A_285 = arith.constant 0 : i32
    %dma_start3A_286 = tpu.memref_slice %arg9[%dma_start3A_282, %dma_start3A_284, %dma_start3A_285] : memref<3x80x128xf32, #tpu.memory_space<vmem>> -> memref<1x80x128xf32, #tpu.memory_space<vmem>>
    %dma_start3A_287 = tpu.memref_squeeze %dma_start3A_286 : memref<1x80x128xf32, #tpu.memory_space<vmem>> -> memref<80x128xf32, #tpu.memory_space<vmem>>
    %dma_start3A_288 = arith.constant 0 : i32
    %dma_start3A_289 = tpu.memref_slice %arg8[%dma_start3A_283, %dma_start3A_288] : memref<3x80xi32, #tpu.memory_space<vmem>> -> memref<1x80xi32, #tpu.memory_space<vmem>>
    %dma_start3A_290 = tpu.memref_squeeze %dma_start3A_289 : memref<1x80xi32, #tpu.memory_space<vmem>> -> memref<80xi32, #tpu.memory_space<vmem>>
    %dma_start3A_291 = arith.constant 0 : i32
    %dma_start3A_292 = arith.constant 0 : i32
    %dma_start3A_293 = tpu.memref_slice %arg11[%dma_start3A_291, %dma_start3A_292] : memref<10240x128xf32, #tpu.memory_space<vmem_shared>> -> memref<10240x128xf32, #tpu.memory_space<vmem_shared>>
    tpu.enqueue_indirect_dma source(%dma_start3A_287 : memref<80x128xf32, #tpu.memory_space<vmem>>) target(%dma_start3A_293 : memref<10240x128xf32, #tpu.memory_space<vmem_shared>>) offsets(%dma_start3A_290 : memref<80xi32, #tpu.memory_space<vmem>>) semaphore(%arg18 : memref<!tpu.dma_semaphore, #tpu.memory_space<semaphore_mem>>) {add = true}
    %dma_wait3A_294 = arith.constant 0 : i32
    %dma_wait3A_295 = arith.constant 0 : i32
    %dma_wait3A_296 = arith.constant 0 : i32
    %dma_wait3A_297 = arith.constant 0 : i32
    %dma_wait3A_298 = tpu.memref_slice %arg9[%dma_wait3A_294, %dma_wait3A_296, %dma_wait3A_297] : memref<3x80x128xf32, #tpu.memory_space<vmem>> -> memref<1x80x128xf32, #tpu.memory_space<vmem>>
    %dma_wait3A_299 = tpu.memref_squeeze %dma_wait3A_298 : memref<1x80x128xf32, #tpu.memory_space<vmem>> -> memref<80x128xf32, #tpu.memory_space<vmem>>
    %dma_wait3A_300 = arith.constant 0 : i32
    %dma_wait3A_301 = tpu.memref_slice %arg8[%dma_wait3A_295, %dma_wait3A_300] : memref<3x80xi32, #tpu.memory_space<vmem>> -> memref<1x80xi32, #tpu.memory_space<vmem>>
    %dma_wait3A_302 = tpu.memref_squeeze %dma_wait3A_301 : memref<1x80xi32, #tpu.memory_space<vmem>> -> memref<80xi32, #tpu.memory_space<vmem>>
    %dma_wait3A_303 = arith.constant 0 : i32
    %dma_wait3A_304 = arith.constant 0 : i32
    %dma_wait3A_305 = tpu.memref_slice %arg11[%dma_wait3A_303, %dma_wait3A_304] : memref<10240x128xf32, #tpu.memory_space<vmem_shared>> -> memref<10240x128xf32, #tpu.memory_space<vmem_shared>>
    tpu.wait_indirect_dma semaphore(%arg18 : memref<!tpu.dma_semaphore, #tpu.memory_space<semaphore_mem>>) src(%dma_wait3A_299 : memref<80x128xf32, #tpu.memory_space<vmem>>) dst(%dma_wait3A_305 : memref<10240x128xf32, #tpu.memory_space<vmem_shared>>)
    %dma_wait3A_306 = arith.constant 1 : i32
    %dma_wait3A_307 = arith.constant 0 : i32
    %dma_wait3A_308 = tpu.memref_slice %arg8[%dma_wait3A_306, %dma_wait3A_307] : memref<3x80xi32, #tpu.memory_space<vmem>> -> memref<1x80xi32, #tpu.memory_space<vmem>>
    %dma_wait3A_309 = arith.constant 124 : i32
    %dma_wait3A_310 = arith.constant 0 : i32
    %dma_wait3A_311 = tpu.memref_slice %arg4[%add3A, %dma_wait3A_309, %dma_wait3A_310] : memref<32x125x80xi32, #tpu.memory_space<hbm>> -> memref<1x1x80xi32, #tpu.memory_space<hbm>>
    %dma_wait3A_312 = tpu.memref_squeeze %dma_wait3A_311 : memref<1x1x80xi32, #tpu.memory_space<hbm>> -> memref<1x80xi32, #tpu.memory_space<hbm>>
    %dma_wait3A_313 = arith.constant 1 : i32
    %dma_wait3A_314 = arith.constant 0 : i32
    %dma_wait3A_315 = tpu.memref_slice %arg8[%dma_wait3A_313, %dma_wait3A_314] : memref<3x80xi32, #tpu.memory_space<vmem>> -> memref<1x80xi32, #tpu.memory_space<vmem>>
    %dma_wait3A_316 = arith.constant 124 : i32
    %dma_wait3A_317 = arith.constant 0 : i32
    %dma_wait3A_318 = tpu.memref_slice %arg4[%add3A, %dma_wait3A_316, %dma_wait3A_317] : memref<32x125x80xi32, #tpu.memory_space<hbm>> -> memref<1x1x80xi32, #tpu.memory_space<hbm>>
    %dma_wait3A_319 = tpu.memref_squeeze %dma_wait3A_318 : memref<1x1x80xi32, #tpu.memory_space<hbm>> -> memref<1x80xi32, #tpu.memory_space<hbm>>
    tpu.wait_dma2 semaphore(%arg16 : memref<!tpu.dma_semaphore, #tpu.memory_space<semaphore_mem>>) src(%dma_wait3A_319 : memref<1x80xi32, #tpu.memory_space<hbm>>) dst(%dma_wait3A_315 : memref<1x80xi32, #tpu.memory_space<vmem>>)
    %dma_wait3A_320 = arith.constant 1 : i32
    %dma_wait3A_321 = arith.constant 0 : i32
    %dma_wait3A_322 = arith.constant 0 : i32
    %dma_wait3A_323 = tpu.memref_slice %arg9[%dma_wait3A_320, %dma_wait3A_321, %dma_wait3A_322] : memref<3x80x128xf32, #tpu.memory_space<vmem>> -> memref<1x80x128xf32, #tpu.memory_space<vmem>>
    %dma_wait3A_324 = tpu.memref_squeeze %dma_wait3A_323 : memref<1x80x128xf32, #tpu.memory_space<vmem>> -> memref<80x128xf32, #tpu.memory_space<vmem>>
    %dma_wait3A_325 = arith.constant 9920 : i32
    %dma_wait3A_326 = tpu.memref_slice %arg7[%dma_wait3A_325] : memref<10000xi32, #tpu.memory_space<vmem>> -> memref<80xi32, #tpu.memory_space<vmem>>
    %dma_wait3A_327 = arith.constant 0 : i32
    %dma_wait3A_328 = arith.constant 0 : i32
    %dma_wait3A_329 = tpu.memref_slice %arg2[%dma_wait3A_327, %dma_wait3A_328] : memref<10240x128xf32, #tpu.memory_space<hbm>> -> memref<10240x128xf32, #tpu.memory_space<hbm>>
    tpu.wait_indirect_dma semaphore(%arg13 : memref<!tpu.dma_semaphore, #tpu.memory_space<semaphore_mem>>) src(%dma_wait3A_329 : memref<10240x128xf32, #tpu.memory_space<hbm>>) dst(%dma_wait3A_324 : memref<80x128xf32, #tpu.memory_space<vmem>>)
    %dma_start3A_330 = arith.constant 1 : i32
    %dma_start3A_331 = arith.constant 1 : i32
    %dma_start3A_332 = arith.constant 0 : i32
    %dma_start3A_333 = arith.constant 0 : i32
    %dma_start3A_334 = tpu.memref_slice %arg9[%dma_start3A_330, %dma_start3A_332, %dma_start3A_333] : memref<3x80x128xf32, #tpu.memory_space<vmem>> -> memref<1x80x128xf32, #tpu.memory_space<vmem>>
    %dma_start3A_335 = tpu.memref_squeeze %dma_start3A_334 : memref<1x80x128xf32, #tpu.memory_space<vmem>> -> memref<80x128xf32, #tpu.memory_space<vmem>>
    %dma_start3A_336 = arith.constant 0 : i32
    %dma_start3A_337 = tpu.memref_slice %arg8[%dma_start3A_331, %dma_start3A_336] : memref<3x80xi32, #tpu.memory_space<vmem>> -> memref<1x80xi32, #tpu.memory_space<vmem>>
    %dma_start3A_338 = tpu.memref_squeeze %dma_start3A_337 : memref<1x80xi32, #tpu.memory_space<vmem>> -> memref<80xi32, #tpu.memory_space<vmem>>
    %dma_start3A_339 = arith.constant 0 : i32
    %dma_start3A_340 = arith.constant 0 : i32
    %dma_start3A_341 = tpu.memref_slice %arg11[%dma_start3A_339, %dma_start3A_340] : memref<10240x128xf32, #tpu.memory_space<vmem_shared>> -> memref<10240x128xf32, #tpu.memory_space<vmem_shared>>
    tpu.enqueue_indirect_dma source(%dma_start3A_335 : memref<80x128xf32, #tpu.memory_space<vmem>>) target(%dma_start3A_341 : memref<10240x128xf32, #tpu.memory_space<vmem_shared>>) offsets(%dma_start3A_338 : memref<80xi32, #tpu.memory_space<vmem>>) semaphore(%arg19 : memref<!tpu.dma_semaphore, #tpu.memory_space<semaphore_mem>>) {add = true}
    %dma_wait3A_342 = arith.constant 1 : i32
    %dma_wait3A_343 = arith.constant 1 : i32
    %dma_wait3A_344 = arith.constant 0 : i32
    %dma_wait3A_345 = arith.constant 0 : i32
    %dma_wait3A_346 = tpu.memref_slice %arg9[%dma_wait3A_342, %dma_wait3A_344, %dma_wait3A_345] : memref<3x80x128xf32, #tpu.memory_space<vmem>> -> memref<1x80x128xf32, #tpu.memory_space<vmem>>
    %dma_wait3A_347 = tpu.memref_squeeze %dma_wait3A_346 : memref<1x80x128xf32, #tpu.memory_space<vmem>> -> memref<80x128xf32, #tpu.memory_space<vmem>>
    %dma_wait3A_348 = arith.constant 0 : i32
    %dma_wait3A_349 = tpu.memref_slice %arg8[%dma_wait3A_343, %dma_wait3A_348] : memref<3x80xi32, #tpu.memory_space<vmem>> -> memref<1x80xi32, #tpu.memory_space<vmem>>
    %dma_wait3A_350 = tpu.memref_squeeze %dma_wait3A_349 : memref<1x80xi32, #tpu.memory_space<vmem>> -> memref<80xi32, #tpu.memory_space<vmem>>
    %dma_wait3A_351 = arith.constant 0 : i32
    %dma_wait3A_352 = arith.constant 0 : i32
    %dma_wait3A_353 = tpu.memref_slice %arg11[%dma_wait3A_351, %dma_wait3A_352] : memref<10240x128xf32, #tpu.memory_space<vmem_shared>> -> memref<10240x128xf32, #tpu.memory_space<vmem_shared>>
    tpu.wait_indirect_dma semaphore(%arg19 : memref<!tpu.dma_semaphore, #tpu.memory_space<semaphore_mem>>) src(%dma_wait3A_347 : memref<80x128xf32, #tpu.memory_space<vmem>>) dst(%dma_wait3A_353 : memref<10240x128xf32, #tpu.memory_space<vmem_shared>>)
    %barrier3A_354 = arith.constant 0 : index
    tpu.barrier barrier_id(%barrier3A_354)
    %mul3A_355 = arith.constant 10240 : i32
    %mul3A_356 = arith.muli %arg0, %mul3A_355 : i32
    %add3A_357 = arith.addi %mul3A_356, %mul3A_2 : i32
    "tpu.region"() ({
      %run_scoped3A = tpu.sem_alloc : memref<!tpu.dma_semaphore, #tpu.memory_space<semaphore_mem>>
      %dma_start3A_358 = arith.constant 0 : i32
      %dma_start3A_359 = tpu.memref_slice %arg6[%add3A_357, %dma_start3A_358] : memref<20480x128xf32, #tpu.memory_space<hbm>> -> memref<640x128xf32, #tpu.memory_space<hbm>>
      %dma_start3A_360 = arith.constant 0 : i32
      %dma_start3A_361 = tpu.memref_slice %arg11[%mul3A_2, %dma_start3A_360] : memref<10240x128xf32, #tpu.memory_space<vmem_shared>> -> memref<640x128xf32, #tpu.memory_space<vmem_shared>>
      tpu.enqueue_dma source(%dma_start3A_361 : memref<640x128xf32, #tpu.memory_space<vmem_shared>>) target(%dma_start3A_359 : memref<640x128xf32, #tpu.memory_space<hbm>>) target_semaphore(%run_scoped3A : memref<!tpu.dma_semaphore, #tpu.memory_space<semaphore_mem>>)
      %dma_wait3A_362 = arith.constant 0 : i32
      %dma_wait3A_363 = tpu.memref_slice %arg6[%add3A_357, %dma_wait3A_362] : memref<20480x128xf32, #tpu.memory_space<hbm>> -> memref<640x128xf32, #tpu.memory_space<hbm>>
      %dma_wait3A_364 = arith.constant 0 : i32
      %dma_wait3A_365 = tpu.memref_slice %arg11[%mul3A_2, %dma_wait3A_364] : memref<10240x128xf32, #tpu.memory_space<vmem_shared>> -> memref<640x128xf32, #tpu.memory_space<vmem_shared>>
      tpu.wait_dma2 semaphore(%run_scoped3A : memref<!tpu.dma_semaphore, #tpu.memory_space<semaphore_mem>>) src(%dma_wait3A_365 : memref<640x128xf32, #tpu.memory_space<vmem_shared>>) dst(%dma_wait3A_363 : memref<640x128xf32, #tpu.memory_space<hbm>>)
      tpu.yield
    }) : () -> ()
    return
  }
}

#map = affine_map<(d0, d1) -> (0, 0)>
#map1 = affine_map<(d0, d1) -> (0, 0, 0)>
module attributes {stable_mosaic.version = 14 : i64} {
  func.func @_sc_agg_body(%arg0: i32, %arg1: i32, %arg2: memref<10240x128xf32, #tpu.memory_space<hbm>>, %arg3: memref<32x10000xi32, #tpu.memory_space<hbm>>, %arg4: memref<32x125x80xi32, #tpu.memory_space<hbm>>, %arg5: memref<40x128xf32, #tpu.memory_space<hbm>>, %arg6: memref<20480x128xf32, #tpu.memory_space<hbm>>, %arg7: memref<10000xi32, #tpu.memory_space<vmem>>, %arg8: memref<3x80xi32, #tpu.memory_space<vmem>>, %arg9: memref<3x80x128xf32, #tpu.memory_space<vmem>>, %arg10: memref<40x128xf32, #tpu.memory_space<vmem>>, %arg11: memref<10240x128xf32, #tpu.memory_space<vmem_shared>>, %arg12: memref<!tpu.dma_semaphore, #tpu.memory_space<semaphore_mem>>, %arg13: memref<!tpu.dma_semaphore, #tpu.memory_space<semaphore_mem>>, %arg14: memref<!tpu.dma_semaphore, #tpu.memory_space<semaphore_mem>>, %arg15: memref<!tpu.dma_semaphore, #tpu.memory_space<semaphore_mem>>, %arg16: memref<!tpu.dma_semaphore, #tpu.memory_space<semaphore_mem>>, %arg17: memref<!tpu.dma_semaphore, #tpu.memory_space<semaphore_mem>>, %arg18: memref<!tpu.dma_semaphore, #tpu.memory_space<semaphore_mem>>, %arg19: memref<!tpu.dma_semaphore, #tpu.memory_space<semaphore_mem>>, %arg20: memref<!tpu.dma_semaphore, #tpu.memory_space<semaphore_mem>>, %arg21: memref<!tpu.dma_semaphore, #tpu.memory_space<semaphore_mem>>) attributes {dimension_semantics = [#tpu.dimension_semantics<core_parallel>, #tpu.dimension_semantics<subcore_parallel>], iteration_bounds = array<i64: 2, 16>, scalar_prefetch = 0 : i64, scratch_operands = 15 : i64, tpu.core_type = #tpu.core_type<sc_vector_subcore>, window_params = [{transform_indices = #map}, {transform_indices = #map}, {transform_indices = #map1}, {transform_indices = #map}, {transform_indices = #map}]} {
    %mul3A = arith.constant 16 : i32
    %mul3A_0 = arith.muli %arg0, %mul3A : i32
    %add3A = arith.addi %mul3A_0, %arg1 : i32
    %mul3A_1 = arith.constant 640 : i32
    %mul3A_2 = arith.muli %arg1, %mul3A_1 : i32
    "tpu.region"() ({
      %run_scoped3A = tpu.sem_alloc : memref<!tpu.dma_semaphore, #tpu.memory_space<semaphore_mem>>
      %dma_start3A_358 = arith.constant 0 : i32
      %dma_start3A_359 = tpu.memref_slice %arg3[%add3A, %dma_start3A_358] : memref<32x10000xi32, #tpu.memory_space<hbm>> -> memref<1x10000xi32, #tpu.memory_space<hbm>>
      %dma_start3A_360 = tpu.memref_squeeze %dma_start3A_359 : memref<1x10000xi32, #tpu.memory_space<hbm>> -> memref<10000xi32, #tpu.memory_space<hbm>>
      %dma_start3A_361 = arith.constant 0 : i32
      %dma_start3A_362 = tpu.memref_slice %arg3[%add3A, %dma_start3A_361] : memref<32x10000xi32, #tpu.memory_space<hbm>> -> memref<1x10000xi32, #tpu.memory_space<hbm>>
      %dma_start3A_363 = tpu.memref_squeeze %dma_start3A_362 : memref<1x10000xi32, #tpu.memory_space<hbm>> -> memref<10000xi32, #tpu.memory_space<hbm>>
      tpu.enqueue_dma source(%dma_start3A_363 : memref<10000xi32, #tpu.memory_space<hbm>>) target(%arg7 : memref<10000xi32, #tpu.memory_space<vmem>>) target_semaphore(%run_scoped3A : memref<!tpu.dma_semaphore, #tpu.memory_space<semaphore_mem>>)
      %dma_wait3A_364 = arith.constant 0 : i32
      %dma_wait3A_365 = tpu.memref_slice %arg3[%add3A, %dma_wait3A_364] : memref<32x10000xi32, #tpu.memory_space<hbm>> -> memref<1x10000xi32, #tpu.memory_space<hbm>>
      %dma_wait3A_366 = tpu.memref_squeeze %dma_wait3A_365 : memref<1x10000xi32, #tpu.memory_space<hbm>> -> memref<10000xi32, #tpu.memory_space<hbm>>
      %dma_wait3A_367 = arith.constant 0 : i32
      %dma_wait3A_368 = tpu.memref_slice %arg3[%add3A, %dma_wait3A_367] : memref<32x10000xi32, #tpu.memory_space<hbm>> -> memref<1x10000xi32, #tpu.memory_space<hbm>>
      %dma_wait3A_369 = tpu.memref_squeeze %dma_wait3A_368 : memref<1x10000xi32, #tpu.memory_space<hbm>> -> memref<10000xi32, #tpu.memory_space<hbm>>
      tpu.wait_dma2 semaphore(%run_scoped3A : memref<!tpu.dma_semaphore, #tpu.memory_space<semaphore_mem>>) src(%dma_wait3A_369 : memref<10000xi32, #tpu.memory_space<hbm>>) dst(%arg7 : memref<10000xi32, #tpu.memory_space<vmem>>)
      tpu.yield
    }) : () -> ()
    %dma_start3A = arith.constant 0 : i32
    %dma_start3A_3 = arith.constant 0 : i32
    %dma_start3A_4 = tpu.memref_slice %arg8[%dma_start3A, %dma_start3A_3] : memref<3x80xi32, #tpu.memory_space<vmem>> -> memref<1x80xi32, #tpu.memory_space<vmem>>
    %dma_start3A_5 = arith.constant 0 : i32
    %dma_start3A_6 = arith.constant 0 : i32
    %dma_start3A_7 = tpu.memref_slice %arg4[%add3A, %dma_start3A_5, %dma_start3A_6] : memref<32x125x80xi32, #tpu.memory_space<hbm>> -> memref<1x1x80xi32, #tpu.memory_space<hbm>>
    %dma_start3A_8 = tpu.memref_squeeze %dma_start3A_7 : memref<1x1x80xi32, #tpu.memory_space<hbm>> -> memref<1x80xi32, #tpu.memory_space<hbm>>
    %dma_start3A_9 = arith.constant 0 : i32
    %dma_start3A_10 = arith.constant 0 : i32
    %dma_start3A_11 = tpu.memref_slice %arg8[%dma_start3A_9, %dma_start3A_10] : memref<3x80xi32, #tpu.memory_space<vmem>> -> memref<1x80xi32, #tpu.memory_space<vmem>>
    %dma_start3A_12 = arith.constant 0 : i32
    %dma_start3A_13 = arith.constant 0 : i32
    %dma_start3A_14 = tpu.memref_slice %arg4[%add3A, %dma_start3A_12, %dma_start3A_13] : memref<32x125x80xi32, #tpu.memory_space<hbm>> -> memref<1x1x80xi32, #tpu.memory_space<hbm>>
    %dma_start3A_15 = tpu.memref_squeeze %dma_start3A_14 : memref<1x1x80xi32, #tpu.memory_space<hbm>> -> memref<1x80xi32, #tpu.memory_space<hbm>>
    tpu.enqueue_dma source(%dma_start3A_15 : memref<1x80xi32, #tpu.memory_space<hbm>>) target(%dma_start3A_11 : memref<1x80xi32, #tpu.memory_space<vmem>>) target_semaphore(%arg15 : memref<!tpu.dma_semaphore, #tpu.memory_space<semaphore_mem>>)
    %dma_start3A_16 = arith.constant 0 : i32
    %dma_start3A_17 = arith.constant 0 : i32
    %dma_start3A_18 = arith.constant 0 : i32
    %dma_start3A_19 = tpu.memref_slice %arg9[%dma_start3A_16, %dma_start3A_17, %dma_start3A_18] : memref<3x80x128xf32, #tpu.memory_space<vmem>> -> memref<1x80x128xf32, #tpu.memory_space<vmem>>
    %dma_start3A_20 = tpu.memref_squeeze %dma_start3A_19 : memref<1x80x128xf32, #tpu.memory_space<vmem>> -> memref<80x128xf32, #tpu.memory_space<vmem>>
    %dma_start3A_21 = arith.constant 0 : i32
    %dma_start3A_22 = tpu.memref_slice %arg7[%dma_start3A_21] : memref<10000xi32, #tpu.memory_space<vmem>> -> memref<80xi32, #tpu.memory_space<vmem>>
    %dma_start3A_23 = arith.constant 0 : i32
    %dma_start3A_24 = arith.constant 0 : i32
    %dma_start3A_25 = tpu.memref_slice %arg2[%dma_start3A_23, %dma_start3A_24] : memref<10240x128xf32, #tpu.memory_space<hbm>> -> memref<10240x128xf32, #tpu.memory_space<hbm>>
    tpu.enqueue_indirect_dma source(%dma_start3A_25 : memref<10240x128xf32, #tpu.memory_space<hbm>>) target(%dma_start3A_20 : memref<80x128xf32, #tpu.memory_space<vmem>>) offsets(%dma_start3A_22 : memref<80xi32, #tpu.memory_space<vmem>>) semaphore(%arg12 : memref<!tpu.dma_semaphore, #tpu.memory_space<semaphore_mem>>)
    %dma_start3A_26 = arith.constant 1 : i32
    %dma_start3A_27 = arith.constant 0 : i32
    %dma_start3A_28 = tpu.memref_slice %arg8[%dma_start3A_26, %dma_start3A_27] : memref<3x80xi32, #tpu.memory_space<vmem>> -> memref<1x80xi32, #tpu.memory_space<vmem>>
    %dma_start3A_29 = arith.constant 1 : i32
    %dma_start3A_30 = arith.constant 0 : i32
    %dma_start3A_31 = tpu.memref_slice %arg4[%add3A, %dma_start3A_29, %dma_start3A_30] : memref<32x125x80xi32, #tpu.memory_space<hbm>> -> memref<1x1x80xi32, #tpu.memory_space<hbm>>
    %dma_start3A_32 = tpu.memref_squeeze %dma_start3A_31 : memref<1x1x80xi32, #tpu.memory_space<hbm>> -> memref<1x80xi32, #tpu.memory_space<hbm>>
    %dma_start3A_33 = arith.constant 1 : i32
    %dma_start3A_34 = arith.constant 0 : i32
    %dma_start3A_35 = tpu.memref_slice %arg8[%dma_start3A_33, %dma_start3A_34] : memref<3x80xi32, #tpu.memory_space<vmem>> -> memref<1x80xi32, #tpu.memory_space<vmem>>
    %dma_start3A_36 = arith.constant 1 : i32
    %dma_start3A_37 = arith.constant 0 : i32
    %dma_start3A_38 = tpu.memref_slice %arg4[%add3A, %dma_start3A_36, %dma_start3A_37] : memref<32x125x80xi32, #tpu.memory_space<hbm>> -> memref<1x1x80xi32, #tpu.memory_space<hbm>>
    %dma_start3A_39 = tpu.memref_squeeze %dma_start3A_38 : memref<1x1x80xi32, #tpu.memory_space<hbm>> -> memref<1x80xi32, #tpu.memory_space<hbm>>
    tpu.enqueue_dma source(%dma_start3A_39 : memref<1x80xi32, #tpu.memory_space<hbm>>) target(%dma_start3A_35 : memref<1x80xi32, #tpu.memory_space<vmem>>) target_semaphore(%arg16 : memref<!tpu.dma_semaphore, #tpu.memory_space<semaphore_mem>>)
    %dma_start3A_40 = arith.constant 1 : i32
    %dma_start3A_41 = arith.constant 0 : i32
    %dma_start3A_42 = arith.constant 0 : i32
    %dma_start3A_43 = tpu.memref_slice %arg9[%dma_start3A_40, %dma_start3A_41, %dma_start3A_42] : memref<3x80x128xf32, #tpu.memory_space<vmem>> -> memref<1x80x128xf32, #tpu.memory_space<vmem>>
    %dma_start3A_44 = tpu.memref_squeeze %dma_start3A_43 : memref<1x80x128xf32, #tpu.memory_space<vmem>> -> memref<80x128xf32, #tpu.memory_space<vmem>>
    %dma_start3A_45 = arith.constant 80 : i32
    %dma_start3A_46 = tpu.memref_slice %arg7[%dma_start3A_45] : memref<10000xi32, #tpu.memory_space<vmem>> -> memref<80xi32, #tpu.memory_space<vmem>>
    %dma_start3A_47 = arith.constant 0 : i32
    %dma_start3A_48 = arith.constant 0 : i32
    %dma_start3A_49 = tpu.memref_slice %arg2[%dma_start3A_47, %dma_start3A_48] : memref<10240x128xf32, #tpu.memory_space<hbm>> -> memref<10240x128xf32, #tpu.memory_space<hbm>>
    tpu.enqueue_indirect_dma source(%dma_start3A_49 : memref<10240x128xf32, #tpu.memory_space<hbm>>) target(%dma_start3A_44 : memref<80x128xf32, #tpu.memory_space<vmem>>) offsets(%dma_start3A_46 : memref<80xi32, #tpu.memory_space<vmem>>) semaphore(%arg13 : memref<!tpu.dma_semaphore, #tpu.memory_space<semaphore_mem>>)
    "tpu.region"() ({
      %run_scoped3A = tpu.sem_alloc : memref<!tpu.dma_semaphore, #tpu.memory_space<semaphore_mem>>
      tpu.enqueue_dma source(%arg5 : memref<40x128xf32, #tpu.memory_space<hbm>>) target(%arg10 : memref<40x128xf32, #tpu.memory_space<vmem>>) target_semaphore(%run_scoped3A : memref<!tpu.dma_semaphore, #tpu.memory_space<semaphore_mem>>)
      tpu.wait_dma2 semaphore(%run_scoped3A : memref<!tpu.dma_semaphore, #tpu.memory_space<semaphore_mem>>) src(%arg5 : memref<40x128xf32, #tpu.memory_space<hbm>>) dst(%arg10 : memref<40x128xf32, #tpu.memory_space<vmem>>)
      tpu.yield
    }) : () -> ()
    %add3A_50 = arith.constant 0 : i32
    %add3A_51 = arith.addi %mul3A_2, %add3A_50 : i32
    %dma_start3A_52 = arith.constant 0 : i32
    %dma_start3A_53 = tpu.memref_slice %arg11[%add3A_51, %dma_start3A_52] : memref<10240x128xf32, #tpu.memory_space<vmem_shared>> -> memref<40x128xf32, #tpu.memory_space<vmem_shared>>
    %dma_start3A_54 = arith.constant 0 : i32
    %dma_start3A_55 = tpu.memref_slice %arg11[%add3A_51, %dma_start3A_54] : memref<10240x128xf32, #tpu.memory_space<vmem_shared>> -> memref<40x128xf32, #tpu.memory_space<vmem_shared>>
    tpu.enqueue_dma source(%arg10 : memref<40x128xf32, #tpu.memory_space<vmem>>) target(%dma_start3A_55 : memref<40x128xf32, #tpu.memory_space<vmem_shared>>) target_semaphore(%arg21 : memref<!tpu.dma_semaphore, #tpu.memory_space<semaphore_mem>>)
    %add3A_56 = arith.constant 40 : i32
    %add3A_57 = arith.addi %mul3A_2, %add3A_56 : i32
    %dma_start3A_58 = arith.constant 0 : i32
    %dma_start3A_59 = tpu.memref_slice %arg11[%add3A_57, %dma_start3A_58] : memref<10240x128xf32, #tpu.memory_space<vmem_shared>> -> memref<40x128xf32, #tpu.memory_space<vmem_shared>>
    %dma_start3A_60 = arith.constant 0 : i32
    %dma_start3A_61 = tpu.memref_slice %arg11[%add3A_57, %dma_start3A_60] : memref<10240x128xf32, #tpu.memory_space<vmem_shared>> -> memref<40x128xf32, #tpu.memory_space<vmem_shared>>
    tpu.enqueue_dma source(%arg10 : memref<40x128xf32, #tpu.memory_space<vmem>>) target(%dma_start3A_61 : memref<40x128xf32, #tpu.memory_space<vmem_shared>>) target_semaphore(%arg21 : memref<!tpu.dma_semaphore, #tpu.memory_space<semaphore_mem>>)
    %add3A_62 = arith.constant 80 : i32
    %add3A_63 = arith.addi %mul3A_2, %add3A_62 : i32
    %dma_start3A_64 = arith.constant 0 : i32
    %dma_start3A_65 = tpu.memref_slice %arg11[%add3A_63, %dma_start3A_64] : memref<10240x128xf32, #tpu.memory_space<vmem_shared>> -> memref<40x128xf32, #tpu.memory_space<vmem_shared>>
    %dma_start3A_66 = arith.constant 0 : i32
    %dma_start3A_67 = tpu.memref_slice %arg11[%add3A_63, %dma_start3A_66] : memref<10240x128xf32, #tpu.memory_space<vmem_shared>> -> memref<40x128xf32, #tpu.memory_space<vmem_shared>>
    tpu.enqueue_dma source(%arg10 : memref<40x128xf32, #tpu.memory_space<vmem>>) target(%dma_start3A_67 : memref<40x128xf32, #tpu.memory_space<vmem_shared>>) target_semaphore(%arg21 : memref<!tpu.dma_semaphore, #tpu.memory_space<semaphore_mem>>)
    %add3A_68 = arith.constant 120 : i32
    %add3A_69 = arith.addi %mul3A_2, %add3A_68 : i32
    %dma_start3A_70 = arith.constant 0 : i32
    %dma_start3A_71 = tpu.memref_slice %arg11[%add3A_69, %dma_start3A_70] : memref<10240x128xf32, #tpu.memory_space<vmem_shared>> -> memref<40x128xf32, #tpu.memory_space<vmem_shared>>
    %dma_start3A_72 = arith.constant 0 : i32
    %dma_start3A_73 = tpu.memref_slice %arg11[%add3A_69, %dma_start3A_72] : memref<10240x128xf32, #tpu.memory_space<vmem_shared>> -> memref<40x128xf32, #tpu.memory_space<vmem_shared>>
    tpu.enqueue_dma source(%arg10 : memref<40x128xf32, #tpu.memory_space<vmem>>) target(%dma_start3A_73 : memref<40x128xf32, #tpu.memory_space<vmem_shared>>) target_semaphore(%arg21 : memref<!tpu.dma_semaphore, #tpu.memory_space<semaphore_mem>>)
    %add3A_74 = arith.constant 160 : i32
    %add3A_75 = arith.addi %mul3A_2, %add3A_74 : i32
    %dma_start3A_76 = arith.constant 0 : i32
    %dma_start3A_77 = tpu.memref_slice %arg11[%add3A_75, %dma_start3A_76] : memref<10240x128xf32, #tpu.memory_space<vmem_shared>> -> memref<40x128xf32, #tpu.memory_space<vmem_shared>>
    %dma_start3A_78 = arith.constant 0 : i32
    %dma_start3A_79 = tpu.memref_slice %arg11[%add3A_75, %dma_start3A_78] : memref<10240x128xf32, #tpu.memory_space<vmem_shared>> -> memref<40x128xf32, #tpu.memory_space<vmem_shared>>
    tpu.enqueue_dma source(%arg10 : memref<40x128xf32, #tpu.memory_space<vmem>>) target(%dma_start3A_79 : memref<40x128xf32, #tpu.memory_space<vmem_shared>>) target_semaphore(%arg21 : memref<!tpu.dma_semaphore, #tpu.memory_space<semaphore_mem>>)
    %add3A_80 = arith.constant 200 : i32
    %add3A_81 = arith.addi %mul3A_2, %add3A_80 : i32
    %dma_start3A_82 = arith.constant 0 : i32
    %dma_start3A_83 = tpu.memref_slice %arg11[%add3A_81, %dma_start3A_82] : memref<10240x128xf32, #tpu.memory_space<vmem_shared>> -> memref<40x128xf32, #tpu.memory_space<vmem_shared>>
    %dma_start3A_84 = arith.constant 0 : i32
    %dma_start3A_85 = tpu.memref_slice %arg11[%add3A_81, %dma_start3A_84] : memref<10240x128xf32, #tpu.memory_space<vmem_shared>> -> memref<40x128xf32, #tpu.memory_space<vmem_shared>>
    tpu.enqueue_dma source(%arg10 : memref<40x128xf32, #tpu.memory_space<vmem>>) target(%dma_start3A_85 : memref<40x128xf32, #tpu.memory_space<vmem_shared>>) target_semaphore(%arg21 : memref<!tpu.dma_semaphore, #tpu.memory_space<semaphore_mem>>)
    %add3A_86 = arith.constant 240 : i32
    %add3A_87 = arith.addi %mul3A_2, %add3A_86 : i32
    %dma_start3A_88 = arith.constant 0 : i32
    %dma_start3A_89 = tpu.memref_slice %arg11[%add3A_87, %dma_start3A_88] : memref<10240x128xf32, #tpu.memory_space<vmem_shared>> -> memref<40x128xf32, #tpu.memory_space<vmem_shared>>
    %dma_start3A_90 = arith.constant 0 : i32
    %dma_start3A_91 = tpu.memref_slice %arg11[%add3A_87, %dma_start3A_90] : memref<10240x128xf32, #tpu.memory_space<vmem_shared>> -> memref<40x128xf32, #tpu.memory_space<vmem_shared>>
    tpu.enqueue_dma source(%arg10 : memref<40x128xf32, #tpu.memory_space<vmem>>) target(%dma_start3A_91 : memref<40x128xf32, #tpu.memory_space<vmem_shared>>) target_semaphore(%arg21 : memref<!tpu.dma_semaphore, #tpu.memory_space<semaphore_mem>>)
    %add3A_92 = arith.constant 280 : i32
    %add3A_93 = arith.addi %mul3A_2, %add3A_92 : i32
    %dma_start3A_94 = arith.constant 0 : i32
    %dma_start3A_95 = tpu.memref_slice %arg11[%add3A_93, %dma_start3A_94] : memref<10240x128xf32, #tpu.memory_space<vmem_shared>> -> memref<40x128xf32, #tpu.memory_space<vmem_shared>>
    %dma_start3A_96 = arith.constant 0 : i32
    %dma_start3A_97 = tpu.memref_slice %arg11[%add3A_93, %dma_start3A_96] : memref<10240x128xf32, #tpu.memory_space<vmem_shared>> -> memref<40x128xf32, #tpu.memory_space<vmem_shared>>
    tpu.enqueue_dma source(%arg10 : memref<40x128xf32, #tpu.memory_space<vmem>>) target(%dma_start3A_97 : memref<40x128xf32, #tpu.memory_space<vmem_shared>>) target_semaphore(%arg21 : memref<!tpu.dma_semaphore, #tpu.memory_space<semaphore_mem>>)
    %add3A_98 = arith.constant 320 : i32
    %add3A_99 = arith.addi %mul3A_2, %add3A_98 : i32
    %dma_start3A_100 = arith.constant 0 : i32
    %dma_start3A_101 = tpu.memref_slice %arg11[%add3A_99, %dma_start3A_100] : memref<10240x128xf32, #tpu.memory_space<vmem_shared>> -> memref<40x128xf32, #tpu.memory_space<vmem_shared>>
    %dma_start3A_102 = arith.constant 0 : i32
    %dma_start3A_103 = tpu.memref_slice %arg11[%add3A_99, %dma_start3A_102] : memref<10240x128xf32, #tpu.memory_space<vmem_shared>> -> memref<40x128xf32, #tpu.memory_space<vmem_shared>>
    tpu.enqueue_dma source(%arg10 : memref<40x128xf32, #tpu.memory_space<vmem>>) target(%dma_start3A_103 : memref<40x128xf32, #tpu.memory_space<vmem_shared>>) target_semaphore(%arg21 : memref<!tpu.dma_semaphore, #tpu.memory_space<semaphore_mem>>)
    %add3A_104 = arith.constant 360 : i32
    %add3A_105 = arith.addi %mul3A_2, %add3A_104 : i32
    %dma_start3A_106 = arith.constant 0 : i32
    %dma_start3A_107 = tpu.memref_slice %arg11[%add3A_105, %dma_start3A_106] : memref<10240x128xf32, #tpu.memory_space<vmem_shared>> -> memref<40x128xf32, #tpu.memory_space<vmem_shared>>
    %dma_start3A_108 = arith.constant 0 : i32
    %dma_start3A_109 = tpu.memref_slice %arg11[%add3A_105, %dma_start3A_108] : memref<10240x128xf32, #tpu.memory_space<vmem_shared>> -> memref<40x128xf32, #tpu.memory_space<vmem_shared>>
    tpu.enqueue_dma source(%arg10 : memref<40x128xf32, #tpu.memory_space<vmem>>) target(%dma_start3A_109 : memref<40x128xf32, #tpu.memory_space<vmem_shared>>) target_semaphore(%arg21 : memref<!tpu.dma_semaphore, #tpu.memory_space<semaphore_mem>>)
    %add3A_110 = arith.constant 400 : i32
    %add3A_111 = arith.addi %mul3A_2, %add3A_110 : i32
    %dma_start3A_112 = arith.constant 0 : i32
    %dma_start3A_113 = tpu.memref_slice %arg11[%add3A_111, %dma_start3A_112] : memref<10240x128xf32, #tpu.memory_space<vmem_shared>> -> memref<40x128xf32, #tpu.memory_space<vmem_shared>>
    %dma_start3A_114 = arith.constant 0 : i32
    %dma_start3A_115 = tpu.memref_slice %arg11[%add3A_111, %dma_start3A_114] : memref<10240x128xf32, #tpu.memory_space<vmem_shared>> -> memref<40x128xf32, #tpu.memory_space<vmem_shared>>
    tpu.enqueue_dma source(%arg10 : memref<40x128xf32, #tpu.memory_space<vmem>>) target(%dma_start3A_115 : memref<40x128xf32, #tpu.memory_space<vmem_shared>>) target_semaphore(%arg21 : memref<!tpu.dma_semaphore, #tpu.memory_space<semaphore_mem>>)
    %add3A_116 = arith.constant 440 : i32
    %add3A_117 = arith.addi %mul3A_2, %add3A_116 : i32
    %dma_start3A_118 = arith.constant 0 : i32
    %dma_start3A_119 = tpu.memref_slice %arg11[%add3A_117, %dma_start3A_118] : memref<10240x128xf32, #tpu.memory_space<vmem_shared>> -> memref<40x128xf32, #tpu.memory_space<vmem_shared>>
    %dma_start3A_120 = arith.constant 0 : i32
    %dma_start3A_121 = tpu.memref_slice %arg11[%add3A_117, %dma_start3A_120] : memref<10240x128xf32, #tpu.memory_space<vmem_shared>> -> memref<40x128xf32, #tpu.memory_space<vmem_shared>>
    tpu.enqueue_dma source(%arg10 : memref<40x128xf32, #tpu.memory_space<vmem>>) target(%dma_start3A_121 : memref<40x128xf32, #tpu.memory_space<vmem_shared>>) target_semaphore(%arg21 : memref<!tpu.dma_semaphore, #tpu.memory_space<semaphore_mem>>)
    %add3A_122 = arith.constant 480 : i32
    %add3A_123 = arith.addi %mul3A_2, %add3A_122 : i32
    %dma_start3A_124 = arith.constant 0 : i32
    %dma_start3A_125 = tpu.memref_slice %arg11[%add3A_123, %dma_start3A_124] : memref<10240x128xf32, #tpu.memory_space<vmem_shared>> -> memref<40x128xf32, #tpu.memory_space<vmem_shared>>
    %dma_start3A_126 = arith.constant 0 : i32
    %dma_start3A_127 = tpu.memref_slice %arg11[%add3A_123, %dma_start3A_126] : memref<10240x128xf32, #tpu.memory_space<vmem_shared>> -> memref<40x128xf32, #tpu.memory_space<vmem_shared>>
    tpu.enqueue_dma source(%arg10 : memref<40x128xf32, #tpu.memory_space<vmem>>) target(%dma_start3A_127 : memref<40x128xf32, #tpu.memory_space<vmem_shared>>) target_semaphore(%arg21 : memref<!tpu.dma_semaphore, #tpu.memory_space<semaphore_mem>>)
    %add3A_128 = arith.constant 520 : i32
    %add3A_129 = arith.addi %mul3A_2, %add3A_128 : i32
    %dma_start3A_130 = arith.constant 0 : i32
    %dma_start3A_131 = tpu.memref_slice %arg11[%add3A_129, %dma_start3A_130] : memref<10240x128xf32, #tpu.memory_space<vmem_shared>> -> memref<40x128xf32, #tpu.memory_space<vmem_shared>>
    %dma_start3A_132 = arith.constant 0 : i32
    %dma_start3A_133 = tpu.memref_slice %arg11[%add3A_129, %dma_start3A_132] : memref<10240x128xf32, #tpu.memory_space<vmem_shared>> -> memref<40x128xf32, #tpu.memory_space<vmem_shared>>
    tpu.enqueue_dma source(%arg10 : memref<40x128xf32, #tpu.memory_space<vmem>>) target(%dma_start3A_133 : memref<40x128xf32, #tpu.memory_space<vmem_shared>>) target_semaphore(%arg21 : memref<!tpu.dma_semaphore, #tpu.memory_space<semaphore_mem>>)
    %add3A_134 = arith.constant 560 : i32
    %add3A_135 = arith.addi %mul3A_2, %add3A_134 : i32
    %dma_start3A_136 = arith.constant 0 : i32
    %dma_start3A_137 = tpu.memref_slice %arg11[%add3A_135, %dma_start3A_136] : memref<10240x128xf32, #tpu.memory_space<vmem_shared>> -> memref<40x128xf32, #tpu.memory_space<vmem_shared>>
    %dma_start3A_138 = arith.constant 0 : i32
    %dma_start3A_139 = tpu.memref_slice %arg11[%add3A_135, %dma_start3A_138] : memref<10240x128xf32, #tpu.memory_space<vmem_shared>> -> memref<40x128xf32, #tpu.memory_space<vmem_shared>>
    tpu.enqueue_dma source(%arg10 : memref<40x128xf32, #tpu.memory_space<vmem>>) target(%dma_start3A_139 : memref<40x128xf32, #tpu.memory_space<vmem_shared>>) target_semaphore(%arg21 : memref<!tpu.dma_semaphore, #tpu.memory_space<semaphore_mem>>)
    %add3A_140 = arith.constant 600 : i32
    %add3A_141 = arith.addi %mul3A_2, %add3A_140 : i32
    %dma_start3A_142 = arith.constant 0 : i32
    %dma_start3A_143 = tpu.memref_slice %arg11[%add3A_141, %dma_start3A_142] : memref<10240x128xf32, #tpu.memory_space<vmem_shared>> -> memref<40x128xf32, #tpu.memory_space<vmem_shared>>
    %dma_start3A_144 = arith.constant 0 : i32
    %dma_start3A_145 = tpu.memref_slice %arg11[%add3A_141, %dma_start3A_144] : memref<10240x128xf32, #tpu.memory_space<vmem_shared>> -> memref<40x128xf32, #tpu.memory_space<vmem_shared>>
    tpu.enqueue_dma source(%arg10 : memref<40x128xf32, #tpu.memory_space<vmem>>) target(%dma_start3A_145 : memref<40x128xf32, #tpu.memory_space<vmem_shared>>) target_semaphore(%arg21 : memref<!tpu.dma_semaphore, #tpu.memory_space<semaphore_mem>>)
    %add3A_146 = arith.constant 0 : i32
    %add3A_147 = arith.addi %mul3A_2, %add3A_146 : i32
    %dma_wait3A = arith.constant 0 : i32
    %dma_wait3A_148 = tpu.memref_slice %arg11[%add3A_147, %dma_wait3A] : memref<10240x128xf32, #tpu.memory_space<vmem_shared>> -> memref<40x128xf32, #tpu.memory_space<vmem_shared>>
    %dma_wait3A_149 = arith.constant 0 : i32
    %dma_wait3A_150 = tpu.memref_slice %arg11[%add3A_147, %dma_wait3A_149] : memref<10240x128xf32, #tpu.memory_space<vmem_shared>> -> memref<40x128xf32, #tpu.memory_space<vmem_shared>>
    tpu.wait_dma2 semaphore(%arg21 : memref<!tpu.dma_semaphore, #tpu.memory_space<semaphore_mem>>) src(%arg10 : memref<40x128xf32, #tpu.memory_space<vmem>>) dst(%dma_wait3A_150 : memref<40x128xf32, #tpu.memory_space<vmem_shared>>)
    %add3A_151 = arith.constant 40 : i32
    %add3A_152 = arith.addi %mul3A_2, %add3A_151 : i32
    %dma_wait3A_153 = arith.constant 0 : i32
    %dma_wait3A_154 = tpu.memref_slice %arg11[%add3A_152, %dma_wait3A_153] : memref<10240x128xf32, #tpu.memory_space<vmem_shared>> -> memref<40x128xf32, #tpu.memory_space<vmem_shared>>
    %dma_wait3A_155 = arith.constant 0 : i32
    %dma_wait3A_156 = tpu.memref_slice %arg11[%add3A_152, %dma_wait3A_155] : memref<10240x128xf32, #tpu.memory_space<vmem_shared>> -> memref<40x128xf32, #tpu.memory_space<vmem_shared>>
    tpu.wait_dma2 semaphore(%arg21 : memref<!tpu.dma_semaphore, #tpu.memory_space<semaphore_mem>>) src(%arg10 : memref<40x128xf32, #tpu.memory_space<vmem>>) dst(%dma_wait3A_156 : memref<40x128xf32, #tpu.memory_space<vmem_shared>>)
    %add3A_157 = arith.constant 80 : i32
    %add3A_158 = arith.addi %mul3A_2, %add3A_157 : i32
    %dma_wait3A_159 = arith.constant 0 : i32
    %dma_wait3A_160 = tpu.memref_slice %arg11[%add3A_158, %dma_wait3A_159] : memref<10240x128xf32, #tpu.memory_space<vmem_shared>> -> memref<40x128xf32, #tpu.memory_space<vmem_shared>>
    %dma_wait3A_161 = arith.constant 0 : i32
    %dma_wait3A_162 = tpu.memref_slice %arg11[%add3A_158, %dma_wait3A_161] : memref<10240x128xf32, #tpu.memory_space<vmem_shared>> -> memref<40x128xf32, #tpu.memory_space<vmem_shared>>
    tpu.wait_dma2 semaphore(%arg21 : memref<!tpu.dma_semaphore, #tpu.memory_space<semaphore_mem>>) src(%arg10 : memref<40x128xf32, #tpu.memory_space<vmem>>) dst(%dma_wait3A_162 : memref<40x128xf32, #tpu.memory_space<vmem_shared>>)
    %add3A_163 = arith.constant 120 : i32
    %add3A_164 = arith.addi %mul3A_2, %add3A_163 : i32
    %dma_wait3A_165 = arith.constant 0 : i32
    %dma_wait3A_166 = tpu.memref_slice %arg11[%add3A_164, %dma_wait3A_165] : memref<10240x128xf32, #tpu.memory_space<vmem_shared>> -> memref<40x128xf32, #tpu.memory_space<vmem_shared>>
    %dma_wait3A_167 = arith.constant 0 : i32
    %dma_wait3A_168 = tpu.memref_slice %arg11[%add3A_164, %dma_wait3A_167] : memref<10240x128xf32, #tpu.memory_space<vmem_shared>> -> memref<40x128xf32, #tpu.memory_space<vmem_shared>>
    tpu.wait_dma2 semaphore(%arg21 : memref<!tpu.dma_semaphore, #tpu.memory_space<semaphore_mem>>) src(%arg10 : memref<40x128xf32, #tpu.memory_space<vmem>>) dst(%dma_wait3A_168 : memref<40x128xf32, #tpu.memory_space<vmem_shared>>)
    %add3A_169 = arith.constant 160 : i32
    %add3A_170 = arith.addi %mul3A_2, %add3A_169 : i32
    %dma_wait3A_171 = arith.constant 0 : i32
    %dma_wait3A_172 = tpu.memref_slice %arg11[%add3A_170, %dma_wait3A_171] : memref<10240x128xf32, #tpu.memory_space<vmem_shared>> -> memref<40x128xf32, #tpu.memory_space<vmem_shared>>
    %dma_wait3A_173 = arith.constant 0 : i32
    %dma_wait3A_174 = tpu.memref_slice %arg11[%add3A_170, %dma_wait3A_173] : memref<10240x128xf32, #tpu.memory_space<vmem_shared>> -> memref<40x128xf32, #tpu.memory_space<vmem_shared>>
    tpu.wait_dma2 semaphore(%arg21 : memref<!tpu.dma_semaphore, #tpu.memory_space<semaphore_mem>>) src(%arg10 : memref<40x128xf32, #tpu.memory_space<vmem>>) dst(%dma_wait3A_174 : memref<40x128xf32, #tpu.memory_space<vmem_shared>>)
    %add3A_175 = arith.constant 200 : i32
    %add3A_176 = arith.addi %mul3A_2, %add3A_175 : i32
    %dma_wait3A_177 = arith.constant 0 : i32
    %dma_wait3A_178 = tpu.memref_slice %arg11[%add3A_176, %dma_wait3A_177] : memref<10240x128xf32, #tpu.memory_space<vmem_shared>> -> memref<40x128xf32, #tpu.memory_space<vmem_shared>>
    %dma_wait3A_179 = arith.constant 0 : i32
    %dma_wait3A_180 = tpu.memref_slice %arg11[%add3A_176, %dma_wait3A_179] : memref<10240x128xf32, #tpu.memory_space<vmem_shared>> -> memref<40x128xf32, #tpu.memory_space<vmem_shared>>
    tpu.wait_dma2 semaphore(%arg21 : memref<!tpu.dma_semaphore, #tpu.memory_space<semaphore_mem>>) src(%arg10 : memref<40x128xf32, #tpu.memory_space<vmem>>) dst(%dma_wait3A_180 : memref<40x128xf32, #tpu.memory_space<vmem_shared>>)
    %add3A_181 = arith.constant 240 : i32
    %add3A_182 = arith.addi %mul3A_2, %add3A_181 : i32
    %dma_wait3A_183 = arith.constant 0 : i32
    %dma_wait3A_184 = tpu.memref_slice %arg11[%add3A_182, %dma_wait3A_183] : memref<10240x128xf32, #tpu.memory_space<vmem_shared>> -> memref<40x128xf32, #tpu.memory_space<vmem_shared>>
    %dma_wait3A_185 = arith.constant 0 : i32
    %dma_wait3A_186 = tpu.memref_slice %arg11[%add3A_182, %dma_wait3A_185] : memref<10240x128xf32, #tpu.memory_space<vmem_shared>> -> memref<40x128xf32, #tpu.memory_space<vmem_shared>>
    tpu.wait_dma2 semaphore(%arg21 : memref<!tpu.dma_semaphore, #tpu.memory_space<semaphore_mem>>) src(%arg10 : memref<40x128xf32, #tpu.memory_space<vmem>>) dst(%dma_wait3A_186 : memref<40x128xf32, #tpu.memory_space<vmem_shared>>)
    %add3A_187 = arith.constant 280 : i32
    %add3A_188 = arith.addi %mul3A_2, %add3A_187 : i32
    %dma_wait3A_189 = arith.constant 0 : i32
    %dma_wait3A_190 = tpu.memref_slice %arg11[%add3A_188, %dma_wait3A_189] : memref<10240x128xf32, #tpu.memory_space<vmem_shared>> -> memref<40x128xf32, #tpu.memory_space<vmem_shared>>
    %dma_wait3A_191 = arith.constant 0 : i32
    %dma_wait3A_192 = tpu.memref_slice %arg11[%add3A_188, %dma_wait3A_191] : memref<10240x128xf32, #tpu.memory_space<vmem_shared>> -> memref<40x128xf32, #tpu.memory_space<vmem_shared>>
    tpu.wait_dma2 semaphore(%arg21 : memref<!tpu.dma_semaphore, #tpu.memory_space<semaphore_mem>>) src(%arg10 : memref<40x128xf32, #tpu.memory_space<vmem>>) dst(%dma_wait3A_192 : memref<40x128xf32, #tpu.memory_space<vmem_shared>>)
    %add3A_193 = arith.constant 320 : i32
    %add3A_194 = arith.addi %mul3A_2, %add3A_193 : i32
    %dma_wait3A_195 = arith.constant 0 : i32
    %dma_wait3A_196 = tpu.memref_slice %arg11[%add3A_194, %dma_wait3A_195] : memref<10240x128xf32, #tpu.memory_space<vmem_shared>> -> memref<40x128xf32, #tpu.memory_space<vmem_shared>>
    %dma_wait3A_197 = arith.constant 0 : i32
    %dma_wait3A_198 = tpu.memref_slice %arg11[%add3A_194, %dma_wait3A_197] : memref<10240x128xf32, #tpu.memory_space<vmem_shared>> -> memref<40x128xf32, #tpu.memory_space<vmem_shared>>
    tpu.wait_dma2 semaphore(%arg21 : memref<!tpu.dma_semaphore, #tpu.memory_space<semaphore_mem>>) src(%arg10 : memref<40x128xf32, #tpu.memory_space<vmem>>) dst(%dma_wait3A_198 : memref<40x128xf32, #tpu.memory_space<vmem_shared>>)
    %add3A_199 = arith.constant 360 : i32
    %add3A_200 = arith.addi %mul3A_2, %add3A_199 : i32
    %dma_wait3A_201 = arith.constant 0 : i32
    %dma_wait3A_202 = tpu.memref_slice %arg11[%add3A_200, %dma_wait3A_201] : memref<10240x128xf32, #tpu.memory_space<vmem_shared>> -> memref<40x128xf32, #tpu.memory_space<vmem_shared>>
    %dma_wait3A_203 = arith.constant 0 : i32
    %dma_wait3A_204 = tpu.memref_slice %arg11[%add3A_200, %dma_wait3A_203] : memref<10240x128xf32, #tpu.memory_space<vmem_shared>> -> memref<40x128xf32, #tpu.memory_space<vmem_shared>>
    tpu.wait_dma2 semaphore(%arg21 : memref<!tpu.dma_semaphore, #tpu.memory_space<semaphore_mem>>) src(%arg10 : memref<40x128xf32, #tpu.memory_space<vmem>>) dst(%dma_wait3A_204 : memref<40x128xf32, #tpu.memory_space<vmem_shared>>)
    %add3A_205 = arith.constant 400 : i32
    %add3A_206 = arith.addi %mul3A_2, %add3A_205 : i32
    %dma_wait3A_207 = arith.constant 0 : i32
    %dma_wait3A_208 = tpu.memref_slice %arg11[%add3A_206, %dma_wait3A_207] : memref<10240x128xf32, #tpu.memory_space<vmem_shared>> -> memref<40x128xf32, #tpu.memory_space<vmem_shared>>
    %dma_wait3A_209 = arith.constant 0 : i32
    %dma_wait3A_210 = tpu.memref_slice %arg11[%add3A_206, %dma_wait3A_209] : memref<10240x128xf32, #tpu.memory_space<vmem_shared>> -> memref<40x128xf32, #tpu.memory_space<vmem_shared>>
    tpu.wait_dma2 semaphore(%arg21 : memref<!tpu.dma_semaphore, #tpu.memory_space<semaphore_mem>>) src(%arg10 : memref<40x128xf32, #tpu.memory_space<vmem>>) dst(%dma_wait3A_210 : memref<40x128xf32, #tpu.memory_space<vmem_shared>>)
    %add3A_211 = arith.constant 440 : i32
    %add3A_212 = arith.addi %mul3A_2, %add3A_211 : i32
    %dma_wait3A_213 = arith.constant 0 : i32
    %dma_wait3A_214 = tpu.memref_slice %arg11[%add3A_212, %dma_wait3A_213] : memref<10240x128xf32, #tpu.memory_space<vmem_shared>> -> memref<40x128xf32, #tpu.memory_space<vmem_shared>>
    %dma_wait3A_215 = arith.constant 0 : i32
    %dma_wait3A_216 = tpu.memref_slice %arg11[%add3A_212, %dma_wait3A_215] : memref<10240x128xf32, #tpu.memory_space<vmem_shared>> -> memref<40x128xf32, #tpu.memory_space<vmem_shared>>
    tpu.wait_dma2 semaphore(%arg21 : memref<!tpu.dma_semaphore, #tpu.memory_space<semaphore_mem>>) src(%arg10 : memref<40x128xf32, #tpu.memory_space<vmem>>) dst(%dma_wait3A_216 : memref<40x128xf32, #tpu.memory_space<vmem_shared>>)
    %add3A_217 = arith.constant 480 : i32
    %add3A_218 = arith.addi %mul3A_2, %add3A_217 : i32
    %dma_wait3A_219 = arith.constant 0 : i32
    %dma_wait3A_220 = tpu.memref_slice %arg11[%add3A_218, %dma_wait3A_219] : memref<10240x128xf32, #tpu.memory_space<vmem_shared>> -> memref<40x128xf32, #tpu.memory_space<vmem_shared>>
    %dma_wait3A_221 = arith.constant 0 : i32
    %dma_wait3A_222 = tpu.memref_slice %arg11[%add3A_218, %dma_wait3A_221] : memref<10240x128xf32, #tpu.memory_space<vmem_shared>> -> memref<40x128xf32, #tpu.memory_space<vmem_shared>>
    tpu.wait_dma2 semaphore(%arg21 : memref<!tpu.dma_semaphore, #tpu.memory_space<semaphore_mem>>) src(%arg10 : memref<40x128xf32, #tpu.memory_space<vmem>>) dst(%dma_wait3A_222 : memref<40x128xf32, #tpu.memory_space<vmem_shared>>)
    %add3A_223 = arith.constant 520 : i32
    %add3A_224 = arith.addi %mul3A_2, %add3A_223 : i32
    %dma_wait3A_225 = arith.constant 0 : i32
    %dma_wait3A_226 = tpu.memref_slice %arg11[%add3A_224, %dma_wait3A_225] : memref<10240x128xf32, #tpu.memory_space<vmem_shared>> -> memref<40x128xf32, #tpu.memory_space<vmem_shared>>
    %dma_wait3A_227 = arith.constant 0 : i32
    %dma_wait3A_228 = tpu.memref_slice %arg11[%add3A_224, %dma_wait3A_227] : memref<10240x128xf32, #tpu.memory_space<vmem_shared>> -> memref<40x128xf32, #tpu.memory_space<vmem_shared>>
    tpu.wait_dma2 semaphore(%arg21 : memref<!tpu.dma_semaphore, #tpu.memory_space<semaphore_mem>>) src(%arg10 : memref<40x128xf32, #tpu.memory_space<vmem>>) dst(%dma_wait3A_228 : memref<40x128xf32, #tpu.memory_space<vmem_shared>>)
    %add3A_229 = arith.constant 560 : i32
    %add3A_230 = arith.addi %mul3A_2, %add3A_229 : i32
    %dma_wait3A_231 = arith.constant 0 : i32
    %dma_wait3A_232 = tpu.memref_slice %arg11[%add3A_230, %dma_wait3A_231] : memref<10240x128xf32, #tpu.memory_space<vmem_shared>> -> memref<40x128xf32, #tpu.memory_space<vmem_shared>>
    %dma_wait3A_233 = arith.constant 0 : i32
    %dma_wait3A_234 = tpu.memref_slice %arg11[%add3A_230, %dma_wait3A_233] : memref<10240x128xf32, #tpu.memory_space<vmem_shared>> -> memref<40x128xf32, #tpu.memory_space<vmem_shared>>
    tpu.wait_dma2 semaphore(%arg21 : memref<!tpu.dma_semaphore, #tpu.memory_space<semaphore_mem>>) src(%arg10 : memref<40x128xf32, #tpu.memory_space<vmem>>) dst(%dma_wait3A_234 : memref<40x128xf32, #tpu.memory_space<vmem_shared>>)
    %add3A_235 = arith.constant 600 : i32
    %add3A_236 = arith.addi %mul3A_2, %add3A_235 : i32
    %dma_wait3A_237 = arith.constant 0 : i32
    %dma_wait3A_238 = tpu.memref_slice %arg11[%add3A_236, %dma_wait3A_237] : memref<10240x128xf32, #tpu.memory_space<vmem_shared>> -> memref<40x128xf32, #tpu.memory_space<vmem_shared>>
    %dma_wait3A_239 = arith.constant 0 : i32
    %dma_wait3A_240 = tpu.memref_slice %arg11[%add3A_236, %dma_wait3A_239] : memref<10240x128xf32, #tpu.memory_space<vmem_shared>> -> memref<40x128xf32, #tpu.memory_space<vmem_shared>>
    tpu.wait_dma2 semaphore(%arg21 : memref<!tpu.dma_semaphore, #tpu.memory_space<semaphore_mem>>) src(%arg10 : memref<40x128xf32, #tpu.memory_space<vmem>>) dst(%dma_wait3A_240 : memref<40x128xf32, #tpu.memory_space<vmem_shared>>)
    %barrier3A = arith.constant 0 : index
    tpu.barrier barrier_id(%barrier3A)
    %scan3A = arith.constant 0 : i32
    %scan3A_241 = arith.constant 0 : i32
    %scan3A_242 = arith.constant 41 : i32
    %scan3A_243 = arith.addi %scan3A_241, %scan3A_242 : i32
    %scan3A_244 = arith.constant 1 : i32
    scf.for %scan3A_358 = %scan3A_241 to %scan3A_243 step %scan3A_244  : i32 {
      %mul3A_359 = arith.constant 3 : i32
      %mul3A_360 = arith.muli %mul3A_359, %scan3A_358 : i32
      %add3A_361 = arith.constant 0 : i32
      %add3A_362 = arith.addi %mul3A_360, %add3A_361 : i32
      %ge3A = arith.constant 1 : i32
      %ge3A_363 = arith.cmpi sge, %add3A_362, %ge3A : i32
      %convert_element_type3A = arith.extui %ge3A_363 : i1 to i32
      %cond3A = arith.constant 0 : i32
      %cond3A_364 = arith.cmpi ne, %convert_element_type3A, %cond3A : i32
      scf.if %cond3A_364 {
        %dma_wait3A_563 = arith.constant 2 : i32
        %dma_wait3A_564 = arith.constant 2 : i32
        %dma_wait3A_565 = arith.constant 0 : i32
        %dma_wait3A_566 = arith.constant 0 : i32
        %dma_wait3A_567 = tpu.memref_slice %arg9[%dma_wait3A_563, %dma_wait3A_565, %dma_wait3A_566] : memref<3x80x128xf32, #tpu.memory_space<vmem>> -> memref<1x80x128xf32, #tpu.memory_space<vmem>>
        %dma_wait3A_568 = tpu.memref_squeeze %dma_wait3A_567 : memref<1x80x128xf32, #tpu.memory_space<vmem>> -> memref<80x128xf32, #tpu.memory_space<vmem>>
        %dma_wait3A_569 = arith.constant 0 : i32
        %dma_wait3A_570 = tpu.memref_slice %arg8[%dma_wait3A_564, %dma_wait3A_569] : memref<3x80xi32, #tpu.memory_space<vmem>> -> memref<1x80xi32, #tpu.memory_space<vmem>>
        %dma_wait3A_571 = tpu.memref_squeeze %dma_wait3A_570 : memref<1x80xi32, #tpu.memory_space<vmem>> -> memref<80xi32, #tpu.memory_space<vmem>>
        %dma_wait3A_572 = arith.constant 0 : i32
        %dma_wait3A_573 = arith.constant 0 : i32
        %dma_wait3A_574 = tpu.memref_slice %arg11[%dma_wait3A_572, %dma_wait3A_573] : memref<10240x128xf32, #tpu.memory_space<vmem_shared>> -> memref<10240x128xf32, #tpu.memory_space<vmem_shared>>
        tpu.wait_indirect_dma semaphore(%arg20 : memref<!tpu.dma_semaphore, #tpu.memory_space<semaphore_mem>>) src(%dma_wait3A_568 : memref<80x128xf32, #tpu.memory_space<vmem>>) dst(%dma_wait3A_574 : memref<10240x128xf32, #tpu.memory_space<vmem_shared>>)
      } else {
      }
      %add3A_365 = arith.constant 2 : i32
      %add3A_366 = arith.addi %add3A_362, %add3A_365 : i32
      %dma_start3A_367 = arith.constant 2 : i32
      %dma_start3A_368 = arith.constant 0 : i32
      %dma_start3A_369 = tpu.memref_slice %arg8[%dma_start3A_367, %dma_start3A_368] : memref<3x80xi32, #tpu.memory_space<vmem>> -> memref<1x80xi32, #tpu.memory_space<vmem>>
      %dma_start3A_370 = arith.constant 0 : i32
      %dma_start3A_371 = tpu.memref_slice %arg4[%add3A, %add3A_366, %dma_start3A_370] : memref<32x125x80xi32, #tpu.memory_space<hbm>> -> memref<1x1x80xi32, #tpu.memory_space<hbm>>
      %dma_start3A_372 = tpu.memref_squeeze %dma_start3A_371 : memref<1x1x80xi32, #tpu.memory_space<hbm>> -> memref<1x80xi32, #tpu.memory_space<hbm>>
      %dma_start3A_373 = arith.constant 2 : i32
      %dma_start3A_374 = arith.constant 0 : i32
      %dma_start3A_375 = tpu.memref_slice %arg8[%dma_start3A_373, %dma_start3A_374] : memref<3x80xi32, #tpu.memory_space<vmem>> -> memref<1x80xi32, #tpu.memory_space<vmem>>
      %dma_start3A_376 = arith.constant 0 : i32
      %dma_start3A_377 = tpu.memref_slice %arg4[%add3A, %add3A_366, %dma_start3A_376] : memref<32x125x80xi32, #tpu.memory_space<hbm>> -> memref<1x1x80xi32, #tpu.memory_space<hbm>>
      %dma_start3A_378 = tpu.memref_squeeze %dma_start3A_377 : memref<1x1x80xi32, #tpu.memory_space<hbm>> -> memref<1x80xi32, #tpu.memory_space<hbm>>
      tpu.enqueue_dma source(%dma_start3A_378 : memref<1x80xi32, #tpu.memory_space<hbm>>) target(%dma_start3A_375 : memref<1x80xi32, #tpu.memory_space<vmem>>) target_semaphore(%arg17 : memref<!tpu.dma_semaphore, #tpu.memory_space<semaphore_mem>>)
      %mul3A_379 = arith.constant 80 : i32
      %mul3A_380 = arith.muli %add3A_366, %mul3A_379 : i32
      %dma_start3A_381 = arith.constant 2 : i32
      %dma_start3A_382 = arith.constant 0 : i32
      %dma_start3A_383 = arith.constant 0 : i32
      %dma_start3A_384 = tpu.memref_slice %arg9[%dma_start3A_381, %dma_start3A_382, %dma_start3A_383] : memref<3x80x128xf32, #tpu.memory_space<vmem>> -> memref<1x80x128xf32, #tpu.memory_space<vmem>>
      %dma_start3A_385 = tpu.memref_squeeze %dma_start3A_384 : memref<1x80x128xf32, #tpu.memory_space<vmem>> -> memref<80x128xf32, #tpu.memory_space<vmem>>
      %dma_start3A_386 = tpu.memref_slice %arg7[%mul3A_380] : memref<10000xi32, #tpu.memory_space<vmem>> -> memref<80xi32, #tpu.memory_space<vmem>>
      %dma_start3A_387 = arith.constant 0 : i32
      %dma_start3A_388 = arith.constant 0 : i32
      %dma_start3A_389 = tpu.memref_slice %arg2[%dma_start3A_387, %dma_start3A_388] : memref<10240x128xf32, #tpu.memory_space<hbm>> -> memref<10240x128xf32, #tpu.memory_space<hbm>>
      tpu.enqueue_indirect_dma source(%dma_start3A_389 : memref<10240x128xf32, #tpu.memory_space<hbm>>) target(%dma_start3A_385 : memref<80x128xf32, #tpu.memory_space<vmem>>) offsets(%dma_start3A_386 : memref<80xi32, #tpu.memory_space<vmem>>) semaphore(%arg14 : memref<!tpu.dma_semaphore, #tpu.memory_space<semaphore_mem>>)
      %dma_wait3A_390 = arith.constant 0 : i32
      %dma_wait3A_391 = arith.constant 0 : i32
      %dma_wait3A_392 = tpu.memref_slice %arg8[%dma_wait3A_390, %dma_wait3A_391] : memref<3x80xi32, #tpu.memory_space<vmem>> -> memref<1x80xi32, #tpu.memory_space<vmem>>
      %dma_wait3A_393 = arith.constant 0 : i32
      %dma_wait3A_394 = tpu.memref_slice %arg4[%add3A, %add3A_362, %dma_wait3A_393] : memref<32x125x80xi32, #tpu.memory_space<hbm>> -> memref<1x1x80xi32, #tpu.memory_space<hbm>>
      %dma_wait3A_395 = tpu.memref_squeeze %dma_wait3A_394 : memref<1x1x80xi32, #tpu.memory_space<hbm>> -> memref<1x80xi32, #tpu.memory_space<hbm>>
      %dma_wait3A_396 = arith.constant 0 : i32
      %dma_wait3A_397 = arith.constant 0 : i32
      %dma_wait3A_398 = tpu.memref_slice %arg8[%dma_wait3A_396, %dma_wait3A_397] : memref<3x80xi32, #tpu.memory_space<vmem>> -> memref<1x80xi32, #tpu.memory_space<vmem>>
      %dma_wait3A_399 = arith.constant 0 : i32
      %dma_wait3A_400 = tpu.memref_slice %arg4[%add3A, %add3A_362, %dma_wait3A_399] : memref<32x125x80xi32, #tpu.memory_space<hbm>> -> memref<1x1x80xi32, #tpu.memory_space<hbm>>
      %dma_wait3A_401 = tpu.memref_squeeze %dma_wait3A_400 : memref<1x1x80xi32, #tpu.memory_space<hbm>> -> memref<1x80xi32, #tpu.memory_space<hbm>>
      tpu.wait_dma2 semaphore(%arg15 : memref<!tpu.dma_semaphore, #tpu.memory_space<semaphore_mem>>) src(%dma_wait3A_401 : memref<1x80xi32, #tpu.memory_space<hbm>>) dst(%dma_wait3A_398 : memref<1x80xi32, #tpu.memory_space<vmem>>)
      %mul3A_402 = arith.constant 80 : i32
      %mul3A_403 = arith.muli %add3A_362, %mul3A_402 : i32
      %dma_wait3A_404 = arith.constant 0 : i32
      %dma_wait3A_405 = arith.constant 0 : i32
      %dma_wait3A_406 = arith.constant 0 : i32
      %dma_wait3A_407 = tpu.memref_slice %arg9[%dma_wait3A_404, %dma_wait3A_405, %dma_wait3A_406] : memref<3x80x128xf32, #tpu.memory_space<vmem>> -> memref<1x80x128xf32, #tpu.memory_space<vmem>>
      %dma_wait3A_408 = tpu.memref_squeeze %dma_wait3A_407 : memref<1x80x128xf32, #tpu.memory_space<vmem>> -> memref<80x128xf32, #tpu.memory_space<vmem>>
      %dma_wait3A_409 = tpu.memref_slice %arg7[%mul3A_403] : memref<10000xi32, #tpu.memory_space<vmem>> -> memref<80xi32, #tpu.memory_space<vmem>>
      %dma_wait3A_410 = arith.constant 0 : i32
      %dma_wait3A_411 = arith.constant 0 : i32
      %dma_wait3A_412 = tpu.memref_slice %arg2[%dma_wait3A_410, %dma_wait3A_411] : memref<10240x128xf32, #tpu.memory_space<hbm>> -> memref<10240x128xf32, #tpu.memory_space<hbm>>
      tpu.wait_indirect_dma semaphore(%arg12 : memref<!tpu.dma_semaphore, #tpu.memory_space<semaphore_mem>>) src(%dma_wait3A_412 : memref<10240x128xf32, #tpu.memory_space<hbm>>) dst(%dma_wait3A_408 : memref<80x128xf32, #tpu.memory_space<vmem>>)
      %dma_start3A_413 = arith.constant 0 : i32
      %dma_start3A_414 = arith.constant 0 : i32
      %dma_start3A_415 = arith.constant 0 : i32
      %dma_start3A_416 = arith.constant 0 : i32
      %dma_start3A_417 = tpu.memref_slice %arg9[%dma_start3A_413, %dma_start3A_415, %dma_start3A_416] : memref<3x80x128xf32, #tpu.memory_space<vmem>> -> memref<1x80x128xf32, #tpu.memory_space<vmem>>
      %dma_start3A_418 = tpu.memref_squeeze %dma_start3A_417 : memref<1x80x128xf32, #tpu.memory_space<vmem>> -> memref<80x128xf32, #tpu.memory_space<vmem>>
      %dma_start3A_419 = arith.constant 0 : i32
      %dma_start3A_420 = tpu.memref_slice %arg8[%dma_start3A_414, %dma_start3A_419] : memref<3x80xi32, #tpu.memory_space<vmem>> -> memref<1x80xi32, #tpu.memory_space<vmem>>
      %dma_start3A_421 = tpu.memref_squeeze %dma_start3A_420 : memref<1x80xi32, #tpu.memory_space<vmem>> -> memref<80xi32, #tpu.memory_space<vmem>>
      %dma_start3A_422 = arith.constant 0 : i32
      %dma_start3A_423 = arith.constant 0 : i32
      %dma_start3A_424 = tpu.memref_slice %arg11[%dma_start3A_422, %dma_start3A_423] : memref<10240x128xf32, #tpu.memory_space<vmem_shared>> -> memref<10240x128xf32, #tpu.memory_space<vmem_shared>>
      tpu.enqueue_indirect_dma source(%dma_start3A_418 : memref<80x128xf32, #tpu.memory_space<vmem>>) target(%dma_start3A_424 : memref<10240x128xf32, #tpu.memory_space<vmem_shared>>) offsets(%dma_start3A_421 : memref<80xi32, #tpu.memory_space<vmem>>) semaphore(%arg18 : memref<!tpu.dma_semaphore, #tpu.memory_space<semaphore_mem>>) {add = true}
      %mul3A_425 = arith.constant 3 : i32
      %mul3A_426 = arith.muli %mul3A_425, %scan3A_358 : i32
      %add3A_427 = arith.constant 1 : i32
      %add3A_428 = arith.addi %mul3A_426, %add3A_427 : i32
      %ge3A_429 = arith.constant 1 : i32
      %ge3A_430 = arith.cmpi sge, %add3A_428, %ge3A_429 : i32
      %convert_element_type3A_431 = arith.extui %ge3A_430 : i1 to i32
      %cond3A_432 = arith.constant 0 : i32
      %cond3A_433 = arith.cmpi ne, %convert_element_type3A_431, %cond3A_432 : i32
      scf.if %cond3A_433 {
        %dma_wait3A_563 = arith.constant 0 : i32
        %dma_wait3A_564 = arith.constant 0 : i32
        %dma_wait3A_565 = arith.constant 0 : i32
        %dma_wait3A_566 = arith.constant 0 : i32
        %dma_wait3A_567 = tpu.memref_slice %arg9[%dma_wait3A_563, %dma_wait3A_565, %dma_wait3A_566] : memref<3x80x128xf32, #tpu.memory_space<vmem>> -> memref<1x80x128xf32, #tpu.memory_space<vmem>>
        %dma_wait3A_568 = tpu.memref_squeeze %dma_wait3A_567 : memref<1x80x128xf32, #tpu.memory_space<vmem>> -> memref<80x128xf32, #tpu.memory_space<vmem>>
        %dma_wait3A_569 = arith.constant 0 : i32
        %dma_wait3A_570 = tpu.memref_slice %arg8[%dma_wait3A_564, %dma_wait3A_569] : memref<3x80xi32, #tpu.memory_space<vmem>> -> memref<1x80xi32, #tpu.memory_space<vmem>>
        %dma_wait3A_571 = tpu.memref_squeeze %dma_wait3A_570 : memref<1x80xi32, #tpu.memory_space<vmem>> -> memref<80xi32, #tpu.memory_space<vmem>>
        %dma_wait3A_572 = arith.constant 0 : i32
        %dma_wait3A_573 = arith.constant 0 : i32
        %dma_wait3A_574 = tpu.memref_slice %arg11[%dma_wait3A_572, %dma_wait3A_573] : memref<10240x128xf32, #tpu.memory_space<vmem_shared>> -> memref<10240x128xf32, #tpu.memory_space<vmem_shared>>
        tpu.wait_indirect_dma semaphore(%arg18 : memref<!tpu.dma_semaphore, #tpu.memory_space<semaphore_mem>>) src(%dma_wait3A_568 : memref<80x128xf32, #tpu.memory_space<vmem>>) dst(%dma_wait3A_574 : memref<10240x128xf32, #tpu.memory_space<vmem_shared>>)
      } else {
      }
      %add3A_434 = arith.constant 2 : i32
      %add3A_435 = arith.addi %add3A_428, %add3A_434 : i32
      %dma_start3A_436 = arith.constant 0 : i32
      %dma_start3A_437 = arith.constant 0 : i32
      %dma_start3A_438 = tpu.memref_slice %arg8[%dma_start3A_436, %dma_start3A_437] : memref<3x80xi32, #tpu.memory_space<vmem>> -> memref<1x80xi32, #tpu.memory_space<vmem>>
      %dma_start3A_439 = arith.constant 0 : i32
      %dma_start3A_440 = tpu.memref_slice %arg4[%add3A, %add3A_435, %dma_start3A_439] : memref<32x125x80xi32, #tpu.memory_space<hbm>> -> memref<1x1x80xi32, #tpu.memory_space<hbm>>
      %dma_start3A_441 = tpu.memref_squeeze %dma_start3A_440 : memref<1x1x80xi32, #tpu.memory_space<hbm>> -> memref<1x80xi32, #tpu.memory_space<hbm>>
      %dma_start3A_442 = arith.constant 0 : i32
      %dma_start3A_443 = arith.constant 0 : i32
      %dma_start3A_444 = tpu.memref_slice %arg8[%dma_start3A_442, %dma_start3A_443] : memref<3x80xi32, #tpu.memory_space<vmem>> -> memref<1x80xi32, #tpu.memory_space<vmem>>
      %dma_start3A_445 = arith.constant 0 : i32
      %dma_start3A_446 = tpu.memref_slice %arg4[%add3A, %add3A_435, %dma_start3A_445] : memref<32x125x80xi32, #tpu.memory_space<hbm>> -> memref<1x1x80xi32, #tpu.memory_space<hbm>>
      %dma_start3A_447 = tpu.memref_squeeze %dma_start3A_446 : memref<1x1x80xi32, #tpu.memory_space<hbm>> -> memref<1x80xi32, #tpu.memory_space<hbm>>
      tpu.enqueue_dma source(%dma_start3A_447 : memref<1x80xi32, #tpu.memory_space<hbm>>) target(%dma_start3A_444 : memref<1x80xi32, #tpu.memory_space<vmem>>) target_semaphore(%arg15 : memref<!tpu.dma_semaphore, #tpu.memory_space<semaphore_mem>>)
      %mul3A_448 = arith.constant 80 : i32
      %mul3A_449 = arith.muli %add3A_435, %mul3A_448 : i32
      %dma_start3A_450 = arith.constant 0 : i32
      %dma_start3A_451 = arith.constant 0 : i32
      %dma_start3A_452 = arith.constant 0 : i32
      %dma_start3A_453 = tpu.memref_slice %arg9[%dma_start3A_450, %dma_start3A_451, %dma_start3A_452] : memref<3x80x128xf32, #tpu.memory_space<vmem>> -> memref<1x80x128xf32, #tpu.memory_space<vmem>>
      %dma_start3A_454 = tpu.memref_squeeze %dma_start3A_453 : memref<1x80x128xf32, #tpu.memory_space<vmem>> -> memref<80x128xf32, #tpu.memory_space<vmem>>
      %dma_start3A_455 = tpu.memref_slice %arg7[%mul3A_449] : memref<10000xi32, #tpu.memory_space<vmem>> -> memref<80xi32, #tpu.memory_space<vmem>>
      %dma_start3A_456 = arith.constant 0 : i32
      %dma_start3A_457 = arith.constant 0 : i32
      %dma_start3A_458 = tpu.memref_slice %arg2[%dma_start3A_456, %dma_start3A_457] : memref<10240x128xf32, #tpu.memory_space<hbm>> -> memref<10240x128xf32, #tpu.memory_space<hbm>>
      tpu.enqueue_indirect_dma source(%dma_start3A_458 : memref<10240x128xf32, #tpu.memory_space<hbm>>) target(%dma_start3A_454 : memref<80x128xf32, #tpu.memory_space<vmem>>) offsets(%dma_start3A_455 : memref<80xi32, #tpu.memory_space<vmem>>) semaphore(%arg12 : memref<!tpu.dma_semaphore, #tpu.memory_space<semaphore_mem>>)
      %dma_wait3A_459 = arith.constant 1 : i32
      %dma_wait3A_460 = arith.constant 0 : i32
      %dma_wait3A_461 = tpu.memref_slice %arg8[%dma_wait3A_459, %dma_wait3A_460] : memref<3x80xi32, #tpu.memory_space<vmem>> -> memref<1x80xi32, #tpu.memory_space<vmem>>
      %dma_wait3A_462 = arith.constant 0 : i32
      %dma_wait3A_463 = tpu.memref_slice %arg4[%add3A, %add3A_428, %dma_wait3A_462] : memref<32x125x80xi32, #tpu.memory_space<hbm>> -> memref<1x1x80xi32, #tpu.memory_space<hbm>>
      %dma_wait3A_464 = tpu.memref_squeeze %dma_wait3A_463 : memref<1x1x80xi32, #tpu.memory_space<hbm>> -> memref<1x80xi32, #tpu.memory_space<hbm>>
      %dma_wait3A_465 = arith.constant 1 : i32
      %dma_wait3A_466 = arith.constant 0 : i32
      %dma_wait3A_467 = tpu.memref_slice %arg8[%dma_wait3A_465, %dma_wait3A_466] : memref<3x80xi32, #tpu.memory_space<vmem>> -> memref<1x80xi32, #tpu.memory_space<vmem>>
      %dma_wait3A_468 = arith.constant 0 : i32
      %dma_wait3A_469 = tpu.memref_slice %arg4[%add3A, %add3A_428, %dma_wait3A_468] : memref<32x125x80xi32, #tpu.memory_space<hbm>> -> memref<1x1x80xi32, #tpu.memory_space<hbm>>
      %dma_wait3A_470 = tpu.memref_squeeze %dma_wait3A_469 : memref<1x1x80xi32, #tpu.memory_space<hbm>> -> memref<1x80xi32, #tpu.memory_space<hbm>>
      tpu.wait_dma2 semaphore(%arg16 : memref<!tpu.dma_semaphore, #tpu.memory_space<semaphore_mem>>) src(%dma_wait3A_470 : memref<1x80xi32, #tpu.memory_space<hbm>>) dst(%dma_wait3A_467 : memref<1x80xi32, #tpu.memory_space<vmem>>)
      %mul3A_471 = arith.constant 80 : i32
      %mul3A_472 = arith.muli %add3A_428, %mul3A_471 : i32
      %dma_wait3A_473 = arith.constant 1 : i32
      %dma_wait3A_474 = arith.constant 0 : i32
      %dma_wait3A_475 = arith.constant 0 : i32
      %dma_wait3A_476 = tpu.memref_slice %arg9[%dma_wait3A_473, %dma_wait3A_474, %dma_wait3A_475] : memref<3x80x128xf32, #tpu.memory_space<vmem>> -> memref<1x80x128xf32, #tpu.memory_space<vmem>>
      %dma_wait3A_477 = tpu.memref_squeeze %dma_wait3A_476 : memref<1x80x128xf32, #tpu.memory_space<vmem>> -> memref<80x128xf32, #tpu.memory_space<vmem>>
      %dma_wait3A_478 = tpu.memref_slice %arg7[%mul3A_472] : memref<10000xi32, #tpu.memory_space<vmem>> -> memref<80xi32, #tpu.memory_space<vmem>>
      %dma_wait3A_479 = arith.constant 0 : i32
      %dma_wait3A_480 = arith.constant 0 : i32
      %dma_wait3A_481 = tpu.memref_slice %arg2[%dma_wait3A_479, %dma_wait3A_480] : memref<10240x128xf32, #tpu.memory_space<hbm>> -> memref<10240x128xf32, #tpu.memory_space<hbm>>
      tpu.wait_indirect_dma semaphore(%arg13 : memref<!tpu.dma_semaphore, #tpu.memory_space<semaphore_mem>>) src(%dma_wait3A_481 : memref<10240x128xf32, #tpu.memory_space<hbm>>) dst(%dma_wait3A_477 : memref<80x128xf32, #tpu.memory_space<vmem>>)
      %dma_start3A_482 = arith.constant 1 : i32
      %dma_start3A_483 = arith.constant 1 : i32
      %dma_start3A_484 = arith.constant 0 : i32
      %dma_start3A_485 = arith.constant 0 : i32
      %dma_start3A_486 = tpu.memref_slice %arg9[%dma_start3A_482, %dma_start3A_484, %dma_start3A_485] : memref<3x80x128xf32, #tpu.memory_space<vmem>> -> memref<1x80x128xf32, #tpu.memory_space<vmem>>
      %dma_start3A_487 = tpu.memref_squeeze %dma_start3A_486 : memref<1x80x128xf32, #tpu.memory_space<vmem>> -> memref<80x128xf32, #tpu.memory_space<vmem>>
      %dma_start3A_488 = arith.constant 0 : i32
      %dma_start3A_489 = tpu.memref_slice %arg8[%dma_start3A_483, %dma_start3A_488] : memref<3x80xi32, #tpu.memory_space<vmem>> -> memref<1x80xi32, #tpu.memory_space<vmem>>
      %dma_start3A_490 = tpu.memref_squeeze %dma_start3A_489 : memref<1x80xi32, #tpu.memory_space<vmem>> -> memref<80xi32, #tpu.memory_space<vmem>>
      %dma_start3A_491 = arith.constant 0 : i32
      %dma_start3A_492 = arith.constant 0 : i32
      %dma_start3A_493 = tpu.memref_slice %arg11[%dma_start3A_491, %dma_start3A_492] : memref<10240x128xf32, #tpu.memory_space<vmem_shared>> -> memref<10240x128xf32, #tpu.memory_space<vmem_shared>>
      tpu.enqueue_indirect_dma source(%dma_start3A_487 : memref<80x128xf32, #tpu.memory_space<vmem>>) target(%dma_start3A_493 : memref<10240x128xf32, #tpu.memory_space<vmem_shared>>) offsets(%dma_start3A_490 : memref<80xi32, #tpu.memory_space<vmem>>) semaphore(%arg19 : memref<!tpu.dma_semaphore, #tpu.memory_space<semaphore_mem>>) {add = true}
      %mul3A_494 = arith.constant 3 : i32
      %mul3A_495 = arith.muli %mul3A_494, %scan3A_358 : i32
      %add3A_496 = arith.constant 2 : i32
      %add3A_497 = arith.addi %mul3A_495, %add3A_496 : i32
      %ge3A_498 = arith.constant 1 : i32
      %ge3A_499 = arith.cmpi sge, %add3A_497, %ge3A_498 : i32
      %convert_element_type3A_500 = arith.extui %ge3A_499 : i1 to i32
      %cond3A_501 = arith.constant 0 : i32
      %cond3A_502 = arith.cmpi ne, %convert_element_type3A_500, %cond3A_501 : i32
      scf.if %cond3A_502 {
        %dma_wait3A_563 = arith.constant 1 : i32
        %dma_wait3A_564 = arith.constant 1 : i32
        %dma_wait3A_565 = arith.constant 0 : i32
        %dma_wait3A_566 = arith.constant 0 : i32
        %dma_wait3A_567 = tpu.memref_slice %arg9[%dma_wait3A_563, %dma_wait3A_565, %dma_wait3A_566] : memref<3x80x128xf32, #tpu.memory_space<vmem>> -> memref<1x80x128xf32, #tpu.memory_space<vmem>>
        %dma_wait3A_568 = tpu.memref_squeeze %dma_wait3A_567 : memref<1x80x128xf32, #tpu.memory_space<vmem>> -> memref<80x128xf32, #tpu.memory_space<vmem>>
        %dma_wait3A_569 = arith.constant 0 : i32
        %dma_wait3A_570 = tpu.memref_slice %arg8[%dma_wait3A_564, %dma_wait3A_569] : memref<3x80xi32, #tpu.memory_space<vmem>> -> memref<1x80xi32, #tpu.memory_space<vmem>>
        %dma_wait3A_571 = tpu.memref_squeeze %dma_wait3A_570 : memref<1x80xi32, #tpu.memory_space<vmem>> -> memref<80xi32, #tpu.memory_space<vmem>>
        %dma_wait3A_572 = arith.constant 0 : i32
        %dma_wait3A_573 = arith.constant 0 : i32
        %dma_wait3A_574 = tpu.memref_slice %arg11[%dma_wait3A_572, %dma_wait3A_573] : memref<10240x128xf32, #tpu.memory_space<vmem_shared>> -> memref<10240x128xf32, #tpu.memory_space<vmem_shared>>
        tpu.wait_indirect_dma semaphore(%arg19 : memref<!tpu.dma_semaphore, #tpu.memory_space<semaphore_mem>>) src(%dma_wait3A_568 : memref<80x128xf32, #tpu.memory_space<vmem>>) dst(%dma_wait3A_574 : memref<10240x128xf32, #tpu.memory_space<vmem_shared>>)
      } else {
      }
      %add3A_503 = arith.constant 2 : i32
      %add3A_504 = arith.addi %add3A_497, %add3A_503 : i32
      %dma_start3A_505 = arith.constant 1 : i32
      %dma_start3A_506 = arith.constant 0 : i32
      %dma_start3A_507 = tpu.memref_slice %arg8[%dma_start3A_505, %dma_start3A_506] : memref<3x80xi32, #tpu.memory_space<vmem>> -> memref<1x80xi32, #tpu.memory_space<vmem>>
      %dma_start3A_508 = arith.constant 0 : i32
      %dma_start3A_509 = tpu.memref_slice %arg4[%add3A, %add3A_504, %dma_start3A_508] : memref<32x125x80xi32, #tpu.memory_space<hbm>> -> memref<1x1x80xi32, #tpu.memory_space<hbm>>
      %dma_start3A_510 = tpu.memref_squeeze %dma_start3A_509 : memref<1x1x80xi32, #tpu.memory_space<hbm>> -> memref<1x80xi32, #tpu.memory_space<hbm>>
      %dma_start3A_511 = arith.constant 1 : i32
      %dma_start3A_512 = arith.constant 0 : i32
      %dma_start3A_513 = tpu.memref_slice %arg8[%dma_start3A_511, %dma_start3A_512] : memref<3x80xi32, #tpu.memory_space<vmem>> -> memref<1x80xi32, #tpu.memory_space<vmem>>
      %dma_start3A_514 = arith.constant 0 : i32
      %dma_start3A_515 = tpu.memref_slice %arg4[%add3A, %add3A_504, %dma_start3A_514] : memref<32x125x80xi32, #tpu.memory_space<hbm>> -> memref<1x1x80xi32, #tpu.memory_space<hbm>>
      %dma_start3A_516 = tpu.memref_squeeze %dma_start3A_515 : memref<1x1x80xi32, #tpu.memory_space<hbm>> -> memref<1x80xi32, #tpu.memory_space<hbm>>
      tpu.enqueue_dma source(%dma_start3A_516 : memref<1x80xi32, #tpu.memory_space<hbm>>) target(%dma_start3A_513 : memref<1x80xi32, #tpu.memory_space<vmem>>) target_semaphore(%arg16 : memref<!tpu.dma_semaphore, #tpu.memory_space<semaphore_mem>>)
      %mul3A_517 = arith.constant 80 : i32
      %mul3A_518 = arith.muli %add3A_504, %mul3A_517 : i32
      %dma_start3A_519 = arith.constant 1 : i32
      %dma_start3A_520 = arith.constant 0 : i32
      %dma_start3A_521 = arith.constant 0 : i32
      %dma_start3A_522 = tpu.memref_slice %arg9[%dma_start3A_519, %dma_start3A_520, %dma_start3A_521] : memref<3x80x128xf32, #tpu.memory_space<vmem>> -> memref<1x80x128xf32, #tpu.memory_space<vmem>>
      %dma_start3A_523 = tpu.memref_squeeze %dma_start3A_522 : memref<1x80x128xf32, #tpu.memory_space<vmem>> -> memref<80x128xf32, #tpu.memory_space<vmem>>
      %dma_start3A_524 = tpu.memref_slice %arg7[%mul3A_518] : memref<10000xi32, #tpu.memory_space<vmem>> -> memref<80xi32, #tpu.memory_space<vmem>>
      %dma_start3A_525 = arith.constant 0 : i32
      %dma_start3A_526 = arith.constant 0 : i32
      %dma_start3A_527 = tpu.memref_slice %arg2[%dma_start3A_525, %dma_start3A_526] : memref<10240x128xf32, #tpu.memory_space<hbm>> -> memref<10240x128xf32, #tpu.memory_space<hbm>>
      tpu.enqueue_indirect_dma source(%dma_start3A_527 : memref<10240x128xf32, #tpu.memory_space<hbm>>) target(%dma_start3A_523 : memref<80x128xf32, #tpu.memory_space<vmem>>) offsets(%dma_start3A_524 : memref<80xi32, #tpu.memory_space<vmem>>) semaphore(%arg13 : memref<!tpu.dma_semaphore, #tpu.memory_space<semaphore_mem>>)
      %dma_wait3A_528 = arith.constant 2 : i32
      %dma_wait3A_529 = arith.constant 0 : i32
      %dma_wait3A_530 = tpu.memref_slice %arg8[%dma_wait3A_528, %dma_wait3A_529] : memref<3x80xi32, #tpu.memory_space<vmem>> -> memref<1x80xi32, #tpu.memory_space<vmem>>
      %dma_wait3A_531 = arith.constant 0 : i32
      %dma_wait3A_532 = tpu.memref_slice %arg4[%add3A, %add3A_497, %dma_wait3A_531] : memref<32x125x80xi32, #tpu.memory_space<hbm>> -> memref<1x1x80xi32, #tpu.memory_space<hbm>>
      %dma_wait3A_533 = tpu.memref_squeeze %dma_wait3A_532 : memref<1x1x80xi32, #tpu.memory_space<hbm>> -> memref<1x80xi32, #tpu.memory_space<hbm>>
      %dma_wait3A_534 = arith.constant 2 : i32
      %dma_wait3A_535 = arith.constant 0 : i32
      %dma_wait3A_536 = tpu.memref_slice %arg8[%dma_wait3A_534, %dma_wait3A_535] : memref<3x80xi32, #tpu.memory_space<vmem>> -> memref<1x80xi32, #tpu.memory_space<vmem>>
      %dma_wait3A_537 = arith.constant 0 : i32
      %dma_wait3A_538 = tpu.memref_slice %arg4[%add3A, %add3A_497, %dma_wait3A_537] : memref<32x125x80xi32, #tpu.memory_space<hbm>> -> memref<1x1x80xi32, #tpu.memory_space<hbm>>
      %dma_wait3A_539 = tpu.memref_squeeze %dma_wait3A_538 : memref<1x1x80xi32, #tpu.memory_space<hbm>> -> memref<1x80xi32, #tpu.memory_space<hbm>>
      tpu.wait_dma2 semaphore(%arg17 : memref<!tpu.dma_semaphore, #tpu.memory_space<semaphore_mem>>) src(%dma_wait3A_539 : memref<1x80xi32, #tpu.memory_space<hbm>>) dst(%dma_wait3A_536 : memref<1x80xi32, #tpu.memory_space<vmem>>)
      %mul3A_540 = arith.constant 80 : i32
      %mul3A_541 = arith.muli %add3A_497, %mul3A_540 : i32
      %dma_wait3A_542 = arith.constant 2 : i32
      %dma_wait3A_543 = arith.constant 0 : i32
      %dma_wait3A_544 = arith.constant 0 : i32
      %dma_wait3A_545 = tpu.memref_slice %arg9[%dma_wait3A_542, %dma_wait3A_543, %dma_wait3A_544] : memref<3x80x128xf32, #tpu.memory_space<vmem>> -> memref<1x80x128xf32, #tpu.memory_space<vmem>>
      %dma_wait3A_546 = tpu.memref_squeeze %dma_wait3A_545 : memref<1x80x128xf32, #tpu.memory_space<vmem>> -> memref<80x128xf32, #tpu.memory_space<vmem>>
      %dma_wait3A_547 = tpu.memref_slice %arg7[%mul3A_541] : memref<10000xi32, #tpu.memory_space<vmem>> -> memref<80xi32, #tpu.memory_space<vmem>>
      %dma_wait3A_548 = arith.constant 0 : i32
      %dma_wait3A_549 = arith.constant 0 : i32
      %dma_wait3A_550 = tpu.memref_slice %arg2[%dma_wait3A_548, %dma_wait3A_549] : memref<10240x128xf32, #tpu.memory_space<hbm>> -> memref<10240x128xf32, #tpu.memory_space<hbm>>
      tpu.wait_indirect_dma semaphore(%arg14 : memref<!tpu.dma_semaphore, #tpu.memory_space<semaphore_mem>>) src(%dma_wait3A_550 : memref<10240x128xf32, #tpu.memory_space<hbm>>) dst(%dma_wait3A_546 : memref<80x128xf32, #tpu.memory_space<vmem>>)
      %dma_start3A_551 = arith.constant 2 : i32
      %dma_start3A_552 = arith.constant 2 : i32
      %dma_start3A_553 = arith.constant 0 : i32
      %dma_start3A_554 = arith.constant 0 : i32
      %dma_start3A_555 = tpu.memref_slice %arg9[%dma_start3A_551, %dma_start3A_553, %dma_start3A_554] : memref<3x80x128xf32, #tpu.memory_space<vmem>> -> memref<1x80x128xf32, #tpu.memory_space<vmem>>
      %dma_start3A_556 = tpu.memref_squeeze %dma_start3A_555 : memref<1x80x128xf32, #tpu.memory_space<vmem>> -> memref<80x128xf32, #tpu.memory_space<vmem>>
      %dma_start3A_557 = arith.constant 0 : i32
      %dma_start3A_558 = tpu.memref_slice %arg8[%dma_start3A_552, %dma_start3A_557] : memref<3x80xi32, #tpu.memory_space<vmem>> -> memref<1x80xi32, #tpu.memory_space<vmem>>
      %dma_start3A_559 = tpu.memref_squeeze %dma_start3A_558 : memref<1x80xi32, #tpu.memory_space<vmem>> -> memref<80xi32, #tpu.memory_space<vmem>>
      %dma_start3A_560 = arith.constant 0 : i32
      %dma_start3A_561 = arith.constant 0 : i32
      %dma_start3A_562 = tpu.memref_slice %arg11[%dma_start3A_560, %dma_start3A_561] : memref<10240x128xf32, #tpu.memory_space<vmem_shared>> -> memref<10240x128xf32, #tpu.memory_space<vmem_shared>>
      tpu.enqueue_indirect_dma source(%dma_start3A_556 : memref<80x128xf32, #tpu.memory_space<vmem>>) target(%dma_start3A_562 : memref<10240x128xf32, #tpu.memory_space<vmem_shared>>) offsets(%dma_start3A_559 : memref<80xi32, #tpu.memory_space<vmem>>) semaphore(%arg20 : memref<!tpu.dma_semaphore, #tpu.memory_space<semaphore_mem>>) {add = true}
    }
    %scan3A_245 = arith.constant 41 : i32
    %dma_wait3A_246 = arith.constant 2 : i32
    %dma_wait3A_247 = arith.constant 2 : i32
    %dma_wait3A_248 = arith.constant 0 : i32
    %dma_wait3A_249 = arith.constant 0 : i32
    %dma_wait3A_250 = tpu.memref_slice %arg9[%dma_wait3A_246, %dma_wait3A_248, %dma_wait3A_249] : memref<3x80x128xf32, #tpu.memory_space<vmem>> -> memref<1x80x128xf32, #tpu.memory_space<vmem>>
    %dma_wait3A_251 = tpu.memref_squeeze %dma_wait3A_250 : memref<1x80x128xf32, #tpu.memory_space<vmem>> -> memref<80x128xf32, #tpu.memory_space<vmem>>
    %dma_wait3A_252 = arith.constant 0 : i32
    %dma_wait3A_253 = tpu.memref_slice %arg8[%dma_wait3A_247, %dma_wait3A_252] : memref<3x80xi32, #tpu.memory_space<vmem>> -> memref<1x80xi32, #tpu.memory_space<vmem>>
    %dma_wait3A_254 = tpu.memref_squeeze %dma_wait3A_253 : memref<1x80xi32, #tpu.memory_space<vmem>> -> memref<80xi32, #tpu.memory_space<vmem>>
    %dma_wait3A_255 = arith.constant 0 : i32
    %dma_wait3A_256 = arith.constant 0 : i32
    %dma_wait3A_257 = tpu.memref_slice %arg11[%dma_wait3A_255, %dma_wait3A_256] : memref<10240x128xf32, #tpu.memory_space<vmem_shared>> -> memref<10240x128xf32, #tpu.memory_space<vmem_shared>>
    tpu.wait_indirect_dma semaphore(%arg20 : memref<!tpu.dma_semaphore, #tpu.memory_space<semaphore_mem>>) src(%dma_wait3A_251 : memref<80x128xf32, #tpu.memory_space<vmem>>) dst(%dma_wait3A_257 : memref<10240x128xf32, #tpu.memory_space<vmem_shared>>)
    %dma_wait3A_258 = arith.constant 0 : i32
    %dma_wait3A_259 = arith.constant 0 : i32
    %dma_wait3A_260 = tpu.memref_slice %arg8[%dma_wait3A_258, %dma_wait3A_259] : memref<3x80xi32, #tpu.memory_space<vmem>> -> memref<1x80xi32, #tpu.memory_space<vmem>>
    %dma_wait3A_261 = arith.constant 123 : i32
    %dma_wait3A_262 = arith.constant 0 : i32
    %dma_wait3A_263 = tpu.memref_slice %arg4[%add3A, %dma_wait3A_261, %dma_wait3A_262] : memref<32x125x80xi32, #tpu.memory_space<hbm>> -> memref<1x1x80xi32, #tpu.memory_space<hbm>>
    %dma_wait3A_264 = tpu.memref_squeeze %dma_wait3A_263 : memref<1x1x80xi32, #tpu.memory_space<hbm>> -> memref<1x80xi32, #tpu.memory_space<hbm>>
    %dma_wait3A_265 = arith.constant 0 : i32
    %dma_wait3A_266 = arith.constant 0 : i32
    %dma_wait3A_267 = tpu.memref_slice %arg8[%dma_wait3A_265, %dma_wait3A_266] : memref<3x80xi32, #tpu.memory_space<vmem>> -> memref<1x80xi32, #tpu.memory_space<vmem>>
    %dma_wait3A_268 = arith.constant 123 : i32
    %dma_wait3A_269 = arith.constant 0 : i32
    %dma_wait3A_270 = tpu.memref_slice %arg4[%add3A, %dma_wait3A_268, %dma_wait3A_269] : memref<32x125x80xi32, #tpu.memory_space<hbm>> -> memref<1x1x80xi32, #tpu.memory_space<hbm>>
    %dma_wait3A_271 = tpu.memref_squeeze %dma_wait3A_270 : memref<1x1x80xi32, #tpu.memory_space<hbm>> -> memref<1x80xi32, #tpu.memory_space<hbm>>
    tpu.wait_dma2 semaphore(%arg15 : memref<!tpu.dma_semaphore, #tpu.memory_space<semaphore_mem>>) src(%dma_wait3A_271 : memref<1x80xi32, #tpu.memory_space<hbm>>) dst(%dma_wait3A_267 : memref<1x80xi32, #tpu.memory_space<vmem>>)
    %dma_wait3A_272 = arith.constant 0 : i32
    %dma_wait3A_273 = arith.constant 0 : i32
    %dma_wait3A_274 = arith.constant 0 : i32
    %dma_wait3A_275 = tpu.memref_slice %arg9[%dma_wait3A_272, %dma_wait3A_273, %dma_wait3A_274] : memref<3x80x128xf32, #tpu.memory_space<vmem>> -> memref<1x80x128xf32, #tpu.memory_space<vmem>>
    %dma_wait3A_276 = tpu.memref_squeeze %dma_wait3A_275 : memref<1x80x128xf32, #tpu.memory_space<vmem>> -> memref<80x128xf32, #tpu.memory_space<vmem>>
    %dma_wait3A_277 = arith.constant 9840 : i32
    %dma_wait3A_278 = tpu.memref_slice %arg7[%dma_wait3A_277] : memref<10000xi32, #tpu.memory_space<vmem>> -> memref<80xi32, #tpu.memory_space<vmem>>
    %dma_wait3A_279 = arith.constant 0 : i32
    %dma_wait3A_280 = arith.constant 0 : i32
    %dma_wait3A_281 = tpu.memref_slice %arg2[%dma_wait3A_279, %dma_wait3A_280] : memref<10240x128xf32, #tpu.memory_space<hbm>> -> memref<10240x128xf32, #tpu.memory_space<hbm>>
    tpu.wait_indirect_dma semaphore(%arg12 : memref<!tpu.dma_semaphore, #tpu.memory_space<semaphore_mem>>) src(%dma_wait3A_281 : memref<10240x128xf32, #tpu.memory_space<hbm>>) dst(%dma_wait3A_276 : memref<80x128xf32, #tpu.memory_space<vmem>>)
    %dma_start3A_282 = arith.constant 0 : i32
    %dma_start3A_283 = arith.constant 0 : i32
    %dma_start3A_284 = arith.constant 0 : i32
    %dma_start3A_285 = arith.constant 0 : i32
    %dma_start3A_286 = tpu.memref_slice %arg9[%dma_start3A_282, %dma_start3A_284, %dma_start3A_285] : memref<3x80x128xf32, #tpu.memory_space<vmem>> -> memref<1x80x128xf32, #tpu.memory_space<vmem>>
    %dma_start3A_287 = tpu.memref_squeeze %dma_start3A_286 : memref<1x80x128xf32, #tpu.memory_space<vmem>> -> memref<80x128xf32, #tpu.memory_space<vmem>>
    %dma_start3A_288 = arith.constant 0 : i32
    %dma_start3A_289 = tpu.memref_slice %arg8[%dma_start3A_283, %dma_start3A_288] : memref<3x80xi32, #tpu.memory_space<vmem>> -> memref<1x80xi32, #tpu.memory_space<vmem>>
    %dma_start3A_290 = tpu.memref_squeeze %dma_start3A_289 : memref<1x80xi32, #tpu.memory_space<vmem>> -> memref<80xi32, #tpu.memory_space<vmem>>
    %dma_start3A_291 = arith.constant 0 : i32
    %dma_start3A_292 = arith.constant 0 : i32
    %dma_start3A_293 = tpu.memref_slice %arg11[%dma_start3A_291, %dma_start3A_292] : memref<10240x128xf32, #tpu.memory_space<vmem_shared>> -> memref<10240x128xf32, #tpu.memory_space<vmem_shared>>
    tpu.enqueue_indirect_dma source(%dma_start3A_287 : memref<80x128xf32, #tpu.memory_space<vmem>>) target(%dma_start3A_293 : memref<10240x128xf32, #tpu.memory_space<vmem_shared>>) offsets(%dma_start3A_290 : memref<80xi32, #tpu.memory_space<vmem>>) semaphore(%arg18 : memref<!tpu.dma_semaphore, #tpu.memory_space<semaphore_mem>>) {add = true}
    %dma_wait3A_294 = arith.constant 0 : i32
    %dma_wait3A_295 = arith.constant 0 : i32
    %dma_wait3A_296 = arith.constant 0 : i32
    %dma_wait3A_297 = arith.constant 0 : i32
    %dma_wait3A_298 = tpu.memref_slice %arg9[%dma_wait3A_294, %dma_wait3A_296, %dma_wait3A_297] : memref<3x80x128xf32, #tpu.memory_space<vmem>> -> memref<1x80x128xf32, #tpu.memory_space<vmem>>
    %dma_wait3A_299 = tpu.memref_squeeze %dma_wait3A_298 : memref<1x80x128xf32, #tpu.memory_space<vmem>> -> memref<80x128xf32, #tpu.memory_space<vmem>>
    %dma_wait3A_300 = arith.constant 0 : i32
    %dma_wait3A_301 = tpu.memref_slice %arg8[%dma_wait3A_295, %dma_wait3A_300] : memref<3x80xi32, #tpu.memory_space<vmem>> -> memref<1x80xi32, #tpu.memory_space<vmem>>
    %dma_wait3A_302 = tpu.memref_squeeze %dma_wait3A_301 : memref<1x80xi32, #tpu.memory_space<vmem>> -> memref<80xi32, #tpu.memory_space<vmem>>
    %dma_wait3A_303 = arith.constant 0 : i32
    %dma_wait3A_304 = arith.constant 0 : i32
    %dma_wait3A_305 = tpu.memref_slice %arg11[%dma_wait3A_303, %dma_wait3A_304] : memref<10240x128xf32, #tpu.memory_space<vmem_shared>> -> memref<10240x128xf32, #tpu.memory_space<vmem_shared>>
    tpu.wait_indirect_dma semaphore(%arg18 : memref<!tpu.dma_semaphore, #tpu.memory_space<semaphore_mem>>) src(%dma_wait3A_299 : memref<80x128xf32, #tpu.memory_space<vmem>>) dst(%dma_wait3A_305 : memref<10240x128xf32, #tpu.memory_space<vmem_shared>>)
    %dma_wait3A_306 = arith.constant 1 : i32
    %dma_wait3A_307 = arith.constant 0 : i32
    %dma_wait3A_308 = tpu.memref_slice %arg8[%dma_wait3A_306, %dma_wait3A_307] : memref<3x80xi32, #tpu.memory_space<vmem>> -> memref<1x80xi32, #tpu.memory_space<vmem>>
    %dma_wait3A_309 = arith.constant 124 : i32
    %dma_wait3A_310 = arith.constant 0 : i32
    %dma_wait3A_311 = tpu.memref_slice %arg4[%add3A, %dma_wait3A_309, %dma_wait3A_310] : memref<32x125x80xi32, #tpu.memory_space<hbm>> -> memref<1x1x80xi32, #tpu.memory_space<hbm>>
    %dma_wait3A_312 = tpu.memref_squeeze %dma_wait3A_311 : memref<1x1x80xi32, #tpu.memory_space<hbm>> -> memref<1x80xi32, #tpu.memory_space<hbm>>
    %dma_wait3A_313 = arith.constant 1 : i32
    %dma_wait3A_314 = arith.constant 0 : i32
    %dma_wait3A_315 = tpu.memref_slice %arg8[%dma_wait3A_313, %dma_wait3A_314] : memref<3x80xi32, #tpu.memory_space<vmem>> -> memref<1x80xi32, #tpu.memory_space<vmem>>
    %dma_wait3A_316 = arith.constant 124 : i32
    %dma_wait3A_317 = arith.constant 0 : i32
    %dma_wait3A_318 = tpu.memref_slice %arg4[%add3A, %dma_wait3A_316, %dma_wait3A_317] : memref<32x125x80xi32, #tpu.memory_space<hbm>> -> memref<1x1x80xi32, #tpu.memory_space<hbm>>
    %dma_wait3A_319 = tpu.memref_squeeze %dma_wait3A_318 : memref<1x1x80xi32, #tpu.memory_space<hbm>> -> memref<1x80xi32, #tpu.memory_space<hbm>>
    tpu.wait_dma2 semaphore(%arg16 : memref<!tpu.dma_semaphore, #tpu.memory_space<semaphore_mem>>) src(%dma_wait3A_319 : memref<1x80xi32, #tpu.memory_space<hbm>>) dst(%dma_wait3A_315 : memref<1x80xi32, #tpu.memory_space<vmem>>)
    %dma_wait3A_320 = arith.constant 1 : i32
    %dma_wait3A_321 = arith.constant 0 : i32
    %dma_wait3A_322 = arith.constant 0 : i32
    %dma_wait3A_323 = tpu.memref_slice %arg9[%dma_wait3A_320, %dma_wait3A_321, %dma_wait3A_322] : memref<3x80x128xf32, #tpu.memory_space<vmem>> -> memref<1x80x128xf32, #tpu.memory_space<vmem>>
    %dma_wait3A_324 = tpu.memref_squeeze %dma_wait3A_323 : memref<1x80x128xf32, #tpu.memory_space<vmem>> -> memref<80x128xf32, #tpu.memory_space<vmem>>
    %dma_wait3A_325 = arith.constant 9920 : i32
    %dma_wait3A_326 = tpu.memref_slice %arg7[%dma_wait3A_325] : memref<10000xi32, #tpu.memory_space<vmem>> -> memref<80xi32, #tpu.memory_space<vmem>>
    %dma_wait3A_327 = arith.constant 0 : i32
    %dma_wait3A_328 = arith.constant 0 : i32
    %dma_wait3A_329 = tpu.memref_slice %arg2[%dma_wait3A_327, %dma_wait3A_328] : memref<10240x128xf32, #tpu.memory_space<hbm>> -> memref<10240x128xf32, #tpu.memory_space<hbm>>
    tpu.wait_indirect_dma semaphore(%arg13 : memref<!tpu.dma_semaphore, #tpu.memory_space<semaphore_mem>>) src(%dma_wait3A_329 : memref<10240x128xf32, #tpu.memory_space<hbm>>) dst(%dma_wait3A_324 : memref<80x128xf32, #tpu.memory_space<vmem>>)
    %dma_start3A_330 = arith.constant 1 : i32
    %dma_start3A_331 = arith.constant 1 : i32
    %dma_start3A_332 = arith.constant 0 : i32
    %dma_start3A_333 = arith.constant 0 : i32
    %dma_start3A_334 = tpu.memref_slice %arg9[%dma_start3A_330, %dma_start3A_332, %dma_start3A_333] : memref<3x80x128xf32, #tpu.memory_space<vmem>> -> memref<1x80x128xf32, #tpu.memory_space<vmem>>
    %dma_start3A_335 = tpu.memref_squeeze %dma_start3A_334 : memref<1x80x128xf32, #tpu.memory_space<vmem>> -> memref<80x128xf32, #tpu.memory_space<vmem>>
    %dma_start3A_336 = arith.constant 0 : i32
    %dma_start3A_337 = tpu.memref_slice %arg8[%dma_start3A_331, %dma_start3A_336] : memref<3x80xi32, #tpu.memory_space<vmem>> -> memref<1x80xi32, #tpu.memory_space<vmem>>
    %dma_start3A_338 = tpu.memref_squeeze %dma_start3A_337 : memref<1x80xi32, #tpu.memory_space<vmem>> -> memref<80xi32, #tpu.memory_space<vmem>>
    %dma_start3A_339 = arith.constant 0 : i32
    %dma_start3A_340 = arith.constant 0 : i32
    %dma_start3A_341 = tpu.memref_slice %arg11[%dma_start3A_339, %dma_start3A_340] : memref<10240x128xf32, #tpu.memory_space<vmem_shared>> -> memref<10240x128xf32, #tpu.memory_space<vmem_shared>>
    tpu.enqueue_indirect_dma source(%dma_start3A_335 : memref<80x128xf32, #tpu.memory_space<vmem>>) target(%dma_start3A_341 : memref<10240x128xf32, #tpu.memory_space<vmem_shared>>) offsets(%dma_start3A_338 : memref<80xi32, #tpu.memory_space<vmem>>) semaphore(%arg19 : memref<!tpu.dma_semaphore, #tpu.memory_space<semaphore_mem>>) {add = true}
    %dma_wait3A_342 = arith.constant 1 : i32
    %dma_wait3A_343 = arith.constant 1 : i32
    %dma_wait3A_344 = arith.constant 0 : i32
    %dma_wait3A_345 = arith.constant 0 : i32
    %dma_wait3A_346 = tpu.memref_slice %arg9[%dma_wait3A_342, %dma_wait3A_344, %dma_wait3A_345] : memref<3x80x128xf32, #tpu.memory_space<vmem>> -> memref<1x80x128xf32, #tpu.memory_space<vmem>>
    %dma_wait3A_347 = tpu.memref_squeeze %dma_wait3A_346 : memref<1x80x128xf32, #tpu.memory_space<vmem>> -> memref<80x128xf32, #tpu.memory_space<vmem>>
    %dma_wait3A_348 = arith.constant 0 : i32
    %dma_wait3A_349 = tpu.memref_slice %arg8[%dma_wait3A_343, %dma_wait3A_348] : memref<3x80xi32, #tpu.memory_space<vmem>> -> memref<1x80xi32, #tpu.memory_space<vmem>>
    %dma_wait3A_350 = tpu.memref_squeeze %dma_wait3A_349 : memref<1x80xi32, #tpu.memory_space<vmem>> -> memref<80xi32, #tpu.memory_space<vmem>>
    %dma_wait3A_351 = arith.constant 0 : i32
    %dma_wait3A_352 = arith.constant 0 : i32
    %dma_wait3A_353 = tpu.memref_slice %arg11[%dma_wait3A_351, %dma_wait3A_352] : memref<10240x128xf32, #tpu.memory_space<vmem_shared>> -> memref<10240x128xf32, #tpu.memory_space<vmem_shared>>
    tpu.wait_indirect_dma semaphore(%arg19 : memref<!tpu.dma_semaphore, #tpu.memory_space<semaphore_mem>>) src(%dma_wait3A_347 : memref<80x128xf32, #tpu.memory_space<vmem>>) dst(%dma_wait3A_353 : memref<10240x128xf32, #tpu.memory_space<vmem_shared>>)
    %barrier3A_354 = arith.constant 0 : index
    tpu.barrier barrier_id(%barrier3A_354)
    %mul3A_355 = arith.constant 10240 : i32
    %mul3A_356 = arith.muli %arg0, %mul3A_355 : i32
    %add3A_357 = arith.addi %mul3A_356, %mul3A_2 : i32
    "tpu.region"() ({
      %run_scoped3A = tpu.sem_alloc : memref<!tpu.dma_semaphore, #tpu.memory_space<semaphore_mem>>
      %dma_start3A_358 = arith.constant 0 : i32
      %dma_start3A_359 = tpu.memref_slice %arg6[%add3A_357, %dma_start3A_358] : memref<20480x128xf32, #tpu.memory_space<hbm>> -> memref<640x128xf32, #tpu.memory_space<hbm>>
      %dma_start3A_360 = arith.constant 0 : i32
      %dma_start3A_361 = tpu.memref_slice %arg11[%mul3A_2, %dma_start3A_360] : memref<10240x128xf32, #tpu.memory_space<vmem_shared>> -> memref<640x128xf32, #tpu.memory_space<vmem_shared>>
      tpu.enqueue_dma source(%dma_start3A_361 : memref<640x128xf32, #tpu.memory_space<vmem_shared>>) target(%dma_start3A_359 : memref<640x128xf32, #tpu.memory_space<hbm>>) target_semaphore(%run_scoped3A : memref<!tpu.dma_semaphore, #tpu.memory_space<semaphore_mem>>)
      %dma_wait3A_362 = arith.constant 0 : i32
      %dma_wait3A_363 = tpu.memref_slice %arg6[%add3A_357, %dma_wait3A_362] : memref<20480x128xf32, #tpu.memory_space<hbm>> -> memref<640x128xf32, #tpu.memory_space<hbm>>
      %dma_wait3A_364 = arith.constant 0 : i32
      %dma_wait3A_365 = tpu.memref_slice %arg11[%mul3A_2, %dma_wait3A_364] : memref<10240x128xf32, #tpu.memory_space<vmem_shared>> -> memref<640x128xf32, #tpu.memory_space<vmem_shared>>
      tpu.wait_dma2 semaphore(%run_scoped3A : memref<!tpu.dma_semaphore, #tpu.memory_space<semaphore_mem>>) src(%dma_wait3A_365 : memref<640x128xf32, #tpu.memory_space<vmem_shared>>) dst(%dma_wait3A_363 : memref<640x128xf32, #tpu.memory_space<hbm>>)
      tpu.yield
    }) : () -> ()
    return
  }
}

#map = affine_map<(d0, d1) -> (0, 0)>
#map1 = affine_map<(d0, d1) -> (0)>
module attributes {stable_mosaic.version = 14 : i64} {
  func.func @_sc_deg_body(%arg0: i32, %arg1: i32, %arg2: memref<32x10000xi32, #tpu.memory_space<hbm>>, %arg3: memref<10240xf32, #tpu.memory_space<hbm>>, %arg4: memref<32x10240xf32, #tpu.memory_space<hbm>>, %arg5: memref<10000xi32, #tpu.memory_space<vmem>>, %arg6: memref<10240xf32, #tpu.memory_space<vmem>>) attributes {dimension_semantics = [#tpu.dimension_semantics<core_parallel>, #tpu.dimension_semantics<subcore_parallel>], iteration_bounds = array<i64: 2, 16>, scalar_prefetch = 0 : i64, scratch_operands = 2 : i64, tpu.core_type = #tpu.core_type<sc_vector_subcore>, window_params = [{transform_indices = #map}, {transform_indices = #map1}, {transform_indices = #map}]} {
    %mul3A = arith.constant 16 : i32
    %mul3A_0 = arith.muli %arg0, %mul3A : i32
    %add3A = arith.addi %mul3A_0, %arg1 : i32
    "tpu.region"() ({
      %run_scoped3A = tpu.sem_alloc : memref<!tpu.dma_semaphore, #tpu.memory_space<semaphore_mem>>
      tpu.enqueue_dma source(%arg3 : memref<10240xf32, #tpu.memory_space<hbm>>) target(%arg6 : memref<10240xf32, #tpu.memory_space<vmem>>) target_semaphore(%run_scoped3A : memref<!tpu.dma_semaphore, #tpu.memory_space<semaphore_mem>>)
      tpu.wait_dma2 semaphore(%run_scoped3A : memref<!tpu.dma_semaphore, #tpu.memory_space<semaphore_mem>>) src(%arg3 : memref<10240xf32, #tpu.memory_space<hbm>>) dst(%arg6 : memref<10240xf32, #tpu.memory_space<vmem>>)
      tpu.yield
    }) : () -> ()
    "tpu.region"() ({
      %run_scoped3A = tpu.sem_alloc : memref<!tpu.dma_semaphore, #tpu.memory_space<semaphore_mem>>
      %dma_start3A = arith.constant 0 : i32
      %dma_start3A_7 = tpu.memref_slice %arg2[%add3A, %dma_start3A] : memref<32x10000xi32, #tpu.memory_space<hbm>> -> memref<1x10000xi32, #tpu.memory_space<hbm>>
      %dma_start3A_8 = tpu.memref_squeeze %dma_start3A_7 : memref<1x10000xi32, #tpu.memory_space<hbm>> -> memref<10000xi32, #tpu.memory_space<hbm>>
      %dma_start3A_9 = arith.constant 0 : i32
      %dma_start3A_10 = tpu.memref_slice %arg2[%add3A, %dma_start3A_9] : memref<32x10000xi32, #tpu.memory_space<hbm>> -> memref<1x10000xi32, #tpu.memory_space<hbm>>
      %dma_start3A_11 = tpu.memref_squeeze %dma_start3A_10 : memref<1x10000xi32, #tpu.memory_space<hbm>> -> memref<10000xi32, #tpu.memory_space<hbm>>
      tpu.enqueue_dma source(%dma_start3A_11 : memref<10000xi32, #tpu.memory_space<hbm>>) target(%arg5 : memref<10000xi32, #tpu.memory_space<vmem>>) target_semaphore(%run_scoped3A : memref<!tpu.dma_semaphore, #tpu.memory_space<semaphore_mem>>)
      %dma_wait3A = arith.constant 0 : i32
      %dma_wait3A_12 = tpu.memref_slice %arg2[%add3A, %dma_wait3A] : memref<32x10000xi32, #tpu.memory_space<hbm>> -> memref<1x10000xi32, #tpu.memory_space<hbm>>
      %dma_wait3A_13 = tpu.memref_squeeze %dma_wait3A_12 : memref<1x10000xi32, #tpu.memory_space<hbm>> -> memref<10000xi32, #tpu.memory_space<hbm>>
      %dma_wait3A_14 = arith.constant 0 : i32
      %dma_wait3A_15 = tpu.memref_slice %arg2[%add3A, %dma_wait3A_14] : memref<32x10000xi32, #tpu.memory_space<hbm>> -> memref<1x10000xi32, #tpu.memory_space<hbm>>
      %dma_wait3A_16 = tpu.memref_squeeze %dma_wait3A_15 : memref<1x10000xi32, #tpu.memory_space<hbm>> -> memref<10000xi32, #tpu.memory_space<hbm>>
      tpu.wait_dma2 semaphore(%run_scoped3A : memref<!tpu.dma_semaphore, #tpu.memory_space<semaphore_mem>>) src(%dma_wait3A_16 : memref<10000xi32, #tpu.memory_space<hbm>>) dst(%arg5 : memref<10000xi32, #tpu.memory_space<vmem>>)
      tpu.yield
    }) : () -> ()
    %broadcast_in_dim3A = arith.constant 1.000000e+00 : f32
    %broadcast_in_dim3A_1 = vector.broadcast %broadcast_in_dim3A : f32 to vector<16xf32>
    %scan3A = arith.constant 0 : i32
    %scan3A_2 = arith.constant 0 : i32
    %scan3A_3 = arith.constant 125 : i32
    %scan3A_4 = arith.addi %scan3A_2, %scan3A_3 : i32
    %scan3A_5 = arith.constant 1 : i32
    scf.for %scan3A_7 = %scan3A_2 to %scan3A_4 step %scan3A_5  : i32 {
      %mul3A_8 = arith.constant 5 : i32
      %mul3A_9 = arith.muli %mul3A_8, %scan3A_7 : i32
      %add3A_10 = arith.constant 0 : i32
      %add3A_11 = arith.addi %mul3A_9, %add3A_10 : i32
      %mul3A_12 = arith.constant 16 : i32
      %mul3A_13 = arith.muli %add3A_11, %mul3A_12 : i32
      %get3A = arith.index_cast %mul3A_13 : i32 to index
      %get3A_14 = tpu.vector_load %arg5[%get3A] {strides = array<i32>} : memref<10000xi32, #tpu.memory_space<vmem>>, vector<16xi32>,
      tpu.vector_store_idx %arg6[%get3A_14], %broadcast_in_dim3A_1 {add = true} : memref<10240xf32, #tpu.memory_space<vmem>>[vector<16xi32>], vector<16xf32>,
      %mul3A_15 = arith.constant 5 : i32
      %mul3A_16 = arith.muli %mul3A_15, %scan3A_7 : i32
      %add3A_17 = arith.constant 1 : i32
      %add3A_18 = arith.addi %mul3A_16, %add3A_17 : i32
      %mul3A_19 = arith.constant 16 : i32
      %mul3A_20 = arith.muli %add3A_18, %mul3A_19 : i32
      %get3A_21 = arith.index_cast %mul3A_20 : i32 to index
      %get3A_22 = tpu.vector_load %arg5[%get3A_21] {strides = array<i32>} : memref<10000xi32, #tpu.memory_space<vmem>>, vector<16xi32>,
      tpu.vector_store_idx %arg6[%get3A_22], %broadcast_in_dim3A_1 {add = true} : memref<10240xf32, #tpu.memory_space<vmem>>[vector<16xi32>], vector<16xf32>,
      %mul3A_23 = arith.constant 5 : i32
      %mul3A_24 = arith.muli %mul3A_23, %scan3A_7 : i32
      %add3A_25 = arith.constant 2 : i32
      %add3A_26 = arith.addi %mul3A_24, %add3A_25 : i32
      %mul3A_27 = arith.constant 16 : i32
      %mul3A_28 = arith.muli %add3A_26, %mul3A_27 : i32
      %get3A_29 = arith.index_cast %mul3A_28 : i32 to index
      %get3A_30 = tpu.vector_load %arg5[%get3A_29] {strides = array<i32>} : memref<10000xi32, #tpu.memory_space<vmem>>, vector<16xi32>,
      tpu.vector_store_idx %arg6[%get3A_30], %broadcast_in_dim3A_1 {add = true} : memref<10240xf32, #tpu.memory_space<vmem>>[vector<16xi32>], vector<16xf32>,
      %mul3A_31 = arith.constant 5 : i32
      %mul3A_32 = arith.muli %mul3A_31, %scan3A_7 : i32
      %add3A_33 = arith.constant 3 : i32
      %add3A_34 = arith.addi %mul3A_32, %add3A_33 : i32
      %mul3A_35 = arith.constant 16 : i32
      %mul3A_36 = arith.muli %add3A_34, %mul3A_35 : i32
      %get3A_37 = arith.index_cast %mul3A_36 : i32 to index
      %get3A_38 = tpu.vector_load %arg5[%get3A_37] {strides = array<i32>} : memref<10000xi32, #tpu.memory_space<vmem>>, vector<16xi32>,
      tpu.vector_store_idx %arg6[%get3A_38], %broadcast_in_dim3A_1 {add = true} : memref<10240xf32, #tpu.memory_space<vmem>>[vector<16xi32>], vector<16xf32>,
      %mul3A_39 = arith.constant 5 : i32
      %mul3A_40 = arith.muli %mul3A_39, %scan3A_7 : i32
      %add3A_41 = arith.constant 4 : i32
      %add3A_42 = arith.addi %mul3A_40, %add3A_41 : i32
      %mul3A_43 = arith.constant 16 : i32
      %mul3A_44 = arith.muli %add3A_42, %mul3A_43 : i32
      %get3A_45 = arith.index_cast %mul3A_44 : i32 to index
      %get3A_46 = tpu.vector_load %arg5[%get3A_45] {strides = array<i32>} : memref<10000xi32, #tpu.memory_space<vmem>>, vector<16xi32>,
      tpu.vector_store_idx %arg6[%get3A_46], %broadcast_in_dim3A_1 {add = true} : memref<10240xf32, #tpu.memory_space<vmem>>[vector<16xi32>], vector<16xf32>,
    }
    %scan3A_6 = arith.constant 125 : i32
    "tpu.region"() ({
      %run_scoped3A = tpu.sem_alloc : memref<!tpu.dma_semaphore, #tpu.memory_space<semaphore_mem>>
      %dma_start3A = arith.constant 0 : i32
      %dma_start3A_7 = tpu.memref_slice %arg4[%add3A, %dma_start3A] : memref<32x10240xf32, #tpu.memory_space<hbm>> -> memref<1x10240xf32, #tpu.memory_space<hbm>>
      %dma_start3A_8 = tpu.memref_squeeze %dma_start3A_7 : memref<1x10240xf32, #tpu.memory_space<hbm>> -> memref<10240xf32, #tpu.memory_space<hbm>>
      %dma_start3A_9 = arith.constant 0 : i32
      %dma_start3A_10 = tpu.memref_slice %arg4[%add3A, %dma_start3A_9] : memref<32x10240xf32, #tpu.memory_space<hbm>> -> memref<1x10240xf32, #tpu.memory_space<hbm>>
      %dma_start3A_11 = tpu.memref_squeeze %dma_start3A_10 : memref<1x10240xf32, #tpu.memory_space<hbm>> -> memref<10240xf32, #tpu.memory_space<hbm>>
      tpu.enqueue_dma source(%arg6 : memref<10240xf32, #tpu.memory_space<vmem>>) target(%dma_start3A_11 : memref<10240xf32, #tpu.memory_space<hbm>>) target_semaphore(%run_scoped3A : memref<!tpu.dma_semaphore, #tpu.memory_space<semaphore_mem>>)
      %dma_wait3A = arith.constant 0 : i32
      %dma_wait3A_12 = tpu.memref_slice %arg4[%add3A, %dma_wait3A] : memref<32x10240xf32, #tpu.memory_space<hbm>> -> memref<1x10240xf32, #tpu.memory_space<hbm>>
      %dma_wait3A_13 = tpu.memref_squeeze %dma_wait3A_12 : memref<1x10240xf32, #tpu.memory_space<hbm>> -> memref<10240xf32, #tpu.memory_space<hbm>>
      %dma_wait3A_14 = arith.constant 0 : i32
      %dma_wait3A_15 = tpu.memref_slice %arg4[%add3A, %dma_wait3A_14] : memref<32x10240xf32, #tpu.memory_space<hbm>> -> memref<1x10240xf32, #tpu.memory_space<hbm>>
      %dma_wait3A_16 = tpu.memref_squeeze %dma_wait3A_15 : memref<1x10240xf32, #tpu.memory_space<hbm>> -> memref<10240xf32, #tpu.memory_space<hbm>>
      tpu.wait_dma2 semaphore(%run_scoped3A : memref<!tpu.dma_semaphore, #tpu.memory_space<semaphore_mem>>) src(%arg6 : memref<10240xf32, #tpu.memory_space<vmem>>) dst(%dma_wait3A_16 : memref<10240xf32, #tpu.memory_space<hbm>>)
      tpu.yield
    }) : () -> ()
    return
  }
}

#map = affine_map<(d0, d1) -> (0, 0)>
#map1 = affine_map<(d0, d1) -> (0, 0, 0)>
module attributes {stable_mosaic.version = 14 : i64} {
  func.func @_sc_agg_body(%arg0: i32, %arg1: i32, %arg2: memref<10240x128xf32, #tpu.memory_space<hbm>>, %arg3: memref<32x10000xi32, #tpu.memory_space<hbm>>, %arg4: memref<32x125x80xi32, #tpu.memory_space<hbm>>, %arg5: memref<40x128xf32, #tpu.memory_space<hbm>>, %arg6: memref<20480x128xf32, #tpu.memory_space<hbm>>, %arg7: memref<10000xi32, #tpu.memory_space<vmem>>, %arg8: memref<3x80xi32, #tpu.memory_space<vmem>>, %arg9: memref<3x80x128xf32, #tpu.memory_space<vmem>>, %arg10: memref<40x128xf32, #tpu.memory_space<vmem>>, %arg11: memref<10240x128xf32, #tpu.memory_space<vmem_shared>>, %arg12: memref<!tpu.dma_semaphore, #tpu.memory_space<semaphore_mem>>, %arg13: memref<!tpu.dma_semaphore, #tpu.memory_space<semaphore_mem>>, %arg14: memref<!tpu.dma_semaphore, #tpu.memory_space<semaphore_mem>>, %arg15: memref<!tpu.dma_semaphore, #tpu.memory_space<semaphore_mem>>, %arg16: memref<!tpu.dma_semaphore, #tpu.memory_space<semaphore_mem>>, %arg17: memref<!tpu.dma_semaphore, #tpu.memory_space<semaphore_mem>>, %arg18: memref<!tpu.dma_semaphore, #tpu.memory_space<semaphore_mem>>, %arg19: memref<!tpu.dma_semaphore, #tpu.memory_space<semaphore_mem>>, %arg20: memref<!tpu.dma_semaphore, #tpu.memory_space<semaphore_mem>>, %arg21: memref<!tpu.dma_semaphore, #tpu.memory_space<semaphore_mem>>) attributes {dimension_semantics = [#tpu.dimension_semantics<core_parallel>, #tpu.dimension_semantics<subcore_parallel>], iteration_bounds = array<i64: 2, 16>, scalar_prefetch = 0 : i64, scratch_operands = 15 : i64, tpu.core_type = #tpu.core_type<sc_vector_subcore>, window_params = [{transform_indices = #map}, {transform_indices = #map}, {transform_indices = #map1}, {transform_indices = #map}, {transform_indices = #map}]} {
    %mul3A = arith.constant 16 : i32
    %mul3A_0 = arith.muli %arg0, %mul3A : i32
    %add3A = arith.addi %mul3A_0, %arg1 : i32
    %mul3A_1 = arith.constant 640 : i32
    %mul3A_2 = arith.muli %arg1, %mul3A_1 : i32
    "tpu.region"() ({
      %run_scoped3A = tpu.sem_alloc : memref<!tpu.dma_semaphore, #tpu.memory_space<semaphore_mem>>
      %dma_start3A_358 = arith.constant 0 : i32
      %dma_start3A_359 = tpu.memref_slice %arg3[%add3A, %dma_start3A_358] : memref<32x10000xi32, #tpu.memory_space<hbm>> -> memref<1x10000xi32, #tpu.memory_space<hbm>>
      %dma_start3A_360 = tpu.memref_squeeze %dma_start3A_359 : memref<1x10000xi32, #tpu.memory_space<hbm>> -> memref<10000xi32, #tpu.memory_space<hbm>>
      %dma_start3A_361 = arith.constant 0 : i32
      %dma_start3A_362 = tpu.memref_slice %arg3[%add3A, %dma_start3A_361] : memref<32x10000xi32, #tpu.memory_space<hbm>> -> memref<1x10000xi32, #tpu.memory_space<hbm>>
      %dma_start3A_363 = tpu.memref_squeeze %dma_start3A_362 : memref<1x10000xi32, #tpu.memory_space<hbm>> -> memref<10000xi32, #tpu.memory_space<hbm>>
      tpu.enqueue_dma source(%dma_start3A_363 : memref<10000xi32, #tpu.memory_space<hbm>>) target(%arg7 : memref<10000xi32, #tpu.memory_space<vmem>>) target_semaphore(%run_scoped3A : memref<!tpu.dma_semaphore, #tpu.memory_space<semaphore_mem>>)
      %dma_wait3A_364 = arith.constant 0 : i32
      %dma_wait3A_365 = tpu.memref_slice %arg3[%add3A, %dma_wait3A_364] : memref<32x10000xi32, #tpu.memory_space<hbm>> -> memref<1x10000xi32, #tpu.memory_space<hbm>>
      %dma_wait3A_366 = tpu.memref_squeeze %dma_wait3A_365 : memref<1x10000xi32, #tpu.memory_space<hbm>> -> memref<10000xi32, #tpu.memory_space<hbm>>
      %dma_wait3A_367 = arith.constant 0 : i32
      %dma_wait3A_368 = tpu.memref_slice %arg3[%add3A, %dma_wait3A_367] : memref<32x10000xi32, #tpu.memory_space<hbm>> -> memref<1x10000xi32, #tpu.memory_space<hbm>>
      %dma_wait3A_369 = tpu.memref_squeeze %dma_wait3A_368 : memref<1x10000xi32, #tpu.memory_space<hbm>> -> memref<10000xi32, #tpu.memory_space<hbm>>
      tpu.wait_dma2 semaphore(%run_scoped3A : memref<!tpu.dma_semaphore, #tpu.memory_space<semaphore_mem>>) src(%dma_wait3A_369 : memref<10000xi32, #tpu.memory_space<hbm>>) dst(%arg7 : memref<10000xi32, #tpu.memory_space<vmem>>)
      tpu.yield
    }) : () -> ()
    %dma_start3A = arith.constant 0 : i32
    %dma_start3A_3 = arith.constant 0 : i32
    %dma_start3A_4 = tpu.memref_slice %arg8[%dma_start3A, %dma_start3A_3] : memref<3x80xi32, #tpu.memory_space<vmem>> -> memref<1x80xi32, #tpu.memory_space<vmem>>
    %dma_start3A_5 = arith.constant 0 : i32
    %dma_start3A_6 = arith.constant 0 : i32
    %dma_start3A_7 = tpu.memref_slice %arg4[%add3A, %dma_start3A_5, %dma_start3A_6] : memref<32x125x80xi32, #tpu.memory_space<hbm>> -> memref<1x1x80xi32, #tpu.memory_space<hbm>>
    %dma_start3A_8 = tpu.memref_squeeze %dma_start3A_7 : memref<1x1x80xi32, #tpu.memory_space<hbm>> -> memref<1x80xi32, #tpu.memory_space<hbm>>
    %dma_start3A_9 = arith.constant 0 : i32
    %dma_start3A_10 = arith.constant 0 : i32
    %dma_start3A_11 = tpu.memref_slice %arg8[%dma_start3A_9, %dma_start3A_10] : memref<3x80xi32, #tpu.memory_space<vmem>> -> memref<1x80xi32, #tpu.memory_space<vmem>>
    %dma_start3A_12 = arith.constant 0 : i32
    %dma_start3A_13 = arith.constant 0 : i32
    %dma_start3A_14 = tpu.memref_slice %arg4[%add3A, %dma_start3A_12, %dma_start3A_13] : memref<32x125x80xi32, #tpu.memory_space<hbm>> -> memref<1x1x80xi32, #tpu.memory_space<hbm>>
    %dma_start3A_15 = tpu.memref_squeeze %dma_start3A_14 : memref<1x1x80xi32, #tpu.memory_space<hbm>> -> memref<1x80xi32, #tpu.memory_space<hbm>>
    tpu.enqueue_dma source(%dma_start3A_15 : memref<1x80xi32, #tpu.memory_space<hbm>>) target(%dma_start3A_11 : memref<1x80xi32, #tpu.memory_space<vmem>>) target_semaphore(%arg15 : memref<!tpu.dma_semaphore, #tpu.memory_space<semaphore_mem>>)
    %dma_start3A_16 = arith.constant 0 : i32
    %dma_start3A_17 = arith.constant 0 : i32
    %dma_start3A_18 = arith.constant 0 : i32
    %dma_start3A_19 = tpu.memref_slice %arg9[%dma_start3A_16, %dma_start3A_17, %dma_start3A_18] : memref<3x80x128xf32, #tpu.memory_space<vmem>> -> memref<1x80x128xf32, #tpu.memory_space<vmem>>
    %dma_start3A_20 = tpu.memref_squeeze %dma_start3A_19 : memref<1x80x128xf32, #tpu.memory_space<vmem>> -> memref<80x128xf32, #tpu.memory_space<vmem>>
    %dma_start3A_21 = arith.constant 0 : i32
    %dma_start3A_22 = tpu.memref_slice %arg7[%dma_start3A_21] : memref<10000xi32, #tpu.memory_space<vmem>> -> memref<80xi32, #tpu.memory_space<vmem>>
    %dma_start3A_23 = arith.constant 0 : i32
    %dma_start3A_24 = arith.constant 0 : i32
    %dma_start3A_25 = tpu.memref_slice %arg2[%dma_start3A_23, %dma_start3A_24] : memref<10240x128xf32, #tpu.memory_space<hbm>> -> memref<10240x128xf32, #tpu.memory_space<hbm>>
    tpu.enqueue_indirect_dma source(%dma_start3A_25 : memref<10240x128xf32, #tpu.memory_space<hbm>>) target(%dma_start3A_20 : memref<80x128xf32, #tpu.memory_space<vmem>>) offsets(%dma_start3A_22 : memref<80xi32, #tpu.memory_space<vmem>>) semaphore(%arg12 : memref<!tpu.dma_semaphore, #tpu.memory_space<semaphore_mem>>)
    %dma_start3A_26 = arith.constant 1 : i32
    %dma_start3A_27 = arith.constant 0 : i32
    %dma_start3A_28 = tpu.memref_slice %arg8[%dma_start3A_26, %dma_start3A_27] : memref<3x80xi32, #tpu.memory_space<vmem>> -> memref<1x80xi32, #tpu.memory_space<vmem>>
    %dma_start3A_29 = arith.constant 1 : i32
    %dma_start3A_30 = arith.constant 0 : i32
    %dma_start3A_31 = tpu.memref_slice %arg4[%add3A, %dma_start3A_29, %dma_start3A_30] : memref<32x125x80xi32, #tpu.memory_space<hbm>> -> memref<1x1x80xi32, #tpu.memory_space<hbm>>
    %dma_start3A_32 = tpu.memref_squeeze %dma_start3A_31 : memref<1x1x80xi32, #tpu.memory_space<hbm>> -> memref<1x80xi32, #tpu.memory_space<hbm>>
    %dma_start3A_33 = arith.constant 1 : i32
    %dma_start3A_34 = arith.constant 0 : i32
    %dma_start3A_35 = tpu.memref_slice %arg8[%dma_start3A_33, %dma_start3A_34] : memref<3x80xi32, #tpu.memory_space<vmem>> -> memref<1x80xi32, #tpu.memory_space<vmem>>
    %dma_start3A_36 = arith.constant 1 : i32
    %dma_start3A_37 = arith.constant 0 : i32
    %dma_start3A_38 = tpu.memref_slice %arg4[%add3A, %dma_start3A_36, %dma_start3A_37] : memref<32x125x80xi32, #tpu.memory_space<hbm>> -> memref<1x1x80xi32, #tpu.memory_space<hbm>>
    %dma_start3A_39 = tpu.memref_squeeze %dma_start3A_38 : memref<1x1x80xi32, #tpu.memory_space<hbm>> -> memref<1x80xi32, #tpu.memory_space<hbm>>
    tpu.enqueue_dma source(%dma_start3A_39 : memref<1x80xi32, #tpu.memory_space<hbm>>) target(%dma_start3A_35 : memref<1x80xi32, #tpu.memory_space<vmem>>) target_semaphore(%arg16 : memref<!tpu.dma_semaphore, #tpu.memory_space<semaphore_mem>>)
    %dma_start3A_40 = arith.constant 1 : i32
    %dma_start3A_41 = arith.constant 0 : i32
    %dma_start3A_42 = arith.constant 0 : i32
    %dma_start3A_43 = tpu.memref_slice %arg9[%dma_start3A_40, %dma_start3A_41, %dma_start3A_42] : memref<3x80x128xf32, #tpu.memory_space<vmem>> -> memref<1x80x128xf32, #tpu.memory_space<vmem>>
    %dma_start3A_44 = tpu.memref_squeeze %dma_start3A_43 : memref<1x80x128xf32, #tpu.memory_space<vmem>> -> memref<80x128xf32, #tpu.memory_space<vmem>>
    %dma_start3A_45 = arith.constant 80 : i32
    %dma_start3A_46 = tpu.memref_slice %arg7[%dma_start3A_45] : memref<10000xi32, #tpu.memory_space<vmem>> -> memref<80xi32, #tpu.memory_space<vmem>>
    %dma_start3A_47 = arith.constant 0 : i32
    %dma_start3A_48 = arith.constant 0 : i32
    %dma_start3A_49 = tpu.memref_slice %arg2[%dma_start3A_47, %dma_start3A_48] : memref<10240x128xf32, #tpu.memory_space<hbm>> -> memref<10240x128xf32, #tpu.memory_space<hbm>>
    tpu.enqueue_indirect_dma source(%dma_start3A_49 : memref<10240x128xf32, #tpu.memory_space<hbm>>) target(%dma_start3A_44 : memref<80x128xf32, #tpu.memory_space<vmem>>) offsets(%dma_start3A_46 : memref<80xi32, #tpu.memory_space<vmem>>) semaphore(%arg13 : memref<!tpu.dma_semaphore, #tpu.memory_space<semaphore_mem>>)
    "tpu.region"() ({
      %run_scoped3A = tpu.sem_alloc : memref<!tpu.dma_semaphore, #tpu.memory_space<semaphore_mem>>
      tpu.enqueue_dma source(%arg5 : memref<40x128xf32, #tpu.memory_space<hbm>>) target(%arg10 : memref<40x128xf32, #tpu.memory_space<vmem>>) target_semaphore(%run_scoped3A : memref<!tpu.dma_semaphore, #tpu.memory_space<semaphore_mem>>)
      tpu.wait_dma2 semaphore(%run_scoped3A : memref<!tpu.dma_semaphore, #tpu.memory_space<semaphore_mem>>) src(%arg5 : memref<40x128xf32, #tpu.memory_space<hbm>>) dst(%arg10 : memref<40x128xf32, #tpu.memory_space<vmem>>)
      tpu.yield
    }) : () -> ()
    %add3A_50 = arith.constant 0 : i32
    %add3A_51 = arith.addi %mul3A_2, %add3A_50 : i32
    %dma_start3A_52 = arith.constant 0 : i32
    %dma_start3A_53 = tpu.memref_slice %arg11[%add3A_51, %dma_start3A_52] : memref<10240x128xf32, #tpu.memory_space<vmem_shared>> -> memref<40x128xf32, #tpu.memory_space<vmem_shared>>
    %dma_start3A_54 = arith.constant 0 : i32
    %dma_start3A_55 = tpu.memref_slice %arg11[%add3A_51, %dma_start3A_54] : memref<10240x128xf32, #tpu.memory_space<vmem_shared>> -> memref<40x128xf32, #tpu.memory_space<vmem_shared>>
    tpu.enqueue_dma source(%arg10 : memref<40x128xf32, #tpu.memory_space<vmem>>) target(%dma_start3A_55 : memref<40x128xf32, #tpu.memory_space<vmem_shared>>) target_semaphore(%arg21 : memref<!tpu.dma_semaphore, #tpu.memory_space<semaphore_mem>>)
    %add3A_56 = arith.constant 40 : i32
    %add3A_57 = arith.addi %mul3A_2, %add3A_56 : i32
    %dma_start3A_58 = arith.constant 0 : i32
    %dma_start3A_59 = tpu.memref_slice %arg11[%add3A_57, %dma_start3A_58] : memref<10240x128xf32, #tpu.memory_space<vmem_shared>> -> memref<40x128xf32, #tpu.memory_space<vmem_shared>>
    %dma_start3A_60 = arith.constant 0 : i32
    %dma_start3A_61 = tpu.memref_slice %arg11[%add3A_57, %dma_start3A_60] : memref<10240x128xf32, #tpu.memory_space<vmem_shared>> -> memref<40x128xf32, #tpu.memory_space<vmem_shared>>
    tpu.enqueue_dma source(%arg10 : memref<40x128xf32, #tpu.memory_space<vmem>>) target(%dma_start3A_61 : memref<40x128xf32, #tpu.memory_space<vmem_shared>>) target_semaphore(%arg21 : memref<!tpu.dma_semaphore, #tpu.memory_space<semaphore_mem>>)
    %add3A_62 = arith.constant 80 : i32
    %add3A_63 = arith.addi %mul3A_2, %add3A_62 : i32
    %dma_start3A_64 = arith.constant 0 : i32
    %dma_start3A_65 = tpu.memref_slice %arg11[%add3A_63, %dma_start3A_64] : memref<10240x128xf32, #tpu.memory_space<vmem_shared>> -> memref<40x128xf32, #tpu.memory_space<vmem_shared>>
    %dma_start3A_66 = arith.constant 0 : i32
    %dma_start3A_67 = tpu.memref_slice %arg11[%add3A_63, %dma_start3A_66] : memref<10240x128xf32, #tpu.memory_space<vmem_shared>> -> memref<40x128xf32, #tpu.memory_space<vmem_shared>>
    tpu.enqueue_dma source(%arg10 : memref<40x128xf32, #tpu.memory_space<vmem>>) target(%dma_start3A_67 : memref<40x128xf32, #tpu.memory_space<vmem_shared>>) target_semaphore(%arg21 : memref<!tpu.dma_semaphore, #tpu.memory_space<semaphore_mem>>)
    %add3A_68 = arith.constant 120 : i32
    %add3A_69 = arith.addi %mul3A_2, %add3A_68 : i32
    %dma_start3A_70 = arith.constant 0 : i32
    %dma_start3A_71 = tpu.memref_slice %arg11[%add3A_69, %dma_start3A_70] : memref<10240x128xf32, #tpu.memory_space<vmem_shared>> -> memref<40x128xf32, #tpu.memory_space<vmem_shared>>
    %dma_start3A_72 = arith.constant 0 : i32
    %dma_start3A_73 = tpu.memref_slice %arg11[%add3A_69, %dma_start3A_72] : memref<10240x128xf32, #tpu.memory_space<vmem_shared>> -> memref<40x128xf32, #tpu.memory_space<vmem_shared>>
    tpu.enqueue_dma source(%arg10 : memref<40x128xf32, #tpu.memory_space<vmem>>) target(%dma_start3A_73 : memref<40x128xf32, #tpu.memory_space<vmem_shared>>) target_semaphore(%arg21 : memref<!tpu.dma_semaphore, #tpu.memory_space<semaphore_mem>>)
    %add3A_74 = arith.constant 160 : i32
    %add3A_75 = arith.addi %mul3A_2, %add3A_74 : i32
    %dma_start3A_76 = arith.constant 0 : i32
    %dma_start3A_77 = tpu.memref_slice %arg11[%add3A_75, %dma_start3A_76] : memref<10240x128xf32, #tpu.memory_space<vmem_shared>> -> memref<40x128xf32, #tpu.memory_space<vmem_shared>>
    %dma_start3A_78 = arith.constant 0 : i32
    %dma_start3A_79 = tpu.memref_slice %arg11[%add3A_75, %dma_start3A_78] : memref<10240x128xf32, #tpu.memory_space<vmem_shared>> -> memref<40x128xf32, #tpu.memory_space<vmem_shared>>
    tpu.enqueue_dma source(%arg10 : memref<40x128xf32, #tpu.memory_space<vmem>>) target(%dma_start3A_79 : memref<40x128xf32, #tpu.memory_space<vmem_shared>>) target_semaphore(%arg21 : memref<!tpu.dma_semaphore, #tpu.memory_space<semaphore_mem>>)
    %add3A_80 = arith.constant 200 : i32
    %add3A_81 = arith.addi %mul3A_2, %add3A_80 : i32
    %dma_start3A_82 = arith.constant 0 : i32
    %dma_start3A_83 = tpu.memref_slice %arg11[%add3A_81, %dma_start3A_82] : memref<10240x128xf32, #tpu.memory_space<vmem_shared>> -> memref<40x128xf32, #tpu.memory_space<vmem_shared>>
    %dma_start3A_84 = arith.constant 0 : i32
    %dma_start3A_85 = tpu.memref_slice %arg11[%add3A_81, %dma_start3A_84] : memref<10240x128xf32, #tpu.memory_space<vmem_shared>> -> memref<40x128xf32, #tpu.memory_space<vmem_shared>>
    tpu.enqueue_dma source(%arg10 : memref<40x128xf32, #tpu.memory_space<vmem>>) target(%dma_start3A_85 : memref<40x128xf32, #tpu.memory_space<vmem_shared>>) target_semaphore(%arg21 : memref<!tpu.dma_semaphore, #tpu.memory_space<semaphore_mem>>)
    %add3A_86 = arith.constant 240 : i32
    %add3A_87 = arith.addi %mul3A_2, %add3A_86 : i32
    %dma_start3A_88 = arith.constant 0 : i32
    %dma_start3A_89 = tpu.memref_slice %arg11[%add3A_87, %dma_start3A_88] : memref<10240x128xf32, #tpu.memory_space<vmem_shared>> -> memref<40x128xf32, #tpu.memory_space<vmem_shared>>
    %dma_start3A_90 = arith.constant 0 : i32
    %dma_start3A_91 = tpu.memref_slice %arg11[%add3A_87, %dma_start3A_90] : memref<10240x128xf32, #tpu.memory_space<vmem_shared>> -> memref<40x128xf32, #tpu.memory_space<vmem_shared>>
    tpu.enqueue_dma source(%arg10 : memref<40x128xf32, #tpu.memory_space<vmem>>) target(%dma_start3A_91 : memref<40x128xf32, #tpu.memory_space<vmem_shared>>) target_semaphore(%arg21 : memref<!tpu.dma_semaphore, #tpu.memory_space<semaphore_mem>>)
    %add3A_92 = arith.constant 280 : i32
    %add3A_93 = arith.addi %mul3A_2, %add3A_92 : i32
    %dma_start3A_94 = arith.constant 0 : i32
    %dma_start3A_95 = tpu.memref_slice %arg11[%add3A_93, %dma_start3A_94] : memref<10240x128xf32, #tpu.memory_space<vmem_shared>> -> memref<40x128xf32, #tpu.memory_space<vmem_shared>>
    %dma_start3A_96 = arith.constant 0 : i32
    %dma_start3A_97 = tpu.memref_slice %arg11[%add3A_93, %dma_start3A_96] : memref<10240x128xf32, #tpu.memory_space<vmem_shared>> -> memref<40x128xf32, #tpu.memory_space<vmem_shared>>
    tpu.enqueue_dma source(%arg10 : memref<40x128xf32, #tpu.memory_space<vmem>>) target(%dma_start3A_97 : memref<40x128xf32, #tpu.memory_space<vmem_shared>>) target_semaphore(%arg21 : memref<!tpu.dma_semaphore, #tpu.memory_space<semaphore_mem>>)
    %add3A_98 = arith.constant 320 : i32
    %add3A_99 = arith.addi %mul3A_2, %add3A_98 : i32
    %dma_start3A_100 = arith.constant 0 : i32
    %dma_start3A_101 = tpu.memref_slice %arg11[%add3A_99, %dma_start3A_100] : memref<10240x128xf32, #tpu.memory_space<vmem_shared>> -> memref<40x128xf32, #tpu.memory_space<vmem_shared>>
    %dma_start3A_102 = arith.constant 0 : i32
    %dma_start3A_103 = tpu.memref_slice %arg11[%add3A_99, %dma_start3A_102] : memref<10240x128xf32, #tpu.memory_space<vmem_shared>> -> memref<40x128xf32, #tpu.memory_space<vmem_shared>>
    tpu.enqueue_dma source(%arg10 : memref<40x128xf32, #tpu.memory_space<vmem>>) target(%dma_start3A_103 : memref<40x128xf32, #tpu.memory_space<vmem_shared>>) target_semaphore(%arg21 : memref<!tpu.dma_semaphore, #tpu.memory_space<semaphore_mem>>)
    %add3A_104 = arith.constant 360 : i32
    %add3A_105 = arith.addi %mul3A_2, %add3A_104 : i32
    %dma_start3A_106 = arith.constant 0 : i32
    %dma_start3A_107 = tpu.memref_slice %arg11[%add3A_105, %dma_start3A_106] : memref<10240x128xf32, #tpu.memory_space<vmem_shared>> -> memref<40x128xf32, #tpu.memory_space<vmem_shared>>
    %dma_start3A_108 = arith.constant 0 : i32
    %dma_start3A_109 = tpu.memref_slice %arg11[%add3A_105, %dma_start3A_108] : memref<10240x128xf32, #tpu.memory_space<vmem_shared>> -> memref<40x128xf32, #tpu.memory_space<vmem_shared>>
    tpu.enqueue_dma source(%arg10 : memref<40x128xf32, #tpu.memory_space<vmem>>) target(%dma_start3A_109 : memref<40x128xf32, #tpu.memory_space<vmem_shared>>) target_semaphore(%arg21 : memref<!tpu.dma_semaphore, #tpu.memory_space<semaphore_mem>>)
    %add3A_110 = arith.constant 400 : i32
    %add3A_111 = arith.addi %mul3A_2, %add3A_110 : i32
    %dma_start3A_112 = arith.constant 0 : i32
    %dma_start3A_113 = tpu.memref_slice %arg11[%add3A_111, %dma_start3A_112] : memref<10240x128xf32, #tpu.memory_space<vmem_shared>> -> memref<40x128xf32, #tpu.memory_space<vmem_shared>>
    %dma_start3A_114 = arith.constant 0 : i32
    %dma_start3A_115 = tpu.memref_slice %arg11[%add3A_111, %dma_start3A_114] : memref<10240x128xf32, #tpu.memory_space<vmem_shared>> -> memref<40x128xf32, #tpu.memory_space<vmem_shared>>
    tpu.enqueue_dma source(%arg10 : memref<40x128xf32, #tpu.memory_space<vmem>>) target(%dma_start3A_115 : memref<40x128xf32, #tpu.memory_space<vmem_shared>>) target_semaphore(%arg21 : memref<!tpu.dma_semaphore, #tpu.memory_space<semaphore_mem>>)
    %add3A_116 = arith.constant 440 : i32
    %add3A_117 = arith.addi %mul3A_2, %add3A_116 : i32
    %dma_start3A_118 = arith.constant 0 : i32
    %dma_start3A_119 = tpu.memref_slice %arg11[%add3A_117, %dma_start3A_118] : memref<10240x128xf32, #tpu.memory_space<vmem_shared>> -> memref<40x128xf32, #tpu.memory_space<vmem_shared>>
    %dma_start3A_120 = arith.constant 0 : i32
    %dma_start3A_121 = tpu.memref_slice %arg11[%add3A_117, %dma_start3A_120] : memref<10240x128xf32, #tpu.memory_space<vmem_shared>> -> memref<40x128xf32, #tpu.memory_space<vmem_shared>>
    tpu.enqueue_dma source(%arg10 : memref<40x128xf32, #tpu.memory_space<vmem>>) target(%dma_start3A_121 : memref<40x128xf32, #tpu.memory_space<vmem_shared>>) target_semaphore(%arg21 : memref<!tpu.dma_semaphore, #tpu.memory_space<semaphore_mem>>)
    %add3A_122 = arith.constant 480 : i32
    %add3A_123 = arith.addi %mul3A_2, %add3A_122 : i32
    %dma_start3A_124 = arith.constant 0 : i32
    %dma_start3A_125 = tpu.memref_slice %arg11[%add3A_123, %dma_start3A_124] : memref<10240x128xf32, #tpu.memory_space<vmem_shared>> -> memref<40x128xf32, #tpu.memory_space<vmem_shared>>
    %dma_start3A_126 = arith.constant 0 : i32
    %dma_start3A_127 = tpu.memref_slice %arg11[%add3A_123, %dma_start3A_126] : memref<10240x128xf32, #tpu.memory_space<vmem_shared>> -> memref<40x128xf32, #tpu.memory_space<vmem_shared>>
    tpu.enqueue_dma source(%arg10 : memref<40x128xf32, #tpu.memory_space<vmem>>) target(%dma_start3A_127 : memref<40x128xf32, #tpu.memory_space<vmem_shared>>) target_semaphore(%arg21 : memref<!tpu.dma_semaphore, #tpu.memory_space<semaphore_mem>>)
    %add3A_128 = arith.constant 520 : i32
    %add3A_129 = arith.addi %mul3A_2, %add3A_128 : i32
    %dma_start3A_130 = arith.constant 0 : i32
    %dma_start3A_131 = tpu.memref_slice %arg11[%add3A_129, %dma_start3A_130] : memref<10240x128xf32, #tpu.memory_space<vmem_shared>> -> memref<40x128xf32, #tpu.memory_space<vmem_shared>>
    %dma_start3A_132 = arith.constant 0 : i32
    %dma_start3A_133 = tpu.memref_slice %arg11[%add3A_129, %dma_start3A_132] : memref<10240x128xf32, #tpu.memory_space<vmem_shared>> -> memref<40x128xf32, #tpu.memory_space<vmem_shared>>
    tpu.enqueue_dma source(%arg10 : memref<40x128xf32, #tpu.memory_space<vmem>>) target(%dma_start3A_133 : memref<40x128xf32, #tpu.memory_space<vmem_shared>>) target_semaphore(%arg21 : memref<!tpu.dma_semaphore, #tpu.memory_space<semaphore_mem>>)
    %add3A_134 = arith.constant 560 : i32
    %add3A_135 = arith.addi %mul3A_2, %add3A_134 : i32
    %dma_start3A_136 = arith.constant 0 : i32
    %dma_start3A_137 = tpu.memref_slice %arg11[%add3A_135, %dma_start3A_136] : memref<10240x128xf32, #tpu.memory_space<vmem_shared>> -> memref<40x128xf32, #tpu.memory_space<vmem_shared>>
    %dma_start3A_138 = arith.constant 0 : i32
    %dma_start3A_139 = tpu.memref_slice %arg11[%add3A_135, %dma_start3A_138] : memref<10240x128xf32, #tpu.memory_space<vmem_shared>> -> memref<40x128xf32, #tpu.memory_space<vmem_shared>>
    tpu.enqueue_dma source(%arg10 : memref<40x128xf32, #tpu.memory_space<vmem>>) target(%dma_start3A_139 : memref<40x128xf32, #tpu.memory_space<vmem_shared>>) target_semaphore(%arg21 : memref<!tpu.dma_semaphore, #tpu.memory_space<semaphore_mem>>)
    %add3A_140 = arith.constant 600 : i32
    %add3A_141 = arith.addi %mul3A_2, %add3A_140 : i32
    %dma_start3A_142 = arith.constant 0 : i32
    %dma_start3A_143 = tpu.memref_slice %arg11[%add3A_141, %dma_start3A_142] : memref<10240x128xf32, #tpu.memory_space<vmem_shared>> -> memref<40x128xf32, #tpu.memory_space<vmem_shared>>
    %dma_start3A_144 = arith.constant 0 : i32
    %dma_start3A_145 = tpu.memref_slice %arg11[%add3A_141, %dma_start3A_144] : memref<10240x128xf32, #tpu.memory_space<vmem_shared>> -> memref<40x128xf32, #tpu.memory_space<vmem_shared>>
    tpu.enqueue_dma source(%arg10 : memref<40x128xf32, #tpu.memory_space<vmem>>) target(%dma_start3A_145 : memref<40x128xf32, #tpu.memory_space<vmem_shared>>) target_semaphore(%arg21 : memref<!tpu.dma_semaphore, #tpu.memory_space<semaphore_mem>>)
    %add3A_146 = arith.constant 0 : i32
    %add3A_147 = arith.addi %mul3A_2, %add3A_146 : i32
    %dma_wait3A = arith.constant 0 : i32
    %dma_wait3A_148 = tpu.memref_slice %arg11[%add3A_147, %dma_wait3A] : memref<10240x128xf32, #tpu.memory_space<vmem_shared>> -> memref<40x128xf32, #tpu.memory_space<vmem_shared>>
    %dma_wait3A_149 = arith.constant 0 : i32
    %dma_wait3A_150 = tpu.memref_slice %arg11[%add3A_147, %dma_wait3A_149] : memref<10240x128xf32, #tpu.memory_space<vmem_shared>> -> memref<40x128xf32, #tpu.memory_space<vmem_shared>>
    tpu.wait_dma2 semaphore(%arg21 : memref<!tpu.dma_semaphore, #tpu.memory_space<semaphore_mem>>) src(%arg10 : memref<40x128xf32, #tpu.memory_space<vmem>>) dst(%dma_wait3A_150 : memref<40x128xf32, #tpu.memory_space<vmem_shared>>)
    %add3A_151 = arith.constant 40 : i32
    %add3A_152 = arith.addi %mul3A_2, %add3A_151 : i32
    %dma_wait3A_153 = arith.constant 0 : i32
    %dma_wait3A_154 = tpu.memref_slice %arg11[%add3A_152, %dma_wait3A_153] : memref<10240x128xf32, #tpu.memory_space<vmem_shared>> -> memref<40x128xf32, #tpu.memory_space<vmem_shared>>
    %dma_wait3A_155 = arith.constant 0 : i32
    %dma_wait3A_156 = tpu.memref_slice %arg11[%add3A_152, %dma_wait3A_155] : memref<10240x128xf32, #tpu.memory_space<vmem_shared>> -> memref<40x128xf32, #tpu.memory_space<vmem_shared>>
    tpu.wait_dma2 semaphore(%arg21 : memref<!tpu.dma_semaphore, #tpu.memory_space<semaphore_mem>>) src(%arg10 : memref<40x128xf32, #tpu.memory_space<vmem>>) dst(%dma_wait3A_156 : memref<40x128xf32, #tpu.memory_space<vmem_shared>>)
    %add3A_157 = arith.constant 80 : i32
    %add3A_158 = arith.addi %mul3A_2, %add3A_157 : i32
    %dma_wait3A_159 = arith.constant 0 : i32
    %dma_wait3A_160 = tpu.memref_slice %arg11[%add3A_158, %dma_wait3A_159] : memref<10240x128xf32, #tpu.memory_space<vmem_shared>> -> memref<40x128xf32, #tpu.memory_space<vmem_shared>>
    %dma_wait3A_161 = arith.constant 0 : i32
    %dma_wait3A_162 = tpu.memref_slice %arg11[%add3A_158, %dma_wait3A_161] : memref<10240x128xf32, #tpu.memory_space<vmem_shared>> -> memref<40x128xf32, #tpu.memory_space<vmem_shared>>
    tpu.wait_dma2 semaphore(%arg21 : memref<!tpu.dma_semaphore, #tpu.memory_space<semaphore_mem>>) src(%arg10 : memref<40x128xf32, #tpu.memory_space<vmem>>) dst(%dma_wait3A_162 : memref<40x128xf32, #tpu.memory_space<vmem_shared>>)
    %add3A_163 = arith.constant 120 : i32
    %add3A_164 = arith.addi %mul3A_2, %add3A_163 : i32
    %dma_wait3A_165 = arith.constant 0 : i32
    %dma_wait3A_166 = tpu.memref_slice %arg11[%add3A_164, %dma_wait3A_165] : memref<10240x128xf32, #tpu.memory_space<vmem_shared>> -> memref<40x128xf32, #tpu.memory_space<vmem_shared>>
    %dma_wait3A_167 = arith.constant 0 : i32
    %dma_wait3A_168 = tpu.memref_slice %arg11[%add3A_164, %dma_wait3A_167] : memref<10240x128xf32, #tpu.memory_space<vmem_shared>> -> memref<40x128xf32, #tpu.memory_space<vmem_shared>>
    tpu.wait_dma2 semaphore(%arg21 : memref<!tpu.dma_semaphore, #tpu.memory_space<semaphore_mem>>) src(%arg10 : memref<40x128xf32, #tpu.memory_space<vmem>>) dst(%dma_wait3A_168 : memref<40x128xf32, #tpu.memory_space<vmem_shared>>)
    %add3A_169 = arith.constant 160 : i32
    %add3A_170 = arith.addi %mul3A_2, %add3A_169 : i32
    %dma_wait3A_171 = arith.constant 0 : i32
    %dma_wait3A_172 = tpu.memref_slice %arg11[%add3A_170, %dma_wait3A_171] : memref<10240x128xf32, #tpu.memory_space<vmem_shared>> -> memref<40x128xf32, #tpu.memory_space<vmem_shared>>
    %dma_wait3A_173 = arith.constant 0 : i32
    %dma_wait3A_174 = tpu.memref_slice %arg11[%add3A_170, %dma_wait3A_173] : memref<10240x128xf32, #tpu.memory_space<vmem_shared>> -> memref<40x128xf32, #tpu.memory_space<vmem_shared>>
    tpu.wait_dma2 semaphore(%arg21 : memref<!tpu.dma_semaphore, #tpu.memory_space<semaphore_mem>>) src(%arg10 : memref<40x128xf32, #tpu.memory_space<vmem>>) dst(%dma_wait3A_174 : memref<40x128xf32, #tpu.memory_space<vmem_shared>>)
    %add3A_175 = arith.constant 200 : i32
    %add3A_176 = arith.addi %mul3A_2, %add3A_175 : i32
    %dma_wait3A_177 = arith.constant 0 : i32
    %dma_wait3A_178 = tpu.memref_slice %arg11[%add3A_176, %dma_wait3A_177] : memref<10240x128xf32, #tpu.memory_space<vmem_shared>> -> memref<40x128xf32, #tpu.memory_space<vmem_shared>>
    %dma_wait3A_179 = arith.constant 0 : i32
    %dma_wait3A_180 = tpu.memref_slice %arg11[%add3A_176, %dma_wait3A_179] : memref<10240x128xf32, #tpu.memory_space<vmem_shared>> -> memref<40x128xf32, #tpu.memory_space<vmem_shared>>
    tpu.wait_dma2 semaphore(%arg21 : memref<!tpu.dma_semaphore, #tpu.memory_space<semaphore_mem>>) src(%arg10 : memref<40x128xf32, #tpu.memory_space<vmem>>) dst(%dma_wait3A_180 : memref<40x128xf32, #tpu.memory_space<vmem_shared>>)
    %add3A_181 = arith.constant 240 : i32
    %add3A_182 = arith.addi %mul3A_2, %add3A_181 : i32
    %dma_wait3A_183 = arith.constant 0 : i32
    %dma_wait3A_184 = tpu.memref_slice %arg11[%add3A_182, %dma_wait3A_183] : memref<10240x128xf32, #tpu.memory_space<vmem_shared>> -> memref<40x128xf32, #tpu.memory_space<vmem_shared>>
    %dma_wait3A_185 = arith.constant 0 : i32
    %dma_wait3A_186 = tpu.memref_slice %arg11[%add3A_182, %dma_wait3A_185] : memref<10240x128xf32, #tpu.memory_space<vmem_shared>> -> memref<40x128xf32, #tpu.memory_space<vmem_shared>>
    tpu.wait_dma2 semaphore(%arg21 : memref<!tpu.dma_semaphore, #tpu.memory_space<semaphore_mem>>) src(%arg10 : memref<40x128xf32, #tpu.memory_space<vmem>>) dst(%dma_wait3A_186 : memref<40x128xf32, #tpu.memory_space<vmem_shared>>)
    %add3A_187 = arith.constant 280 : i32
    %add3A_188 = arith.addi %mul3A_2, %add3A_187 : i32
    %dma_wait3A_189 = arith.constant 0 : i32
    %dma_wait3A_190 = tpu.memref_slice %arg11[%add3A_188, %dma_wait3A_189] : memref<10240x128xf32, #tpu.memory_space<vmem_shared>> -> memref<40x128xf32, #tpu.memory_space<vmem_shared>>
    %dma_wait3A_191 = arith.constant 0 : i32
    %dma_wait3A_192 = tpu.memref_slice %arg11[%add3A_188, %dma_wait3A_191] : memref<10240x128xf32, #tpu.memory_space<vmem_shared>> -> memref<40x128xf32, #tpu.memory_space<vmem_shared>>
    tpu.wait_dma2 semaphore(%arg21 : memref<!tpu.dma_semaphore, #tpu.memory_space<semaphore_mem>>) src(%arg10 : memref<40x128xf32, #tpu.memory_space<vmem>>) dst(%dma_wait3A_192 : memref<40x128xf32, #tpu.memory_space<vmem_shared>>)
    %add3A_193 = arith.constant 320 : i32
    %add3A_194 = arith.addi %mul3A_2, %add3A_193 : i32
    %dma_wait3A_195 = arith.constant 0 : i32
    %dma_wait3A_196 = tpu.memref_slice %arg11[%add3A_194, %dma_wait3A_195] : memref<10240x128xf32, #tpu.memory_space<vmem_shared>> -> memref<40x128xf32, #tpu.memory_space<vmem_shared>>
    %dma_wait3A_197 = arith.constant 0 : i32
    %dma_wait3A_198 = tpu.memref_slice %arg11[%add3A_194, %dma_wait3A_197] : memref<10240x128xf32, #tpu.memory_space<vmem_shared>> -> memref<40x128xf32, #tpu.memory_space<vmem_shared>>
    tpu.wait_dma2 semaphore(%arg21 : memref<!tpu.dma_semaphore, #tpu.memory_space<semaphore_mem>>) src(%arg10 : memref<40x128xf32, #tpu.memory_space<vmem>>) dst(%dma_wait3A_198 : memref<40x128xf32, #tpu.memory_space<vmem_shared>>)
    %add3A_199 = arith.constant 360 : i32
    %add3A_200 = arith.addi %mul3A_2, %add3A_199 : i32
    %dma_wait3A_201 = arith.constant 0 : i32
    %dma_wait3A_202 = tpu.memref_slice %arg11[%add3A_200, %dma_wait3A_201] : memref<10240x128xf32, #tpu.memory_space<vmem_shared>> -> memref<40x128xf32, #tpu.memory_space<vmem_shared>>
    %dma_wait3A_203 = arith.constant 0 : i32
    %dma_wait3A_204 = tpu.memref_slice %arg11[%add3A_200, %dma_wait3A_203] : memref<10240x128xf32, #tpu.memory_space<vmem_shared>> -> memref<40x128xf32, #tpu.memory_space<vmem_shared>>
    tpu.wait_dma2 semaphore(%arg21 : memref<!tpu.dma_semaphore, #tpu.memory_space<semaphore_mem>>) src(%arg10 : memref<40x128xf32, #tpu.memory_space<vmem>>) dst(%dma_wait3A_204 : memref<40x128xf32, #tpu.memory_space<vmem_shared>>)
    %add3A_205 = arith.constant 400 : i32
    %add3A_206 = arith.addi %mul3A_2, %add3A_205 : i32
    %dma_wait3A_207 = arith.constant 0 : i32
    %dma_wait3A_208 = tpu.memref_slice %arg11[%add3A_206, %dma_wait3A_207] : memref<10240x128xf32, #tpu.memory_space<vmem_shared>> -> memref<40x128xf32, #tpu.memory_space<vmem_shared>>
    %dma_wait3A_209 = arith.constant 0 : i32
    %dma_wait3A_210 = tpu.memref_slice %arg11[%add3A_206, %dma_wait3A_209] : memref<10240x128xf32, #tpu.memory_space<vmem_shared>> -> memref<40x128xf32, #tpu.memory_space<vmem_shared>>
    tpu.wait_dma2 semaphore(%arg21 : memref<!tpu.dma_semaphore, #tpu.memory_space<semaphore_mem>>) src(%arg10 : memref<40x128xf32, #tpu.memory_space<vmem>>) dst(%dma_wait3A_210 : memref<40x128xf32, #tpu.memory_space<vmem_shared>>)
    %add3A_211 = arith.constant 440 : i32
    %add3A_212 = arith.addi %mul3A_2, %add3A_211 : i32
    %dma_wait3A_213 = arith.constant 0 : i32
    %dma_wait3A_214 = tpu.memref_slice %arg11[%add3A_212, %dma_wait3A_213] : memref<10240x128xf32, #tpu.memory_space<vmem_shared>> -> memref<40x128xf32, #tpu.memory_space<vmem_shared>>
    %dma_wait3A_215 = arith.constant 0 : i32
    %dma_wait3A_216 = tpu.memref_slice %arg11[%add3A_212, %dma_wait3A_215] : memref<10240x128xf32, #tpu.memory_space<vmem_shared>> -> memref<40x128xf32, #tpu.memory_space<vmem_shared>>
    tpu.wait_dma2 semaphore(%arg21 : memref<!tpu.dma_semaphore, #tpu.memory_space<semaphore_mem>>) src(%arg10 : memref<40x128xf32, #tpu.memory_space<vmem>>) dst(%dma_wait3A_216 : memref<40x128xf32, #tpu.memory_space<vmem_shared>>)
    %add3A_217 = arith.constant 480 : i32
    %add3A_218 = arith.addi %mul3A_2, %add3A_217 : i32
    %dma_wait3A_219 = arith.constant 0 : i32
    %dma_wait3A_220 = tpu.memref_slice %arg11[%add3A_218, %dma_wait3A_219] : memref<10240x128xf32, #tpu.memory_space<vmem_shared>> -> memref<40x128xf32, #tpu.memory_space<vmem_shared>>
    %dma_wait3A_221 = arith.constant 0 : i32
    %dma_wait3A_222 = tpu.memref_slice %arg11[%add3A_218, %dma_wait3A_221] : memref<10240x128xf32, #tpu.memory_space<vmem_shared>> -> memref<40x128xf32, #tpu.memory_space<vmem_shared>>
    tpu.wait_dma2 semaphore(%arg21 : memref<!tpu.dma_semaphore, #tpu.memory_space<semaphore_mem>>) src(%arg10 : memref<40x128xf32, #tpu.memory_space<vmem>>) dst(%dma_wait3A_222 : memref<40x128xf32, #tpu.memory_space<vmem_shared>>)
    %add3A_223 = arith.constant 520 : i32
    %add3A_224 = arith.addi %mul3A_2, %add3A_223 : i32
    %dma_wait3A_225 = arith.constant 0 : i32
    %dma_wait3A_226 = tpu.memref_slice %arg11[%add3A_224, %dma_wait3A_225] : memref<10240x128xf32, #tpu.memory_space<vmem_shared>> -> memref<40x128xf32, #tpu.memory_space<vmem_shared>>
    %dma_wait3A_227 = arith.constant 0 : i32
    %dma_wait3A_228 = tpu.memref_slice %arg11[%add3A_224, %dma_wait3A_227] : memref<10240x128xf32, #tpu.memory_space<vmem_shared>> -> memref<40x128xf32, #tpu.memory_space<vmem_shared>>
    tpu.wait_dma2 semaphore(%arg21 : memref<!tpu.dma_semaphore, #tpu.memory_space<semaphore_mem>>) src(%arg10 : memref<40x128xf32, #tpu.memory_space<vmem>>) dst(%dma_wait3A_228 : memref<40x128xf32, #tpu.memory_space<vmem_shared>>)
    %add3A_229 = arith.constant 560 : i32
    %add3A_230 = arith.addi %mul3A_2, %add3A_229 : i32
    %dma_wait3A_231 = arith.constant 0 : i32
    %dma_wait3A_232 = tpu.memref_slice %arg11[%add3A_230, %dma_wait3A_231] : memref<10240x128xf32, #tpu.memory_space<vmem_shared>> -> memref<40x128xf32, #tpu.memory_space<vmem_shared>>
    %dma_wait3A_233 = arith.constant 0 : i32
    %dma_wait3A_234 = tpu.memref_slice %arg11[%add3A_230, %dma_wait3A_233] : memref<10240x128xf32, #tpu.memory_space<vmem_shared>> -> memref<40x128xf32, #tpu.memory_space<vmem_shared>>
    tpu.wait_dma2 semaphore(%arg21 : memref<!tpu.dma_semaphore, #tpu.memory_space<semaphore_mem>>) src(%arg10 : memref<40x128xf32, #tpu.memory_space<vmem>>) dst(%dma_wait3A_234 : memref<40x128xf32, #tpu.memory_space<vmem_shared>>)
    %add3A_235 = arith.constant 600 : i32
    %add3A_236 = arith.addi %mul3A_2, %add3A_235 : i32
    %dma_wait3A_237 = arith.constant 0 : i32
    %dma_wait3A_238 = tpu.memref_slice %arg11[%add3A_236, %dma_wait3A_237] : memref<10240x128xf32, #tpu.memory_space<vmem_shared>> -> memref<40x128xf32, #tpu.memory_space<vmem_shared>>
    %dma_wait3A_239 = arith.constant 0 : i32
    %dma_wait3A_240 = tpu.memref_slice %arg11[%add3A_236, %dma_wait3A_239] : memref<10240x128xf32, #tpu.memory_space<vmem_shared>> -> memref<40x128xf32, #tpu.memory_space<vmem_shared>>
    tpu.wait_dma2 semaphore(%arg21 : memref<!tpu.dma_semaphore, #tpu.memory_space<semaphore_mem>>) src(%arg10 : memref<40x128xf32, #tpu.memory_space<vmem>>) dst(%dma_wait3A_240 : memref<40x128xf32, #tpu.memory_space<vmem_shared>>)
    %barrier3A = arith.constant 0 : index
    tpu.barrier barrier_id(%barrier3A)
    %scan3A = arith.constant 0 : i32
    %scan3A_241 = arith.constant 0 : i32
    %scan3A_242 = arith.constant 41 : i32
    %scan3A_243 = arith.addi %scan3A_241, %scan3A_242 : i32
    %scan3A_244 = arith.constant 1 : i32
    scf.for %scan3A_358 = %scan3A_241 to %scan3A_243 step %scan3A_244  : i32 {
      %mul3A_359 = arith.constant 3 : i32
      %mul3A_360 = arith.muli %mul3A_359, %scan3A_358 : i32
      %add3A_361 = arith.constant 0 : i32
      %add3A_362 = arith.addi %mul3A_360, %add3A_361 : i32
      %ge3A = arith.constant 1 : i32
      %ge3A_363 = arith.cmpi sge, %add3A_362, %ge3A : i32
      %convert_element_type3A = arith.extui %ge3A_363 : i1 to i32
      %cond3A = arith.constant 0 : i32
      %cond3A_364 = arith.cmpi ne, %convert_element_type3A, %cond3A : i32
      scf.if %cond3A_364 {
        %dma_wait3A_563 = arith.constant 2 : i32
        %dma_wait3A_564 = arith.constant 2 : i32
        %dma_wait3A_565 = arith.constant 0 : i32
        %dma_wait3A_566 = arith.constant 0 : i32
        %dma_wait3A_567 = tpu.memref_slice %arg9[%dma_wait3A_563, %dma_wait3A_565, %dma_wait3A_566] : memref<3x80x128xf32, #tpu.memory_space<vmem>> -> memref<1x80x128xf32, #tpu.memory_space<vmem>>
        %dma_wait3A_568 = tpu.memref_squeeze %dma_wait3A_567 : memref<1x80x128xf32, #tpu.memory_space<vmem>> -> memref<80x128xf32, #tpu.memory_space<vmem>>
        %dma_wait3A_569 = arith.constant 0 : i32
        %dma_wait3A_570 = tpu.memref_slice %arg8[%dma_wait3A_564, %dma_wait3A_569] : memref<3x80xi32, #tpu.memory_space<vmem>> -> memref<1x80xi32, #tpu.memory_space<vmem>>
        %dma_wait3A_571 = tpu.memref_squeeze %dma_wait3A_570 : memref<1x80xi32, #tpu.memory_space<vmem>> -> memref<80xi32, #tpu.memory_space<vmem>>
        %dma_wait3A_572 = arith.constant 0 : i32
        %dma_wait3A_573 = arith.constant 0 : i32
        %dma_wait3A_574 = tpu.memref_slice %arg11[%dma_wait3A_572, %dma_wait3A_573] : memref<10240x128xf32, #tpu.memory_space<vmem_shared>> -> memref<10240x128xf32, #tpu.memory_space<vmem_shared>>
        tpu.wait_indirect_dma semaphore(%arg20 : memref<!tpu.dma_semaphore, #tpu.memory_space<semaphore_mem>>) src(%dma_wait3A_568 : memref<80x128xf32, #tpu.memory_space<vmem>>) dst(%dma_wait3A_574 : memref<10240x128xf32, #tpu.memory_space<vmem_shared>>)
      } else {
      }
      %add3A_365 = arith.constant 2 : i32
      %add3A_366 = arith.addi %add3A_362, %add3A_365 : i32
      %dma_start3A_367 = arith.constant 2 : i32
      %dma_start3A_368 = arith.constant 0 : i32
      %dma_start3A_369 = tpu.memref_slice %arg8[%dma_start3A_367, %dma_start3A_368] : memref<3x80xi32, #tpu.memory_space<vmem>> -> memref<1x80xi32, #tpu.memory_space<vmem>>
      %dma_start3A_370 = arith.constant 0 : i32
      %dma_start3A_371 = tpu.memref_slice %arg4[%add3A, %add3A_366, %dma_start3A_370] : memref<32x125x80xi32, #tpu.memory_space<hbm>> -> memref<1x1x80xi32, #tpu.memory_space<hbm>>
      %dma_start3A_372 = tpu.memref_squeeze %dma_start3A_371 : memref<1x1x80xi32, #tpu.memory_space<hbm>> -> memref<1x80xi32, #tpu.memory_space<hbm>>
      %dma_start3A_373 = arith.constant 2 : i32
      %dma_start3A_374 = arith.constant 0 : i32
      %dma_start3A_375 = tpu.memref_slice %arg8[%dma_start3A_373, %dma_start3A_374] : memref<3x80xi32, #tpu.memory_space<vmem>> -> memref<1x80xi32, #tpu.memory_space<vmem>>
      %dma_start3A_376 = arith.constant 0 : i32
      %dma_start3A_377 = tpu.memref_slice %arg4[%add3A, %add3A_366, %dma_start3A_376] : memref<32x125x80xi32, #tpu.memory_space<hbm>> -> memref<1x1x80xi32, #tpu.memory_space<hbm>>
      %dma_start3A_378 = tpu.memref_squeeze %dma_start3A_377 : memref<1x1x80xi32, #tpu.memory_space<hbm>> -> memref<1x80xi32, #tpu.memory_space<hbm>>
      tpu.enqueue_dma source(%dma_start3A_378 : memref<1x80xi32, #tpu.memory_space<hbm>>) target(%dma_start3A_375 : memref<1x80xi32, #tpu.memory_space<vmem>>) target_semaphore(%arg17 : memref<!tpu.dma_semaphore, #tpu.memory_space<semaphore_mem>>)
      %mul3A_379 = arith.constant 80 : i32
      %mul3A_380 = arith.muli %add3A_366, %mul3A_379 : i32
      %dma_start3A_381 = arith.constant 2 : i32
      %dma_start3A_382 = arith.constant 0 : i32
      %dma_start3A_383 = arith.constant 0 : i32
      %dma_start3A_384 = tpu.memref_slice %arg9[%dma_start3A_381, %dma_start3A_382, %dma_start3A_383] : memref<3x80x128xf32, #tpu.memory_space<vmem>> -> memref<1x80x128xf32, #tpu.memory_space<vmem>>
      %dma_start3A_385 = tpu.memref_squeeze %dma_start3A_384 : memref<1x80x128xf32, #tpu.memory_space<vmem>> -> memref<80x128xf32, #tpu.memory_space<vmem>>
      %dma_start3A_386 = tpu.memref_slice %arg7[%mul3A_380] : memref<10000xi32, #tpu.memory_space<vmem>> -> memref<80xi32, #tpu.memory_space<vmem>>
      %dma_start3A_387 = arith.constant 0 : i32
      %dma_start3A_388 = arith.constant 0 : i32
      %dma_start3A_389 = tpu.memref_slice %arg2[%dma_start3A_387, %dma_start3A_388] : memref<10240x128xf32, #tpu.memory_space<hbm>> -> memref<10240x128xf32, #tpu.memory_space<hbm>>
      tpu.enqueue_indirect_dma source(%dma_start3A_389 : memref<10240x128xf32, #tpu.memory_space<hbm>>) target(%dma_start3A_385 : memref<80x128xf32, #tpu.memory_space<vmem>>) offsets(%dma_start3A_386 : memref<80xi32, #tpu.memory_space<vmem>>) semaphore(%arg14 : memref<!tpu.dma_semaphore, #tpu.memory_space<semaphore_mem>>)
      %dma_wait3A_390 = arith.constant 0 : i32
      %dma_wait3A_391 = arith.constant 0 : i32
      %dma_wait3A_392 = tpu.memref_slice %arg8[%dma_wait3A_390, %dma_wait3A_391] : memref<3x80xi32, #tpu.memory_space<vmem>> -> memref<1x80xi32, #tpu.memory_space<vmem>>
      %dma_wait3A_393 = arith.constant 0 : i32
      %dma_wait3A_394 = tpu.memref_slice %arg4[%add3A, %add3A_362, %dma_wait3A_393] : memref<32x125x80xi32, #tpu.memory_space<hbm>> -> memref<1x1x80xi32, #tpu.memory_space<hbm>>
      %dma_wait3A_395 = tpu.memref_squeeze %dma_wait3A_394 : memref<1x1x80xi32, #tpu.memory_space<hbm>> -> memref<1x80xi32, #tpu.memory_space<hbm>>
      %dma_wait3A_396 = arith.constant 0 : i32
      %dma_wait3A_397 = arith.constant 0 : i32
      %dma_wait3A_398 = tpu.memref_slice %arg8[%dma_wait3A_396, %dma_wait3A_397] : memref<3x80xi32, #tpu.memory_space<vmem>> -> memref<1x80xi32, #tpu.memory_space<vmem>>
      %dma_wait3A_399 = arith.constant 0 : i32
      %dma_wait3A_400 = tpu.memref_slice %arg4[%add3A, %add3A_362, %dma_wait3A_399] : memref<32x125x80xi32, #tpu.memory_space<hbm>> -> memref<1x1x80xi32, #tpu.memory_space<hbm>>
      %dma_wait3A_401 = tpu.memref_squeeze %dma_wait3A_400 : memref<1x1x80xi32, #tpu.memory_space<hbm>> -> memref<1x80xi32, #tpu.memory_space<hbm>>
      tpu.wait_dma2 semaphore(%arg15 : memref<!tpu.dma_semaphore, #tpu.memory_space<semaphore_mem>>) src(%dma_wait3A_401 : memref<1x80xi32, #tpu.memory_space<hbm>>) dst(%dma_wait3A_398 : memref<1x80xi32, #tpu.memory_space<vmem>>)
      %mul3A_402 = arith.constant 80 : i32
      %mul3A_403 = arith.muli %add3A_362, %mul3A_402 : i32
      %dma_wait3A_404 = arith.constant 0 : i32
      %dma_wait3A_405 = arith.constant 0 : i32
      %dma_wait3A_406 = arith.constant 0 : i32
      %dma_wait3A_407 = tpu.memref_slice %arg9[%dma_wait3A_404, %dma_wait3A_405, %dma_wait3A_406] : memref<3x80x128xf32, #tpu.memory_space<vmem>> -> memref<1x80x128xf32, #tpu.memory_space<vmem>>
      %dma_wait3A_408 = tpu.memref_squeeze %dma_wait3A_407 : memref<1x80x128xf32, #tpu.memory_space<vmem>> -> memref<80x128xf32, #tpu.memory_space<vmem>>
      %dma_wait3A_409 = tpu.memref_slice %arg7[%mul3A_403] : memref<10000xi32, #tpu.memory_space<vmem>> -> memref<80xi32, #tpu.memory_space<vmem>>
      %dma_wait3A_410 = arith.constant 0 : i32
      %dma_wait3A_411 = arith.constant 0 : i32
      %dma_wait3A_412 = tpu.memref_slice %arg2[%dma_wait3A_410, %dma_wait3A_411] : memref<10240x128xf32, #tpu.memory_space<hbm>> -> memref<10240x128xf32, #tpu.memory_space<hbm>>
      tpu.wait_indirect_dma semaphore(%arg12 : memref<!tpu.dma_semaphore, #tpu.memory_space<semaphore_mem>>) src(%dma_wait3A_412 : memref<10240x128xf32, #tpu.memory_space<hbm>>) dst(%dma_wait3A_408 : memref<80x128xf32, #tpu.memory_space<vmem>>)
      %dma_start3A_413 = arith.constant 0 : i32
      %dma_start3A_414 = arith.constant 0 : i32
      %dma_start3A_415 = arith.constant 0 : i32
      %dma_start3A_416 = arith.constant 0 : i32
      %dma_start3A_417 = tpu.memref_slice %arg9[%dma_start3A_413, %dma_start3A_415, %dma_start3A_416] : memref<3x80x128xf32, #tpu.memory_space<vmem>> -> memref<1x80x128xf32, #tpu.memory_space<vmem>>
      %dma_start3A_418 = tpu.memref_squeeze %dma_start3A_417 : memref<1x80x128xf32, #tpu.memory_space<vmem>> -> memref<80x128xf32, #tpu.memory_space<vmem>>
      %dma_start3A_419 = arith.constant 0 : i32
      %dma_start3A_420 = tpu.memref_slice %arg8[%dma_start3A_414, %dma_start3A_419] : memref<3x80xi32, #tpu.memory_space<vmem>> -> memref<1x80xi32, #tpu.memory_space<vmem>>
      %dma_start3A_421 = tpu.memref_squeeze %dma_start3A_420 : memref<1x80xi32, #tpu.memory_space<vmem>> -> memref<80xi32, #tpu.memory_space<vmem>>
      %dma_start3A_422 = arith.constant 0 : i32
      %dma_start3A_423 = arith.constant 0 : i32
      %dma_start3A_424 = tpu.memref_slice %arg11[%dma_start3A_422, %dma_start3A_423] : memref<10240x128xf32, #tpu.memory_space<vmem_shared>> -> memref<10240x128xf32, #tpu.memory_space<vmem_shared>>
      tpu.enqueue_indirect_dma source(%dma_start3A_418 : memref<80x128xf32, #tpu.memory_space<vmem>>) target(%dma_start3A_424 : memref<10240x128xf32, #tpu.memory_space<vmem_shared>>) offsets(%dma_start3A_421 : memref<80xi32, #tpu.memory_space<vmem>>) semaphore(%arg18 : memref<!tpu.dma_semaphore, #tpu.memory_space<semaphore_mem>>) {add = true}
      %mul3A_425 = arith.constant 3 : i32
      %mul3A_426 = arith.muli %mul3A_425, %scan3A_358 : i32
      %add3A_427 = arith.constant 1 : i32
      %add3A_428 = arith.addi %mul3A_426, %add3A_427 : i32
      %ge3A_429 = arith.constant 1 : i32
      %ge3A_430 = arith.cmpi sge, %add3A_428, %ge3A_429 : i32
      %convert_element_type3A_431 = arith.extui %ge3A_430 : i1 to i32
      %cond3A_432 = arith.constant 0 : i32
      %cond3A_433 = arith.cmpi ne, %convert_element_type3A_431, %cond3A_432 : i32
      scf.if %cond3A_433 {
        %dma_wait3A_563 = arith.constant 0 : i32
        %dma_wait3A_564 = arith.constant 0 : i32
        %dma_wait3A_565 = arith.constant 0 : i32
        %dma_wait3A_566 = arith.constant 0 : i32
        %dma_wait3A_567 = tpu.memref_slice %arg9[%dma_wait3A_563, %dma_wait3A_565, %dma_wait3A_566] : memref<3x80x128xf32, #tpu.memory_space<vmem>> -> memref<1x80x128xf32, #tpu.memory_space<vmem>>
        %dma_wait3A_568 = tpu.memref_squeeze %dma_wait3A_567 : memref<1x80x128xf32, #tpu.memory_space<vmem>> -> memref<80x128xf32, #tpu.memory_space<vmem>>
        %dma_wait3A_569 = arith.constant 0 : i32
        %dma_wait3A_570 = tpu.memref_slice %arg8[%dma_wait3A_564, %dma_wait3A_569] : memref<3x80xi32, #tpu.memory_space<vmem>> -> memref<1x80xi32, #tpu.memory_space<vmem>>
        %dma_wait3A_571 = tpu.memref_squeeze %dma_wait3A_570 : memref<1x80xi32, #tpu.memory_space<vmem>> -> memref<80xi32, #tpu.memory_space<vmem>>
        %dma_wait3A_572 = arith.constant 0 : i32
        %dma_wait3A_573 = arith.constant 0 : i32
        %dma_wait3A_574 = tpu.memref_slice %arg11[%dma_wait3A_572, %dma_wait3A_573] : memref<10240x128xf32, #tpu.memory_space<vmem_shared>> -> memref<10240x128xf32, #tpu.memory_space<vmem_shared>>
        tpu.wait_indirect_dma semaphore(%arg18 : memref<!tpu.dma_semaphore, #tpu.memory_space<semaphore_mem>>) src(%dma_wait3A_568 : memref<80x128xf32, #tpu.memory_space<vmem>>) dst(%dma_wait3A_574 : memref<10240x128xf32, #tpu.memory_space<vmem_shared>>)
      } else {
      }
      %add3A_434 = arith.constant 2 : i32
      %add3A_435 = arith.addi %add3A_428, %add3A_434 : i32
      %dma_start3A_436 = arith.constant 0 : i32
      %dma_start3A_437 = arith.constant 0 : i32
      %dma_start3A_438 = tpu.memref_slice %arg8[%dma_start3A_436, %dma_start3A_437] : memref<3x80xi32, #tpu.memory_space<vmem>> -> memref<1x80xi32, #tpu.memory_space<vmem>>
      %dma_start3A_439 = arith.constant 0 : i32
      %dma_start3A_440 = tpu.memref_slice %arg4[%add3A, %add3A_435, %dma_start3A_439] : memref<32x125x80xi32, #tpu.memory_space<hbm>> -> memref<1x1x80xi32, #tpu.memory_space<hbm>>
      %dma_start3A_441 = tpu.memref_squeeze %dma_start3A_440 : memref<1x1x80xi32, #tpu.memory_space<hbm>> -> memref<1x80xi32, #tpu.memory_space<hbm>>
      %dma_start3A_442 = arith.constant 0 : i32
      %dma_start3A_443 = arith.constant 0 : i32
      %dma_start3A_444 = tpu.memref_slice %arg8[%dma_start3A_442, %dma_start3A_443] : memref<3x80xi32, #tpu.memory_space<vmem>> -> memref<1x80xi32, #tpu.memory_space<vmem>>
      %dma_start3A_445 = arith.constant 0 : i32
      %dma_start3A_446 = tpu.memref_slice %arg4[%add3A, %add3A_435, %dma_start3A_445] : memref<32x125x80xi32, #tpu.memory_space<hbm>> -> memref<1x1x80xi32, #tpu.memory_space<hbm>>
      %dma_start3A_447 = tpu.memref_squeeze %dma_start3A_446 : memref<1x1x80xi32, #tpu.memory_space<hbm>> -> memref<1x80xi32, #tpu.memory_space<hbm>>
      tpu.enqueue_dma source(%dma_start3A_447 : memref<1x80xi32, #tpu.memory_space<hbm>>) target(%dma_start3A_444 : memref<1x80xi32, #tpu.memory_space<vmem>>) target_semaphore(%arg15 : memref<!tpu.dma_semaphore, #tpu.memory_space<semaphore_mem>>)
      %mul3A_448 = arith.constant 80 : i32
      %mul3A_449 = arith.muli %add3A_435, %mul3A_448 : i32
      %dma_start3A_450 = arith.constant 0 : i32
      %dma_start3A_451 = arith.constant 0 : i32
      %dma_start3A_452 = arith.constant 0 : i32
      %dma_start3A_453 = tpu.memref_slice %arg9[%dma_start3A_450, %dma_start3A_451, %dma_start3A_452] : memref<3x80x128xf32, #tpu.memory_space<vmem>> -> memref<1x80x128xf32, #tpu.memory_space<vmem>>
      %dma_start3A_454 = tpu.memref_squeeze %dma_start3A_453 : memref<1x80x128xf32, #tpu.memory_space<vmem>> -> memref<80x128xf32, #tpu.memory_space<vmem>>
      %dma_start3A_455 = tpu.memref_slice %arg7[%mul3A_449] : memref<10000xi32, #tpu.memory_space<vmem>> -> memref<80xi32, #tpu.memory_space<vmem>>
      %dma_start3A_456 = arith.constant 0 : i32
      %dma_start3A_457 = arith.constant 0 : i32
      %dma_start3A_458 = tpu.memref_slice %arg2[%dma_start3A_456, %dma_start3A_457] : memref<10240x128xf32, #tpu.memory_space<hbm>> -> memref<10240x128xf32, #tpu.memory_space<hbm>>
      tpu.enqueue_indirect_dma source(%dma_start3A_458 : memref<10240x128xf32, #tpu.memory_space<hbm>>) target(%dma_start3A_454 : memref<80x128xf32, #tpu.memory_space<vmem>>) offsets(%dma_start3A_455 : memref<80xi32, #tpu.memory_space<vmem>>) semaphore(%arg12 : memref<!tpu.dma_semaphore, #tpu.memory_space<semaphore_mem>>)
      %dma_wait3A_459 = arith.constant 1 : i32
      %dma_wait3A_460 = arith.constant 0 : i32
      %dma_wait3A_461 = tpu.memref_slice %arg8[%dma_wait3A_459, %dma_wait3A_460] : memref<3x80xi32, #tpu.memory_space<vmem>> -> memref<1x80xi32, #tpu.memory_space<vmem>>
      %dma_wait3A_462 = arith.constant 0 : i32
      %dma_wait3A_463 = tpu.memref_slice %arg4[%add3A, %add3A_428, %dma_wait3A_462] : memref<32x125x80xi32, #tpu.memory_space<hbm>> -> memref<1x1x80xi32, #tpu.memory_space<hbm>>
      %dma_wait3A_464 = tpu.memref_squeeze %dma_wait3A_463 : memref<1x1x80xi32, #tpu.memory_space<hbm>> -> memref<1x80xi32, #tpu.memory_space<hbm>>
      %dma_wait3A_465 = arith.constant 1 : i32
      %dma_wait3A_466 = arith.constant 0 : i32
      %dma_wait3A_467 = tpu.memref_slice %arg8[%dma_wait3A_465, %dma_wait3A_466] : memref<3x80xi32, #tpu.memory_space<vmem>> -> memref<1x80xi32, #tpu.memory_space<vmem>>
      %dma_wait3A_468 = arith.constant 0 : i32
      %dma_wait3A_469 = tpu.memref_slice %arg4[%add3A, %add3A_428, %dma_wait3A_468] : memref<32x125x80xi32, #tpu.memory_space<hbm>> -> memref<1x1x80xi32, #tpu.memory_space<hbm>>
      %dma_wait3A_470 = tpu.memref_squeeze %dma_wait3A_469 : memref<1x1x80xi32, #tpu.memory_space<hbm>> -> memref<1x80xi32, #tpu.memory_space<hbm>>
      tpu.wait_dma2 semaphore(%arg16 : memref<!tpu.dma_semaphore, #tpu.memory_space<semaphore_mem>>) src(%dma_wait3A_470 : memref<1x80xi32, #tpu.memory_space<hbm>>) dst(%dma_wait3A_467 : memref<1x80xi32, #tpu.memory_space<vmem>>)
      %mul3A_471 = arith.constant 80 : i32
      %mul3A_472 = arith.muli %add3A_428, %mul3A_471 : i32
      %dma_wait3A_473 = arith.constant 1 : i32
      %dma_wait3A_474 = arith.constant 0 : i32
      %dma_wait3A_475 = arith.constant 0 : i32
      %dma_wait3A_476 = tpu.memref_slice %arg9[%dma_wait3A_473, %dma_wait3A_474, %dma_wait3A_475] : memref<3x80x128xf32, #tpu.memory_space<vmem>> -> memref<1x80x128xf32, #tpu.memory_space<vmem>>
      %dma_wait3A_477 = tpu.memref_squeeze %dma_wait3A_476 : memref<1x80x128xf32, #tpu.memory_space<vmem>> -> memref<80x128xf32, #tpu.memory_space<vmem>>
      %dma_wait3A_478 = tpu.memref_slice %arg7[%mul3A_472] : memref<10000xi32, #tpu.memory_space<vmem>> -> memref<80xi32, #tpu.memory_space<vmem>>
      %dma_wait3A_479 = arith.constant 0 : i32
      %dma_wait3A_480 = arith.constant 0 : i32
      %dma_wait3A_481 = tpu.memref_slice %arg2[%dma_wait3A_479, %dma_wait3A_480] : memref<10240x128xf32, #tpu.memory_space<hbm>> -> memref<10240x128xf32, #tpu.memory_space<hbm>>
      tpu.wait_indirect_dma semaphore(%arg13 : memref<!tpu.dma_semaphore, #tpu.memory_space<semaphore_mem>>) src(%dma_wait3A_481 : memref<10240x128xf32, #tpu.memory_space<hbm>>) dst(%dma_wait3A_477 : memref<80x128xf32, #tpu.memory_space<vmem>>)
      %dma_start3A_482 = arith.constant 1 : i32
      %dma_start3A_483 = arith.constant 1 : i32
      %dma_start3A_484 = arith.constant 0 : i32
      %dma_start3A_485 = arith.constant 0 : i32
      %dma_start3A_486 = tpu.memref_slice %arg9[%dma_start3A_482, %dma_start3A_484, %dma_start3A_485] : memref<3x80x128xf32, #tpu.memory_space<vmem>> -> memref<1x80x128xf32, #tpu.memory_space<vmem>>
      %dma_start3A_487 = tpu.memref_squeeze %dma_start3A_486 : memref<1x80x128xf32, #tpu.memory_space<vmem>> -> memref<80x128xf32, #tpu.memory_space<vmem>>
      %dma_start3A_488 = arith.constant 0 : i32
      %dma_start3A_489 = tpu.memref_slice %arg8[%dma_start3A_483, %dma_start3A_488] : memref<3x80xi32, #tpu.memory_space<vmem>> -> memref<1x80xi32, #tpu.memory_space<vmem>>
      %dma_start3A_490 = tpu.memref_squeeze %dma_start3A_489 : memref<1x80xi32, #tpu.memory_space<vmem>> -> memref<80xi32, #tpu.memory_space<vmem>>
      %dma_start3A_491 = arith.constant 0 : i32
      %dma_start3A_492 = arith.constant 0 : i32
      %dma_start3A_493 = tpu.memref_slice %arg11[%dma_start3A_491, %dma_start3A_492] : memref<10240x128xf32, #tpu.memory_space<vmem_shared>> -> memref<10240x128xf32, #tpu.memory_space<vmem_shared>>
      tpu.enqueue_indirect_dma source(%dma_start3A_487 : memref<80x128xf32, #tpu.memory_space<vmem>>) target(%dma_start3A_493 : memref<10240x128xf32, #tpu.memory_space<vmem_shared>>) offsets(%dma_start3A_490 : memref<80xi32, #tpu.memory_space<vmem>>) semaphore(%arg19 : memref<!tpu.dma_semaphore, #tpu.memory_space<semaphore_mem>>) {add = true}
      %mul3A_494 = arith.constant 3 : i32
      %mul3A_495 = arith.muli %mul3A_494, %scan3A_358 : i32
      %add3A_496 = arith.constant 2 : i32
      %add3A_497 = arith.addi %mul3A_495, %add3A_496 : i32
      %ge3A_498 = arith.constant 1 : i32
      %ge3A_499 = arith.cmpi sge, %add3A_497, %ge3A_498 : i32
      %convert_element_type3A_500 = arith.extui %ge3A_499 : i1 to i32
      %cond3A_501 = arith.constant 0 : i32
      %cond3A_502 = arith.cmpi ne, %convert_element_type3A_500, %cond3A_501 : i32
      scf.if %cond3A_502 {
        %dma_wait3A_563 = arith.constant 1 : i32
        %dma_wait3A_564 = arith.constant 1 : i32
        %dma_wait3A_565 = arith.constant 0 : i32
        %dma_wait3A_566 = arith.constant 0 : i32
        %dma_wait3A_567 = tpu.memref_slice %arg9[%dma_wait3A_563, %dma_wait3A_565, %dma_wait3A_566] : memref<3x80x128xf32, #tpu.memory_space<vmem>> -> memref<1x80x128xf32, #tpu.memory_space<vmem>>
        %dma_wait3A_568 = tpu.memref_squeeze %dma_wait3A_567 : memref<1x80x128xf32, #tpu.memory_space<vmem>> -> memref<80x128xf32, #tpu.memory_space<vmem>>
        %dma_wait3A_569 = arith.constant 0 : i32
        %dma_wait3A_570 = tpu.memref_slice %arg8[%dma_wait3A_564, %dma_wait3A_569] : memref<3x80xi32, #tpu.memory_space<vmem>> -> memref<1x80xi32, #tpu.memory_space<vmem>>
        %dma_wait3A_571 = tpu.memref_squeeze %dma_wait3A_570 : memref<1x80xi32, #tpu.memory_space<vmem>> -> memref<80xi32, #tpu.memory_space<vmem>>
        %dma_wait3A_572 = arith.constant 0 : i32
        %dma_wait3A_573 = arith.constant 0 : i32
        %dma_wait3A_574 = tpu.memref_slice %arg11[%dma_wait3A_572, %dma_wait3A_573] : memref<10240x128xf32, #tpu.memory_space<vmem_shared>> -> memref<10240x128xf32, #tpu.memory_space<vmem_shared>>
        tpu.wait_indirect_dma semaphore(%arg19 : memref<!tpu.dma_semaphore, #tpu.memory_space<semaphore_mem>>) src(%dma_wait3A_568 : memref<80x128xf32, #tpu.memory_space<vmem>>) dst(%dma_wait3A_574 : memref<10240x128xf32, #tpu.memory_space<vmem_shared>>)
      } else {
      }
      %add3A_503 = arith.constant 2 : i32
      %add3A_504 = arith.addi %add3A_497, %add3A_503 : i32
      %dma_start3A_505 = arith.constant 1 : i32
      %dma_start3A_506 = arith.constant 0 : i32
      %dma_start3A_507 = tpu.memref_slice %arg8[%dma_start3A_505, %dma_start3A_506] : memref<3x80xi32, #tpu.memory_space<vmem>> -> memref<1x80xi32, #tpu.memory_space<vmem>>
      %dma_start3A_508 = arith.constant 0 : i32
      %dma_start3A_509 = tpu.memref_slice %arg4[%add3A, %add3A_504, %dma_start3A_508] : memref<32x125x80xi32, #tpu.memory_space<hbm>> -> memref<1x1x80xi32, #tpu.memory_space<hbm>>
      %dma_start3A_510 = tpu.memref_squeeze %dma_start3A_509 : memref<1x1x80xi32, #tpu.memory_space<hbm>> -> memref<1x80xi32, #tpu.memory_space<hbm>>
      %dma_start3A_511 = arith.constant 1 : i32
      %dma_start3A_512 = arith.constant 0 : i32
      %dma_start3A_513 = tpu.memref_slice %arg8[%dma_start3A_511, %dma_start3A_512] : memref<3x80xi32, #tpu.memory_space<vmem>> -> memref<1x80xi32, #tpu.memory_space<vmem>>
      %dma_start3A_514 = arith.constant 0 : i32
      %dma_start3A_515 = tpu.memref_slice %arg4[%add3A, %add3A_504, %dma_start3A_514] : memref<32x125x80xi32, #tpu.memory_space<hbm>> -> memref<1x1x80xi32, #tpu.memory_space<hbm>>
      %dma_start3A_516 = tpu.memref_squeeze %dma_start3A_515 : memref<1x1x80xi32, #tpu.memory_space<hbm>> -> memref<1x80xi32, #tpu.memory_space<hbm>>
      tpu.enqueue_dma source(%dma_start3A_516 : memref<1x80xi32, #tpu.memory_space<hbm>>) target(%dma_start3A_513 : memref<1x80xi32, #tpu.memory_space<vmem>>) target_semaphore(%arg16 : memref<!tpu.dma_semaphore, #tpu.memory_space<semaphore_mem>>)
      %mul3A_517 = arith.constant 80 : i32
      %mul3A_518 = arith.muli %add3A_504, %mul3A_517 : i32
      %dma_start3A_519 = arith.constant 1 : i32
      %dma_start3A_520 = arith.constant 0 : i32
      %dma_start3A_521 = arith.constant 0 : i32
      %dma_start3A_522 = tpu.memref_slice %arg9[%dma_start3A_519, %dma_start3A_520, %dma_start3A_521] : memref<3x80x128xf32, #tpu.memory_space<vmem>> -> memref<1x80x128xf32, #tpu.memory_space<vmem>>
      %dma_start3A_523 = tpu.memref_squeeze %dma_start3A_522 : memref<1x80x128xf32, #tpu.memory_space<vmem>> -> memref<80x128xf32, #tpu.memory_space<vmem>>
      %dma_start3A_524 = tpu.memref_slice %arg7[%mul3A_518] : memref<10000xi32, #tpu.memory_space<vmem>> -> memref<80xi32, #tpu.memory_space<vmem>>
      %dma_start3A_525 = arith.constant 0 : i32
      %dma_start3A_526 = arith.constant 0 : i32
      %dma_start3A_527 = tpu.memref_slice %arg2[%dma_start3A_525, %dma_start3A_526] : memref<10240x128xf32, #tpu.memory_space<hbm>> -> memref<10240x128xf32, #tpu.memory_space<hbm>>
      tpu.enqueue_indirect_dma source(%dma_start3A_527 : memref<10240x128xf32, #tpu.memory_space<hbm>>) target(%dma_start3A_523 : memref<80x128xf32, #tpu.memory_space<vmem>>) offsets(%dma_start3A_524 : memref<80xi32, #tpu.memory_space<vmem>>) semaphore(%arg13 : memref<!tpu.dma_semaphore, #tpu.memory_space<semaphore_mem>>)
      %dma_wait3A_528 = arith.constant 2 : i32
      %dma_wait3A_529 = arith.constant 0 : i32
      %dma_wait3A_530 = tpu.memref_slice %arg8[%dma_wait3A_528, %dma_wait3A_529] : memref<3x80xi32, #tpu.memory_space<vmem>> -> memref<1x80xi32, #tpu.memory_space<vmem>>
      %dma_wait3A_531 = arith.constant 0 : i32
      %dma_wait3A_532 = tpu.memref_slice %arg4[%add3A, %add3A_497, %dma_wait3A_531] : memref<32x125x80xi32, #tpu.memory_space<hbm>> -> memref<1x1x80xi32, #tpu.memory_space<hbm>>
      %dma_wait3A_533 = tpu.memref_squeeze %dma_wait3A_532 : memref<1x1x80xi32, #tpu.memory_space<hbm>> -> memref<1x80xi32, #tpu.memory_space<hbm>>
      %dma_wait3A_534 = arith.constant 2 : i32
      %dma_wait3A_535 = arith.constant 0 : i32
      %dma_wait3A_536 = tpu.memref_slice %arg8[%dma_wait3A_534, %dma_wait3A_535] : memref<3x80xi32, #tpu.memory_space<vmem>> -> memref<1x80xi32, #tpu.memory_space<vmem>>
      %dma_wait3A_537 = arith.constant 0 : i32
      %dma_wait3A_538 = tpu.memref_slice %arg4[%add3A, %add3A_497, %dma_wait3A_537] : memref<32x125x80xi32, #tpu.memory_space<hbm>> -> memref<1x1x80xi32, #tpu.memory_space<hbm>>
      %dma_wait3A_539 = tpu.memref_squeeze %dma_wait3A_538 : memref<1x1x80xi32, #tpu.memory_space<hbm>> -> memref<1x80xi32, #tpu.memory_space<hbm>>
      tpu.wait_dma2 semaphore(%arg17 : memref<!tpu.dma_semaphore, #tpu.memory_space<semaphore_mem>>) src(%dma_wait3A_539 : memref<1x80xi32, #tpu.memory_space<hbm>>) dst(%dma_wait3A_536 : memref<1x80xi32, #tpu.memory_space<vmem>>)
      %mul3A_540 = arith.constant 80 : i32
      %mul3A_541 = arith.muli %add3A_497, %mul3A_540 : i32
      %dma_wait3A_542 = arith.constant 2 : i32
      %dma_wait3A_543 = arith.constant 0 : i32
      %dma_wait3A_544 = arith.constant 0 : i32
      %dma_wait3A_545 = tpu.memref_slice %arg9[%dma_wait3A_542, %dma_wait3A_543, %dma_wait3A_544] : memref<3x80x128xf32, #tpu.memory_space<vmem>> -> memref<1x80x128xf32, #tpu.memory_space<vmem>>
      %dma_wait3A_546 = tpu.memref_squeeze %dma_wait3A_545 : memref<1x80x128xf32, #tpu.memory_space<vmem>> -> memref<80x128xf32, #tpu.memory_space<vmem>>
      %dma_wait3A_547 = tpu.memref_slice %arg7[%mul3A_541] : memref<10000xi32, #tpu.memory_space<vmem>> -> memref<80xi32, #tpu.memory_space<vmem>>
      %dma_wait3A_548 = arith.constant 0 : i32
      %dma_wait3A_549 = arith.constant 0 : i32
      %dma_wait3A_550 = tpu.memref_slice %arg2[%dma_wait3A_548, %dma_wait3A_549] : memref<10240x128xf32, #tpu.memory_space<hbm>> -> memref<10240x128xf32, #tpu.memory_space<hbm>>
      tpu.wait_indirect_dma semaphore(%arg14 : memref<!tpu.dma_semaphore, #tpu.memory_space<semaphore_mem>>) src(%dma_wait3A_550 : memref<10240x128xf32, #tpu.memory_space<hbm>>) dst(%dma_wait3A_546 : memref<80x128xf32, #tpu.memory_space<vmem>>)
      %dma_start3A_551 = arith.constant 2 : i32
      %dma_start3A_552 = arith.constant 2 : i32
      %dma_start3A_553 = arith.constant 0 : i32
      %dma_start3A_554 = arith.constant 0 : i32
      %dma_start3A_555 = tpu.memref_slice %arg9[%dma_start3A_551, %dma_start3A_553, %dma_start3A_554] : memref<3x80x128xf32, #tpu.memory_space<vmem>> -> memref<1x80x128xf32, #tpu.memory_space<vmem>>
      %dma_start3A_556 = tpu.memref_squeeze %dma_start3A_555 : memref<1x80x128xf32, #tpu.memory_space<vmem>> -> memref<80x128xf32, #tpu.memory_space<vmem>>
      %dma_start3A_557 = arith.constant 0 : i32
      %dma_start3A_558 = tpu.memref_slice %arg8[%dma_start3A_552, %dma_start3A_557] : memref<3x80xi32, #tpu.memory_space<vmem>> -> memref<1x80xi32, #tpu.memory_space<vmem>>
      %dma_start3A_559 = tpu.memref_squeeze %dma_start3A_558 : memref<1x80xi32, #tpu.memory_space<vmem>> -> memref<80xi32, #tpu.memory_space<vmem>>
      %dma_start3A_560 = arith.constant 0 : i32
      %dma_start3A_561 = arith.constant 0 : i32
      %dma_start3A_562 = tpu.memref_slice %arg11[%dma_start3A_560, %dma_start3A_561] : memref<10240x128xf32, #tpu.memory_space<vmem_shared>> -> memref<10240x128xf32, #tpu.memory_space<vmem_shared>>
      tpu.enqueue_indirect_dma source(%dma_start3A_556 : memref<80x128xf32, #tpu.memory_space<vmem>>) target(%dma_start3A_562 : memref<10240x128xf32, #tpu.memory_space<vmem_shared>>) offsets(%dma_start3A_559 : memref<80xi32, #tpu.memory_space<vmem>>) semaphore(%arg20 : memref<!tpu.dma_semaphore, #tpu.memory_space<semaphore_mem>>) {add = true}
    }
    %scan3A_245 = arith.constant 41 : i32
    %dma_wait3A_246 = arith.constant 2 : i32
    %dma_wait3A_247 = arith.constant 2 : i32
    %dma_wait3A_248 = arith.constant 0 : i32
    %dma_wait3A_249 = arith.constant 0 : i32
    %dma_wait3A_250 = tpu.memref_slice %arg9[%dma_wait3A_246, %dma_wait3A_248, %dma_wait3A_249] : memref<3x80x128xf32, #tpu.memory_space<vmem>> -> memref<1x80x128xf32, #tpu.memory_space<vmem>>
    %dma_wait3A_251 = tpu.memref_squeeze %dma_wait3A_250 : memref<1x80x128xf32, #tpu.memory_space<vmem>> -> memref<80x128xf32, #tpu.memory_space<vmem>>
    %dma_wait3A_252 = arith.constant 0 : i32
    %dma_wait3A_253 = tpu.memref_slice %arg8[%dma_wait3A_247, %dma_wait3A_252] : memref<3x80xi32, #tpu.memory_space<vmem>> -> memref<1x80xi32, #tpu.memory_space<vmem>>
    %dma_wait3A_254 = tpu.memref_squeeze %dma_wait3A_253 : memref<1x80xi32, #tpu.memory_space<vmem>> -> memref<80xi32, #tpu.memory_space<vmem>>
    %dma_wait3A_255 = arith.constant 0 : i32
    %dma_wait3A_256 = arith.constant 0 : i32
    %dma_wait3A_257 = tpu.memref_slice %arg11[%dma_wait3A_255, %dma_wait3A_256] : memref<10240x128xf32, #tpu.memory_space<vmem_shared>> -> memref<10240x128xf32, #tpu.memory_space<vmem_shared>>
    tpu.wait_indirect_dma semaphore(%arg20 : memref<!tpu.dma_semaphore, #tpu.memory_space<semaphore_mem>>) src(%dma_wait3A_251 : memref<80x128xf32, #tpu.memory_space<vmem>>) dst(%dma_wait3A_257 : memref<10240x128xf32, #tpu.memory_space<vmem_shared>>)
    %dma_wait3A_258 = arith.constant 0 : i32
    %dma_wait3A_259 = arith.constant 0 : i32
    %dma_wait3A_260 = tpu.memref_slice %arg8[%dma_wait3A_258, %dma_wait3A_259] : memref<3x80xi32, #tpu.memory_space<vmem>> -> memref<1x80xi32, #tpu.memory_space<vmem>>
    %dma_wait3A_261 = arith.constant 123 : i32
    %dma_wait3A_262 = arith.constant 0 : i32
    %dma_wait3A_263 = tpu.memref_slice %arg4[%add3A, %dma_wait3A_261, %dma_wait3A_262] : memref<32x125x80xi32, #tpu.memory_space<hbm>> -> memref<1x1x80xi32, #tpu.memory_space<hbm>>
    %dma_wait3A_264 = tpu.memref_squeeze %dma_wait3A_263 : memref<1x1x80xi32, #tpu.memory_space<hbm>> -> memref<1x80xi32, #tpu.memory_space<hbm>>
    %dma_wait3A_265 = arith.constant 0 : i32
    %dma_wait3A_266 = arith.constant 0 : i32
    %dma_wait3A_267 = tpu.memref_slice %arg8[%dma_wait3A_265, %dma_wait3A_266] : memref<3x80xi32, #tpu.memory_space<vmem>> -> memref<1x80xi32, #tpu.memory_space<vmem>>
    %dma_wait3A_268 = arith.constant 123 : i32
    %dma_wait3A_269 = arith.constant 0 : i32
    %dma_wait3A_270 = tpu.memref_slice %arg4[%add3A, %dma_wait3A_268, %dma_wait3A_269] : memref<32x125x80xi32, #tpu.memory_space<hbm>> -> memref<1x1x80xi32, #tpu.memory_space<hbm>>
    %dma_wait3A_271 = tpu.memref_squeeze %dma_wait3A_270 : memref<1x1x80xi32, #tpu.memory_space<hbm>> -> memref<1x80xi32, #tpu.memory_space<hbm>>
    tpu.wait_dma2 semaphore(%arg15 : memref<!tpu.dma_semaphore, #tpu.memory_space<semaphore_mem>>) src(%dma_wait3A_271 : memref<1x80xi32, #tpu.memory_space<hbm>>) dst(%dma_wait3A_267 : memref<1x80xi32, #tpu.memory_space<vmem>>)
    %dma_wait3A_272 = arith.constant 0 : i32
    %dma_wait3A_273 = arith.constant 0 : i32
    %dma_wait3A_274 = arith.constant 0 : i32
    %dma_wait3A_275 = tpu.memref_slice %arg9[%dma_wait3A_272, %dma_wait3A_273, %dma_wait3A_274] : memref<3x80x128xf32, #tpu.memory_space<vmem>> -> memref<1x80x128xf32, #tpu.memory_space<vmem>>
    %dma_wait3A_276 = tpu.memref_squeeze %dma_wait3A_275 : memref<1x80x128xf32, #tpu.memory_space<vmem>> -> memref<80x128xf32, #tpu.memory_space<vmem>>
    %dma_wait3A_277 = arith.constant 9840 : i32
    %dma_wait3A_278 = tpu.memref_slice %arg7[%dma_wait3A_277] : memref<10000xi32, #tpu.memory_space<vmem>> -> memref<80xi32, #tpu.memory_space<vmem>>
    %dma_wait3A_279 = arith.constant 0 : i32
    %dma_wait3A_280 = arith.constant 0 : i32
    %dma_wait3A_281 = tpu.memref_slice %arg2[%dma_wait3A_279, %dma_wait3A_280] : memref<10240x128xf32, #tpu.memory_space<hbm>> -> memref<10240x128xf32, #tpu.memory_space<hbm>>
    tpu.wait_indirect_dma semaphore(%arg12 : memref<!tpu.dma_semaphore, #tpu.memory_space<semaphore_mem>>) src(%dma_wait3A_281 : memref<10240x128xf32, #tpu.memory_space<hbm>>) dst(%dma_wait3A_276 : memref<80x128xf32, #tpu.memory_space<vmem>>)
    %dma_start3A_282 = arith.constant 0 : i32
    %dma_start3A_283 = arith.constant 0 : i32
    %dma_start3A_284 = arith.constant 0 : i32
    %dma_start3A_285 = arith.constant 0 : i32
    %dma_start3A_286 = tpu.memref_slice %arg9[%dma_start3A_282, %dma_start3A_284, %dma_start3A_285] : memref<3x80x128xf32, #tpu.memory_space<vmem>> -> memref<1x80x128xf32, #tpu.memory_space<vmem>>
    %dma_start3A_287 = tpu.memref_squeeze %dma_start3A_286 : memref<1x80x128xf32, #tpu.memory_space<vmem>> -> memref<80x128xf32, #tpu.memory_space<vmem>>
    %dma_start3A_288 = arith.constant 0 : i32
    %dma_start3A_289 = tpu.memref_slice %arg8[%dma_start3A_283, %dma_start3A_288] : memref<3x80xi32, #tpu.memory_space<vmem>> -> memref<1x80xi32, #tpu.memory_space<vmem>>
    %dma_start3A_290 = tpu.memref_squeeze %dma_start3A_289 : memref<1x80xi32, #tpu.memory_space<vmem>> -> memref<80xi32, #tpu.memory_space<vmem>>
    %dma_start3A_291 = arith.constant 0 : i32
    %dma_start3A_292 = arith.constant 0 : i32
    %dma_start3A_293 = tpu.memref_slice %arg11[%dma_start3A_291, %dma_start3A_292] : memref<10240x128xf32, #tpu.memory_space<vmem_shared>> -> memref<10240x128xf32, #tpu.memory_space<vmem_shared>>
    tpu.enqueue_indirect_dma source(%dma_start3A_287 : memref<80x128xf32, #tpu.memory_space<vmem>>) target(%dma_start3A_293 : memref<10240x128xf32, #tpu.memory_space<vmem_shared>>) offsets(%dma_start3A_290 : memref<80xi32, #tpu.memory_space<vmem>>) semaphore(%arg18 : memref<!tpu.dma_semaphore, #tpu.memory_space<semaphore_mem>>) {add = true}
    %dma_wait3A_294 = arith.constant 0 : i32
    %dma_wait3A_295 = arith.constant 0 : i32
    %dma_wait3A_296 = arith.constant 0 : i32
    %dma_wait3A_297 = arith.constant 0 : i32
    %dma_wait3A_298 = tpu.memref_slice %arg9[%dma_wait3A_294, %dma_wait3A_296, %dma_wait3A_297] : memref<3x80x128xf32, #tpu.memory_space<vmem>> -> memref<1x80x128xf32, #tpu.memory_space<vmem>>
    %dma_wait3A_299 = tpu.memref_squeeze %dma_wait3A_298 : memref<1x80x128xf32, #tpu.memory_space<vmem>> -> memref<80x128xf32, #tpu.memory_space<vmem>>
    %dma_wait3A_300 = arith.constant 0 : i32
    %dma_wait3A_301 = tpu.memref_slice %arg8[%dma_wait3A_295, %dma_wait3A_300] : memref<3x80xi32, #tpu.memory_space<vmem>> -> memref<1x80xi32, #tpu.memory_space<vmem>>
    %dma_wait3A_302 = tpu.memref_squeeze %dma_wait3A_301 : memref<1x80xi32, #tpu.memory_space<vmem>> -> memref<80xi32, #tpu.memory_space<vmem>>
    %dma_wait3A_303 = arith.constant 0 : i32
    %dma_wait3A_304 = arith.constant 0 : i32
    %dma_wait3A_305 = tpu.memref_slice %arg11[%dma_wait3A_303, %dma_wait3A_304] : memref<10240x128xf32, #tpu.memory_space<vmem_shared>> -> memref<10240x128xf32, #tpu.memory_space<vmem_shared>>
    tpu.wait_indirect_dma semaphore(%arg18 : memref<!tpu.dma_semaphore, #tpu.memory_space<semaphore_mem>>) src(%dma_wait3A_299 : memref<80x128xf32, #tpu.memory_space<vmem>>) dst(%dma_wait3A_305 : memref<10240x128xf32, #tpu.memory_space<vmem_shared>>)
    %dma_wait3A_306 = arith.constant 1 : i32
    %dma_wait3A_307 = arith.constant 0 : i32
    %dma_wait3A_308 = tpu.memref_slice %arg8[%dma_wait3A_306, %dma_wait3A_307] : memref<3x80xi32, #tpu.memory_space<vmem>> -> memref<1x80xi32, #tpu.memory_space<vmem>>
    %dma_wait3A_309 = arith.constant 124 : i32
    %dma_wait3A_310 = arith.constant 0 : i32
    %dma_wait3A_311 = tpu.memref_slice %arg4[%add3A, %dma_wait3A_309, %dma_wait3A_310] : memref<32x125x80xi32, #tpu.memory_space<hbm>> -> memref<1x1x80xi32, #tpu.memory_space<hbm>>
    %dma_wait3A_312 = tpu.memref_squeeze %dma_wait3A_311 : memref<1x1x80xi32, #tpu.memory_space<hbm>> -> memref<1x80xi32, #tpu.memory_space<hbm>>
    %dma_wait3A_313 = arith.constant 1 : i32
    %dma_wait3A_314 = arith.constant 0 : i32
    %dma_wait3A_315 = tpu.memref_slice %arg8[%dma_wait3A_313, %dma_wait3A_314] : memref<3x80xi32, #tpu.memory_space<vmem>> -> memref<1x80xi32, #tpu.memory_space<vmem>>
    %dma_wait3A_316 = arith.constant 124 : i32
    %dma_wait3A_317 = arith.constant 0 : i32
    %dma_wait3A_318 = tpu.memref_slice %arg4[%add3A, %dma_wait3A_316, %dma_wait3A_317] : memref<32x125x80xi32, #tpu.memory_space<hbm>> -> memref<1x1x80xi32, #tpu.memory_space<hbm>>
    %dma_wait3A_319 = tpu.memref_squeeze %dma_wait3A_318 : memref<1x1x80xi32, #tpu.memory_space<hbm>> -> memref<1x80xi32, #tpu.memory_space<hbm>>
    tpu.wait_dma2 semaphore(%arg16 : memref<!tpu.dma_semaphore, #tpu.memory_space<semaphore_mem>>) src(%dma_wait3A_319 : memref<1x80xi32, #tpu.memory_space<hbm>>) dst(%dma_wait3A_315 : memref<1x80xi32, #tpu.memory_space<vmem>>)
    %dma_wait3A_320 = arith.constant 1 : i32
    %dma_wait3A_321 = arith.constant 0 : i32
    %dma_wait3A_322 = arith.constant 0 : i32
    %dma_wait3A_323 = tpu.memref_slice %arg9[%dma_wait3A_320, %dma_wait3A_321, %dma_wait3A_322] : memref<3x80x128xf32, #tpu.memory_space<vmem>> -> memref<1x80x128xf32, #tpu.memory_space<vmem>>
    %dma_wait3A_324 = tpu.memref_squeeze %dma_wait3A_323 : memref<1x80x128xf32, #tpu.memory_space<vmem>> -> memref<80x128xf32, #tpu.memory_space<vmem>>
    %dma_wait3A_325 = arith.constant 9920 : i32
    %dma_wait3A_326 = tpu.memref_slice %arg7[%dma_wait3A_325] : memref<10000xi32, #tpu.memory_space<vmem>> -> memref<80xi32, #tpu.memory_space<vmem>>
    %dma_wait3A_327 = arith.constant 0 : i32
    %dma_wait3A_328 = arith.constant 0 : i32
    %dma_wait3A_329 = tpu.memref_slice %arg2[%dma_wait3A_327, %dma_wait3A_328] : memref<10240x128xf32, #tpu.memory_space<hbm>> -> memref<10240x128xf32, #tpu.memory_space<hbm>>
    tpu.wait_indirect_dma semaphore(%arg13 : memref<!tpu.dma_semaphore, #tpu.memory_space<semaphore_mem>>) src(%dma_wait3A_329 : memref<10240x128xf32, #tpu.memory_space<hbm>>) dst(%dma_wait3A_324 : memref<80x128xf32, #tpu.memory_space<vmem>>)
    %dma_start3A_330 = arith.constant 1 : i32
    %dma_start3A_331 = arith.constant 1 : i32
    %dma_start3A_332 = arith.constant 0 : i32
    %dma_start3A_333 = arith.constant 0 : i32
    %dma_start3A_334 = tpu.memref_slice %arg9[%dma_start3A_330, %dma_start3A_332, %dma_start3A_333] : memref<3x80x128xf32, #tpu.memory_space<vmem>> -> memref<1x80x128xf32, #tpu.memory_space<vmem>>
    %dma_start3A_335 = tpu.memref_squeeze %dma_start3A_334 : memref<1x80x128xf32, #tpu.memory_space<vmem>> -> memref<80x128xf32, #tpu.memory_space<vmem>>
    %dma_start3A_336 = arith.constant 0 : i32
    %dma_start3A_337 = tpu.memref_slice %arg8[%dma_start3A_331, %dma_start3A_336] : memref<3x80xi32, #tpu.memory_space<vmem>> -> memref<1x80xi32, #tpu.memory_space<vmem>>
    %dma_start3A_338 = tpu.memref_squeeze %dma_start3A_337 : memref<1x80xi32, #tpu.memory_space<vmem>> -> memref<80xi32, #tpu.memory_space<vmem>>
    %dma_start3A_339 = arith.constant 0 : i32
    %dma_start3A_340 = arith.constant 0 : i32
    %dma_start3A_341 = tpu.memref_slice %arg11[%dma_start3A_339, %dma_start3A_340] : memref<10240x128xf32, #tpu.memory_space<vmem_shared>> -> memref<10240x128xf32, #tpu.memory_space<vmem_shared>>
    tpu.enqueue_indirect_dma source(%dma_start3A_335 : memref<80x128xf32, #tpu.memory_space<vmem>>) target(%dma_start3A_341 : memref<10240x128xf32, #tpu.memory_space<vmem_shared>>) offsets(%dma_start3A_338 : memref<80xi32, #tpu.memory_space<vmem>>) semaphore(%arg19 : memref<!tpu.dma_semaphore, #tpu.memory_space<semaphore_mem>>) {add = true}
    %dma_wait3A_342 = arith.constant 1 : i32
    %dma_wait3A_343 = arith.constant 1 : i32
    %dma_wait3A_344 = arith.constant 0 : i32
    %dma_wait3A_345 = arith.constant 0 : i32
    %dma_wait3A_346 = tpu.memref_slice %arg9[%dma_wait3A_342, %dma_wait3A_344, %dma_wait3A_345] : memref<3x80x128xf32, #tpu.memory_space<vmem>> -> memref<1x80x128xf32, #tpu.memory_space<vmem>>
    %dma_wait3A_347 = tpu.memref_squeeze %dma_wait3A_346 : memref<1x80x128xf32, #tpu.memory_space<vmem>> -> memref<80x128xf32, #tpu.memory_space<vmem>>
    %dma_wait3A_348 = arith.constant 0 : i32
    %dma_wait3A_349 = tpu.memref_slice %arg8[%dma_wait3A_343, %dma_wait3A_348] : memref<3x80xi32, #tpu.memory_space<vmem>> -> memref<1x80xi32, #tpu.memory_space<vmem>>
    %dma_wait3A_350 = tpu.memref_squeeze %dma_wait3A_349 : memref<1x80xi32, #tpu.memory_space<vmem>> -> memref<80xi32, #tpu.memory_space<vmem>>
    %dma_wait3A_351 = arith.constant 0 : i32
    %dma_wait3A_352 = arith.constant 0 : i32
    %dma_wait3A_353 = tpu.memref_slice %arg11[%dma_wait3A_351, %dma_wait3A_352] : memref<10240x128xf32, #tpu.memory_space<vmem_shared>> -> memref<10240x128xf32, #tpu.memory_space<vmem_shared>>
    tpu.wait_indirect_dma semaphore(%arg19 : memref<!tpu.dma_semaphore, #tpu.memory_space<semaphore_mem>>) src(%dma_wait3A_347 : memref<80x128xf32, #tpu.memory_space<vmem>>) dst(%dma_wait3A_353 : memref<10240x128xf32, #tpu.memory_space<vmem_shared>>)
    %barrier3A_354 = arith.constant 0 : index
    tpu.barrier barrier_id(%barrier3A_354)
    %mul3A_355 = arith.constant 10240 : i32
    %mul3A_356 = arith.muli %arg0, %mul3A_355 : i32
    %add3A_357 = arith.addi %mul3A_356, %mul3A_2 : i32
    "tpu.region"() ({
      %run_scoped3A = tpu.sem_alloc : memref<!tpu.dma_semaphore, #tpu.memory_space<semaphore_mem>>
      %dma_start3A_358 = arith.constant 0 : i32
      %dma_start3A_359 = tpu.memref_slice %arg6[%add3A_357, %dma_start3A_358] : memref<20480x128xf32, #tpu.memory_space<hbm>> -> memref<640x128xf32, #tpu.memory_space<hbm>>
      %dma_start3A_360 = arith.constant 0 : i32
      %dma_start3A_361 = tpu.memref_slice %arg11[%mul3A_2, %dma_start3A_360] : memref<10240x128xf32, #tpu.memory_space<vmem_shared>> -> memref<640x128xf32, #tpu.memory_space<vmem_shared>>
      tpu.enqueue_dma source(%dma_start3A_361 : memref<640x128xf32, #tpu.memory_space<vmem_shared>>) target(%dma_start3A_359 : memref<640x128xf32, #tpu.memory_space<hbm>>) target_semaphore(%run_scoped3A : memref<!tpu.dma_semaphore, #tpu.memory_space<semaphore_mem>>)
      %dma_wait3A_362 = arith.constant 0 : i32
      %dma_wait3A_363 = tpu.memref_slice %arg6[%add3A_357, %dma_wait3A_362] : memref<20480x128xf32, #tpu.memory_space<hbm>> -> memref<640x128xf32, #tpu.memory_space<hbm>>
      %dma_wait3A_364 = arith.constant 0 : i32
      %dma_wait3A_365 = tpu.memref_slice %arg11[%mul3A_2, %dma_wait3A_364] : memref<10240x128xf32, #tpu.memory_space<vmem_shared>> -> memref<640x128xf32, #tpu.memory_space<vmem_shared>>
      tpu.wait_dma2 semaphore(%run_scoped3A : memref<!tpu.dma_semaphore, #tpu.memory_space<semaphore_mem>>) src(%dma_wait3A_365 : memref<640x128xf32, #tpu.memory_space<vmem_shared>>) dst(%dma_wait3A_363 : memref<640x128xf32, #tpu.memory_space<hbm>>)
      tpu.yield
    }) : () -> ()
    return
  }
}

module attributes {stable_mosaic.version = 14 : i64} {
  func.func @f(%arg0: i32, %arg1: memref<1024x128xf32, #tpu.memory_space<vmem>>, %arg2: memref<1024x128xf32, #tpu.memory_space<vmem>>, %arg3: memref<32x1024xf32, #tpu.memory_space<vmem>>, %arg4: memref<1024x128xf32, #tpu.memory_space<vmem>>, %arg5: memref<128x128xf32, #tpu.memory_space<vmem>>, %arg6: memref<8x128xf32, #tpu.memory_space<vmem>>, %arg7: memref<128x128xf32, #tpu.memory_space<vmem>>, %arg8: memref<1024x128xf32, #tpu.memory_space<vmem>>) attributes {dimension_semantics = [#tpu.dimension_semantics<arbitrary>], iteration_bounds = array<i64: 10>, scalar_prefetch = 0 : i64, scratch_operands = 0 : i64, tpu.core_type = #tpu.core_type<tc>, window_params = [{transform_indices = @transform_0, window_bounds = array<i64: 1024, 128>}, {transform_indices = @transform_1, window_bounds = array<i64: 1024, 128>}, {transform_indices = @transform_2, window_bounds = array<i64: 32, 1024>}, {transform_indices = @transform_3, window_bounds = array<i64: 1024, 128>}, {pipeline_mode = #tpu.pipeline_mode<synchronous>, transform_indices = @transform_4, window_bounds = array<i64: 128, 128>}, {pipeline_mode = #tpu.pipeline_mode<synchronous>, transform_indices = @transform_5, window_bounds = array<i64: 8, 128>}, {pipeline_mode = #tpu.pipeline_mode<synchronous>, transform_indices = @transform_6, window_bounds = array<i64: 128, 128>}, {transform_indices = @transform_7, window_bounds = array<i64: 1024, 128>}]} {
    %get3A = arith.constant 0 : index
    %get3A_0 = arith.constant 0 : index
    %get3A_1 = vector.load %arg3[%get3A, %get3A_0] : memref<32x1024xf32, #tpu.memory_space<vmem>>, vector<32x1024xf32>
    %reduce_sum3A = arith.constant dense<0.000000e+00> : vector<1024xf32>
    %reduce_sum3A_2 = vector.multi_reduction <add>, %get3A_1, %reduce_sum3A [0] : vector<32x1024xf32> to vector<1024xf32>
    %max3A = arith.constant 1.000000e+00 : f32
    %max3A_3 = vector.broadcast %max3A : f32 to vector<1024xf32>
    %max3A_4 = arith.maximumf %reduce_sum3A_2, %max3A_3 : vector<1024xf32>
    %broadcast_in_dim3A = vector.shape_cast %max3A_4 : vector<1024xf32> to vector<1024x1xf32>
    %get3A_5 = arith.constant 0 : index
    %get3A_6 = arith.constant 0 : index
    %get3A_7 = vector.load %arg1[%get3A_5, %get3A_6] : memref<1024x128xf32, #tpu.memory_space<vmem>>, vector<1024x128xf32>
    %get3A_8 = arith.constant 0 : index
    %get3A_9 = arith.constant 0 : index
    %get3A_10 = vector.load %arg2[%get3A_8, %get3A_9] : memref<1024x128xf32, #tpu.memory_space<vmem>>, vector<1024x128xf32>
    %add3A = arith.addf %get3A_7, %get3A_10 : vector<1024x128xf32>
    %div3A = vector.broadcast %broadcast_in_dim3A : vector<1024x1xf32> to vector<1024x128xf32>
    %div3A_11 = arith.divf %add3A, %div3A : vector<1024x128xf32>
    %get3A_12 = arith.constant 0 : index
    %get3A_13 = arith.constant 0 : index
    %get3A_14 = vector.load %arg5[%get3A_12, %get3A_13] : memref<128x128xf32, #tpu.memory_space<vmem>>, vector<128x128xf32>
    %dot_general3A = arith.constant dense<0.000000e+00> : vector<1024x128xf32>
    %dot_general3A_15 = tpu.matmul %div3A_11, %get3A_14, %dot_general3A {dimension_numbers = #tpu.dot_dimension_numbers<[1], [1], [0], [0], [0, 0, 1, 0], [], []>, transpose_lhs_hint = false} : vector<1024x128xf32>, vector<128x128xf32>, vector<1024x128xf32> -> vector<1024x128xf32>
    %get3A_16 = arith.constant 0 : index
    %get3A_17 = arith.constant 0 : index
    %get3A_18 = vector.load %arg6[%get3A_16, %get3A_17] : memref<8x128xf32, #tpu.memory_space<vmem>>, vector<8x128xf32>
    %slice3A = vector.extract_strided_slice %get3A_18 {offsets = [0, 0], sizes = [1, 128], strides = [1, 1]} : vector<8x128xf32> to vector<1x128xf32>
    %add3A_19 = vector.broadcast %slice3A : vector<1x128xf32> to vector<1024x128xf32>
    %add3A_20 = arith.addf %dot_general3A_15, %add3A_19 : vector<1024x128xf32>
    %get3A_21 = arith.constant 0 : index
    %get3A_22 = arith.constant 0 : index
    %get3A_23 = vector.load %arg4[%get3A_21, %get3A_22] : memref<1024x128xf32, #tpu.memory_space<vmem>>, vector<1024x128xf32>
    %get3A_24 = arith.constant 0 : index
    %get3A_25 = arith.constant 0 : index
    %get3A_26 = vector.load %arg7[%get3A_24, %get3A_25] : memref<128x128xf32, #tpu.memory_space<vmem>>, vector<128x128xf32>
    %dot_general3A_27 = arith.constant dense<0.000000e+00> : vector<1024x128xf32>
    %dot_general3A_28 = tpu.matmul %get3A_23, %get3A_26, %dot_general3A_27 {dimension_numbers = #tpu.dot_dimension_numbers<[1], [1], [0], [0], [0, 0, 1, 0], [], []>, transpose_lhs_hint = false} : vector<1024x128xf32>, vector<128x128xf32>, vector<1024x128xf32> -> vector<1024x128xf32>
    %add3A_29 = arith.addf %add3A_20, %dot_general3A_28 : vector<1024x128xf32>
    %max3A_30 = arith.constant 0.000000e+00 : f32
    %max3A_31 = vector.broadcast %max3A_30 : f32 to vector<1024x128xf32>
    %max3A_32 = arith.maximumf %add3A_29, %max3A_31 : vector<1024x128xf32>
    %swap3A = arith.constant 0 : index
    %swap3A_33 = arith.constant 0 : index
    %swap3A_34 = vector.load %arg8[%swap3A, %swap3A_33] : memref<1024x128xf32, #tpu.memory_space<vmem>>, vector<1024x128xf32>
    tpu.vector_store %arg8[%swap3A, %swap3A_33], %max3A_32 {strides = array<i32>} : memref<1024x128xf32, #tpu.memory_space<vmem>>, vector<1024x128xf32>,
    return
  }
  func.func @transform_0(%arg0: i32) -> (i32, i32) {
    %c0_i32 = arith.constant 0 : i32
    %c0_i32_0 = arith.constant 0 : i32
    return %arg0, %c0_i32 : i32, i32
  }
  func.func @transform_1(%arg0: i32) -> (i32, i32) {
    %add3A = arith.constant 10 : i32
    %add3A_0 = arith.addi %add3A, %arg0 : i32
    %c0_i32 = arith.constant 0 : i32
    %c0_i32_1 = arith.constant 0 : i32
    return %add3A_0, %c0_i32 : i32, i32
  }
  func.func @transform_2(%arg0: i32) -> (i32, i32) {
    %c0_i32 = arith.constant 0 : i32
    %c0_i32_0 = arith.constant 0 : i32
    return %c0_i32, %arg0 : i32, i32
  }
  func.func @transform_3(%arg0: i32) -> (i32, i32) {
    %c0_i32 = arith.constant 0 : i32
    %c0_i32_0 = arith.constant 0 : i32
    return %arg0, %c0_i32 : i32, i32
  }
  func.func @transform_4(%arg0: i32) -> (i32, i32) {
    %c0_i32 = arith.constant 0 : i32
    %c0_i32_0 = arith.constant 0 : i32
    %c0_i32_1 = arith.constant 0 : i32
    return %c0_i32, %c0_i32_0 : i32, i32
  }
  func.func @transform_5(%arg0: i32) -> (i32, i32) {
    %c0_i32 = arith.constant 0 : i32
    %c0_i32_0 = arith.constant 0 : i32
    %c0_i32_1 = arith.constant 0 : i32
    return %c0_i32, %c0_i32_0 : i32, i32
  }
  func.func @transform_6(%arg0: i32) -> (i32, i32) {
    %c0_i32 = arith.constant 0 : i32
    %c0_i32_0 = arith.constant 0 : i32
    %c0_i32_1 = arith.constant 0 : i32
    return %c0_i32, %c0_i32_0 : i32, i32
  }
  func.func @transform_7(%arg0: i32) -> (i32, i32) {
    %c0_i32 = arith.constant 0 : i32
    %c0_i32_0 = arith.constant 0 : i32
    return %arg0, %c0_i32 : i32, i32
  }
}

module attributes {stable_mosaic.version = 14 : i64} {
  func.func @f(%arg0: i32, %arg1: memref<1024x128xf32, #tpu.memory_space<vmem>>, %arg2: memref<1024x128xf32, #tpu.memory_space<vmem>>, %arg3: memref<32x1024xf32, #tpu.memory_space<vmem>>, %arg4: memref<1024x128xf32, #tpu.memory_space<vmem>>, %arg5: memref<128x128xf32, #tpu.memory_space<vmem>>, %arg6: memref<8x128xf32, #tpu.memory_space<vmem>>, %arg7: memref<128x128xf32, #tpu.memory_space<vmem>>, %arg8: memref<1024x128xf32, #tpu.memory_space<vmem>>) attributes {dimension_semantics = [#tpu.dimension_semantics<arbitrary>], iteration_bounds = array<i64: 10>, scalar_prefetch = 0 : i64, scratch_operands = 0 : i64, tpu.core_type = #tpu.core_type<tc>, window_params = [{transform_indices = @transform_0, window_bounds = array<i64: 1024, 128>}, {transform_indices = @transform_1, window_bounds = array<i64: 1024, 128>}, {transform_indices = @transform_2, window_bounds = array<i64: 32, 1024>}, {transform_indices = @transform_3, window_bounds = array<i64: 1024, 128>}, {pipeline_mode = #tpu.pipeline_mode<synchronous>, transform_indices = @transform_4, window_bounds = array<i64: 128, 128>}, {pipeline_mode = #tpu.pipeline_mode<synchronous>, transform_indices = @transform_5, window_bounds = array<i64: 8, 128>}, {pipeline_mode = #tpu.pipeline_mode<synchronous>, transform_indices = @transform_6, window_bounds = array<i64: 128, 128>}, {transform_indices = @transform_7, window_bounds = array<i64: 1024, 128>}]} {
    %get3A = arith.constant 0 : index
    %get3A_0 = arith.constant 0 : index
    %get3A_1 = vector.load %arg3[%get3A, %get3A_0] : memref<32x1024xf32, #tpu.memory_space<vmem>>, vector<32x1024xf32>
    %reduce_sum3A = arith.constant dense<0.000000e+00> : vector<1024xf32>
    %reduce_sum3A_2 = vector.multi_reduction <add>, %get3A_1, %reduce_sum3A [0] : vector<32x1024xf32> to vector<1024xf32>
    %max3A = arith.constant 1.000000e+00 : f32
    %max3A_3 = vector.broadcast %max3A : f32 to vector<1024xf32>
    %max3A_4 = arith.maximumf %reduce_sum3A_2, %max3A_3 : vector<1024xf32>
    %broadcast_in_dim3A = vector.shape_cast %max3A_4 : vector<1024xf32> to vector<1024x1xf32>
    %get3A_5 = arith.constant 0 : index
    %get3A_6 = arith.constant 0 : index
    %get3A_7 = vector.load %arg1[%get3A_5, %get3A_6] : memref<1024x128xf32, #tpu.memory_space<vmem>>, vector<1024x128xf32>
    %get3A_8 = arith.constant 0 : index
    %get3A_9 = arith.constant 0 : index
    %get3A_10 = vector.load %arg2[%get3A_8, %get3A_9] : memref<1024x128xf32, #tpu.memory_space<vmem>>, vector<1024x128xf32>
    %add3A = arith.addf %get3A_7, %get3A_10 : vector<1024x128xf32>
    %div3A = vector.broadcast %broadcast_in_dim3A : vector<1024x1xf32> to vector<1024x128xf32>
    %div3A_11 = arith.divf %add3A, %div3A : vector<1024x128xf32>
    %get3A_12 = arith.constant 0 : index
    %get3A_13 = arith.constant 0 : index
    %get3A_14 = vector.load %arg5[%get3A_12, %get3A_13] : memref<128x128xf32, #tpu.memory_space<vmem>>, vector<128x128xf32>
    %dot_general3A = arith.constant dense<0.000000e+00> : vector<1024x128xf32>
    %dot_general3A_15 = tpu.matmul %div3A_11, %get3A_14, %dot_general3A {dimension_numbers = #tpu.dot_dimension_numbers<[1], [1], [0], [0], [0, 0, 1, 0], [], []>, transpose_lhs_hint = false} : vector<1024x128xf32>, vector<128x128xf32>, vector<1024x128xf32> -> vector<1024x128xf32>
    %get3A_16 = arith.constant 0 : index
    %get3A_17 = arith.constant 0 : index
    %get3A_18 = vector.load %arg6[%get3A_16, %get3A_17] : memref<8x128xf32, #tpu.memory_space<vmem>>, vector<8x128xf32>
    %slice3A = vector.extract_strided_slice %get3A_18 {offsets = [0, 0], sizes = [1, 128], strides = [1, 1]} : vector<8x128xf32> to vector<1x128xf32>
    %add3A_19 = vector.broadcast %slice3A : vector<1x128xf32> to vector<1024x128xf32>
    %add3A_20 = arith.addf %dot_general3A_15, %add3A_19 : vector<1024x128xf32>
    %get3A_21 = arith.constant 0 : index
    %get3A_22 = arith.constant 0 : index
    %get3A_23 = vector.load %arg4[%get3A_21, %get3A_22] : memref<1024x128xf32, #tpu.memory_space<vmem>>, vector<1024x128xf32>
    %get3A_24 = arith.constant 0 : index
    %get3A_25 = arith.constant 0 : index
    %get3A_26 = vector.load %arg7[%get3A_24, %get3A_25] : memref<128x128xf32, #tpu.memory_space<vmem>>, vector<128x128xf32>
    %dot_general3A_27 = arith.constant dense<0.000000e+00> : vector<1024x128xf32>
    %dot_general3A_28 = tpu.matmul %get3A_23, %get3A_26, %dot_general3A_27 {dimension_numbers = #tpu.dot_dimension_numbers<[1], [1], [0], [0], [0, 0, 1, 0], [], []>, transpose_lhs_hint = false} : vector<1024x128xf32>, vector<128x128xf32>, vector<1024x128xf32> -> vector<1024x128xf32>
    %add3A_29 = arith.addf %add3A_20, %dot_general3A_28 : vector<1024x128xf32>
    %swap3A = arith.constant 0 : index
    %swap3A_30 = arith.constant 0 : index
    %swap3A_31 = vector.load %arg8[%swap3A, %swap3A_30] : memref<1024x128xf32, #tpu.memory_space<vmem>>, vector<1024x128xf32>
    tpu.vector_store %arg8[%swap3A, %swap3A_30], %add3A_29 {strides = array<i32>} : memref<1024x128xf32, #tpu.memory_space<vmem>>, vector<1024x128xf32>,
    return
  }
  func.func @transform_0(%arg0: i32) -> (i32, i32) {
    %c0_i32 = arith.constant 0 : i32
    %c0_i32_0 = arith.constant 0 : i32
    return %arg0, %c0_i32 : i32, i32
  }
  func.func @transform_1(%arg0: i32) -> (i32, i32) {
    %add3A = arith.constant 10 : i32
    %add3A_0 = arith.addi %add3A, %arg0 : i32
    %c0_i32 = arith.constant 0 : i32
    %c0_i32_1 = arith.constant 0 : i32
    return %add3A_0, %c0_i32 : i32, i32
  }
  func.func @transform_2(%arg0: i32) -> (i32, i32) {
    %c0_i32 = arith.constant 0 : i32
    %c0_i32_0 = arith.constant 0 : i32
    return %c0_i32, %arg0 : i32, i32
  }
  func.func @transform_3(%arg0: i32) -> (i32, i32) {
    %c0_i32 = arith.constant 0 : i32
    %c0_i32_0 = arith.constant 0 : i32
    return %arg0, %c0_i32 : i32, i32
  }
  func.func @transform_4(%arg0: i32) -> (i32, i32) {
    %c0_i32 = arith.constant 0 : i32
    %c0_i32_0 = arith.constant 0 : i32
    %c0_i32_1 = arith.constant 0 : i32
    return %c0_i32, %c0_i32_0 : i32, i32
  }
  func.func @transform_5(%arg0: i32) -> (i32, i32) {
    %c0_i32 = arith.constant 0 : i32
    %c0_i32_0 = arith.constant 0 : i32
    %c0_i32_1 = arith.constant 0 : i32
    return %c0_i32, %c0_i32_0 : i32, i32
  }
  func.func @transform_6(%arg0: i32) -> (i32, i32) {
    %c0_i32 = arith.constant 0 : i32
    %c0_i32_0 = arith.constant 0 : i32
    %c0_i32_1 = arith.constant 0 : i32
    return %c0_i32, %c0_i32_0 : i32, i32
  }
  func.func @transform_7(%arg0: i32) -> (i32, i32) {
    %c0_i32 = arith.constant 0 : i32
    %c0_i32_0 = arith.constant 0 : i32
    return %arg0, %c0_i32 : i32, i32
  }
}

</mosaic_0001>

<sc_bundles>
// kernel: kernel.12.cloned.1.call-start
scs
__scs_entry_jumppad:
0x0: {  	(pc) =	sbr.rel $0x88, $3  }
0x1: {  	(tag) =	ssettag $0x0;
	lr =	simm.s32 $0x1  }
0x2: {  	[smem:$0x3F96] =	sst lr;
	_ =	strace $0xD0000000  }
0x3: {  	_ = 	snop  }
0x4: {  	_ = 	snop  }
0x5: {  	_ = 	snop  }
0x6: {  	_ = 	snop  }
0x7: {  	_ = 	snop  }
__scs_overlays_trampoline_lowered:
0x8: {  	[smem:$0x3FA5] =	sst s0  }
0x9: {  	[smem:$0x3FA6] =	sst s1  }
0xa: {  	[smem:$0x3FA7] =	sst s2  }
0xb: {  	[smem:$0x3FA8] =	sst s3  }
0xc: {  	[smem:$0x3FA9] =	sst s4  }
0xd: {  	[smem:$0x3FAA] =	sst s5  }
0xe: {  	[smem:$0x3FAB] =	sst s6  }
0xf: {  	[smem:$0x3FAC] =	sst s7  }
0x10: {  	[smem:$0x3FAD] =	sst s8  }
0x11: {  	[smem:$0x3FAE] =	sst s9;
	s0 =	simm.s32 @!p0 $0x0  }
0x12: {  	s1 =	sld [smem:$0x3F94];
	s0 =	simm.s32 @p0 $0x1  }
0x13: {  	[smem:$0x3FAF] =	sst s0;
	s0 =	simm.s32 @!p1 $0x0  }
0x14: {  	s2 =	sld [smem:$0x3F93];
	s0 =	simm.s32 @p1 $0x1  }
0x15: {  	[smem:$0x3FB0] =	sst s0;
	s0 =	simm.s32 @!p2 $0x0  }
0x16: {  	s3 =	sld [smem:$0x3FDB];
	s0 =	simm.s32 @p2 $0x1  }
0x17: {  	s4 =	simm.s32 $0x1BF5;
	[smem:$0x3FB2] =	sst s0  }
0x18: {  	s0 =	sld [smem:$0x3F95];
	_ =	swait.ge [sflag:s4], $0x0  }
0x19: {  	s7 =	sld [smem:$0x3F96]  }
0x1a: {  	s8 =	sadd.s32 $0xFFFFE003, lr  }
0x1b: {  	s9 =	sadd.s32 $0xFFFFFEF7, lr;
	s5 =	simm.s32 $0xFFFFFFFF;
	p2 =	slt.u32 s8, $0xFFFFF086  }
0x1c: {  	p1 =	slt.u32 s9, $0xF7A;
	s5 =	simm.s32 @!p2 $0x0  }
0x1d: {  	s5 =	simm.s32 @p1 $0x1;
	p0 =	seq.s32 s7, s2  }
0x1e: {  	s7 =	smul.u32 @!p0 $0xF7A, s2;
	p2 =	seq.s32 @!p0 s5, $0x0  }
0x1f: {  	s9 =	smul.u32 $0xF7A, s1;
	s8 =	simm.s32 @!p0 $0x1BF5;
	p2 =	por !p2, p0  }
0x20: {  	[sflag:s8] =	ssyncset.s32 @!p0 $0xFFFFF086;
	s6 =	sadd.s32 @!p0 s3, s7;
	s7 =	simm.s32 @!p0 $0x108  }
0x21: {  	s3 =	sadd.s32 s3, s9;
	s6 =	sadd.s32 @!p0 $0x88, s6;
	s7 =	simm.s32 @p2 $0x1082  }
0x22: {  	[simem:s7], [sflag:s8] =	dma.local @!p0 [hbm:s6], $0xF7A  }
0x23: {  	s9 =	sor.u32 $0xD0000000, s2;
	s6 =	simm.s32 $0x108;
	_ =	swait.ge @!p0 [sflag:s8], $0x0  }
0x24: {  	s3 =	sadd.s32 $0x88, s3;
	s6 =	simm.s32 @!p1 $0x1082;
	[sflag:s4] =	ssyncset.s32 $0xFFFFF086  }
0x25: {  	[simem:s6], [sflag:s4] =	dma.local [hbm:s3], $0xF7A  }
0x26: {  	[smem:$0x3F96] =	sst s1;
	(tag) =	ssettag s2;
	_ =	strace s9  }
0x27: {  	s1 =	sld [smem:$0x3FA6]  }
0x28: {  	s2 =	sld [smem:$0x3FA7]  }
0x29: {  	s4 =	sld [smem:$0x3FA9]  }
0x2a: {  	p0 =	seq.s32 s5, $0x0;
	s5 =	sld [smem:$0x3FAA]  }
0x2b: {  	s6 =	sld [smem:$0x3FAB]  }
0x2c: {  	s7 =	sld [smem:$0x3FAC]  }
0x2d: {  	s3 =	simm.s32 $0x108;
	s8 =	sld [smem:$0x3FAD]  }
0x2e: {  	s3 =	simm.s32 @!p0 $0x1082;
	s9 =	sld [smem:$0x3FAE]  }
0x2f: {  	lr =	sadd.s32 s0, s3;
	s0 =	sld [smem:$0x3FA5]  }
0x30: {  	s3 =	sld [smem:$0x3FA8]  }
0x31: {  	[smem:$0x3FB1] =	sst s10  }
0x32: {  	s10 =	sld [smem:$0x3FAF];
	_ =	sdelay $0x3  }
0x33: {  	p0 =	seq.s32 s10, $0x1;
	s10 =	sld [smem:$0x3FB1];
	_ =	sdelay $0x3  }
0x34: {  	[smem:$0x3FB1] =	sst s10  }
0x35: {  	s10 =	sld [smem:$0x3FB0];
	_ =	sdelay $0x3  }
0x36: {  	p1 =	seq.s32 s10, $0x1;
	s10 =	sld [smem:$0x3FB1];
	_ =	sdelay $0x3  }
0x37: {  	[smem:$0x3FB1] =	sst s10  }
0x38: {  	s10 =	sld [smem:$0x3FB2]  }
0x39: {  	_ = 	snop;
	(pc) =	sbr.ind lr, $3  }
0x3a: {  	_ = 	snop  }
0x3b: {  	_ = 	snop  }
0x3c: {  	p2 =	seq.s32 s10, $0x1;
	s10 =	sld [smem:$0x3FB1]  }
0x3d: {  	_ =	shalt  }
0x3e: {  	_ =	shalt  }
0x3f: {  	_ =	shalt  }
0x40: {  	_ =	shalt  }
0x41: {  	_ =	shalt  }
0x42: {  	_ =	shalt  }
0x43: {  	_ =	shalt  }
0x44: {  	_ =	shalt  }
0x45: {  	_ =	shalt  }
0x46: {  	_ =	shalt  }
0x47: {  	_ =	shalt  }
0x48: {  	_ =	shalt  }
0x49: {  	_ =	shalt  }
0x4a: {  	_ =	shalt  }
0x4b: {  	_ =	shalt  }
0x4c: {  	_ =	shalt  }
0x4d: {  	_ =	shalt  }
0x4e: {  	_ =	shalt  }
0x4f: {  	_ =	shalt  }
0x50: {  	_ =	shalt  }
0x51: {  	_ =	shalt  }
0x52: {  	_ =	shalt  }
0x53: {  	_ =	shalt  }
0x54: {  	_ =	shalt  }
0x55: {  	_ =	shalt  }
0x56: {  	_ =	shalt  }
0x57: {  	_ =	shalt  }
0x58: {  	_ =	shalt  }
0x59: {  	_ =	shalt  }
0x5a: {  	_ =	shalt  }
0x5b: {  	_ =	shalt  }
0x5c: {  	_ =	shalt  }
0x5d: {  	_ =	shalt  }
0x5e: {  	_ =	shalt  }
0x5f: {  	_ =	shalt  }
0x60: {  	_ =	shalt  }
0x61: {  	_ =	shalt  }
0x62: {  	_ =	shalt  }
0x63: {  	_ =	shalt  }
0x64: {  	_ =	shalt  }
0x65: {  	_ =	shalt  }
0x66: {  	_ =	shalt  }
0x67: {  	_ =	shalt  }
0x68: {  	_ =	shalt  }
0x69: {  	_ =	shalt  }
0x6a: {  	_ =	shalt  }
0x6b: {  	_ =	shalt  }
0x6c: {  	_ =	shalt  }
0x6d: {  	_ =	shalt  }
0x6e: {  	_ =	shalt  }
0x6f: {  	_ =	shalt  }
0x70: {  	_ =	shalt  }
0x71: {  	_ =	shalt  }
0x72: {  	_ =	shalt  }
0x73: {  	_ =	shalt  }
0x74: {  	_ =	shalt  }
0x75: {  	_ =	shalt  }
0x76: {  	_ =	shalt  }
0x77: {  	_ =	shalt  }
0x78: {  	_ =	shalt  }
0x79: {  	_ =	shalt  }
0x7a: {  	_ =	shalt  }
0x7b: {  	_ =	shalt  }
0x7c: {  	_ =	shalt  }
0x7d: {  	_ =	shalt  }
0x7e: {  	_ =	shalt  }
0x7f: {  	_ =	shalt  }
0x80: {  	_ =	shalt  }
0x81: {  	_ =	shalt  }
0x82: {  	_ =	shalt  }
0x83: {  	_ =	shalt  }
0x84: {  	_ =	shalt  }
0x85: {  	_ =	shalt  }
0x86: {  	_ =	shalt  }
0x87: {  	_ =	shalt  }
.Lfunc_end0:
.L_simem_size_0:
called_computation.1_lowered:
.L_overlay_start_0:
0x88: {  	s2 =	sld [smem:$0x3FD9]  }
0x89: {  	s3 =	sld [smem:$0x3FFE];
	_ =	sdelay $0x1  }
0x8a: {  	s1 =	srdreg.scid  }
0x8b: {  	s0 =	sand.u32 $0x1, s1  }
0x8c: {  	s17 =	sshll.u32 s0, $0xA;
	s2 =	sadd.s32 s3, s2  }
0x8d: {  	s2 =	sadd.s32 s2, s17  }
0x8e: {  	[smem:$0x3FBD] =	sst s2  }
0x8f: {  	_ = 	snop  }
0x90: {  	s2 =	sld [smem:$0x3FD0];
	(tm) =	ssettm $0x1  }
0x91: {  	s18 =	sld [smem:$0x3FFB];
	_ =	sdelay $0x3  }
0x92: {  	_ =	strace s18  }
0x93: {  	s3 =	sld [smem:$0x3FFC];
	_ =	sdelay $0x3  }
0x94: {  	_ =	strace s3  }
0x95: {  	s3 =	sld [smem:$0x3FFD];
	_ =	sdelay $0x3  }
0x96: {  	_ =	strace s3  }
0x97: {  	_ =	strace $0x8FFFFFFF  }
0x98: {  	s19 =	sld [smem:$0x3FDB];
	_ =	sdelay $0x1  }
0x99: {  	s4 =	simm.s32 $_scs_section_size  }
0x9a: {  	s5 =	simm.s32 $_size__tile_overlayer_lowered;
	s6 =	simm.s32 $_tile_overlayer_lowered  }
0x9b: {  	s22 =	simm.s32 $0x1BFF;
	s21 =	sshll.u32 s6, $0x1;
	s3 =	sadd.s32 s4, s19  }
0x9c: {  	s7 =	simm.s32 $0x0;
	s20 =	sshll.u32 s5, $0x1;
	s5 =	sadd.s32 s21, s3  }
0x9d: {  	[timem:s7], [sflag:s22] =	dma.local [hbm:s5], s20  }
0x9e: {  	_ =	swait.ge [sflag:s22], s20  }
0x9f: {  	s4 =	ssub.s32 $0x0, s20;
	[sflag:s22] =	ssyncset.done $0x0  }
0xa0: {  	[sflag:s22] =	ssyncadd.s32 s4;
	_ =	sdelay $0x1  }
0xa1: {  	s23 =	simm.s32 $0x1B8B  }
0xa2: {  	_ =	swait.ge [sflag:s23], $0x1  }
0xa3: {  	[sflag:s23] =	ssyncset.done $0x0  }
0xa4: {  	s25 =	simm.s32 $0x1B8E;
	s24 =	sld [smem:$0x3FFE];
	[sflag:s23] =	ssyncadd.s32 $0xFFFFFFFF  }
0xa5: {  	s26 =	simm.s32 $execute0_lowered;
	[smem:$0x3FD2] =	sst s25  }
0xa6: {  	s5 =	sshll.u32 s26, $0x1;
	_ =	strace $0x80000046;
	[dreg:$0x1] =	wrdreg $0xFFFFFFFF  }
0xa7: {  	s28 =	simm.s32 $_size_execute0_lowered;
	s3 =	sadd.s32 s3, s5;
	[dreg:$0x0] =	wrdreg $0x0  }
0xa8: {  	s5 =	sshll.u32 s28, $0x1;
	[dreg:$0x2] =	wrdreg s3  }
0xa9: {  	[dreg:$0x3] =	wrdreg s5  }
0xaa: {  	[dreg:$0x4] =	wrdreg $0xC0  }
0xab: {  	_ =	task [dreg:s7], $0x5FFFF  }
0xac: {  	[dreg:$0x1] =	wrdreg $0xFFFFFFFF  }
0xad: {  	[dreg:$0x0] =	wrdreg $0x60  }
0xae: {  	[dreg:$0x2] =	wrdreg s24  }
0xaf: {  	[dreg:$0x3] =	wrdreg s2  }
0xb0: {  	[dreg:$0x4] =	wrdreg $0xB5800  }
0xb1: {  	[dreg:$0x5] =	wrdreg $0xA  }
0xb2: {  	_ =	task.clear_ibuf [dreg:s7], $0x6FFFF;
	_ =	strace $0x90000046  }
0xb3: {  	s29 =	simm.s32 $0xA;
	_ =	strace $0x80000048  }
0xb4: {  	_ =	swait.ge [sflag:s29], $0x1  }
0xb5: {  	[sflag:s29] =	ssyncadd.s32 $0xFFFFFFFF  }
0xb6: {  	_ =	strace $0x90000048  }
0xb7: {  	_ =	sfence  }
0xb8: {  	s30 =	sld [smem:$0x0];
	_ =	sdelay $0x2  }
0xb9: {  	s31 =	sshll.u32 s1, $0xD;
	s1 =	sshrl.u32 s1, $0x2  }
0xba: {  	s3 =	sand.u32 $0x4000, s31;
	s1 =	sadd.s32 s1, s30  }
0xbb: {  	s0 =	sor.u32 s3, s0;
	s1 =	sshll.u32 s1, $0x11  }
0xbc: {  	s0 =	sor.u32 s1, s0  }
0xbd: {  	s0 =	sadd.s32 $0x8F2B, s0  }
0xbe: {  	[sflag:s0] =	ssyncadd.remote.s32 $0x1  }
0xbf: {  	_ =	sfence.sel $0xFFFF  }
0xc0: {  	[dreg:$0x0] =	wrdreg $0xFFFFFFFF;
	(pc) =	sbr.abs _section_cstart, $3  }
0xc1: {  	[dreg:$0x1] =	wrdreg $0xFFFFFFFF  }
0xc2: {  	_ =	task.clear_ibuf [dreg:s7], $0x2FFFF;
	_ =	strace $0x9FFFFFFF  }
0xc3: {  	(tm) =	ssettm $0x7FFFFFFF  }
tec
execute0_lowered:
.L_overlay_start_1:
0x0: {  	(tag) =	ssettag $0x1  }
0x1: {  	s0 =	srdreg.scid;
	s1 =	rddreg [dreg:$0x0]  }
0x2: {  	s2 =	rddreg [dreg:$0x1];
	s10 =	stileid.u32  }
0x3: {  	s3 =	rddreg [dreg:$0x2];
	s0 =	sand.u32 $0x1, s0;
	s8 =	smul.u32 $0x2800, s10  }
0x4: {  	s7 =	sshll.u32 s10, $0x7;
	s4 =	sshll.u32 s0, $0x4;
	s9 =	smul.u32 $0x28000, s0  }
0x5: {  	s0 =	ssub.s32 $0x2, s0;
	s6 =	sor.u32 s10, s4;
	s4 =	simm.s32 $0x0  }
0x6: {  	s29 =	sshrl.u32 s0, $0x1;
	s10 =	smul.u32 $0x50000, s10;
	[smem:$0x7FF] =	sst s4  }
0x7: {  	s11 =	sadd.s32 $0x35200, s1;
	s0 =	ssub.s32 s0, s29;
	_ =	strace $0x80000047  }
0x8: {  	[dreg:$0x4] =	wrdreg s11;
	s11 =	sshrl.u32 s10, $0x2;
	s0 =	smax.u32 s0, $0x1  }
0x9: {  	s24 =	sadd.s32 s11, s3;
	[dreg:$0x16] =	wrdreg s0  }
0xa: {  	s13 =	sadd.s32 $0x1400, s24;
	[dreg:$0x8] =	wrdreg s24  }
0xb: {  	s14 =	sadd.s32 $0x2800, s24;
	[dreg:$0x9] =	wrdreg s13  }
0xc: {  	s15 =	sadd.s32 $0x3C00, s24;
	[dreg:$0xa] =	wrdreg s14  }
0xd: {  	s30 =	simm.s32 $0x2780;
	s16 =	sadd.s32 $0x5000, s24;
	[dreg:$0xb] =	wrdreg s15  }
0xe: {  	s31 =	simm.s32 $0x50;
	s17 =	sadd.s32 $0x6400, s24;
	[dreg:$0xc] =	wrdreg s16  }
0xf: {  	s7 =	sand.u32 $0x380, s7;
	s18 =	sadd.s32 $0x7800, s24;
	[dreg:$0xd] =	wrdreg s17  }
0x10: {  	s5 =	sshrl.u32 s6, $0x3;
	s19 =	sadd.s32 $0x8C00, s24;
	[dreg:$0xe] =	wrdreg s18  }
0x11: {  	s8 =	sadd.s32 s8, s9;
	s20 =	sadd.s32 $0xA000, s24;
	[dreg:$0xf] =	wrdreg s19  }
0x12: {  	s9 =	sshll.u32 s6, $0xB;
	s21 =	sadd.s32 $0xB400, s24;
	[dreg:$0x10] =	wrdreg s20  }
0x13: {  	s5 =	smul.u32 $0x13C00, s5;
	s22 =	sadd.s32 $0xC800, s24;
	[dreg:$0x11] =	wrdreg s21  }
0x14: {  	s10 =	simm.s32 $0xA180;
	s23 =	sadd.s32 $0xDC00, s24;
	[dreg:$0x12] =	wrdreg s22  }
0x15: {  	s0 =	simm.s32 $0x2980;
	s25 =	sadd.s32 $0xF000, s24;
	[dreg:$0x13] =	wrdreg s23  }
0x16: {  	s7 =	sor.u32 s7, s5;
	s26 =	sadd.s32 $0x10400, s24;
	[dreg:$0x14] =	wrdreg s25  }
0x17: {  	s5 =	sadd.s32 $0xD200, s1;
	s28 =	sadd.s32 $0x11800, s24;
	[dreg:$0x17] =	wrdreg s26  }
0x18: {  	s29 =	sadd.s32 $0x12C00, s24;
	s7 =	sshrl.u32 s7, $0x3;
	[dreg:$0x18] =	wrdreg s28  }
0x19: {  	[dreg:$0x19] =	wrdreg s29;
	s13 =	simm.s32 $0x2880;
	s14 =	simm.s32 $0x7980  }
0x1a: {  	s15 =	simm.s32 $0x4;
	s16 =	simm.s32 $0x1;
	s17 =	simm.s32 $0x7  }
0x1b: {  	s18 =	simm.s32 $0x5;
	s19 =	simm.s32 $0x2;
	s20 =	simm.s32 $0x6  }
0x1c: {  	s7 =	sadd.s32 s7, s1;
	s1 =	sadd.s32 s8, s1;
	s8 =	sadd.s32 s2, s9  }
0x1d: {  	s21 =	simm.s32 $0x3;
	s7 =	sadd.s32 $0x3400, s7;
	[dreg:$0x6] =	wrdreg s8  }
0x1e: {  	s23 =	simm.s32 $0x0;
	s12 =	sadd.s32 $0x10, s8;
	[dreg:$0x5] =	wrdreg s7  }
0x1f: {  	s9 =	sshll.u32 s6, $0xE;
	s1 =	sadd.s32 $0x35600, s1;
	[dreg:$0x7] =	wrdreg s12  }
0x20: {  	s6 =	simm.s32 $0x2800;
	s8 =	simm.s32 $0x8;
	[dreg:$0x15] =	wrdreg s1  }
0x21: {  	s1 =	simm.s32 $0xB;
	s7 =	simm.s32 $0x5180;
	s12 =	simm.s32 $0xA  }
.LBB2_1:
0x22: {  	s11 =	rddreg [dreg:$0x5];
	s22 =	simm.s32 $0x80;
	s25 =	simm.s32 $0x400  }
0x23: {  	[tilespmem:s4], [sflag:$0xB] =	stream.strided.gather [hbm4b:s11+s22], $0x2780, s25, s22, $0x38;
	[tilespmem:$0x1F580] =	vst v63  }
0x24: {  	_ =	swait.ge [sflag:s1], $0x2780  }
0x25: {  	[sflag:s1] =	ssyncset.done $0x0  }
0x26: {  	s25 =	rddreg [dreg:$0x6];
	[sflag:s1] =	ssyncadd.s32 $0xFFFFD880  }
0x27: {  	[tilespmem:s30], [sflag:$0x4] =	stream.linear.gather [hbm4b:s25+s4], $0x80, $0x38;
	[tilespmem:$0x1F580] =	vst v63  }
0x28: {  	_ = 	snop  }
0x29: {  	[tilespmem:s0], [sflag:$0x1] =	stream.indirect.gather [hbm4b:s5+s31], $0x80, s4, s31, $0xb8;
	[tilespmem:$0x1F580] =	vst v63  }
0x2a: {  	s26 =	rddreg [dreg:$0x7]  }
0x2b: {  	[tilespmem:s6], [sflag:$0x5] =	stream.linear.gather [hbm4b:s26+s4], $0x80, $0x38;
	[tilespmem:$0x1F580] =	vst v63  }
0x2c: {  	_ = 	snop  }
0x2d: {  	[tilespmem:s7], [sflag:$0x2] =	stream.indirect.gather [hbm4b:s5+s31], $0x80, s31, s31, $0xb8;
	[tilespmem:$0x1F580] =	vst v63  }
0x2e: {  	s28 =	rddreg [dreg:$0x4]  }
0x2f: {  	[tilespmem:s10], [sflag:$0xB] =	stream.linear.gather [hbm4b:s28+s4], $0x1400, $0x38;
	[tilespmem:$0x1F580] =	vst v63  }
0x30: {  	_ =	swait.ge [sflag:s1], $0x1400  }
0x31: {  	[sflag:s1] =	ssyncset.done $0x0  }
0x32: {  	[sflag:s1] =	ssyncadd.s32 $0xFFFFEC00  }
0x33: {  	[spmem:s24] =	stream.linear.scatter [tilespmem:s10], [sflag:$0xA], $0x1400, $0x38;
	[tilespmem:$0x1F580] =	vst v63  }
0x34: {  	s29 =	rddreg [dreg:$0x9]  }
0x35: {  	[spmem:s29] =	stream.linear.scatter [tilespmem:s10], [sflag:$0xA], $0x1400, $0x38;
	[tilespmem:$0x1F580] =	vst v63  }
0x36: {  	s22 =	rddreg [dreg:$0xa]  }
0x37: {  	[spmem:s22] =	stream.linear.scatter [tilespmem:s10], [sflag:$0xA], $0x1400, $0x38;
	[tilespmem:$0x1F580] =	vst v63  }
0x38: {  	s24 =	rddreg [dreg:$0xb]  }
0x39: {  	[spmem:s24] =	stream.linear.scatter [tilespmem:s10], [sflag:$0xA], $0x1400, $0x38;
	[tilespmem:$0x1F580] =	vst v63  }
0x3a: {  	s25 =	rddreg [dreg:$0xc]  }
0x3b: {  	[spmem:s25] =	stream.linear.scatter [tilespmem:s10], [sflag:$0xA], $0x1400, $0x38;
	[tilespmem:$0x1F580] =	vst v63  }
0x3c: {  	s26 =	rddreg [dreg:$0xd]  }
0x3d: {  	[spmem:s26] =	stream.linear.scatter [tilespmem:s10], [sflag:$0xA], $0x1400, $0x38;
	[tilespmem:$0x1F580] =	vst v63  }
0x3e: {  	s28 =	rddreg [dreg:$0xe]  }
0x3f: {  	[spmem:s28] =	stream.linear.scatter [tilespmem:s10], [sflag:$0xA], $0x1400, $0x38;
	[tilespmem:$0x1F580] =	vst v63  }
0x40: {  	s29 =	rddreg [dreg:$0xf]  }
0x41: {  	[spmem:s29] =	stream.linear.scatter [tilespmem:s10], [sflag:$0xA], $0x1400, $0x38;
	[tilespmem:$0x1F580] =	vst v63  }
0x42: {  	s22 =	rddreg [dreg:$0x10]  }
0x43: {  	[spmem:s22] =	stream.linear.scatter [tilespmem:s10], [sflag:$0xA], $0x1400, $0x38;
	[tilespmem:$0x1F580] =	vst v63  }
0x44: {  	s24 =	rddreg [dreg:$0x11]  }
0x45: {  	[spmem:s24] =	stream.linear.scatter [tilespmem:s10], [sflag:$0xA], $0x1400, $0x38;
	[tilespmem:$0x1F580] =	vst v63  }
0x46: {  	s25 =	rddreg [dreg:$0x12]  }
0x47: {  	[spmem:s25] =	stream.linear.scatter [tilespmem:s10], [sflag:$0xA], $0x1400, $0x38;
	[tilespmem:$0x1F580] =	vst v63  }
0x48: {  	s26 =	rddreg [dreg:$0x13]  }
0x49: {  	[spmem:s26] =	stream.linear.scatter [tilespmem:s10], [sflag:$0xA], $0x1400, $0x38;
	[tilespmem:$0x1F580] =	vst v63  }
0x4a: {  	s28 =	rddreg [dreg:$0x14]  }
0x4b: {  	[spmem:s28] =	stream.linear.scatter [tilespmem:s10], [sflag:$0xA], $0x1400, $0x38;
	[tilespmem:$0x1F580] =	vst v63  }
0x4c: {  	s29 =	rddreg [dreg:$0x17]  }
0x4d: {  	[spmem:s29] =	stream.linear.scatter [tilespmem:s10], [sflag:$0xA], $0x1400, $0x38;
	[tilespmem:$0x1F580] =	vst v63  }
0x4e: {  	s22 =	rddreg [dreg:$0x18]  }
0x4f: {  	[spmem:s22] =	stream.linear.scatter [tilespmem:s10], [sflag:$0xA], $0x1400, $0x38;
	[tilespmem:$0x1F580] =	vst v63  }
0x50: {  	s24 =	rddreg [dreg:$0x19]  }
0x51: {  	[spmem:s24] =	stream.linear.scatter [tilespmem:s10], [sflag:$0xA], $0x1400, $0x38;
	[tilespmem:$0x1F580] =	vst v63  }
0x52: {  	_ =	swait.ge [sflag:s12], $0x1400  }
0x53: {  	[sflag:s12] =	ssyncset.done $0x0  }
0x54: {  	[sflag:s12] =	ssyncadd.s32 $0xFFFFEC00  }
0x55: {  	_ =	swait.ge [sflag:s12], $0x1400  }
0x56: {  	[sflag:s12] =	ssyncset.done $0x0  }
0x57: {  	[sflag:s12] =	ssyncadd.s32 $0xFFFFEC00  }
0x58: {  	_ =	swait.ge [sflag:s12], $0x1400  }
0x59: {  	[sflag:s12] =	ssyncset.done $0x0  }
0x5a: {  	[sflag:s12] =	ssyncadd.s32 $0xFFFFEC00  }
0x5b: {  	_ =	swait.ge [sflag:s12], $0x1400  }
0x5c: {  	[sflag:s12] =	ssyncset.done $0x0  }
0x5d: {  	[sflag:s12] =	ssyncadd.s32 $0xFFFFEC00  }
0x5e: {  	_ =	swait.ge [sflag:s12], $0x1400  }
0x5f: {  	[sflag:s12] =	ssyncset.done $0x0  }
0x60: {  	[sflag:s12] =	ssyncadd.s32 $0xFFFFEC00  }
0x61: {  	_ =	swait.ge [sflag:s12], $0x1400  }
0x62: {  	[sflag:s12] =	ssyncset.done $0x0  }
0x63: {  	[sflag:s12] =	ssyncadd.s32 $0xFFFFEC00  }
0x64: {  	_ =	swait.ge [sflag:s12], $0x1400  }
0x65: {  	[sflag:s12] =	ssyncset.done $0x0  }
0x66: {  	[sflag:s12] =	ssyncadd.s32 $0xFFFFEC00  }
0x67: {  	_ =	swait.ge [sflag:s12], $0x1400  }
0x68: {  	[sflag:s12] =	ssyncset.done $0x0  }
0x69: {  	[sflag:s12] =	ssyncadd.s32 $0xFFFFEC00  }
0x6a: {  	_ =	swait.ge [sflag:s12], $0x1400  }
0x6b: {  	[sflag:s12] =	ssyncset.done $0x0  }
0x6c: {  	[sflag:s12] =	ssyncadd.s32 $0xFFFFEC00  }
0x6d: {  	_ =	swait.ge [sflag:s12], $0x1400  }
0x6e: {  	[sflag:s12] =	ssyncset.done $0x0  }
0x6f: {  	[sflag:s12] =	ssyncadd.s32 $0xFFFFEC00  }
0x70: {  	_ =	swait.ge [sflag:s12], $0x1400  }
0x71: {  	[sflag:s12] =	ssyncset.done $0x0  }
0x72: {  	[sflag:s12] =	ssyncadd.s32 $0xFFFFEC00  }
0x73: {  	_ =	swait.ge [sflag:s12], $0x1400  }
0x74: {  	[sflag:s12] =	ssyncset.done $0x0  }
0x75: {  	[sflag:s12] =	ssyncadd.s32 $0xFFFFEC00  }
0x76: {  	_ =	swait.ge [sflag:s12], $0x1400  }
0x77: {  	[sflag:s12] =	ssyncset.done $0x0  }
0x78: {  	[sflag:s12] =	ssyncadd.s32 $0xFFFFEC00  }
0x79: {  	_ =	swait.ge [sflag:s12], $0x1400  }
0x7a: {  	[sflag:s12] =	ssyncset.done $0x0  }
0x7b: {  	[sflag:s12] =	ssyncadd.s32 $0xFFFFEC00  }
0x7c: {  	_ =	swait.ge [sflag:s12], $0x1400  }
0x7d: {  	[sflag:s12] =	ssyncset.done $0x0  }
0x7e: {  	[sflag:s12] =	ssyncadd.s32 $0xFFFFEC00  }
0x7f: {  	_ =	swait.ge [sflag:s12], $0x1400  }
0x80: {  	p0 =	por $0x1, $0x1;
	s25 =	simm.s32 $0x100;
	[sflag:s12] =	ssyncset.done $0x0  }
0x81: {  	s26 =	sand.u32 $0xFC00, s25;
	s22 =	sand.u32 $0x380, s25;
	[sflag:s12] =	ssyncadd.s32 $0xFFFFEC00  }
0x82: {  	s25 =	simm.s32 @!p0 $0x9;
	s24 =	sadd.s32 s9, s26;
	[bflag:$0x0] =	sbarrier.arrive $0xFFFF  }
0x83: {  	s22 =	sor.u32 s22, s24;
	_ =	swait.ge @!p0 [sflag:s25], $0x2800  }
0x84: {  	s22 =	sshrl.u32 s22, $0x3;
	[sflag:s25] =	ssyncset.done @!p0 $0x0  }
0x85: {  	s22 =	sadd.s32 s2, s22;
	[sflag:s25] =	ssyncadd.s32 @!p0 $0xFFFFD800  }
0x86: {  	[tilespmem:s13], [sflag:$0x6] =	stream.linear.gather [hbm4b:s22+s4], $0x80, $0x38;
	[tilespmem:$0x1F580] =	vst v63  }
0x87: {  	s28 =	simm.s32 $0xA0  }
0x88: {  	[tilespmem:s14], [sflag:$0x3] =	stream.indirect.gather [hbm4b:s5+s31], $0x80, s28, s31, $0xb8;
	[tilespmem:$0x1F580] =	vst v63  }
0x89: {  	_ =	swait.ge [sflag:s15], $0x80  }
0x8a: {  	[sflag:s15] =	ssyncset.done $0x0  }
0x8b: {  	[sflag:s15] =	ssyncadd.s32 $0xFFFFFF80  }
0x8c: {  	s29 =	simm.s32 $0x180;
	_ =	swait.ge [sflag:s16], $0x2800  }
0x8d: {  	s11 =	sand.u32 $0xFC00, s29;
	[sflag:s16] =	ssyncset.done $0x0  }
0x8e: {  	s24 =	sadd.s32 s9, s11;
	s22 =	sand.u32 $0x380, s29;
	[sflag:s16] =	ssyncadd.s32 $0xFFFFD800  }
0x8f: {  	[spmem:s3] =	stream.indirect.scatter.add.f32 [tilespmem:s0], [sflag:$0x7], $0x80, s30, s31, $0xb8;
	[tilespmem:$0x1F580] =	vst v63  }
0x90: {  	s22 =	sor.u32 s22, s24;
	_ =	swait.ge [sflag:s17], $0x2800  }
0x91: {  	s22 =	sshrl.u32 s22, $0x3;
	[sflag:s17] =	ssyncset.done $0x0  }
0x92: {  	s22 =	sadd.s32 s2, s22;
	[sflag:s17] =	ssyncadd.s32 $0xFFFFD800  }
0x93: {  	[tilespmem:s30], [sflag:$0x4] =	stream.linear.gather [hbm4b:s22+s4], $0x80, $0x38;
	[tilespmem:$0x1F580] =	vst v63  }
0x94: {  	s25 =	simm.s32 $0xF0  }
0x95: {  	[tilespmem:s0], [sflag:$0x1] =	stream.indirect.gather [hbm4b:s5+s31], $0x80, s25, s31, $0xb8;
	[tilespmem:$0x1F580] =	vst v63  }
0x96: {  	_ =	swait.ge [sflag:s18], $0x80  }
0x97: {  	[sflag:s18] =	ssyncset.done $0x0  }
0x98: {  	[sflag:s18] =	ssyncadd.s32 $0xFFFFFF80  }
0x99: {  	s26 =	simm.s32 $0x200;
	_ =	swait.ge [sflag:s19], $0x2800  }
0x9a: {  	s28 =	sand.u32 $0xFC00, s26;
	[sflag:s19] =	ssyncset.done $0x0  }
0x9b: {  	s24 =	sadd.s32 s9, s28;
	s22 =	sand.u32 $0x380, s26;
	[sflag:s19] =	ssyncadd.s32 $0xFFFFD800  }
0x9c: {  	[spmem:s3] =	stream.indirect.scatter.add.f32 [tilespmem:s7], [sflag:$0x8], $0x80, s6, s31, $0xb8;
	[tilespmem:$0x1F580] =	vst v63  }
0x9d: {  	s22 =	sor.u32 s22, s24;
	_ =	swait.ge [sflag:s8], $0x2800  }
0x9e: {  	s29 =	simm.s32 $0x140;
	s22 =	sshrl.u32 s22, $0x3;
	[sflag:s8] =	ssyncset.done $0x0  }
0x9f: {  	s26 =	simm.s32 $0x500;
	s22 =	sadd.s32 s2, s22;
	[sflag:s8] =	ssyncadd.s32 $0xFFFFD800  }
0xa0: {  	[tilespmem:s6], [sflag:$0x5] =	stream.linear.gather [hbm4b:s22+s4], $0x80, $0x38;
	[tilespmem:$0x1F580] =	vst v63  }
0xa1: {  	s24 =	simm.s32 $0x230;
	s25 =	simm.s32 $0x380;
	s22 =	simm.s32 $0x280  }
0xa2: {  	[tilespmem:s7], [sflag:$0x2] =	stream.indirect.gather [hbm4b:s5+s31], $0x80, s29, s31, $0xb8;
	[tilespmem:$0x1F580] =	vst v63  }
.LBB2_2:
0xa3: {  	s11 =	sand.u32 $0xFC00, s22;
	_ =	swait.ge [sflag:s20], $0x80  }
0xa4: {  	s29 =	smov.u32 s26;
	s26 =	sadd.s32 $0x180, s26;
	s28 =	smov.u32 s24  }
0xa5: {  	s22 =	sand.u32 $0x380, s22;
	s11 =	sadd.s32 s9, s11;
	[sflag:s20] =	ssyncset.done $0x0  }
0xa6: {  	p0 =	sne.s32 s26, $0x3F80;
	s11 =	sor.u32 s22, s11;
	[sflag:s20] =	ssyncadd.s32 $0xFFFFFF80  }
0xa7: {  	p1 =	seq.s32 s25, $0x200;
	s11 =	sshrl.u32 s11, $0x3;
	_ =	swait.ge [sflag:s21], $0x2800  }
0xa8: {  	s22 =	simm.s32 @!p1 $0x9;
	[sflag:s21] =	ssyncset.done $0x0  }
0xa9: {  	[sflag:s21] =	ssyncadd.s32 $0xFFFFD800  }
0xaa: {  	[spmem:s3] =	stream.indirect.scatter.add.f32 [tilespmem:s14], [sflag:$0x9], $0x80, s13, s31, $0xb8;
	[tilespmem:$0x1F580] =	vst v63  }
0xab: {  	s11 =	sadd.s32 s2, s11;
	_ =	swait.ge @!p1 [sflag:s22], $0x2800  }
0xac: {  	[sflag:s22] =	ssyncset.done @!p1 $0x0  }
0xad: {  	[sflag:s22] =	ssyncadd.s32 @!p1 $0xFFFFD800  }
0xae: {  	[tilespmem:s13], [sflag:$0x6] =	stream.linear.gather [hbm4b:s11+s4], $0x80, $0x38;
	[tilespmem:$0x1F580] =	vst v63  }
0xaf: {  	s11 =	sadd.s32 $0xFFFFFF60, s24  }
0xb0: {  	[tilespmem:s14], [sflag:$0x3] =	stream.indirect.gather [hbm4b:s5+s31], $0x80, s11, s31, $0xb8;
	[tilespmem:$0x1F580] =	vst v63  }
0xb1: {  	_ =	swait.ge [sflag:s15], $0x80  }
0xb2: {  	[sflag:s15] =	ssyncset.done $0x0  }
0xb3: {  	[sflag:s15] =	ssyncadd.s32 $0xFFFFFF80  }
0xb4: {  	s11 =	sadd.s32 $0xFFFFFF80, s25;
	_ =	swait.ge [sflag:s16], $0x2800  }
0xb5: {  	s22 =	sand.u32 $0xFC00, s11;
	[sflag:s16] =	ssyncset.done $0x0  }
0xb6: {  	s11 =	sand.u32 $0x380, s11;
	s22 =	sadd.s32 s9, s22;
	[sflag:s16] =	ssyncadd.s32 $0xFFFFD800  }
0xb7: {  	[spmem:s3] =	stream.indirect.scatter.add.f32 [tilespmem:s0], [sflag:$0x7], $0x80, s30, s31, $0xb8;
	[tilespmem:$0x1F580] =	vst v63  }
0xb8: {  	s11 =	sor.u32 s11, s22;
	_ =	swait.ge [sflag:s17], $0x2800  }
0xb9: {  	s11 =	sshrl.u32 s11, $0x3;
	[sflag:s17] =	ssyncset.done $0x0  }
0xba: {  	s11 =	sadd.s32 s2, s11;
	[sflag:s17] =	ssyncadd.s32 $0xFFFFD800  }
0xbb: {  	[tilespmem:s30], [sflag:$0x4] =	stream.linear.gather [hbm4b:s11+s4], $0x80, $0x38;
	[tilespmem:$0x1F580] =	vst v63  }
0xbc: {  	s11 =	sadd.s32 $0xFFFFFFB0, s24  }
0xbd: {  	[tilespmem:s0], [sflag:$0x1] =	stream.indirect.gather [hbm4b:s5+s31], $0x80, s11, s31, $0xb8;
	[tilespmem:$0x1F580] =	vst v63  }
0xbe: {  	_ =	swait.ge [sflag:s18], $0x80  }
0xbf: {  	[sflag:s18] =	ssyncset.done $0x0  }
0xc0: {  	[sflag:s18] =	ssyncadd.s32 $0xFFFFFF80  }
0xc1: {  	_ =	swait.ge [sflag:s19], $0x2800  }
0xc2: {  	[sflag:s19] =	ssyncset.done $0x0  }
0xc3: {  	s22 =	sand.u32 $0x380, s25;
	s11 =	sand.u32 $0xFC00, s25;
	[sflag:s19] =	ssyncadd.s32 $0xFFFFD800  }
0xc4: {  	[spmem:s3] =	stream.indirect.scatter.add.f32 [tilespmem:s7], [sflag:$0x8], $0x80, s6, s31, $0xb8;
	[tilespmem:$0x1F580] =	vst v63  }
0xc5: {  	s25 =	smov.u32 s29;
	s11 =	sadd.s32 s9, s11;
	_ =	swait.ge [sflag:s8], $0x2800  }
0xc6: {  	s11 =	sor.u32 s22, s11;
	[sflag:s8] =	ssyncset.done $0x0  }
.Ltmp0:
0xc7: {  	s11 =	sshrl.u32 s11, $0x3;
	[sflag:s8] =	ssyncadd.s32 $0xFFFFD800;
	(pc) =	sbr.rel @p0 .LBB2_2-.Ltmp0, $4  }
0xc8: {  	s11 =	sadd.s32 s2, s11  }
0xc9: {  	[tilespmem:s6], [sflag:$0x5] =	stream.linear.gather [hbm4b:s11+s4], $0x80, $0x38;
	[tilespmem:$0x1F580] =	vst v63  }
0xca: {  	s24 =	sadd.s32 $0xF0, s24;
	s22 =	sadd.s32 $0xFFFFFF00, s25  }
0xcb: {  	[tilespmem:s7], [sflag:$0x2] =	stream.indirect.gather [hbm4b:s5+s31], $0x80, s28, s31, $0xb8;
	[tilespmem:$0x1F580] =	vst v63  }
0xcc: {  	_ =	swait.ge [sflag:s20], $0x80  }
0xcd: {  	[sflag:s20] =	ssyncset.done $0x0  }
0xce: {  	[sflag:s20] =	ssyncadd.s32 $0xFFFFFF80  }
0xcf: {  	s11 =	sand.u32 $0xFC00, s22;
	_ =	swait.ge [sflag:s21], $0x2800  }
0xd0: {  	p0 =	seq.s32 s25, $0x200;
	s29 =	sand.u32 $0x380, s22;
	[sflag:s21] =	ssyncset.done $0x0  }
0xd1: {  	s11 =	sadd.s32 s9, s11;
	s26 =	simm.s32 @!p0 $0x9;
	[sflag:s21] =	ssyncadd.s32 $0xFFFFD800  }
0xd2: {  	[spmem:s3] =	stream.indirect.scatter.add.f32 [tilespmem:s14], [sflag:$0x9], $0x80, s13, s31, $0xb8;
	[tilespmem:$0x1F580] =	vst v63  }
0xd3: {  	s11 =	sor.u32 s29, s11;
	_ =	swait.ge @!p0 [sflag:s26], $0x2800  }
0xd4: {  	s11 =	sshrl.u32 s11, $0x3;
	[sflag:s26] =	ssyncset.done @!p0 $0x0  }
0xd5: {  	s11 =	sadd.s32 s2, s11;
	[sflag:s26] =	ssyncadd.s32 @!p0 $0xFFFFD800  }
0xd6: {  	[tilespmem:s13], [sflag:$0x6] =	stream.linear.gather [hbm4b:s11+s4], $0x80, $0x38;
	[tilespmem:$0x1F580] =	vst v63  }
0xd7: {  	s26 =	sadd.s32 $0xFFFFFF60, s24  }
0xd8: {  	[tilespmem:s14], [sflag:$0x3] =	stream.indirect.gather [hbm4b:s5+s31], $0x80, s26, s31, $0xb8;
	[tilespmem:$0x1F580] =	vst v63  }
0xd9: {  	_ =	swait.ge [sflag:s15], $0x80  }
0xda: {  	[sflag:s15] =	ssyncset.done $0x0  }
0xdb: {  	[sflag:s15] =	ssyncadd.s32 $0xFFFFFF80  }
0xdc: {  	s28 =	sadd.s32 $0xFFFFFF80, s25;
	_ =	swait.ge [sflag:s16], $0x2800  }
0xdd: {  	s29 =	sand.u32 $0xFC00, s28;
	[sflag:s16] =	ssyncset.done $0x0  }
0xde: {  	s22 =	sadd.s32 s9, s29;
	s11 =	sand.u32 $0x380, s28;
	[sflag:s16] =	ssyncadd.s32 $0xFFFFD800  }
0xdf: {  	[spmem:s3] =	stream.indirect.scatter.add.f32 [tilespmem:s0], [sflag:$0x7], $0x80, s30, s31, $0xb8;
	[tilespmem:$0x1F580] =	vst v63  }
0xe0: {  	s11 =	sor.u32 s11, s22;
	_ =	swait.ge [sflag:s17], $0x2800  }
0xe1: {  	s11 =	sshrl.u32 s11, $0x3;
	[sflag:s17] =	ssyncset.done $0x0  }
0xe2: {  	s11 =	sadd.s32 s2, s11;
	[sflag:s17] =	ssyncadd.s32 $0xFFFFD800  }
0xe3: {  	[tilespmem:s30], [sflag:$0x4] =	stream.linear.gather [hbm4b:s11+s4], $0x80, $0x38;
	[tilespmem:$0x1F580] =	vst v63  }
0xe4: {  	s26 =	sadd.s32 $0xFFFFFFB0, s24  }
0xe5: {  	[tilespmem:s0], [sflag:$0x1] =	stream.indirect.gather [hbm4b:s5+s31], $0x80, s26, s31, $0xb8;
	[tilespmem:$0x1F580] =	vst v63  }
0xe6: {  	_ =	swait.ge [sflag:s18], $0x80  }
0xe7: {  	[sflag:s18] =	ssyncset.done $0x0  }
0xe8: {  	[sflag:s18] =	ssyncadd.s32 $0xFFFFFF80  }
0xe9: {  	_ =	swait.ge [sflag:s19], $0x2800  }
0xea: {  	s28 =	sand.u32 $0xFC00, s25;
	[sflag:s19] =	ssyncset.done $0x0  }
0xeb: {  	s29 =	sand.u32 $0x380, s25;
	s11 =	sadd.s32 s9, s28;
	[sflag:s19] =	ssyncadd.s32 $0xFFFFD800  }
0xec: {  	[spmem:s3] =	stream.indirect.scatter.add.f32 [tilespmem:s7], [sflag:$0x8], $0x80, s6, s31, $0xb8;
	[tilespmem:$0x1F580] =	vst v63  }
0xed: {  	s11 =	sor.u32 s29, s11;
	_ =	swait.ge [sflag:s8], $0x2800  }
0xee: {  	s11 =	sshrl.u32 s11, $0x3;
	[sflag:s8] =	ssyncset.done $0x0  }
0xef: {  	s11 =	sadd.s32 s2, s11;
	[sflag:s8] =	ssyncadd.s32 $0xFFFFD800  }
0xf0: {  	[tilespmem:s6], [sflag:$0x5] =	stream.linear.gather [hbm4b:s11+s4], $0x80, $0x38;
	[tilespmem:$0x1F580] =	vst v63  }
0xf1: {  	_ = 	snop  }
0xf2: {  	[tilespmem:s7], [sflag:$0x2] =	stream.indirect.gather [hbm4b:s5+s31], $0x80, s24, s31, $0xb8;
	[tilespmem:$0x1F580] =	vst v63  }
0xf3: {  	_ =	swait.ge [sflag:s20], $0x80  }
0xf4: {  	[sflag:s20] =	ssyncset.done $0x0  }
0xf5: {  	[sflag:s20] =	ssyncadd.s32 $0xFFFFFF80  }
0xf6: {  	_ =	swait.ge [sflag:s21], $0x2800  }
0xf7: {  	[sflag:s21] =	ssyncset.done $0x0  }
0xf8: {  	s24 =	simm.s32 $0x9;
	[sflag:s21] =	ssyncadd.s32 $0xFFFFD800  }
0xf9: {  	[spmem:s3] =	stream.indirect.scatter.add.f32 [tilespmem:s14], [sflag:$0x9], $0x80, s13, s31, $0xb8;
	[tilespmem:$0x1F580] =	vst v63  }
0xfa: {  	_ =	swait.ge [sflag:s24], $0x2800  }
0xfb: {  	[sflag:s24] =	ssyncset.done $0x0  }
0xfc: {  	[sflag:s24] =	ssyncadd.s32 $0xFFFFD800  }
0xfd: {  	_ =	swait.ge [sflag:s15], $0x80  }
0xfe: {  	[sflag:s15] =	ssyncset.done $0x0  }
0xff: {  	[sflag:s15] =	ssyncadd.s32 $0xFFFFFF80  }
0x100: {  	_ =	swait.ge [sflag:s16], $0x2800  }
0x101: {  	[sflag:s16] =	ssyncset.done $0x0  }
0x102: {  	[sflag:s16] =	ssyncadd.s32 $0xFFFFD800  }
0x103: {  	[spmem:s3] =	stream.indirect.scatter.add.f32 [tilespmem:s0], [sflag:$0x7], $0x80, s30, s31, $0xb8;
	[tilespmem:$0x1F580] =	vst v63  }
0x104: {  	_ =	swait.ge [sflag:s17], $0x2800  }
0x105: {  	[sflag:s17] =	ssyncset.done $0x0  }
0x106: {  	[sflag:s17] =	ssyncadd.s32 $0xFFFFD800  }
0x107: {  	_ =	swait.ge [sflag:s18], $0x80  }
0x108: {  	[sflag:s18] =	ssyncset.done $0x0  }
0x109: {  	[sflag:s18] =	ssyncadd.s32 $0xFFFFFF80  }
0x10a: {  	_ =	swait.ge [sflag:s19], $0x2800  }
0x10b: {  	[sflag:s19] =	ssyncset.done $0x0  }
0x10c: {  	[sflag:s19] =	ssyncadd.s32 $0xFFFFD800  }
0x10d: {  	[spmem:s3] =	stream.indirect.scatter.add.f32 [tilespmem:s7], [sflag:$0x8], $0x80, s6, s31, $0xb8;
	[tilespmem:$0x1F580] =	vst v63  }
0x10e: {  	_ =	swait.ge [sflag:s8], $0x2800  }
0x10f: {  	[sflag:s8] =	ssyncset.done $0x0  }
0x110: {  	[sflag:s8] =	ssyncadd.s32 $0xFFFFD800  }
0x111: {  	s25 =	stileid.u32;
	[bflag:$0x0] =	sbarrier.arrive $0xFFFF  }
0x112: {  	s11 =	sshll.u32 s25, $0x6;
	s24 =	rddreg [dreg:$0x8]  }
0x113: {  	s11 =	sor.u32 $0x1C0B, s11;
	s28 =	rddreg [dreg:$0x15];
	s26 =	sshrl.u32 s24, $0x3  }
0x114: {  	[hbm:s28], [sflag:s11] =	dma.local [spmem:s26], $0x2800  }
0x115: {  	_ =	swait.ge [sflag:s1], $0x2800  }
0x116: {  	s23 =	sadd.s32 $0x1, s23;
	s29 =	rddreg [dreg:$0x16]  }
0x117: {  	p0 =	sne.s32 s23, s29  }
.Ltmp1:
0x118: {  	_ = 	snop;
	(pc) =	sbr.rel @p0 .LBB2_1-.Ltmp1, $3  }
0x119: {  	_ =	sdelay $0x1  }
0x11a: {  	[sflag:s1] =	ssyncset.done $0x0  }
0x11b: {  	[sflag:s1] =	ssyncadd.s32 $0xFFFFD800  }
0x11c: {  	_ =	sfence.sel $0x180000  }
0x11d: {  	[bflag:$0x0] =	sbarrier.arrive $0xFFFF  }
0x11e: {  	_ =	strace $0x90000047  }
0x11f: {  	s0 =	stileid.u32;
	[bflag:$0x2] =	sbarrier.arrive $0xFFFF  }
0x120: {  	p0 =	sne.s32 s0, $0x0;
	s0 =	rddreg [dreg:$0x3]  }
0x121: {  	s0 =	sadd.s32 @!p0 $0x100000, s0  }
0x122: {  	[sflag:s0] =	ssyncadd.tile.s32 @!p0 $0x1;
	_ =	shalt  }
.Lfunc_end2:
_tile_overlayer_lowered:
.L_overlay_start_2:
0x123: {  	(tag) =	ssettag $0x2  }
0x124: {  	s0 =	rddreg [dreg:$0x0];
	s2 =	stileid.u32  }
0x125: {  	s1 =	rddreg [dreg:$0x1];
	p0 =	sne.s32 s2, $0x0  }
0x126: {  	s3 =	rddreg [dreg:$0x2];
	[bflag:$0x3] =	sbarrier.arrive $0xFFFF;
	s2 =	simm.s32 @!p0 $0x1C0B  }
0x127: {  	[timem:s3], [sflag:s2] =	dma.local @!p0 [hbm:s0], s1  }
0x128: {  	s0 =	simm.s32 @!p0 $0xB  }
0x129: {  	_ =	swait.ge @!p0 [sflag:s0], s1  }
0x12a: {  	s1 =	ssub.s32 @!p0 $0x0, s1;
	[sflag:s0] =	ssyncset.done @!p0 $0x0  }
0x12b: {  	[sflag:s0] =	ssyncadd.s32 @!p0 s1  }
0x12c: {  	[bflag:$0x3] =	sbarrier.arrive $0xFFFF  }
0x12d: {  	_ =	shalt  }

// kernel: kernel.15.cloned.1.call-start
scs
__scs_entry_jumppad:
0x0: {  	(pc) =	sbr.rel $0x88, $3  }
0x1: {  	(tag) =	ssettag $0x0;
	lr =	simm.s32 $0x1  }
0x2: {  	[smem:$0x3F96] =	sst lr;
	_ =	strace $0xD0000000  }
0x3: {  	_ = 	snop  }
0x4: {  	_ = 	snop  }
0x5: {  	_ = 	snop  }
0x6: {  	_ = 	snop  }
0x7: {  	_ = 	snop  }
__scs_overlays_trampoline_lowered:
0x8: {  	[smem:$0x3FA5] =	sst s0  }
0x9: {  	[smem:$0x3FA6] =	sst s1  }
0xa: {  	[smem:$0x3FA7] =	sst s2  }
0xb: {  	[smem:$0x3FA8] =	sst s3  }
0xc: {  	[smem:$0x3FA9] =	sst s4  }
0xd: {  	[smem:$0x3FAA] =	sst s5  }
0xe: {  	[smem:$0x3FAB] =	sst s6  }
0xf: {  	[smem:$0x3FAC] =	sst s7  }
0x10: {  	[smem:$0x3FAD] =	sst s8  }
0x11: {  	[smem:$0x3FAE] =	sst s9;
	s0 =	simm.s32 @!p0 $0x0  }
0x12: {  	s1 =	sld [smem:$0x3F94];
	s0 =	simm.s32 @p0 $0x1  }
0x13: {  	[smem:$0x3FAF] =	sst s0;
	s0 =	simm.s32 @!p1 $0x0  }
0x14: {  	s2 =	sld [smem:$0x3F93];
	s0 =	simm.s32 @p1 $0x1  }
0x15: {  	[smem:$0x3FB0] =	sst s0;
	s0 =	simm.s32 @!p2 $0x0  }
0x16: {  	s3 =	sld [smem:$0x3FDB];
	s0 =	simm.s32 @p2 $0x1  }
0x17: {  	s4 =	simm.s32 $0x1BF5;
	[smem:$0x3FB2] =	sst s0  }
0x18: {  	s0 =	sld [smem:$0x3F95];
	_ =	swait.ge [sflag:s4], $0x0  }
0x19: {  	s7 =	sld [smem:$0x3F96]  }
0x1a: {  	s8 =	sadd.s32 $0xFFFFE003, lr  }
0x1b: {  	s9 =	sadd.s32 $0xFFFFFEF7, lr;
	s5 =	simm.s32 $0xFFFFFFFF;
	p2 =	slt.u32 s8, $0xFFFFF086  }
0x1c: {  	p1 =	slt.u32 s9, $0xF7A;
	s5 =	simm.s32 @!p2 $0x0  }
0x1d: {  	s5 =	simm.s32 @p1 $0x1;
	p0 =	seq.s32 s7, s2  }
0x1e: {  	s7 =	smul.u32 @!p0 $0xF7A, s2;
	p2 =	seq.s32 @!p0 s5, $0x0  }
0x1f: {  	s9 =	smul.u32 $0xF7A, s1;
	s8 =	simm.s32 @!p0 $0x1BF5;
	p2 =	por !p2, p0  }
0x20: {  	[sflag:s8] =	ssyncset.s32 @!p0 $0xFFFFF086;
	s6 =	sadd.s32 @!p0 s3, s7;
	s7 =	simm.s32 @!p0 $0x108  }
0x21: {  	s3 =	sadd.s32 s3, s9;
	s6 =	sadd.s32 @!p0 $0x88, s6;
	s7 =	simm.s32 @p2 $0x1082  }
0x22: {  	[simem:s7], [sflag:s8] =	dma.local @!p0 [hbm:s6], $0xF7A  }
0x23: {  	s9 =	sor.u32 $0xD0000000, s2;
	s6 =	simm.s32 $0x108;
	_ =	swait.ge @!p0 [sflag:s8], $0x0  }
0x24: {  	s3 =	sadd.s32 $0x88, s3;
	s6 =	simm.s32 @!p1 $0x1082;
	[sflag:s4] =	ssyncset.s32 $0xFFFFF086  }
0x25: {  	[simem:s6], [sflag:s4] =	dma.local [hbm:s3], $0xF7A  }
0x26: {  	[smem:$0x3F96] =	sst s1;
	(tag) =	ssettag s2;
	_ =	strace s9  }
0x27: {  	s1 =	sld [smem:$0x3FA6]  }
0x28: {  	s2 =	sld [smem:$0x3FA7]  }
0x29: {  	s4 =	sld [smem:$0x3FA9]  }
0x2a: {  	p0 =	seq.s32 s5, $0x0;
	s5 =	sld [smem:$0x3FAA]  }
0x2b: {  	s6 =	sld [smem:$0x3FAB]  }
0x2c: {  	s7 =	sld [smem:$0x3FAC]  }
0x2d: {  	s3 =	simm.s32 $0x108;
	s8 =	sld [smem:$0x3FAD]  }
0x2e: {  	s3 =	simm.s32 @!p0 $0x1082;
	s9 =	sld [smem:$0x3FAE]  }
0x2f: {  	lr =	sadd.s32 s0, s3;
	s0 =	sld [smem:$0x3FA5]  }
0x30: {  	s3 =	sld [smem:$0x3FA8]  }
0x31: {  	[smem:$0x3FB1] =	sst s10  }
0x32: {  	s10 =	sld [smem:$0x3FAF];
	_ =	sdelay $0x3  }
0x33: {  	p0 =	seq.s32 s10, $0x1;
	s10 =	sld [smem:$0x3FB1];
	_ =	sdelay $0x3  }
0x34: {  	[smem:$0x3FB1] =	sst s10  }
0x35: {  	s10 =	sld [smem:$0x3FB0];
	_ =	sdelay $0x3  }
0x36: {  	p1 =	seq.s32 s10, $0x1;
	s10 =	sld [smem:$0x3FB1];
	_ =	sdelay $0x3  }
0x37: {  	[smem:$0x3FB1] =	sst s10  }
0x38: {  	s10 =	sld [smem:$0x3FB2]  }
0x39: {  	_ = 	snop;
	(pc) =	sbr.ind lr, $3  }
0x3a: {  	_ = 	snop  }
0x3b: {  	_ = 	snop  }
0x3c: {  	p2 =	seq.s32 s10, $0x1;
	s10 =	sld [smem:$0x3FB1]  }
0x3d: {  	_ =	shalt  }
0x3e: {  	_ =	shalt  }
0x3f: {  	_ =	shalt  }
0x40: {  	_ =	shalt  }
0x41: {  	_ =	shalt  }
0x42: {  	_ =	shalt  }
0x43: {  	_ =	shalt  }
0x44: {  	_ =	shalt  }
0x45: {  	_ =	shalt  }
0x46: {  	_ =	shalt  }
0x47: {  	_ =	shalt  }
0x48: {  	_ =	shalt  }
0x49: {  	_ =	shalt  }
0x4a: {  	_ =	shalt  }
0x4b: {  	_ =	shalt  }
0x4c: {  	_ =	shalt  }
0x4d: {  	_ =	shalt  }
0x4e: {  	_ =	shalt  }
0x4f: {  	_ =	shalt  }
0x50: {  	_ =	shalt  }
0x51: {  	_ =	shalt  }
0x52: {  	_ =	shalt  }
0x53: {  	_ =	shalt  }
0x54: {  	_ =	shalt  }
0x55: {  	_ =	shalt  }
0x56: {  	_ =	shalt  }
0x57: {  	_ =	shalt  }
0x58: {  	_ =	shalt  }
0x59: {  	_ =	shalt  }
0x5a: {  	_ =	shalt  }
0x5b: {  	_ =	shalt  }
0x5c: {  	_ =	shalt  }
0x5d: {  	_ =	shalt  }
0x5e: {  	_ =	shalt  }
0x5f: {  	_ =	shalt  }
0x60: {  	_ =	shalt  }
0x61: {  	_ =	shalt  }
0x62: {  	_ =	shalt  }
0x63: {  	_ =	shalt  }
0x64: {  	_ =	shalt  }
0x65: {  	_ =	shalt  }
0x66: {  	_ =	shalt  }
0x67: {  	_ =	shalt  }
0x68: {  	_ =	shalt  }
0x69: {  	_ =	shalt  }
0x6a: {  	_ =	shalt  }
0x6b: {  	_ =	shalt  }
0x6c: {  	_ =	shalt  }
0x6d: {  	_ =	shalt  }
0x6e: {  	_ =	shalt  }
0x6f: {  	_ =	shalt  }
0x70: {  	_ =	shalt  }
0x71: {  	_ =	shalt  }
0x72: {  	_ =	shalt  }
0x73: {  	_ =	shalt  }
0x74: {  	_ =	shalt  }
0x75: {  	_ =	shalt  }
0x76: {  	_ =	shalt  }
0x77: {  	_ =	shalt  }
0x78: {  	_ =	shalt  }
0x79: {  	_ =	shalt  }
0x7a: {  	_ =	shalt  }
0x7b: {  	_ =	shalt  }
0x7c: {  	_ =	shalt  }
0x7d: {  	_ =	shalt  }
0x7e: {  	_ =	shalt  }
0x7f: {  	_ =	shalt  }
0x80: {  	_ =	shalt  }
0x81: {  	_ =	shalt  }
0x82: {  	_ =	shalt  }
0x83: {  	_ =	shalt  }
0x84: {  	_ =	shalt  }
0x85: {  	_ =	shalt  }
0x86: {  	_ =	shalt  }
0x87: {  	_ =	shalt  }
.Lfunc_end0:
.L_simem_size_0:
called_computation.2_lowered:
.L_overlay_start_0:
0x88: {  	s2 =	sld [smem:$0x3FD9]  }
0x89: {  	s3 =	sld [smem:$0x3FFE];
	_ =	sdelay $0x1  }
0x8a: {  	s1 =	srdreg.scid  }
0x8b: {  	s0 =	sand.u32 $0x1, s1  }
0x8c: {  	s17 =	sshll.u32 s0, $0xA;
	s2 =	sadd.s32 s3, s2  }
0x8d: {  	s2 =	sadd.s32 s2, s17  }
0x8e: {  	[smem:$0x3FBD] =	sst s2  }
0x8f: {  	_ = 	snop  }
0x90: {  	s2 =	sld [smem:$0x3FD0];
	(tm) =	ssettm $0x1  }
0x91: {  	s18 =	sld [smem:$0x3FFB];
	_ =	sdelay $0x3  }
0x92: {  	_ =	strace s18  }
0x93: {  	s3 =	sld [smem:$0x3FFC];
	_ =	sdelay $0x3  }
0x94: {  	_ =	strace s3  }
0x95: {  	s3 =	sld [smem:$0x3FFD];
	_ =	sdelay $0x3  }
0x96: {  	_ =	strace s3  }
0x97: {  	_ =	strace $0x8FFFFFFF  }
0x98: {  	s19 =	sld [smem:$0x3FDB];
	_ =	sdelay $0x1  }
0x99: {  	s4 =	simm.s32 $_scs_section_size  }
0x9a: {  	s5 =	simm.s32 $_size__tile_overlayer_lowered;
	s6 =	simm.s32 $_tile_overlayer_lowered  }
0x9b: {  	s22 =	simm.s32 $0x1BFF;
	s21 =	sshll.u32 s6, $0x1;
	s3 =	sadd.s32 s4, s19  }
0x9c: {  	s7 =	simm.s32 $0x0;
	s20 =	sshll.u32 s5, $0x1;
	s5 =	sadd.s32 s21, s3  }
0x9d: {  	[timem:s7], [sflag:s22] =	dma.local [hbm:s5], s20  }
0x9e: {  	_ =	swait.ge [sflag:s22], s20  }
0x9f: {  	s4 =	ssub.s32 $0x0, s20;
	[sflag:s22] =	ssyncset.done $0x0  }
0xa0: {  	[sflag:s22] =	ssyncadd.s32 s4;
	_ =	sdelay $0x1  }
0xa1: {  	s23 =	simm.s32 $0x1B8B  }
0xa2: {  	_ =	swait.ge [sflag:s23], $0x1  }
0xa3: {  	[sflag:s23] =	ssyncset.done $0x0  }
0xa4: {  	s25 =	simm.s32 $0x1B8E;
	s24 =	sld [smem:$0x3FFE];
	[sflag:s23] =	ssyncadd.s32 $0xFFFFFFFF  }
0xa5: {  	s26 =	simm.s32 $execute0_lowered;
	[smem:$0x3FD2] =	sst s25  }
0xa6: {  	s5 =	sshll.u32 s26, $0x1;
	_ =	strace $0x8000004C;
	[dreg:$0x1] =	wrdreg $0xFFFFFFFF  }
0xa7: {  	s28 =	simm.s32 $_size_execute0_lowered;
	s3 =	sadd.s32 s3, s5;
	[dreg:$0x0] =	wrdreg $0x0  }
0xa8: {  	s5 =	sshll.u32 s28, $0x1;
	[dreg:$0x2] =	wrdreg s3  }
0xa9: {  	[dreg:$0x3] =	wrdreg s5  }
0xaa: {  	[dreg:$0x4] =	wrdreg $0xC0  }
0xab: {  	_ =	task [dreg:s7], $0x5FFFF  }
0xac: {  	[dreg:$0x1] =	wrdreg $0xFFFFFFFF  }
0xad: {  	[dreg:$0x0] =	wrdreg $0x60  }
0xae: {  	[dreg:$0x2] =	wrdreg s24  }
0xaf: {  	[dreg:$0x3] =	wrdreg s2  }
0xb0: {  	[dreg:$0x4] =	wrdreg $0xB5800  }
0xb1: {  	[dreg:$0x5] =	wrdreg $0x9  }
0xb2: {  	_ =	task.clear_ibuf [dreg:s7], $0x6FFFF;
	_ =	strace $0x9000004C  }
0xb3: {  	s29 =	simm.s32 $0x9;
	_ =	strace $0x8000004E  }
0xb4: {  	_ =	swait.ge [sflag:s29], $0x1  }
0xb5: {  	[sflag:s29] =	ssyncadd.s32 $0xFFFFFFFF  }
0xb6: {  	_ =	strace $0x9000004E  }
0xb7: {  	_ =	sfence  }
0xb8: {  	s30 =	sld [smem:$0x0];
	_ =	sdelay $0x2  }
0xb9: {  	s31 =	sshll.u32 s1, $0xD;
	s1 =	sshrl.u32 s1, $0x2  }
0xba: {  	s3 =	sand.u32 $0x4000, s31;
	s1 =	sadd.s32 s1, s30  }
0xbb: {  	s0 =	sor.u32 s3, s0;
	s1 =	sshll.u32 s1, $0x11  }
0xbc: {  	s0 =	sor.u32 s1, s0  }
0xbd: {  	s0 =	sadd.s32 $0x8F2B, s0  }
0xbe: {  	[sflag:s0] =	ssyncadd.remote.s32 $0x1  }
0xbf: {  	_ =	sfence.sel $0xFFFF  }
0xc0: {  	[dreg:$0x0] =	wrdreg $0xFFFFFFFF;
	(pc) =	sbr.abs _section_cstart, $3  }
0xc1: {  	[dreg:$0x1] =	wrdreg $0xFFFFFFFF  }
0xc2: {  	_ =	task.clear_ibuf [dreg:s7], $0x2FFFF;
	_ =	strace $0x9FFFFFFF  }
0xc3: {  	(tm) =	ssettm $0x7FFFFFFF  }
tec
execute0_lowered:
.L_overlay_start_1:
0x0: {  	(tag) =	ssettag $0x1  }
0x1: {  	s0 =	srdreg.scid;
	s1 =	rddreg [dreg:$0x0]  }
0x2: {  	s2 =	rddreg [dreg:$0x1];
	s10 =	stileid.u32  }
0x3: {  	s3 =	rddreg [dreg:$0x2];
	s0 =	sand.u32 $0x1, s0;
	s8 =	smul.u32 $0x2800, s10  }
0x4: {  	s7 =	sshll.u32 s10, $0x7;
	s4 =	sshll.u32 s0, $0x4;
	s9 =	smul.u32 $0x28000, s0  }
0x5: {  	s0 =	ssub.s32 $0x2, s0;
	s6 =	sor.u32 s10, s4;
	s4 =	simm.s32 $0x0  }
0x6: {  	s29 =	sshrl.u32 s0, $0x1;
	s10 =	smul.u32 $0x50000, s10;
	[smem:$0x7FF] =	sst s4  }
0x7: {  	s11 =	sadd.s32 $0x35200, s1;
	s0 =	ssub.s32 s0, s29;
	_ =	strace $0x8000004D  }
0x8: {  	[dreg:$0x4] =	wrdreg s11;
	s11 =	sshrl.u32 s10, $0x2;
	s0 =	smax.u32 s0, $0x1  }
0x9: {  	s24 =	sadd.s32 s11, s3;
	[dreg:$0x16] =	wrdreg s0  }
0xa: {  	s13 =	sadd.s32 $0x1400, s24;
	[dreg:$0x8] =	wrdreg s24  }
0xb: {  	s14 =	sadd.s32 $0x2800, s24;
	[dreg:$0x9] =	wrdreg s13  }
0xc: {  	s15 =	sadd.s32 $0x3C00, s24;
	[dreg:$0xa] =	wrdreg s14  }
0xd: {  	s30 =	simm.s32 $0x2780;
	s16 =	sadd.s32 $0x5000, s24;
	[dreg:$0xb] =	wrdreg s15  }
0xe: {  	s31 =	simm.s32 $0x50;
	s17 =	sadd.s32 $0x6400, s24;
	[dreg:$0xc] =	wrdreg s16  }
0xf: {  	s7 =	sand.u32 $0x380, s7;
	s18 =	sadd.s32 $0x7800, s24;
	[dreg:$0xd] =	wrdreg s17  }
0x10: {  	s5 =	sshrl.u32 s6, $0x3;
	s19 =	sadd.s32 $0x8C00, s24;
	[dreg:$0xe] =	wrdreg s18  }
0x11: {  	s8 =	sadd.s32 s8, s9;
	s20 =	sadd.s32 $0xA000, s24;
	[dreg:$0xf] =	wrdreg s19  }
0x12: {  	s9 =	sshll.u32 s6, $0xB;
	s21 =	sadd.s32 $0xB400, s24;
	[dreg:$0x10] =	wrdreg s20  }
0x13: {  	s5 =	smul.u32 $0x13C00, s5;
	s22 =	sadd.s32 $0xC800, s24;
	[dreg:$0x11] =	wrdreg s21  }
0x14: {  	s10 =	simm.s32 $0xA180;
	s23 =	sadd.s32 $0xDC00, s24;
	[dreg:$0x12] =	wrdreg s22  }
0x15: {  	s0 =	simm.s32 $0x2980;
	s25 =	sadd.s32 $0xF000, s24;
	[dreg:$0x13] =	wrdreg s23  }
0x16: {  	s7 =	sor.u32 s7, s5;
	s26 =	sadd.s32 $0x10400, s24;
	[dreg:$0x14] =	wrdreg s25  }
0x17: {  	s5 =	sadd.s32 $0xD200, s1;
	s28 =	sadd.s32 $0x11800, s24;
	[dreg:$0x17] =	wrdreg s26  }
0x18: {  	s29 =	sadd.s32 $0x12C00, s24;
	s7 =	sshrl.u32 s7, $0x3;
	[dreg:$0x18] =	wrdreg s28  }
0x19: {  	[dreg:$0x19] =	wrdreg s29;
	s13 =	simm.s32 $0x2880;
	s14 =	simm.s32 $0x7980  }
0x1a: {  	s15 =	simm.s32 $0x4;
	s16 =	simm.s32 $0x1;
	s17 =	simm.s32 $0x7  }
0x1b: {  	s18 =	simm.s32 $0x5;
	s19 =	simm.s32 $0x2;
	s20 =	simm.s32 $0x6  }
0x1c: {  	s7 =	sadd.s32 s7, s1;
	s1 =	sadd.s32 s8, s1;
	s8 =	sadd.s32 s2, s9  }
0x1d: {  	s21 =	simm.s32 $0x3;
	s7 =	sadd.s32 $0x3400, s7;
	[dreg:$0x6] =	wrdreg s8  }
0x1e: {  	s23 =	simm.s32 $0x0;
	s12 =	sadd.s32 $0x10, s8;
	[dreg:$0x5] =	wrdreg s7  }
0x1f: {  	s9 =	sshll.u32 s6, $0xE;
	s1 =	sadd.s32 $0x35600, s1;
	[dreg:$0x7] =	wrdreg s12  }
0x20: {  	s6 =	simm.s32 $0x2800;
	s8 =	simm.s32 $0x8;
	[dreg:$0x15] =	wrdreg s1  }
0x21: {  	s1 =	simm.s32 $0xB;
	s7 =	simm.s32 $0x5180;
	s12 =	simm.s32 $0xA  }
.LBB2_1:
0x22: {  	s11 =	rddreg [dreg:$0x5];
	s22 =	simm.s32 $0x80;
	s25 =	simm.s32 $0x400  }
0x23: {  	[tilespmem:s4], [sflag:$0xB] =	stream.strided.gather [hbm4b:s11+s22], $0x2780, s25, s22, $0x38;
	[tilespmem:$0x1F580] =	vst v63  }
0x24: {  	_ =	swait.ge [sflag:s1], $0x2780  }
0x25: {  	[sflag:s1] =	ssyncset.done $0x0  }
0x26: {  	s25 =	rddreg [dreg:$0x6];
	[sflag:s1] =	ssyncadd.s32 $0xFFFFD880  }
0x27: {  	[tilespmem:s30], [sflag:$0x4] =	stream.linear.gather [hbm4b:s25+s4], $0x80, $0x38;
	[tilespmem:$0x1F580] =	vst v63  }
0x28: {  	_ = 	snop  }
0x29: {  	[tilespmem:s0], [sflag:$0x1] =	stream.indirect.gather [hbm4b:s5+s31], $0x80, s4, s31, $0xb8;
	[tilespmem:$0x1F580] =	vst v63  }
0x2a: {  	s26 =	rddreg [dreg:$0x7]  }
0x2b: {  	[tilespmem:s6], [sflag:$0x5] =	stream.linear.gather [hbm4b:s26+s4], $0x80, $0x38;
	[tilespmem:$0x1F580] =	vst v63  }
0x2c: {  	_ = 	snop  }
0x2d: {  	[tilespmem:s7], [sflag:$0x2] =	stream.indirect.gather [hbm4b:s5+s31], $0x80, s31, s31, $0xb8;
	[tilespmem:$0x1F580] =	vst v63  }
0x2e: {  	s28 =	rddreg [dreg:$0x4]  }
0x2f: {  	[tilespmem:s10], [sflag:$0xB] =	stream.linear.gather [hbm4b:s28+s4], $0x1400, $0x38;
	[tilespmem:$0x1F580] =	vst v63  }
0x30: {  	_ =	swait.ge [sflag:s1], $0x1400  }
0x31: {  	[sflag:s1] =	ssyncset.done $0x0  }
0x32: {  	[sflag:s1] =	ssyncadd.s32 $0xFFFFEC00  }
0x33: {  	[spmem:s24] =	stream.linear.scatter [tilespmem:s10], [sflag:$0xA], $0x1400, $0x38;
	[tilespmem:$0x1F580] =	vst v63  }
0x34: {  	s29 =	rddreg [dreg:$0x9]  }
0x35: {  	[spmem:s29] =	stream.linear.scatter [tilespmem:s10], [sflag:$0xA], $0x1400, $0x38;
	[tilespmem:$0x1F580] =	vst v63  }
0x36: {  	s22 =	rddreg [dreg:$0xa]  }
0x37: {  	[spmem:s22] =	stream.linear.scatter [tilespmem:s10], [sflag:$0xA], $0x1400, $0x38;
	[tilespmem:$0x1F580] =	vst v63  }
0x38: {  	s24 =	rddreg [dreg:$0xb]  }
0x39: {  	[spmem:s24] =	stream.linear.scatter [tilespmem:s10], [sflag:$0xA], $0x1400, $0x38;
	[tilespmem:$0x1F580] =	vst v63  }
0x3a: {  	s25 =	rddreg [dreg:$0xc]  }
0x3b: {  	[spmem:s25] =	stream.linear.scatter [tilespmem:s10], [sflag:$0xA], $0x1400, $0x38;
	[tilespmem:$0x1F580] =	vst v63  }
0x3c: {  	s26 =	rddreg [dreg:$0xd]  }
0x3d: {  	[spmem:s26] =	stream.linear.scatter [tilespmem:s10], [sflag:$0xA], $0x1400, $0x38;
	[tilespmem:$0x1F580] =	vst v63  }
0x3e: {  	s28 =	rddreg [dreg:$0xe]  }
0x3f: {  	[spmem:s28] =	stream.linear.scatter [tilespmem:s10], [sflag:$0xA], $0x1400, $0x38;
	[tilespmem:$0x1F580] =	vst v63  }
0x40: {  	s29 =	rddreg [dreg:$0xf]  }
0x41: {  	[spmem:s29] =	stream.linear.scatter [tilespmem:s10], [sflag:$0xA], $0x1400, $0x38;
	[tilespmem:$0x1F580] =	vst v63  }
0x42: {  	s22 =	rddreg [dreg:$0x10]  }
0x43: {  	[spmem:s22] =	stream.linear.scatter [tilespmem:s10], [sflag:$0xA], $0x1400, $0x38;
	[tilespmem:$0x1F580] =	vst v63  }
0x44: {  	s24 =	rddreg [dreg:$0x11]  }
0x45: {  	[spmem:s24] =	stream.linear.scatter [tilespmem:s10], [sflag:$0xA], $0x1400, $0x38;
	[tilespmem:$0x1F580] =	vst v63  }
0x46: {  	s25 =	rddreg [dreg:$0x12]  }
0x47: {  	[spmem:s25] =	stream.linear.scatter [tilespmem:s10], [sflag:$0xA], $0x1400, $0x38;
	[tilespmem:$0x1F580] =	vst v63  }
0x48: {  	s26 =	rddreg [dreg:$0x13]  }
0x49: {  	[spmem:s26] =	stream.linear.scatter [tilespmem:s10], [sflag:$0xA], $0x1400, $0x38;
	[tilespmem:$0x1F580] =	vst v63  }
0x4a: {  	s28 =	rddreg [dreg:$0x14]  }
0x4b: {  	[spmem:s28] =	stream.linear.scatter [tilespmem:s10], [sflag:$0xA], $0x1400, $0x38;
	[tilespmem:$0x1F580] =	vst v63  }
0x4c: {  	s29 =	rddreg [dreg:$0x17]  }
0x4d: {  	[spmem:s29] =	stream.linear.scatter [tilespmem:s10], [sflag:$0xA], $0x1400, $0x38;
	[tilespmem:$0x1F580] =	vst v63  }
0x4e: {  	s22 =	rddreg [dreg:$0x18]  }
0x4f: {  	[spmem:s22] =	stream.linear.scatter [tilespmem:s10], [sflag:$0xA], $0x1400, $0x38;
	[tilespmem:$0x1F580] =	vst v63  }
0x50: {  	s24 =	rddreg [dreg:$0x19]  }
0x51: {  	[spmem:s24] =	stream.linear.scatter [tilespmem:s10], [sflag:$0xA], $0x1400, $0x38;
	[tilespmem:$0x1F580] =	vst v63  }
0x52: {  	_ =	swait.ge [sflag:s12], $0x1400  }
0x53: {  	[sflag:s12] =	ssyncset.done $0x0  }
0x54: {  	[sflag:s12] =	ssyncadd.s32 $0xFFFFEC00  }
0x55: {  	_ =	swait.ge [sflag:s12], $0x1400  }
0x56: {  	[sflag:s12] =	ssyncset.done $0x0  }
0x57: {  	[sflag:s12] =	ssyncadd.s32 $0xFFFFEC00  }
0x58: {  	_ =	swait.ge [sflag:s12], $0x1400  }
0x59: {  	[sflag:s12] =	ssyncset.done $0x0  }
0x5a: {  	[sflag:s12] =	ssyncadd.s32 $0xFFFFEC00  }
0x5b: {  	_ =	swait.ge [sflag:s12], $0x1400  }
0x5c: {  	[sflag:s12] =	ssyncset.done $0x0  }
0x5d: {  	[sflag:s12] =	ssyncadd.s32 $0xFFFFEC00  }
0x5e: {  	_ =	swait.ge [sflag:s12], $0x1400  }
0x5f: {  	[sflag:s12] =	ssyncset.done $0x0  }
0x60: {  	[sflag:s12] =	ssyncadd.s32 $0xFFFFEC00  }
0x61: {  	_ =	swait.ge [sflag:s12], $0x1400  }
0x62: {  	[sflag:s12] =	ssyncset.done $0x0  }
0x63: {  	[sflag:s12] =	ssyncadd.s32 $0xFFFFEC00  }
0x64: {  	_ =	swait.ge [sflag:s12], $0x1400  }
0x65: {  	[sflag:s12] =	ssyncset.done $0x0  }
0x66: {  	[sflag:s12] =	ssyncadd.s32 $0xFFFFEC00  }
0x67: {  	_ =	swait.ge [sflag:s12], $0x1400  }
0x68: {  	[sflag:s12] =	ssyncset.done $0x0  }
0x69: {  	[sflag:s12] =	ssyncadd.s32 $0xFFFFEC00  }
0x6a: {  	_ =	swait.ge [sflag:s12], $0x1400  }
0x6b: {  	[sflag:s12] =	ssyncset.done $0x0  }
0x6c: {  	[sflag:s12] =	ssyncadd.s32 $0xFFFFEC00  }
0x6d: {  	_ =	swait.ge [sflag:s12], $0x1400  }
0x6e: {  	[sflag:s12] =	ssyncset.done $0x0  }
0x6f: {  	[sflag:s12] =	ssyncadd.s32 $0xFFFFEC00  }
0x70: {  	_ =	swait.ge [sflag:s12], $0x1400  }
0x71: {  	[sflag:s12] =	ssyncset.done $0x0  }
0x72: {  	[sflag:s12] =	ssyncadd.s32 $0xFFFFEC00  }
0x73: {  	_ =	swait.ge [sflag:s12], $0x1400  }
0x74: {  	[sflag:s12] =	ssyncset.done $0x0  }
0x75: {  	[sflag:s12] =	ssyncadd.s32 $0xFFFFEC00  }
0x76: {  	_ =	swait.ge [sflag:s12], $0x1400  }
0x77: {  	[sflag:s12] =	ssyncset.done $0x0  }
0x78: {  	[sflag:s12] =	ssyncadd.s32 $0xFFFFEC00  }
0x79: {  	_ =	swait.ge [sflag:s12], $0x1400  }
0x7a: {  	[sflag:s12] =	ssyncset.done $0x0  }
0x7b: {  	[sflag:s12] =	ssyncadd.s32 $0xFFFFEC00  }
0x7c: {  	_ =	swait.ge [sflag:s12], $0x1400  }
0x7d: {  	[sflag:s12] =	ssyncset.done $0x0  }
0x7e: {  	[sflag:s12] =	ssyncadd.s32 $0xFFFFEC00  }
0x7f: {  	_ =	swait.ge [sflag:s12], $0x1400  }
0x80: {  	p0 =	por $0x1, $0x1;
	s25 =	simm.s32 $0x100;
	[sflag:s12] =	ssyncset.done $0x0  }
0x81: {  	s26 =	sand.u32 $0xFC00, s25;
	s22 =	sand.u32 $0x380, s25;
	[sflag:s12] =	ssyncadd.s32 $0xFFFFEC00  }
0x82: {  	s25 =	simm.s32 @!p0 $0x9;
	s24 =	sadd.s32 s9, s26;
	[bflag:$0x0] =	sbarrier.arrive $0xFFFF  }
0x83: {  	s22 =	sor.u32 s22, s24;
	_ =	swait.ge @!p0 [sflag:s25], $0x2800  }
0x84: {  	s22 =	sshrl.u32 s22, $0x3;
	[sflag:s25] =	ssyncset.done @!p0 $0x0  }
0x85: {  	s22 =	sadd.s32 s2, s22;
	[sflag:s25] =	ssyncadd.s32 @!p0 $0xFFFFD800  }
0x86: {  	[tilespmem:s13], [sflag:$0x6] =	stream.linear.gather [hbm4b:s22+s4], $0x80, $0x38;
	[tilespmem:$0x1F580] =	vst v63  }
0x87: {  	s28 =	simm.s32 $0xA0  }
0x88: {  	[tilespmem:s14], [sflag:$0x3] =	stream.indirect.gather [hbm4b:s5+s31], $0x80, s28, s31, $0xb8;
	[tilespmem:$0x1F580] =	vst v63  }
0x89: {  	_ =	swait.ge [sflag:s15], $0x80  }
0x8a: {  	[sflag:s15] =	ssyncset.done $0x0  }
0x8b: {  	[sflag:s15] =	ssyncadd.s32 $0xFFFFFF80  }
0x8c: {  	s29 =	simm.s32 $0x180;
	_ =	swait.ge [sflag:s16], $0x2800  }
0x8d: {  	s11 =	sand.u32 $0xFC00, s29;
	[sflag:s16] =	ssyncset.done $0x0  }
0x8e: {  	s24 =	sadd.s32 s9, s11;
	s22 =	sand.u32 $0x380, s29;
	[sflag:s16] =	ssyncadd.s32 $0xFFFFD800  }
0x8f: {  	[spmem:s3] =	stream.indirect.scatter.add.f32 [tilespmem:s0], [sflag:$0x7], $0x80, s30, s31, $0xb8;
	[tilespmem:$0x1F580] =	vst v63  }
0x90: {  	s22 =	sor.u32 s22, s24;
	_ =	swait.ge [sflag:s17], $0x2800  }
0x91: {  	s22 =	sshrl.u32 s22, $0x3;
	[sflag:s17] =	ssyncset.done $0x0  }
0x92: {  	s22 =	sadd.s32 s2, s22;
	[sflag:s17] =	ssyncadd.s32 $0xFFFFD800  }
0x93: {  	[tilespmem:s30], [sflag:$0x4] =	stream.linear.gather [hbm4b:s22+s4], $0x80, $0x38;
	[tilespmem:$0x1F580] =	vst v63  }
0x94: {  	s25 =	simm.s32 $0xF0  }
0x95: {  	[tilespmem:s0], [sflag:$0x1] =	stream.indirect.gather [hbm4b:s5+s31], $0x80, s25, s31, $0xb8;
	[tilespmem:$0x1F580] =	vst v63  }
0x96: {  	_ =	swait.ge [sflag:s18], $0x80  }
0x97: {  	[sflag:s18] =	ssyncset.done $0x0  }
0x98: {  	[sflag:s18] =	ssyncadd.s32 $0xFFFFFF80  }
0x99: {  	s26 =	simm.s32 $0x200;
	_ =	swait.ge [sflag:s19], $0x2800  }
0x9a: {  	s28 =	sand.u32 $0xFC00, s26;
	[sflag:s19] =	ssyncset.done $0x0  }
0x9b: {  	s24 =	sadd.s32 s9, s28;
	s22 =	sand.u32 $0x380, s26;
	[sflag:s19] =	ssyncadd.s32 $0xFFFFD800  }
0x9c: {  	[spmem:s3] =	stream.indirect.scatter.add.f32 [tilespmem:s7], [sflag:$0x8], $0x80, s6, s31, $0xb8;
	[tilespmem:$0x1F580] =	vst v63  }
0x9d: {  	s22 =	sor.u32 s22, s24;
	_ =	swait.ge [sflag:s8], $0x2800  }
0x9e: {  	s29 =	simm.s32 $0x140;
	s22 =	sshrl.u32 s22, $0x3;
	[sflag:s8] =	ssyncset.done $0x0  }
0x9f: {  	s26 =	simm.s32 $0x500;
	s22 =	sadd.s32 s2, s22;
	[sflag:s8] =	ssyncadd.s32 $0xFFFFD800  }
0xa0: {  	[tilespmem:s6], [sflag:$0x5] =	stream.linear.gather [hbm4b:s22+s4], $0x80, $0x38;
	[tilespmem:$0x1F580] =	vst v63  }
0xa1: {  	s24 =	simm.s32 $0x230;
	s25 =	simm.s32 $0x380;
	s22 =	simm.s32 $0x280  }
0xa2: {  	[tilespmem:s7], [sflag:$0x2] =	stream.indirect.gather [hbm4b:s5+s31], $0x80, s29, s31, $0xb8;
	[tilespmem:$0x1F580] =	vst v63  }
.LBB2_2:
0xa3: {  	s11 =	sand.u32 $0xFC00, s22;
	_ =	swait.ge [sflag:s20], $0x80  }
0xa4: {  	s29 =	smov.u32 s26;
	s26 =	sadd.s32 $0x180, s26;
	s28 =	smov.u32 s24  }
0xa5: {  	s22 =	sand.u32 $0x380, s22;
	s11 =	sadd.s32 s9, s11;
	[sflag:s20] =	ssyncset.done $0x0  }
0xa6: {  	p0 =	sne.s32 s26, $0x3F80;
	s11 =	sor.u32 s22, s11;
	[sflag:s20] =	ssyncadd.s32 $0xFFFFFF80  }
0xa7: {  	p1 =	seq.s32 s25, $0x200;
	s11 =	sshrl.u32 s11, $0x3;
	_ =	swait.ge [sflag:s21], $0x2800  }
0xa8: {  	s22 =	simm.s32 @!p1 $0x9;
	[sflag:s21] =	ssyncset.done $0x0  }
0xa9: {  	[sflag:s21] =	ssyncadd.s32 $0xFFFFD800  }
0xaa: {  	[spmem:s3] =	stream.indirect.scatter.add.f32 [tilespmem:s14], [sflag:$0x9], $0x80, s13, s31, $0xb8;
	[tilespmem:$0x1F580] =	vst v63  }
0xab: {  	s11 =	sadd.s32 s2, s11;
	_ =	swait.ge @!p1 [sflag:s22], $0x2800  }
0xac: {  	[sflag:s22] =	ssyncset.done @!p1 $0x0  }
0xad: {  	[sflag:s22] =	ssyncadd.s32 @!p1 $0xFFFFD800  }
0xae: {  	[tilespmem:s13], [sflag:$0x6] =	stream.linear.gather [hbm4b:s11+s4], $0x80, $0x38;
	[tilespmem:$0x1F580] =	vst v63  }
0xaf: {  	s11 =	sadd.s32 $0xFFFFFF60, s24  }
0xb0: {  	[tilespmem:s14], [sflag:$0x3] =	stream.indirect.gather [hbm4b:s5+s31], $0x80, s11, s31, $0xb8;
	[tilespmem:$0x1F580] =	vst v63  }
0xb1: {  	_ =	swait.ge [sflag:s15], $0x80  }
0xb2: {  	[sflag:s15] =	ssyncset.done $0x0  }
0xb3: {  	[sflag:s15] =	ssyncadd.s32 $0xFFFFFF80  }
0xb4: {  	s11 =	sadd.s32 $0xFFFFFF80, s25;
	_ =	swait.ge [sflag:s16], $0x2800  }
0xb5: {  	s22 =	sand.u32 $0xFC00, s11;
	[sflag:s16] =	ssyncset.done $0x0  }
0xb6: {  	s11 =	sand.u32 $0x380, s11;
	s22 =	sadd.s32 s9, s22;
	[sflag:s16] =	ssyncadd.s32 $0xFFFFD800  }
0xb7: {  	[spmem:s3] =	stream.indirect.scatter.add.f32 [tilespmem:s0], [sflag:$0x7], $0x80, s30, s31, $0xb8;
	[tilespmem:$0x1F580] =	vst v63  }
0xb8: {  	s11 =	sor.u32 s11, s22;
	_ =	swait.ge [sflag:s17], $0x2800  }
0xb9: {  	s11 =	sshrl.u32 s11, $0x3;
	[sflag:s17] =	ssyncset.done $0x0  }
0xba: {  	s11 =	sadd.s32 s2, s11;
	[sflag:s17] =	ssyncadd.s32 $0xFFFFD800  }
0xbb: {  	[tilespmem:s30], [sflag:$0x4] =	stream.linear.gather [hbm4b:s11+s4], $0x80, $0x38;
	[tilespmem:$0x1F580] =	vst v63  }
0xbc: {  	s11 =	sadd.s32 $0xFFFFFFB0, s24  }
0xbd: {  	[tilespmem:s0], [sflag:$0x1] =	stream.indirect.gather [hbm4b:s5+s31], $0x80, s11, s31, $0xb8;
	[tilespmem:$0x1F580] =	vst v63  }
0xbe: {  	_ =	swait.ge [sflag:s18], $0x80  }
0xbf: {  	[sflag:s18] =	ssyncset.done $0x0  }
0xc0: {  	[sflag:s18] =	ssyncadd.s32 $0xFFFFFF80  }
0xc1: {  	_ =	swait.ge [sflag:s19], $0x2800  }
0xc2: {  	[sflag:s19] =	ssyncset.done $0x0  }
0xc3: {  	s22 =	sand.u32 $0x380, s25;
	s11 =	sand.u32 $0xFC00, s25;
	[sflag:s19] =	ssyncadd.s32 $0xFFFFD800  }
0xc4: {  	[spmem:s3] =	stream.indirect.scatter.add.f32 [tilespmem:s7], [sflag:$0x8], $0x80, s6, s31, $0xb8;
	[tilespmem:$0x1F580] =	vst v63  }
0xc5: {  	s25 =	smov.u32 s29;
	s11 =	sadd.s32 s9, s11;
	_ =	swait.ge [sflag:s8], $0x2800  }
0xc6: {  	s11 =	sor.u32 s22, s11;
	[sflag:s8] =	ssyncset.done $0x0  }
.Ltmp0:
0xc7: {  	s11 =	sshrl.u32 s11, $0x3;
	[sflag:s8] =	ssyncadd.s32 $0xFFFFD800;
	(pc) =	sbr.rel @p0 .LBB2_2-.Ltmp0, $4  }
0xc8: {  	s11 =	sadd.s32 s2, s11  }
0xc9: {  	[tilespmem:s6], [sflag:$0x5] =	stream.linear.gather [hbm4b:s11+s4], $0x80, $0x38;
	[tilespmem:$0x1F580] =	vst v63  }
0xca: {  	s24 =	sadd.s32 $0xF0, s24;
	s22 =	sadd.s32 $0xFFFFFF00, s25  }
0xcb: {  	[tilespmem:s7], [sflag:$0x2] =	stream.indirect.gather [hbm4b:s5+s31], $0x80, s28, s31, $0xb8;
	[tilespmem:$0x1F580] =	vst v63  }
0xcc: {  	_ =	swait.ge [sflag:s20], $0x80  }
0xcd: {  	[sflag:s20] =	ssyncset.done $0x0  }
0xce: {  	[sflag:s20] =	ssyncadd.s32 $0xFFFFFF80  }
0xcf: {  	s11 =	sand.u32 $0xFC00, s22;
	_ =	swait.ge [sflag:s21], $0x2800  }
0xd0: {  	p0 =	seq.s32 s25, $0x200;
	s29 =	sand.u32 $0x380, s22;
	[sflag:s21] =	ssyncset.done $0x0  }
0xd1: {  	s11 =	sadd.s32 s9, s11;
	s26 =	simm.s32 @!p0 $0x9;
	[sflag:s21] =	ssyncadd.s32 $0xFFFFD800  }
0xd2: {  	[spmem:s3] =	stream.indirect.scatter.add.f32 [tilespmem:s14], [sflag:$0x9], $0x80, s13, s31, $0xb8;
	[tilespmem:$0x1F580] =	vst v63  }
0xd3: {  	s11 =	sor.u32 s29, s11;
	_ =	swait.ge @!p0 [sflag:s26], $0x2800  }
0xd4: {  	s11 =	sshrl.u32 s11, $0x3;
	[sflag:s26] =	ssyncset.done @!p0 $0x0  }
0xd5: {  	s11 =	sadd.s32 s2, s11;
	[sflag:s26] =	ssyncadd.s32 @!p0 $0xFFFFD800  }
0xd6: {  	[tilespmem:s13], [sflag:$0x6] =	stream.linear.gather [hbm4b:s11+s4], $0x80, $0x38;
	[tilespmem:$0x1F580] =	vst v63  }
0xd7: {  	s26 =	sadd.s32 $0xFFFFFF60, s24  }
0xd8: {  	[tilespmem:s14], [sflag:$0x3] =	stream.indirect.gather [hbm4b:s5+s31], $0x80, s26, s31, $0xb8;
	[tilespmem:$0x1F580] =	vst v63  }
0xd9: {  	_ =	swait.ge [sflag:s15], $0x80  }
0xda: {  	[sflag:s15] =	ssyncset.done $0x0  }
0xdb: {  	[sflag:s15] =	ssyncadd.s32 $0xFFFFFF80  }
0xdc: {  	s28 =	sadd.s32 $0xFFFFFF80, s25;
	_ =	swait.ge [sflag:s16], $0x2800  }
0xdd: {  	s29 =	sand.u32 $0xFC00, s28;
	[sflag:s16] =	ssyncset.done $0x0  }
0xde: {  	s22 =	sadd.s32 s9, s29;
	s11 =	sand.u32 $0x380, s28;
	[sflag:s16] =	ssyncadd.s32 $0xFFFFD800  }
0xdf: {  	[spmem:s3] =	stream.indirect.scatter.add.f32 [tilespmem:s0], [sflag:$0x7], $0x80, s30, s31, $0xb8;
	[tilespmem:$0x1F580] =	vst v63  }
0xe0: {  	s11 =	sor.u32 s11, s22;
	_ =	swait.ge [sflag:s17], $0x2800  }
0xe1: {  	s11 =	sshrl.u32 s11, $0x3;
	[sflag:s17] =	ssyncset.done $0x0  }
0xe2: {  	s11 =	sadd.s32 s2, s11;
	[sflag:s17] =	ssyncadd.s32 $0xFFFFD800  }
0xe3: {  	[tilespmem:s30], [sflag:$0x4] =	stream.linear.gather [hbm4b:s11+s4], $0x80, $0x38;
	[tilespmem:$0x1F580] =	vst v63  }
0xe4: {  	s26 =	sadd.s32 $0xFFFFFFB0, s24  }
0xe5: {  	[tilespmem:s0], [sflag:$0x1] =	stream.indirect.gather [hbm4b:s5+s31], $0x80, s26, s31, $0xb8;
	[tilespmem:$0x1F580] =	vst v63  }
0xe6: {  	_ =	swait.ge [sflag:s18], $0x80  }
0xe7: {  	[sflag:s18] =	ssyncset.done $0x0  }
0xe8: {  	[sflag:s18] =	ssyncadd.s32 $0xFFFFFF80  }
0xe9: {  	_ =	swait.ge [sflag:s19], $0x2800  }
0xea: {  	s28 =	sand.u32 $0xFC00, s25;
	[sflag:s19] =	ssyncset.done $0x0  }
0xeb: {  	s29 =	sand.u32 $0x380, s25;
	s11 =	sadd.s32 s9, s28;
	[sflag:s19] =	ssyncadd.s32 $0xFFFFD800  }
0xec: {  	[spmem:s3] =	stream.indirect.scatter.add.f32 [tilespmem:s7], [sflag:$0x8], $0x80, s6, s31, $0xb8;
	[tilespmem:$0x1F580] =	vst v63  }
0xed: {  	s11 =	sor.u32 s29, s11;
	_ =	swait.ge [sflag:s8], $0x2800  }
0xee: {  	s11 =	sshrl.u32 s11, $0x3;
	[sflag:s8] =	ssyncset.done $0x0  }
0xef: {  	s11 =	sadd.s32 s2, s11;
	[sflag:s8] =	ssyncadd.s32 $0xFFFFD800  }
0xf0: {  	[tilespmem:s6], [sflag:$0x5] =	stream.linear.gather [hbm4b:s11+s4], $0x80, $0x38;
	[tilespmem:$0x1F580] =	vst v63  }
0xf1: {  	_ = 	snop  }
0xf2: {  	[tilespmem:s7], [sflag:$0x2] =	stream.indirect.gather [hbm4b:s5+s31], $0x80, s24, s31, $0xb8;
	[tilespmem:$0x1F580] =	vst v63  }
0xf3: {  	_ =	swait.ge [sflag:s20], $0x80  }
0xf4: {  	[sflag:s20] =	ssyncset.done $0x0  }
0xf5: {  	[sflag:s20] =	ssyncadd.s32 $0xFFFFFF80  }
0xf6: {  	_ =	swait.ge [sflag:s21], $0x2800  }
0xf7: {  	[sflag:s21] =	ssyncset.done $0x0  }
0xf8: {  	s24 =	simm.s32 $0x9;
	[sflag:s21] =	ssyncadd.s32 $0xFFFFD800  }
0xf9: {  	[spmem:s3] =	stream.indirect.scatter.add.f32 [tilespmem:s14], [sflag:$0x9], $0x80, s13, s31, $0xb8;
	[tilespmem:$0x1F580] =	vst v63  }
0xfa: {  	_ =	swait.ge [sflag:s24], $0x2800  }
0xfb: {  	[sflag:s24] =	ssyncset.done $0x0  }
0xfc: {  	[sflag:s24] =	ssyncadd.s32 $0xFFFFD800  }
0xfd: {  	_ =	swait.ge [sflag:s15], $0x80  }
0xfe: {  	[sflag:s15] =	ssyncset.done $0x0  }
0xff: {  	[sflag:s15] =	ssyncadd.s32 $0xFFFFFF80  }
0x100: {  	_ =	swait.ge [sflag:s16], $0x2800  }
0x101: {  	[sflag:s16] =	ssyncset.done $0x0  }
0x102: {  	[sflag:s16] =	ssyncadd.s32 $0xFFFFD800  }
0x103: {  	[spmem:s3] =	stream.indirect.scatter.add.f32 [tilespmem:s0], [sflag:$0x7], $0x80, s30, s31, $0xb8;
	[tilespmem:$0x1F580] =	vst v63  }
0x104: {  	_ =	swait.ge [sflag:s17], $0x2800  }
0x105: {  	[sflag:s17] =	ssyncset.done $0x0  }
0x106: {  	[sflag:s17] =	ssyncadd.s32 $0xFFFFD800  }
0x107: {  	_ =	swait.ge [sflag:s18], $0x80  }
0x108: {  	[sflag:s18] =	ssyncset.done $0x0  }
0x109: {  	[sflag:s18] =	ssyncadd.s32 $0xFFFFFF80  }
0x10a: {  	_ =	swait.ge [sflag:s19], $0x2800  }
0x10b: {  	[sflag:s19] =	ssyncset.done $0x0  }
0x10c: {  	[sflag:s19] =	ssyncadd.s32 $0xFFFFD800  }
0x10d: {  	[spmem:s3] =	stream.indirect.scatter.add.f32 [tilespmem:s7], [sflag:$0x8], $0x80, s6, s31, $0xb8;
	[tilespmem:$0x1F580] =	vst v63  }
0x10e: {  	_ =	swait.ge [sflag:s8], $0x2800  }
0x10f: {  	[sflag:s8] =	ssyncset.done $0x0  }
0x110: {  	[sflag:s8] =	ssyncadd.s32 $0xFFFFD800  }
0x111: {  	s25 =	stileid.u32;
	[bflag:$0x0] =	sbarrier.arrive $0xFFFF  }
0x112: {  	s11 =	sshll.u32 s25, $0x6;
	s24 =	rddreg [dreg:$0x8]  }
0x113: {  	s11 =	sor.u32 $0x1C0B, s11;
	s28 =	rddreg [dreg:$0x15];
	s26 =	sshrl.u32 s24, $0x3  }
0x114: {  	[hbm:s28], [sflag:s11] =	dma.local [spmem:s26], $0x2800  }
0x115: {  	_ =	swait.ge [sflag:s1], $0x2800  }
0x116: {  	s23 =	sadd.s32 $0x1, s23;
	s29 =	rddreg [dreg:$0x16]  }
0x117: {  	p0 =	sne.s32 s23, s29  }
.Ltmp1:
0x118: {  	_ = 	snop;
	(pc) =	sbr.rel @p0 .LBB2_1-.Ltmp1, $3  }
0x119: {  	_ =	sdelay $0x1  }
0x11a: {  	[sflag:s1] =	ssyncset.done $0x0  }
0x11b: {  	[sflag:s1] =	ssyncadd.s32 $0xFFFFD800  }
0x11c: {  	_ =	sfence.sel $0x180000  }
0x11d: {  	[bflag:$0x0] =	sbarrier.arrive $0xFFFF  }
0x11e: {  	_ =	strace $0x9000004D  }
0x11f: {  	s0 =	stileid.u32;
	[bflag:$0x2] =	sbarrier.arrive $0xFFFF  }
0x120: {  	p0 =	sne.s32 s0, $0x0;
	s0 =	rddreg [dreg:$0x3]  }
0x121: {  	s0 =	sadd.s32 @!p0 $0x100000, s0  }
0x122: {  	[sflag:s0] =	ssyncadd.tile.s32 @!p0 $0x1;
	_ =	shalt  }
.Lfunc_end2:
_tile_overlayer_lowered:
.L_overlay_start_2:
0x123: {  	(tag) =	ssettag $0x2  }
0x124: {  	s0 =	rddreg [dreg:$0x0];
	s2 =	stileid.u32  }
0x125: {  	s1 =	rddreg [dreg:$0x1];
	p0 =	sne.s32 s2, $0x0  }
0x126: {  	s3 =	rddreg [dreg:$0x2];
	[bflag:$0x3] =	sbarrier.arrive $0xFFFF;
	s2 =	simm.s32 @!p0 $0x1C0B  }
0x127: {  	[timem:s3], [sflag:s2] =	dma.local @!p0 [hbm:s0], s1  }
0x128: {  	s0 =	simm.s32 @!p0 $0xB  }
0x129: {  	_ =	swait.ge @!p0 [sflag:s0], s1  }
0x12a: {  	s1 =	ssub.s32 @!p0 $0x0, s1;
	[sflag:s0] =	ssyncset.done @!p0 $0x0  }
0x12b: {  	[sflag:s0] =	ssyncadd.s32 @!p0 s1  }
0x12c: {  	[bflag:$0x3] =	sbarrier.arrive $0xFFFF  }
0x12d: {  	_ =	shalt  }

// kernel: kernel.18.cloned.1.call-start
scs
__scs_entry_jumppad:
0x0: {  	(pc) =	sbr.rel $0x88, $3  }
0x1: {  	(tag) =	ssettag $0x0;
	lr =	simm.s32 $0x1  }
0x2: {  	[smem:$0x3F96] =	sst lr;
	_ =	strace $0xD0000000  }
0x3: {  	_ = 	snop  }
0x4: {  	_ = 	snop  }
0x5: {  	_ = 	snop  }
0x6: {  	_ = 	snop  }
0x7: {  	_ = 	snop  }
__scs_overlays_trampoline_lowered:
0x8: {  	[smem:$0x3FA5] =	sst s0  }
0x9: {  	[smem:$0x3FA6] =	sst s1  }
0xa: {  	[smem:$0x3FA7] =	sst s2  }
0xb: {  	[smem:$0x3FA8] =	sst s3  }
0xc: {  	[smem:$0x3FA9] =	sst s4  }
0xd: {  	[smem:$0x3FAA] =	sst s5  }
0xe: {  	[smem:$0x3FAB] =	sst s6  }
0xf: {  	[smem:$0x3FAC] =	sst s7  }
0x10: {  	[smem:$0x3FAD] =	sst s8  }
0x11: {  	[smem:$0x3FAE] =	sst s9;
	s0 =	simm.s32 @!p0 $0x0  }
0x12: {  	s1 =	sld [smem:$0x3F94];
	s0 =	simm.s32 @p0 $0x1  }
0x13: {  	[smem:$0x3FAF] =	sst s0;
	s0 =	simm.s32 @!p1 $0x0  }
0x14: {  	s2 =	sld [smem:$0x3F93];
	s0 =	simm.s32 @p1 $0x1  }
0x15: {  	[smem:$0x3FB0] =	sst s0;
	s0 =	simm.s32 @!p2 $0x0  }
0x16: {  	s3 =	sld [smem:$0x3FDB];
	s0 =	simm.s32 @p2 $0x1  }
0x17: {  	s4 =	simm.s32 $0x1BF5;
	[smem:$0x3FB2] =	sst s0  }
0x18: {  	s0 =	sld [smem:$0x3F95];
	_ =	swait.ge [sflag:s4], $0x0  }
0x19: {  	s7 =	sld [smem:$0x3F96]  }
0x1a: {  	s8 =	sadd.s32 $0xFFFFE003, lr  }
0x1b: {  	s9 =	sadd.s32 $0xFFFFFEF7, lr;
	s5 =	simm.s32 $0xFFFFFFFF;
	p2 =	slt.u32 s8, $0xFFFFF086  }
0x1c: {  	p1 =	slt.u32 s9, $0xF7A;
	s5 =	simm.s32 @!p2 $0x0  }
0x1d: {  	s5 =	simm.s32 @p1 $0x1;
	p0 =	seq.s32 s7, s2  }
0x1e: {  	s7 =	smul.u32 @!p0 $0xF7A, s2;
	p2 =	seq.s32 @!p0 s5, $0x0  }
0x1f: {  	s9 =	smul.u32 $0xF7A, s1;
	s8 =	simm.s32 @!p0 $0x1BF5;
	p2 =	por !p2, p0  }
0x20: {  	[sflag:s8] =	ssyncset.s32 @!p0 $0xFFFFF086;
	s6 =	sadd.s32 @!p0 s3, s7;
	s7 =	simm.s32 @!p0 $0x108  }
0x21: {  	s3 =	sadd.s32 s3, s9;
	s6 =	sadd.s32 @!p0 $0x88, s6;
	s7 =	simm.s32 @p2 $0x1082  }
0x22: {  	[simem:s7], [sflag:s8] =	dma.local @!p0 [hbm:s6], $0xF7A  }
0x23: {  	s9 =	sor.u32 $0xD0000000, s2;
	s6 =	simm.s32 $0x108;
	_ =	swait.ge @!p0 [sflag:s8], $0x0  }
0x24: {  	s3 =	sadd.s32 $0x88, s3;
	s6 =	simm.s32 @!p1 $0x1082;
	[sflag:s4] =	ssyncset.s32 $0xFFFFF086  }
0x25: {  	[simem:s6], [sflag:s4] =	dma.local [hbm:s3], $0xF7A  }
0x26: {  	[smem:$0x3F96] =	sst s1;
	(tag) =	ssettag s2;
	_ =	strace s9  }
0x27: {  	s1 =	sld [smem:$0x3FA6]  }
0x28: {  	s2 =	sld [smem:$0x3FA7]  }
0x29: {  	s4 =	sld [smem:$0x3FA9]  }
0x2a: {  	p0 =	seq.s32 s5, $0x0;
	s5 =	sld [smem:$0x3FAA]  }
0x2b: {  	s6 =	sld [smem:$0x3FAB]  }
0x2c: {  	s7 =	sld [smem:$0x3FAC]  }
0x2d: {  	s3 =	simm.s32 $0x108;
	s8 =	sld [smem:$0x3FAD]  }
0x2e: {  	s3 =	simm.s32 @!p0 $0x1082;
	s9 =	sld [smem:$0x3FAE]  }
0x2f: {  	lr =	sadd.s32 s0, s3;
	s0 =	sld [smem:$0x3FA5]  }
0x30: {  	s3 =	sld [smem:$0x3FA8]  }
0x31: {  	[smem:$0x3FB1] =	sst s10  }
0x32: {  	s10 =	sld [smem:$0x3FAF];
	_ =	sdelay $0x3  }
0x33: {  	p0 =	seq.s32 s10, $0x1;
	s10 =	sld [smem:$0x3FB1];
	_ =	sdelay $0x3  }
0x34: {  	[smem:$0x3FB1] =	sst s10  }
0x35: {  	s10 =	sld [smem:$0x3FB0];
	_ =	sdelay $0x3  }
0x36: {  	p1 =	seq.s32 s10, $0x1;
	s10 =	sld [smem:$0x3FB1];
	_ =	sdelay $0x3  }
0x37: {  	[smem:$0x3FB1] =	sst s10  }
0x38: {  	s10 =	sld [smem:$0x3FB2]  }
0x39: {  	_ = 	snop;
	(pc) =	sbr.ind lr, $3  }
0x3a: {  	_ = 	snop  }
0x3b: {  	_ = 	snop  }
0x3c: {  	p2 =	seq.s32 s10, $0x1;
	s10 =	sld [smem:$0x3FB1]  }
0x3d: {  	_ =	shalt  }
0x3e: {  	_ =	shalt  }
0x3f: {  	_ =	shalt  }
0x40: {  	_ =	shalt  }
0x41: {  	_ =	shalt  }
0x42: {  	_ =	shalt  }
0x43: {  	_ =	shalt  }
0x44: {  	_ =	shalt  }
0x45: {  	_ =	shalt  }
0x46: {  	_ =	shalt  }
0x47: {  	_ =	shalt  }
0x48: {  	_ =	shalt  }
0x49: {  	_ =	shalt  }
0x4a: {  	_ =	shalt  }
0x4b: {  	_ =	shalt  }
0x4c: {  	_ =	shalt  }
0x4d: {  	_ =	shalt  }
0x4e: {  	_ =	shalt  }
0x4f: {  	_ =	shalt  }
0x50: {  	_ =	shalt  }
0x51: {  	_ =	shalt  }
0x52: {  	_ =	shalt  }
0x53: {  	_ =	shalt  }
0x54: {  	_ =	shalt  }
0x55: {  	_ =	shalt  }
0x56: {  	_ =	shalt  }
0x57: {  	_ =	shalt  }
0x58: {  	_ =	shalt  }
0x59: {  	_ =	shalt  }
0x5a: {  	_ =	shalt  }
0x5b: {  	_ =	shalt  }
0x5c: {  	_ =	shalt  }
0x5d: {  	_ =	shalt  }
0x5e: {  	_ =	shalt  }
0x5f: {  	_ =	shalt  }
0x60: {  	_ =	shalt  }
0x61: {  	_ =	shalt  }
0x62: {  	_ =	shalt  }
0x63: {  	_ =	shalt  }
0x64: {  	_ =	shalt  }
0x65: {  	_ =	shalt  }
0x66: {  	_ =	shalt  }
0x67: {  	_ =	shalt  }
0x68: {  	_ =	shalt  }
0x69: {  	_ =	shalt  }
0x6a: {  	_ =	shalt  }
0x6b: {  	_ =	shalt  }
0x6c: {  	_ =	shalt  }
0x6d: {  	_ =	shalt  }
0x6e: {  	_ =	shalt  }
0x6f: {  	_ =	shalt  }
0x70: {  	_ =	shalt  }
0x71: {  	_ =	shalt  }
0x72: {  	_ =	shalt  }
0x73: {  	_ =	shalt  }
0x74: {  	_ =	shalt  }
0x75: {  	_ =	shalt  }
0x76: {  	_ =	shalt  }
0x77: {  	_ =	shalt  }
0x78: {  	_ =	shalt  }
0x79: {  	_ =	shalt  }
0x7a: {  	_ =	shalt  }
0x7b: {  	_ =	shalt  }
0x7c: {  	_ =	shalt  }
0x7d: {  	_ =	shalt  }
0x7e: {  	_ =	shalt  }
0x7f: {  	_ =	shalt  }
0x80: {  	_ =	shalt  }
0x81: {  	_ =	shalt  }
0x82: {  	_ =	shalt  }
0x83: {  	_ =	shalt  }
0x84: {  	_ =	shalt  }
0x85: {  	_ =	shalt  }
0x86: {  	_ =	shalt  }
0x87: {  	_ =	shalt  }
.Lfunc_end0:
.L_simem_size_0:
called_computation.3_lowered:
.L_overlay_start_0:
0x88: {  	s2 =	sld [smem:$0x3FD9]  }
0x89: {  	s3 =	sld [smem:$0x3FFE];
	_ =	sdelay $0x1  }
0x8a: {  	s1 =	srdreg.scid  }
0x8b: {  	s0 =	sand.u32 $0x1, s1  }
0x8c: {  	s17 =	sshll.u32 s0, $0xA;
	s2 =	sadd.s32 s3, s2  }
0x8d: {  	s2 =	sadd.s32 s2, s17  }
0x8e: {  	[smem:$0x3FBD] =	sst s2  }
0x8f: {  	_ = 	snop  }
0x90: {  	s2 =	sld [smem:$0x3FD0];
	(tm) =	ssettm $0x1  }
0x91: {  	s18 =	sld [smem:$0x3FFB];
	_ =	sdelay $0x3  }
0x92: {  	_ =	strace s18  }
0x93: {  	s3 =	sld [smem:$0x3FFC];
	_ =	sdelay $0x3  }
0x94: {  	_ =	strace s3  }
0x95: {  	s3 =	sld [smem:$0x3FFD];
	_ =	sdelay $0x3  }
0x96: {  	_ =	strace s3  }
0x97: {  	_ =	strace $0x8FFFFFFF  }
0x98: {  	s19 =	sld [smem:$0x3FDB];
	_ =	sdelay $0x1  }
0x99: {  	s4 =	simm.s32 $_scs_section_size  }
0x9a: {  	s5 =	simm.s32 $_size__tile_overlayer_lowered;
	s6 =	simm.s32 $_tile_overlayer_lowered  }
0x9b: {  	s22 =	simm.s32 $0x1BFF;
	s21 =	sshll.u32 s6, $0x1;
	s3 =	sadd.s32 s4, s19  }
0x9c: {  	s7 =	simm.s32 $0x0;
	s20 =	sshll.u32 s5, $0x1;
	s5 =	sadd.s32 s21, s3  }
0x9d: {  	[timem:s7], [sflag:s22] =	dma.local [hbm:s5], s20  }
0x9e: {  	_ =	swait.ge [sflag:s22], s20  }
0x9f: {  	s4 =	ssub.s32 $0x0, s20;
	[sflag:s22] =	ssyncset.done $0x0  }
0xa0: {  	[sflag:s22] =	ssyncadd.s32 s4;
	_ =	sdelay $0x1  }
0xa1: {  	s23 =	simm.s32 $0x1B8B  }
0xa2: {  	_ =	swait.ge [sflag:s23], $0x1  }
0xa3: {  	[sflag:s23] =	ssyncset.done $0x0  }
0xa4: {  	s25 =	simm.s32 $0x1B8E;
	s24 =	sld [smem:$0x3FFE];
	[sflag:s23] =	ssyncadd.s32 $0xFFFFFFFF  }
0xa5: {  	s26 =	simm.s32 $execute0_lowered;
	[smem:$0x3FD2] =	sst s25  }
0xa6: {  	s5 =	sshll.u32 s26, $0x1;
	_ =	strace $0x8000004F;
	[dreg:$0x1] =	wrdreg $0xFFFFFFFF  }
0xa7: {  	s28 =	simm.s32 $_size_execute0_lowered;
	s3 =	sadd.s32 s3, s5;
	[dreg:$0x0] =	wrdreg $0x0  }
0xa8: {  	s5 =	sshll.u32 s28, $0x1;
	[dreg:$0x2] =	wrdreg s3  }
0xa9: {  	[dreg:$0x3] =	wrdreg s5  }
0xaa: {  	[dreg:$0x4] =	wrdreg $0xC0  }
0xab: {  	_ =	task [dreg:s7], $0x5FFFF  }
0xac: {  	[dreg:$0x1] =	wrdreg $0xFFFFFFFF  }
0xad: {  	[dreg:$0x0] =	wrdreg $0x60  }
0xae: {  	[dreg:$0x2] =	wrdreg s24  }
0xaf: {  	[dreg:$0x3] =	wrdreg s2  }
0xb0: {  	[dreg:$0x4] =	wrdreg $0xB5800  }
0xb1: {  	[dreg:$0x5] =	wrdreg $0x9  }
0xb2: {  	_ =	task.clear_ibuf [dreg:s7], $0x6FFFF;
	_ =	strace $0x9000004F  }
0xb3: {  	s29 =	simm.s32 $0x9;
	_ =	strace $0x80000051  }
0xb4: {  	_ =	swait.ge [sflag:s29], $0x1  }
0xb5: {  	[sflag:s29] =	ssyncadd.s32 $0xFFFFFFFF  }
0xb6: {  	_ =	strace $0x90000051  }
0xb7: {  	_ =	sfence  }
0xb8: {  	s30 =	sld [smem:$0x0];
	_ =	sdelay $0x2  }
0xb9: {  	s31 =	sshll.u32 s1, $0xD;
	s1 =	sshrl.u32 s1, $0x2  }
0xba: {  	s3 =	sand.u32 $0x4000, s31;
	s1 =	sadd.s32 s1, s30  }
0xbb: {  	s0 =	sor.u32 s3, s0;
	s1 =	sshll.u32 s1, $0x11  }
0xbc: {  	s0 =	sor.u32 s1, s0  }
0xbd: {  	s0 =	sadd.s32 $0x8F2B, s0  }
0xbe: {  	[sflag:s0] =	ssyncadd.remote.s32 $0x1  }
0xbf: {  	_ =	sfence.sel $0xFFFF  }
0xc0: {  	[dreg:$0x0] =	wrdreg $0xFFFFFFFF;
	(pc) =	sbr.abs _section_cstart, $3  }
0xc1: {  	[dreg:$0x1] =	wrdreg $0xFFFFFFFF  }
0xc2: {  	_ =	task.clear_ibuf [dreg:s7], $0x2FFFF;
	_ =	strace $0x9FFFFFFF  }
0xc3: {  	(tm) =	ssettm $0x7FFFFFFF  }
tec
execute0_lowered:
.L_overlay_start_1:
0x0: {  	(tag) =	ssettag $0x1  }
0x1: {  	s0 =	srdreg.scid;
	s1 =	rddreg [dreg:$0x0]  }
0x2: {  	s2 =	rddreg [dreg:$0x1];
	s10 =	stileid.u32  }
0x3: {  	s3 =	rddreg [dreg:$0x2];
	s0 =	sand.u32 $0x1, s0;
	s8 =	smul.u32 $0x2800, s10  }
0x4: {  	s7 =	sshll.u32 s10, $0x7;
	s4 =	sshll.u32 s0, $0x4;
	s9 =	smul.u32 $0x28000, s0  }
0x5: {  	s0 =	ssub.s32 $0x2, s0;
	s6 =	sor.u32 s10, s4;
	s4 =	simm.s32 $0x0  }
0x6: {  	s29 =	sshrl.u32 s0, $0x1;
	s10 =	smul.u32 $0x50000, s10;
	[smem:$0x7FF] =	sst s4  }
0x7: {  	s11 =	sadd.s32 $0x35200, s1;
	s0 =	ssub.s32 s0, s29;
	_ =	strace $0x80000050  }
0x8: {  	[dreg:$0x4] =	wrdreg s11;
	s11 =	sshrl.u32 s10, $0x2;
	s0 =	smax.u32 s0, $0x1  }
0x9: {  	s24 =	sadd.s32 s11, s3;
	[dreg:$0x16] =	wrdreg s0  }
0xa: {  	s13 =	sadd.s32 $0x1400, s24;
	[dreg:$0x8] =	wrdreg s24  }
0xb: {  	s14 =	sadd.s32 $0x2800, s24;
	[dreg:$0x9] =	wrdreg s13  }
0xc: {  	s15 =	sadd.s32 $0x3C00, s24;
	[dreg:$0xa] =	wrdreg s14  }
0xd: {  	s30 =	simm.s32 $0x2780;
	s16 =	sadd.s32 $0x5000, s24;
	[dreg:$0xb] =	wrdreg s15  }
0xe: {  	s31 =	simm.s32 $0x50;
	s17 =	sadd.s32 $0x6400, s24;
	[dreg:$0xc] =	wrdreg s16  }
0xf: {  	s7 =	sand.u32 $0x380, s7;
	s18 =	sadd.s32 $0x7800, s24;
	[dreg:$0xd] =	wrdreg s17  }
0x10: {  	s5 =	sshrl.u32 s6, $0x3;
	s19 =	sadd.s32 $0x8C00, s24;
	[dreg:$0xe] =	wrdreg s18  }
0x11: {  	s8 =	sadd.s32 s8, s9;
	s20 =	sadd.s32 $0xA000, s24;
	[dreg:$0xf] =	wrdreg s19  }
0x12: {  	s9 =	sshll.u32 s6, $0xB;
	s21 =	sadd.s32 $0xB400, s24;
	[dreg:$0x10] =	wrdreg s20  }
0x13: {  	s5 =	smul.u32 $0x13C00, s5;
	s22 =	sadd.s32 $0xC800, s24;
	[dreg:$0x11] =	wrdreg s21  }
0x14: {  	s10 =	simm.s32 $0xA180;
	s23 =	sadd.s32 $0xDC00, s24;
	[dreg:$0x12] =	wrdreg s22  }
0x15: {  	s0 =	simm.s32 $0x2980;
	s25 =	sadd.s32 $0xF000, s24;
	[dreg:$0x13] =	wrdreg s23  }
0x16: {  	s7 =	sor.u32 s7, s5;
	s26 =	sadd.s32 $0x10400, s24;
	[dreg:$0x14] =	wrdreg s25  }
0x17: {  	s5 =	sadd.s32 $0xD200, s1;
	s28 =	sadd.s32 $0x11800, s24;
	[dreg:$0x17] =	wrdreg s26  }
0x18: {  	s29 =	sadd.s32 $0x12C00, s24;
	s7 =	sshrl.u32 s7, $0x3;
	[dreg:$0x18] =	wrdreg s28  }
0x19: {  	[dreg:$0x19] =	wrdreg s29;
	s13 =	simm.s32 $0x2880;
	s14 =	simm.s32 $0x7980  }
0x1a: {  	s15 =	simm.s32 $0x4;
	s16 =	simm.s32 $0x1;
	s17 =	simm.s32 $0x7  }
0x1b: {  	s18 =	simm.s32 $0x5;
	s19 =	simm.s32 $0x2;
	s20 =	simm.s32 $0x6  }
0x1c: {  	s7 =	sadd.s32 s7, s1;
	s1 =	sadd.s32 s8, s1;
	s8 =	sadd.s32 s2, s9  }
0x1d: {  	s21 =	simm.s32 $0x3;
	s7 =	sadd.s32 $0x3400, s7;
	[dreg:$0x6] =	wrdreg s8  }
0x1e: {  	s23 =	simm.s32 $0x0;
	s12 =	sadd.s32 $0x10, s8;
	[dreg:$0x5] =	wrdreg s7  }
0x1f: {  	s9 =	sshll.u32 s6, $0xE;
	s1 =	sadd.s32 $0x35600, s1;
	[dreg:$0x7] =	wrdreg s12  }
0x20: {  	s6 =	simm.s32 $0x2800;
	s8 =	simm.s32 $0x8;
	[dreg:$0x15] =	wrdreg s1  }
0x21: {  	s1 =	simm.s32 $0xB;
	s7 =	simm.s32 $0x5180;
	s12 =	simm.s32 $0xA  }
.LBB2_1:
0x22: {  	s11 =	rddreg [dreg:$0x5];
	s22 =	simm.s32 $0x80;
	s25 =	simm.s32 $0x400  }
0x23: {  	[tilespmem:s4], [sflag:$0xB] =	stream.strided.gather [hbm4b:s11+s22], $0x2780, s25, s22, $0x38;
	[tilespmem:$0x1F580] =	vst v63  }
0x24: {  	_ =	swait.ge [sflag:s1], $0x2780  }
0x25: {  	[sflag:s1] =	ssyncset.done $0x0  }
0x26: {  	s25 =	rddreg [dreg:$0x6];
	[sflag:s1] =	ssyncadd.s32 $0xFFFFD880  }
0x27: {  	[tilespmem:s30], [sflag:$0x4] =	stream.linear.gather [hbm4b:s25+s4], $0x80, $0x38;
	[tilespmem:$0x1F580] =	vst v63  }
0x28: {  	_ = 	snop  }
0x29: {  	[tilespmem:s0], [sflag:$0x1] =	stream.indirect.gather [hbm4b:s5+s31], $0x80, s4, s31, $0xb8;
	[tilespmem:$0x1F580] =	vst v63  }
0x2a: {  	s26 =	rddreg [dreg:$0x7]  }
0x2b: {  	[tilespmem:s6], [sflag:$0x5] =	stream.linear.gather [hbm4b:s26+s4], $0x80, $0x38;
	[tilespmem:$0x1F580] =	vst v63  }
0x2c: {  	_ = 	snop  }
0x2d: {  	[tilespmem:s7], [sflag:$0x2] =	stream.indirect.gather [hbm4b:s5+s31], $0x80, s31, s31, $0xb8;
	[tilespmem:$0x1F580] =	vst v63  }
0x2e: {  	s28 =	rddreg [dreg:$0x4]  }
0x2f: {  	[tilespmem:s10], [sflag:$0xB] =	stream.linear.gather [hbm4b:s28+s4], $0x1400, $0x38;
	[tilespmem:$0x1F580] =	vst v63  }
0x30: {  	_ =	swait.ge [sflag:s1], $0x1400  }
0x31: {  	[sflag:s1] =	ssyncset.done $0x0  }
0x32: {  	[sflag:s1] =	ssyncadd.s32 $0xFFFFEC00  }
0x33: {  	[spmem:s24] =	stream.linear.scatter [tilespmem:s10], [sflag:$0xA], $0x1400, $0x38;
	[tilespmem:$0x1F580] =	vst v63  }
0x34: {  	s29 =	rddreg [dreg:$0x9]  }
0x35: {  	[spmem:s29] =	stream.linear.scatter [tilespmem:s10], [sflag:$0xA], $0x1400, $0x38;
	[tilespmem:$0x1F580] =	vst v63  }
0x36: {  	s22 =	rddreg [dreg:$0xa]  }
0x37: {  	[spmem:s22] =	stream.linear.scatter [tilespmem:s10], [sflag:$0xA], $0x1400, $0x38;
	[tilespmem:$0x1F580] =	vst v63  }
0x38: {  	s24 =	rddreg [dreg:$0xb]  }
0x39: {  	[spmem:s24] =	stream.linear.scatter [tilespmem:s10], [sflag:$0xA], $0x1400, $0x38;
	[tilespmem:$0x1F580] =	vst v63  }
0x3a: {  	s25 =	rddreg [dreg:$0xc]  }
0x3b: {  	[spmem:s25] =	stream.linear.scatter [tilespmem:s10], [sflag:$0xA], $0x1400, $0x38;
	[tilespmem:$0x1F580] =	vst v63  }
0x3c: {  	s26 =	rddreg [dreg:$0xd]  }
0x3d: {  	[spmem:s26] =	stream.linear.scatter [tilespmem:s10], [sflag:$0xA], $0x1400, $0x38;
	[tilespmem:$0x1F580] =	vst v63  }
0x3e: {  	s28 =	rddreg [dreg:$0xe]  }
0x3f: {  	[spmem:s28] =	stream.linear.scatter [tilespmem:s10], [sflag:$0xA], $0x1400, $0x38;
	[tilespmem:$0x1F580] =	vst v63  }
0x40: {  	s29 =	rddreg [dreg:$0xf]  }
0x41: {  	[spmem:s29] =	stream.linear.scatter [tilespmem:s10], [sflag:$0xA], $0x1400, $0x38;
	[tilespmem:$0x1F580] =	vst v63  }
0x42: {  	s22 =	rddreg [dreg:$0x10]  }
0x43: {  	[spmem:s22] =	stream.linear.scatter [tilespmem:s10], [sflag:$0xA], $0x1400, $0x38;
	[tilespmem:$0x1F580] =	vst v63  }
0x44: {  	s24 =	rddreg [dreg:$0x11]  }
0x45: {  	[spmem:s24] =	stream.linear.scatter [tilespmem:s10], [sflag:$0xA], $0x1400, $0x38;
	[tilespmem:$0x1F580] =	vst v63  }
0x46: {  	s25 =	rddreg [dreg:$0x12]  }
0x47: {  	[spmem:s25] =	stream.linear.scatter [tilespmem:s10], [sflag:$0xA], $0x1400, $0x38;
	[tilespmem:$0x1F580] =	vst v63  }
0x48: {  	s26 =	rddreg [dreg:$0x13]  }
0x49: {  	[spmem:s26] =	stream.linear.scatter [tilespmem:s10], [sflag:$0xA], $0x1400, $0x38;
	[tilespmem:$0x1F580] =	vst v63  }
0x4a: {  	s28 =	rddreg [dreg:$0x14]  }
0x4b: {  	[spmem:s28] =	stream.linear.scatter [tilespmem:s10], [sflag:$0xA], $0x1400, $0x38;
	[tilespmem:$0x1F580] =	vst v63  }
0x4c: {  	s29 =	rddreg [dreg:$0x17]  }
0x4d: {  	[spmem:s29] =	stream.linear.scatter [tilespmem:s10], [sflag:$0xA], $0x1400, $0x38;
	[tilespmem:$0x1F580] =	vst v63  }
0x4e: {  	s22 =	rddreg [dreg:$0x18]  }
0x4f: {  	[spmem:s22] =	stream.linear.scatter [tilespmem:s10], [sflag:$0xA], $0x1400, $0x38;
	[tilespmem:$0x1F580] =	vst v63  }
0x50: {  	s24 =	rddreg [dreg:$0x19]  }
0x51: {  	[spmem:s24] =	stream.linear.scatter [tilespmem:s10], [sflag:$0xA], $0x1400, $0x38;
	[tilespmem:$0x1F580] =	vst v63  }
0x52: {  	_ =	swait.ge [sflag:s12], $0x1400  }
0x53: {  	[sflag:s12] =	ssyncset.done $0x0  }
0x54: {  	[sflag:s12] =	ssyncadd.s32 $0xFFFFEC00  }
0x55: {  	_ =	swait.ge [sflag:s12], $0x1400  }
0x56: {  	[sflag:s12] =	ssyncset.done $0x0  }
0x57: {  	[sflag:s12] =	ssyncadd.s32 $0xFFFFEC00  }
0x58: {  	_ =	swait.ge [sflag:s12], $0x1400  }
0x59: {  	[sflag:s12] =	ssyncset.done $0x0  }
0x5a: {  	[sflag:s12] =	ssyncadd.s32 $0xFFFFEC00  }
0x5b: {  	_ =	swait.ge [sflag:s12], $0x1400  }
0x5c: {  	[sflag:s12] =	ssyncset.done $0x0  }
0x5d: {  	[sflag:s12] =	ssyncadd.s32 $0xFFFFEC00  }
0x5e: {  	_ =	swait.ge [sflag:s12], $0x1400  }
0x5f: {  	[sflag:s12] =	ssyncset.done $0x0  }
0x60: {  	[sflag:s12] =	ssyncadd.s32 $0xFFFFEC00  }
0x61: {  	_ =	swait.ge [sflag:s12], $0x1400  }
0x62: {  	[sflag:s12] =	ssyncset.done $0x0  }
0x63: {  	[sflag:s12] =	ssyncadd.s32 $0xFFFFEC00  }
0x64: {  	_ =	swait.ge [sflag:s12], $0x1400  }
0x65: {  	[sflag:s12] =	ssyncset.done $0x0  }
0x66: {  	[sflag:s12] =	ssyncadd.s32 $0xFFFFEC00  }
0x67: {  	_ =	swait.ge [sflag:s12], $0x1400  }
0x68: {  	[sflag:s12] =	ssyncset.done $0x0  }
0x69: {  	[sflag:s12] =	ssyncadd.s32 $0xFFFFEC00  }
0x6a: {  	_ =	swait.ge [sflag:s12], $0x1400  }
0x6b: {  	[sflag:s12] =	ssyncset.done $0x0  }
0x6c: {  	[sflag:s12] =	ssyncadd.s32 $0xFFFFEC00  }
0x6d: {  	_ =	swait.ge [sflag:s12], $0x1400  }
0x6e: {  	[sflag:s12] =	ssyncset.done $0x0  }
0x6f: {  	[sflag:s12] =	ssyncadd.s32 $0xFFFFEC00  }
0x70: {  	_ =	swait.ge [sflag:s12], $0x1400  }
0x71: {  	[sflag:s12] =	ssyncset.done $0x0  }
0x72: {  	[sflag:s12] =	ssyncadd.s32 $0xFFFFEC00  }
0x73: {  	_ =	swait.ge [sflag:s12], $0x1400  }
0x74: {  	[sflag:s12] =	ssyncset.done $0x0  }
0x75: {  	[sflag:s12] =	ssyncadd.s32 $0xFFFFEC00  }
0x76: {  	_ =	swait.ge [sflag:s12], $0x1400  }
0x77: {  	[sflag:s12] =	ssyncset.done $0x0  }
0x78: {  	[sflag:s12] =	ssyncadd.s32 $0xFFFFEC00  }
0x79: {  	_ =	swait.ge [sflag:s12], $0x1400  }
0x7a: {  	[sflag:s12] =	ssyncset.done $0x0  }
0x7b: {  	[sflag:s12] =	ssyncadd.s32 $0xFFFFEC00  }
0x7c: {  	_ =	swait.ge [sflag:s12], $0x1400  }
0x7d: {  	[sflag:s12] =	ssyncset.done $0x0  }
0x7e: {  	[sflag:s12] =	ssyncadd.s32 $0xFFFFEC00  }
0x7f: {  	_ =	swait.ge [sflag:s12], $0x1400  }
0x80: {  	p0 =	por $0x1, $0x1;
	s25 =	simm.s32 $0x100;
	[sflag:s12] =	ssyncset.done $0x0  }
0x81: {  	s26 =	sand.u32 $0xFC00, s25;
	s22 =	sand.u32 $0x380, s25;
	[sflag:s12] =	ssyncadd.s32 $0xFFFFEC00  }
0x82: {  	s25 =	simm.s32 @!p0 $0x9;
	s24 =	sadd.s32 s9, s26;
	[bflag:$0x0] =	sbarrier.arrive $0xFFFF  }
0x83: {  	s22 =	sor.u32 s22, s24;
	_ =	swait.ge @!p0 [sflag:s25], $0x2800  }
0x84: {  	s22 =	sshrl.u32 s22, $0x3;
	[sflag:s25] =	ssyncset.done @!p0 $0x0  }
0x85: {  	s22 =	sadd.s32 s2, s22;
	[sflag:s25] =	ssyncadd.s32 @!p0 $0xFFFFD800  }
0x86: {  	[tilespmem:s13], [sflag:$0x6] =	stream.linear.gather [hbm4b:s22+s4], $0x80, $0x38;
	[tilespmem:$0x1F580] =	vst v63  }
0x87: {  	s28 =	simm.s32 $0xA0  }
0x88: {  	[tilespmem:s14], [sflag:$0x3] =	stream.indirect.gather [hbm4b:s5+s31], $0x80, s28, s31, $0xb8;
	[tilespmem:$0x1F580] =	vst v63  }
0x89: {  	_ =	swait.ge [sflag:s15], $0x80  }
0x8a: {  	[sflag:s15] =	ssyncset.done $0x0  }
0x8b: {  	[sflag:s15] =	ssyncadd.s32 $0xFFFFFF80  }
0x8c: {  	s29 =	simm.s32 $0x180;
	_ =	swait.ge [sflag:s16], $0x2800  }
0x8d: {  	s11 =	sand.u32 $0xFC00, s29;
	[sflag:s16] =	ssyncset.done $0x0  }
0x8e: {  	s24 =	sadd.s32 s9, s11;
	s22 =	sand.u32 $0x380, s29;
	[sflag:s16] =	ssyncadd.s32 $0xFFFFD800  }
0x8f: {  	[spmem:s3] =	stream.indirect.scatter.add.f32 [tilespmem:s0], [sflag:$0x7], $0x80, s30, s31, $0xb8;
	[tilespmem:$0x1F580] =	vst v63  }
0x90: {  	s22 =	sor.u32 s22, s24;
	_ =	swait.ge [sflag:s17], $0x2800  }
0x91: {  	s22 =	sshrl.u32 s22, $0x3;
	[sflag:s17] =	ssyncset.done $0x0  }
0x92: {  	s22 =	sadd.s32 s2, s22;
	[sflag:s17] =	ssyncadd.s32 $0xFFFFD800  }
0x93: {  	[tilespmem:s30], [sflag:$0x4] =	stream.linear.gather [hbm4b:s22+s4], $0x80, $0x38;
	[tilespmem:$0x1F580] =	vst v63  }
0x94: {  	s25 =	simm.s32 $0xF0  }
0x95: {  	[tilespmem:s0], [sflag:$0x1] =	stream.indirect.gather [hbm4b:s5+s31], $0x80, s25, s31, $0xb8;
	[tilespmem:$0x1F580] =	vst v63  }
0x96: {  	_ =	swait.ge [sflag:s18], $0x80  }
0x97: {  	[sflag:s18] =	ssyncset.done $0x0  }
0x98: {  	[sflag:s18] =	ssyncadd.s32 $0xFFFFFF80  }
0x99: {  	s26 =	simm.s32 $0x200;
	_ =	swait.ge [sflag:s19], $0x2800  }
0x9a: {  	s28 =	sand.u32 $0xFC00, s26;
	[sflag:s19] =	ssyncset.done $0x0  }
0x9b: {  	s24 =	sadd.s32 s9, s28;
	s22 =	sand.u32 $0x380, s26;
	[sflag:s19] =	ssyncadd.s32 $0xFFFFD800  }
0x9c: {  	[spmem:s3] =	stream.indirect.scatter.add.f32 [tilespmem:s7], [sflag:$0x8], $0x80, s6, s31, $0xb8;
	[tilespmem:$0x1F580] =	vst v63  }
0x9d: {  	s22 =	sor.u32 s22, s24;
	_ =	swait.ge [sflag:s8], $0x2800  }
0x9e: {  	s29 =	simm.s32 $0x140;
	s22 =	sshrl.u32 s22, $0x3;
	[sflag:s8] =	ssyncset.done $0x0  }
0x9f: {  	s26 =	simm.s32 $0x500;
	s22 =	sadd.s32 s2, s22;
	[sflag:s8] =	ssyncadd.s32 $0xFFFFD800  }
0xa0: {  	[tilespmem:s6], [sflag:$0x5] =	stream.linear.gather [hbm4b:s22+s4], $0x80, $0x38;
	[tilespmem:$0x1F580] =	vst v63  }
0xa1: {  	s24 =	simm.s32 $0x230;
	s25 =	simm.s32 $0x380;
	s22 =	simm.s32 $0x280  }
0xa2: {  	[tilespmem:s7], [sflag:$0x2] =	stream.indirect.gather [hbm4b:s5+s31], $0x80, s29, s31, $0xb8;
	[tilespmem:$0x1F580] =	vst v63  }
.LBB2_2:
0xa3: {  	s11 =	sand.u32 $0xFC00, s22;
	_ =	swait.ge [sflag:s20], $0x80  }
0xa4: {  	s29 =	smov.u32 s26;
	s26 =	sadd.s32 $0x180, s26;
	s28 =	smov.u32 s24  }
0xa5: {  	s22 =	sand.u32 $0x380, s22;
	s11 =	sadd.s32 s9, s11;
	[sflag:s20] =	ssyncset.done $0x0  }
0xa6: {  	p0 =	sne.s32 s26, $0x3F80;
	s11 =	sor.u32 s22, s11;
	[sflag:s20] =	ssyncadd.s32 $0xFFFFFF80  }
0xa7: {  	p1 =	seq.s32 s25, $0x200;
	s11 =	sshrl.u32 s11, $0x3;
	_ =	swait.ge [sflag:s21], $0x2800  }
0xa8: {  	s22 =	simm.s32 @!p1 $0x9;
	[sflag:s21] =	ssyncset.done $0x0  }
0xa9: {  	[sflag:s21] =	ssyncadd.s32 $0xFFFFD800  }
0xaa: {  	[spmem:s3] =	stream.indirect.scatter.add.f32 [tilespmem:s14], [sflag:$0x9], $0x80, s13, s31, $0xb8;
	[tilespmem:$0x1F580] =	vst v63  }
0xab: {  	s11 =	sadd.s32 s2, s11;
	_ =	swait.ge @!p1 [sflag:s22], $0x2800  }
0xac: {  	[sflag:s22] =	ssyncset.done @!p1 $0x0  }
0xad: {  	[sflag:s22] =	ssyncadd.s32 @!p1 $0xFFFFD800  }
0xae: {  	[tilespmem:s13], [sflag:$0x6] =	stream.linear.gather [hbm4b:s11+s4], $0x80, $0x38;
	[tilespmem:$0x1F580] =	vst v63  }
0xaf: {  	s11 =	sadd.s32 $0xFFFFFF60, s24  }
0xb0: {  	[tilespmem:s14], [sflag:$0x3] =	stream.indirect.gather [hbm4b:s5+s31], $0x80, s11, s31, $0xb8;
	[tilespmem:$0x1F580] =	vst v63  }
0xb1: {  	_ =	swait.ge [sflag:s15], $0x80  }
0xb2: {  	[sflag:s15] =	ssyncset.done $0x0  }
0xb3: {  	[sflag:s15] =	ssyncadd.s32 $0xFFFFFF80  }
0xb4: {  	s11 =	sadd.s32 $0xFFFFFF80, s25;
	_ =	swait.ge [sflag:s16], $0x2800  }
0xb5: {  	s22 =	sand.u32 $0xFC00, s11;
	[sflag:s16] =	ssyncset.done $0x0  }
0xb6: {  	s11 =	sand.u32 $0x380, s11;
	s22 =	sadd.s32 s9, s22;
	[sflag:s16] =	ssyncadd.s32 $0xFFFFD800  }
0xb7: {  	[spmem:s3] =	stream.indirect.scatter.add.f32 [tilespmem:s0], [sflag:$0x7], $0x80, s30, s31, $0xb8;
	[tilespmem:$0x1F580] =	vst v63  }
0xb8: {  	s11 =	sor.u32 s11, s22;
	_ =	swait.ge [sflag:s17], $0x2800  }
0xb9: {  	s11 =	sshrl.u32 s11, $0x3;
	[sflag:s17] =	ssyncset.done $0x0  }
0xba: {  	s11 =	sadd.s32 s2, s11;
	[sflag:s17] =	ssyncadd.s32 $0xFFFFD800  }
0xbb: {  	[tilespmem:s30], [sflag:$0x4] =	stream.linear.gather [hbm4b:s11+s4], $0x80, $0x38;
	[tilespmem:$0x1F580] =	vst v63  }
0xbc: {  	s11 =	sadd.s32 $0xFFFFFFB0, s24  }
0xbd: {  	[tilespmem:s0], [sflag:$0x1] =	stream.indirect.gather [hbm4b:s5+s31], $0x80, s11, s31, $0xb8;
	[tilespmem:$0x1F580] =	vst v63  }
0xbe: {  	_ =	swait.ge [sflag:s18], $0x80  }
0xbf: {  	[sflag:s18] =	ssyncset.done $0x0  }
0xc0: {  	[sflag:s18] =	ssyncadd.s32 $0xFFFFFF80  }
0xc1: {  	_ =	swait.ge [sflag:s19], $0x2800  }
0xc2: {  	[sflag:s19] =	ssyncset.done $0x0  }
0xc3: {  	s22 =	sand.u32 $0x380, s25;
	s11 =	sand.u32 $0xFC00, s25;
	[sflag:s19] =	ssyncadd.s32 $0xFFFFD800  }
0xc4: {  	[spmem:s3] =	stream.indirect.scatter.add.f32 [tilespmem:s7], [sflag:$0x8], $0x80, s6, s31, $0xb8;
	[tilespmem:$0x1F580] =	vst v63  }
0xc5: {  	s25 =	smov.u32 s29;
	s11 =	sadd.s32 s9, s11;
	_ =	swait.ge [sflag:s8], $0x2800  }
0xc6: {  	s11 =	sor.u32 s22, s11;
	[sflag:s8] =	ssyncset.done $0x0  }
.Ltmp0:
0xc7: {  	s11 =	sshrl.u32 s11, $0x3;
	[sflag:s8] =	ssyncadd.s32 $0xFFFFD800;
	(pc) =	sbr.rel @p0 .LBB2_2-.Ltmp0, $4  }
0xc8: {  	s11 =	sadd.s32 s2, s11  }
0xc9: {  	[tilespmem:s6], [sflag:$0x5] =	stream.linear.gather [hbm4b:s11+s4], $0x80, $0x38;
	[tilespmem:$0x1F580] =	vst v63  }
0xca: {  	s24 =	sadd.s32 $0xF0, s24;
	s22 =	sadd.s32 $0xFFFFFF00, s25  }
0xcb: {  	[tilespmem:s7], [sflag:$0x2] =	stream.indirect.gather [hbm4b:s5+s31], $0x80, s28, s31, $0xb8;
	[tilespmem:$0x1F580] =	vst v63  }
0xcc: {  	_ =	swait.ge [sflag:s20], $0x80  }
0xcd: {  	[sflag:s20] =	ssyncset.done $0x0  }
0xce: {  	[sflag:s20] =	ssyncadd.s32 $0xFFFFFF80  }
0xcf: {  	s11 =	sand.u32 $0xFC00, s22;
	_ =	swait.ge [sflag:s21], $0x2800  }
0xd0: {  	p0 =	seq.s32 s25, $0x200;
	s29 =	sand.u32 $0x380, s22;
	[sflag:s21] =	ssyncset.done $0x0  }
0xd1: {  	s11 =	sadd.s32 s9, s11;
	s26 =	simm.s32 @!p0 $0x9;
	[sflag:s21] =	ssyncadd.s32 $0xFFFFD800  }
0xd2: {  	[spmem:s3] =	stream.indirect.scatter.add.f32 [tilespmem:s14], [sflag:$0x9], $0x80, s13, s31, $0xb8;
	[tilespmem:$0x1F580] =	vst v63  }
0xd3: {  	s11 =	sor.u32 s29, s11;
	_ =	swait.ge @!p0 [sflag:s26], $0x2800  }
0xd4: {  	s11 =	sshrl.u32 s11, $0x3;
	[sflag:s26] =	ssyncset.done @!p0 $0x0  }
0xd5: {  	s11 =	sadd.s32 s2, s11;
	[sflag:s26] =	ssyncadd.s32 @!p0 $0xFFFFD800  }
0xd6: {  	[tilespmem:s13], [sflag:$0x6] =	stream.linear.gather [hbm4b:s11+s4], $0x80, $0x38;
	[tilespmem:$0x1F580] =	vst v63  }
0xd7: {  	s26 =	sadd.s32 $0xFFFFFF60, s24  }
0xd8: {  	[tilespmem:s14], [sflag:$0x3] =	stream.indirect.gather [hbm4b:s5+s31], $0x80, s26, s31, $0xb8;
	[tilespmem:$0x1F580] =	vst v63  }
0xd9: {  	_ =	swait.ge [sflag:s15], $0x80  }
0xda: {  	[sflag:s15] =	ssyncset.done $0x0  }
0xdb: {  	[sflag:s15] =	ssyncadd.s32 $0xFFFFFF80  }
0xdc: {  	s28 =	sadd.s32 $0xFFFFFF80, s25;
	_ =	swait.ge [sflag:s16], $0x2800  }
0xdd: {  	s29 =	sand.u32 $0xFC00, s28;
	[sflag:s16] =	ssyncset.done $0x0  }
0xde: {  	s22 =	sadd.s32 s9, s29;
	s11 =	sand.u32 $0x380, s28;
	[sflag:s16] =	ssyncadd.s32 $0xFFFFD800  }
0xdf: {  	[spmem:s3] =	stream.indirect.scatter.add.f32 [tilespmem:s0], [sflag:$0x7], $0x80, s30, s31, $0xb8;
	[tilespmem:$0x1F580] =	vst v63  }
0xe0: {  	s11 =	sor.u32 s11, s22;
	_ =	swait.ge [sflag:s17], $0x2800  }
0xe1: {  	s11 =	sshrl.u32 s11, $0x3;
	[sflag:s17] =	ssyncset.done $0x0  }
0xe2: {  	s11 =	sadd.s32 s2, s11;
	[sflag:s17] =	ssyncadd.s32 $0xFFFFD800  }
0xe3: {  	[tilespmem:s30], [sflag:$0x4] =	stream.linear.gather [hbm4b:s11+s4], $0x80, $0x38;
	[tilespmem:$0x1F580] =	vst v63  }
0xe4: {  	s26 =	sadd.s32 $0xFFFFFFB0, s24  }
0xe5: {  	[tilespmem:s0], [sflag:$0x1] =	stream.indirect.gather [hbm4b:s5+s31], $0x80, s26, s31, $0xb8;
	[tilespmem:$0x1F580] =	vst v63  }
0xe6: {  	_ =	swait.ge [sflag:s18], $0x80  }
0xe7: {  	[sflag:s18] =	ssyncset.done $0x0  }
0xe8: {  	[sflag:s18] =	ssyncadd.s32 $0xFFFFFF80  }
0xe9: {  	_ =	swait.ge [sflag:s19], $0x2800  }
0xea: {  	s28 =	sand.u32 $0xFC00, s25;
	[sflag:s19] =	ssyncset.done $0x0  }
0xeb: {  	s29 =	sand.u32 $0x380, s25;
	s11 =	sadd.s32 s9, s28;
	[sflag:s19] =	ssyncadd.s32 $0xFFFFD800  }
0xec: {  	[spmem:s3] =	stream.indirect.scatter.add.f32 [tilespmem:s7], [sflag:$0x8], $0x80, s6, s31, $0xb8;
	[tilespmem:$0x1F580] =	vst v63  }
0xed: {  	s11 =	sor.u32 s29, s11;
	_ =	swait.ge [sflag:s8], $0x2800  }
0xee: {  	s11 =	sshrl.u32 s11, $0x3;
	[sflag:s8] =	ssyncset.done $0x0  }
0xef: {  	s11 =	sadd.s32 s2, s11;
	[sflag:s8] =	ssyncadd.s32 $0xFFFFD800  }
0xf0: {  	[tilespmem:s6], [sflag:$0x5] =	stream.linear.gather [hbm4b:s11+s4], $0x80, $0x38;
	[tilespmem:$0x1F580] =	vst v63  }
0xf1: {  	_ = 	snop  }
0xf2: {  	[tilespmem:s7], [sflag:$0x2] =	stream.indirect.gather [hbm4b:s5+s31], $0x80, s24, s31, $0xb8;
	[tilespmem:$0x1F580] =	vst v63  }
0xf3: {  	_ =	swait.ge [sflag:s20], $0x80  }
0xf4: {  	[sflag:s20] =	ssyncset.done $0x0  }
0xf5: {  	[sflag:s20] =	ssyncadd.s32 $0xFFFFFF80  }
0xf6: {  	_ =	swait.ge [sflag:s21], $0x2800  }
0xf7: {  	[sflag:s21] =	ssyncset.done $0x0  }
0xf8: {  	s24 =	simm.s32 $0x9;
	[sflag:s21] =	ssyncadd.s32 $0xFFFFD800  }
0xf9: {  	[spmem:s3] =	stream.indirect.scatter.add.f32 [tilespmem:s14], [sflag:$0x9], $0x80, s13, s31, $0xb8;
	[tilespmem:$0x1F580] =	vst v63  }
0xfa: {  	_ =	swait.ge [sflag:s24], $0x2800  }
0xfb: {  	[sflag:s24] =	ssyncset.done $0x0  }
0xfc: {  	[sflag:s24] =	ssyncadd.s32 $0xFFFFD800  }
0xfd: {  	_ =	swait.ge [sflag:s15], $0x80  }
0xfe: {  	[sflag:s15] =	ssyncset.done $0x0  }
0xff: {  	[sflag:s15] =	ssyncadd.s32 $0xFFFFFF80  }
0x100: {  	_ =	swait.ge [sflag:s16], $0x2800  }
0x101: {  	[sflag:s16] =	ssyncset.done $0x0  }
0x102: {  	[sflag:s16] =	ssyncadd.s32 $0xFFFFD800  }
0x103: {  	[spmem:s3] =	stream.indirect.scatter.add.f32 [tilespmem:s0], [sflag:$0x7], $0x80, s30, s31, $0xb8;
	[tilespmem:$0x1F580] =	vst v63  }
0x104: {  	_ =	swait.ge [sflag:s17], $0x2800  }
0x105: {  	[sflag:s17] =	ssyncset.done $0x0  }
0x106: {  	[sflag:s17] =	ssyncadd.s32 $0xFFFFD800  }
0x107: {  	_ =	swait.ge [sflag:s18], $0x80  }
0x108: {  	[sflag:s18] =	ssyncset.done $0x0  }
0x109: {  	[sflag:s18] =	ssyncadd.s32 $0xFFFFFF80  }
0x10a: {  	_ =	swait.ge [sflag:s19], $0x2800  }
0x10b: {  	[sflag:s19] =	ssyncset.done $0x0  }
0x10c: {  	[sflag:s19] =	ssyncadd.s32 $0xFFFFD800  }
0x10d: {  	[spmem:s3] =	stream.indirect.scatter.add.f32 [tilespmem:s7], [sflag:$0x8], $0x80, s6, s31, $0xb8;
	[tilespmem:$0x1F580] =	vst v63  }
0x10e: {  	_ =	swait.ge [sflag:s8], $0x2800  }
0x10f: {  	[sflag:s8] =	ssyncset.done $0x0  }
0x110: {  	[sflag:s8] =	ssyncadd.s32 $0xFFFFD800  }
0x111: {  	s25 =	stileid.u32;
	[bflag:$0x0] =	sbarrier.arrive $0xFFFF  }
0x112: {  	s11 =	sshll.u32 s25, $0x6;
	s24 =	rddreg [dreg:$0x8]  }
0x113: {  	s11 =	sor.u32 $0x1C0B, s11;
	s28 =	rddreg [dreg:$0x15];
	s26 =	sshrl.u32 s24, $0x3  }
0x114: {  	[hbm:s28], [sflag:s11] =	dma.local [spmem:s26], $0x2800  }
0x115: {  	_ =	swait.ge [sflag:s1], $0x2800  }
0x116: {  	s23 =	sadd.s32 $0x1, s23;
	s29 =	rddreg [dreg:$0x16]  }
0x117: {  	p0 =	sne.s32 s23, s29  }
.Ltmp1:
0x118: {  	_ = 	snop;
	(pc) =	sbr.rel @p0 .LBB2_1-.Ltmp1, $3  }
0x119: {  	_ =	sdelay $0x1  }
0x11a: {  	[sflag:s1] =	ssyncset.done $0x0  }
0x11b: {  	[sflag:s1] =	ssyncadd.s32 $0xFFFFD800  }
0x11c: {  	_ =	sfence.sel $0x180000  }
0x11d: {  	[bflag:$0x0] =	sbarrier.arrive $0xFFFF  }
0x11e: {  	_ =	strace $0x90000050  }
0x11f: {  	s0 =	stileid.u32;
	[bflag:$0x2] =	sbarrier.arrive $0xFFFF  }
0x120: {  	p0 =	sne.s32 s0, $0x0;
	s0 =	rddreg [dreg:$0x3]  }
0x121: {  	s0 =	sadd.s32 @!p0 $0x100000, s0  }
0x122: {  	[sflag:s0] =	ssyncadd.tile.s32 @!p0 $0x1;
	_ =	shalt  }
.Lfunc_end2:
_tile_overlayer_lowered:
.L_overlay_start_2:
0x123: {  	(tag) =	ssettag $0x2  }
0x124: {  	s0 =	rddreg [dreg:$0x0];
	s2 =	stileid.u32  }
0x125: {  	s1 =	rddreg [dreg:$0x1];
	p0 =	sne.s32 s2, $0x0  }
0x126: {  	s3 =	rddreg [dreg:$0x2];
	[bflag:$0x3] =	sbarrier.arrive $0xFFFF;
	s2 =	simm.s32 @!p0 $0x1C0B  }
0x127: {  	[timem:s3], [sflag:s2] =	dma.local @!p0 [hbm:s0], s1  }
0x128: {  	s0 =	simm.s32 @!p0 $0xB  }
0x129: {  	_ =	swait.ge @!p0 [sflag:s0], s1  }
0x12a: {  	s1 =	ssub.s32 @!p0 $0x0, s1;
	[sflag:s0] =	ssyncset.done @!p0 $0x0  }
0x12b: {  	[sflag:s0] =	ssyncadd.s32 @!p0 s1  }
0x12c: {  	[bflag:$0x3] =	sbarrier.arrive $0xFFFF  }
0x12d: {  	_ =	shalt  }

// kernel: kernel.9.cloned.1.call-start
scs
__scs_entry_jumppad:
0x0: {  	(pc) =	sbr.rel $0x88, $3  }
0x1: {  	(tag) =	ssettag $0x0;
	lr =	simm.s32 $0x1  }
0x2: {  	[smem:$0x3F96] =	sst lr;
	_ =	strace $0xD0000000  }
0x3: {  	_ = 	snop  }
0x4: {  	_ = 	snop  }
0x5: {  	_ = 	snop  }
0x6: {  	_ = 	snop  }
0x7: {  	_ = 	snop  }
__scs_overlays_trampoline_lowered:
0x8: {  	[smem:$0x3FA5] =	sst s0  }
0x9: {  	[smem:$0x3FA6] =	sst s1  }
0xa: {  	[smem:$0x3FA7] =	sst s2  }
0xb: {  	[smem:$0x3FA8] =	sst s3  }
0xc: {  	[smem:$0x3FA9] =	sst s4  }
0xd: {  	[smem:$0x3FAA] =	sst s5  }
0xe: {  	[smem:$0x3FAB] =	sst s6  }
0xf: {  	[smem:$0x3FAC] =	sst s7  }
0x10: {  	[smem:$0x3FAD] =	sst s8  }
0x11: {  	[smem:$0x3FAE] =	sst s9;
	s0 =	simm.s32 @!p0 $0x0  }
0x12: {  	s1 =	sld [smem:$0x3F94];
	s0 =	simm.s32 @p0 $0x1  }
0x13: {  	[smem:$0x3FAF] =	sst s0;
	s0 =	simm.s32 @!p1 $0x0  }
0x14: {  	s2 =	sld [smem:$0x3F93];
	s0 =	simm.s32 @p1 $0x1  }
0x15: {  	[smem:$0x3FB0] =	sst s0;
	s0 =	simm.s32 @!p2 $0x0  }
0x16: {  	s3 =	sld [smem:$0x3FDB];
	s0 =	simm.s32 @p2 $0x1  }
0x17: {  	s4 =	simm.s32 $0x1BF5;
	[smem:$0x3FB2] =	sst s0  }
0x18: {  	s0 =	sld [smem:$0x3F95];
	_ =	swait.ge [sflag:s4], $0x0  }
0x19: {  	s7 =	sld [smem:$0x3F96]  }
0x1a: {  	s8 =	sadd.s32 $0xFFFFE003, lr  }
0x1b: {  	s9 =	sadd.s32 $0xFFFFFEF7, lr;
	s5 =	simm.s32 $0xFFFFFFFF;
	p2 =	slt.u32 s8, $0xFFFFF086  }
0x1c: {  	p1 =	slt.u32 s9, $0xF7A;
	s5 =	simm.s32 @!p2 $0x0  }
0x1d: {  	s5 =	simm.s32 @p1 $0x1;
	p0 =	seq.s32 s7, s2  }
0x1e: {  	s7 =	smul.u32 @!p0 $0xF7A, s2;
	p2 =	seq.s32 @!p0 s5, $0x0  }
0x1f: {  	s9 =	smul.u32 $0xF7A, s1;
	s8 =	simm.s32 @!p0 $0x1BF5;
	p2 =	por !p2, p0  }
0x20: {  	[sflag:s8] =	ssyncset.s32 @!p0 $0xFFFFF086;
	s6 =	sadd.s32 @!p0 s3, s7;
	s7 =	simm.s32 @!p0 $0x108  }
0x21: {  	s3 =	sadd.s32 s3, s9;
	s6 =	sadd.s32 @!p0 $0x88, s6;
	s7 =	simm.s32 @p2 $0x1082  }
0x22: {  	[simem:s7], [sflag:s8] =	dma.local @!p0 [hbm:s6], $0xF7A  }
0x23: {  	s9 =	sor.u32 $0xD0000000, s2;
	s6 =	simm.s32 $0x108;
	_ =	swait.ge @!p0 [sflag:s8], $0x0  }
0x24: {  	s3 =	sadd.s32 $0x88, s3;
	s6 =	simm.s32 @!p1 $0x1082;
	[sflag:s4] =	ssyncset.s32 $0xFFFFF086  }
0x25: {  	[simem:s6], [sflag:s4] =	dma.local [hbm:s3], $0xF7A  }
0x26: {  	[smem:$0x3F96] =	sst s1;
	(tag) =	ssettag s2;
	_ =	strace s9  }
0x27: {  	s1 =	sld [smem:$0x3FA6]  }
0x28: {  	s2 =	sld [smem:$0x3FA7]  }
0x29: {  	s4 =	sld [smem:$0x3FA9]  }
0x2a: {  	p0 =	seq.s32 s5, $0x0;
	s5 =	sld [smem:$0x3FAA]  }
0x2b: {  	s6 =	sld [smem:$0x3FAB]  }
0x2c: {  	s7 =	sld [smem:$0x3FAC]  }
0x2d: {  	s3 =	simm.s32 $0x108;
	s8 =	sld [smem:$0x3FAD]  }
0x2e: {  	s3 =	simm.s32 @!p0 $0x1082;
	s9 =	sld [smem:$0x3FAE]  }
0x2f: {  	lr =	sadd.s32 s0, s3;
	s0 =	sld [smem:$0x3FA5]  }
0x30: {  	s3 =	sld [smem:$0x3FA8]  }
0x31: {  	[smem:$0x3FB1] =	sst s10  }
0x32: {  	s10 =	sld [smem:$0x3FAF];
	_ =	sdelay $0x3  }
0x33: {  	p0 =	seq.s32 s10, $0x1;
	s10 =	sld [smem:$0x3FB1];
	_ =	sdelay $0x3  }
0x34: {  	[smem:$0x3FB1] =	sst s10  }
0x35: {  	s10 =	sld [smem:$0x3FB0];
	_ =	sdelay $0x3  }
0x36: {  	p1 =	seq.s32 s10, $0x1;
	s10 =	sld [smem:$0x3FB1];
	_ =	sdelay $0x3  }
0x37: {  	[smem:$0x3FB1] =	sst s10  }
0x38: {  	s10 =	sld [smem:$0x3FB2]  }
0x39: {  	_ = 	snop;
	(pc) =	sbr.ind lr, $3  }
0x3a: {  	_ = 	snop  }
0x3b: {  	_ = 	snop  }
0x3c: {  	p2 =	seq.s32 s10, $0x1;
	s10 =	sld [smem:$0x3FB1]  }
0x3d: {  	_ =	shalt  }
0x3e: {  	_ =	shalt  }
0x3f: {  	_ =	shalt  }
0x40: {  	_ =	shalt  }
0x41: {  	_ =	shalt  }
0x42: {  	_ =	shalt  }
0x43: {  	_ =	shalt  }
0x44: {  	_ =	shalt  }
0x45: {  	_ =	shalt  }
0x46: {  	_ =	shalt  }
0x47: {  	_ =	shalt  }
0x48: {  	_ =	shalt  }
0x49: {  	_ =	shalt  }
0x4a: {  	_ =	shalt  }
0x4b: {  	_ =	shalt  }
0x4c: {  	_ =	shalt  }
0x4d: {  	_ =	shalt  }
0x4e: {  	_ =	shalt  }
0x4f: {  	_ =	shalt  }
0x50: {  	_ =	shalt  }
0x51: {  	_ =	shalt  }
0x52: {  	_ =	shalt  }
0x53: {  	_ =	shalt  }
0x54: {  	_ =	shalt  }
0x55: {  	_ =	shalt  }
0x56: {  	_ =	shalt  }
0x57: {  	_ =	shalt  }
0x58: {  	_ =	shalt  }
0x59: {  	_ =	shalt  }
0x5a: {  	_ =	shalt  }
0x5b: {  	_ =	shalt  }
0x5c: {  	_ =	shalt  }
0x5d: {  	_ =	shalt  }
0x5e: {  	_ =	shalt  }
0x5f: {  	_ =	shalt  }
0x60: {  	_ =	shalt  }
0x61: {  	_ =	shalt  }
0x62: {  	_ =	shalt  }
0x63: {  	_ =	shalt  }
0x64: {  	_ =	shalt  }
0x65: {  	_ =	shalt  }
0x66: {  	_ =	shalt  }
0x67: {  	_ =	shalt  }
0x68: {  	_ =	shalt  }
0x69: {  	_ =	shalt  }
0x6a: {  	_ =	shalt  }
0x6b: {  	_ =	shalt  }
0x6c: {  	_ =	shalt  }
0x6d: {  	_ =	shalt  }
0x6e: {  	_ =	shalt  }
0x6f: {  	_ =	shalt  }
0x70: {  	_ =	shalt  }
0x71: {  	_ =	shalt  }
0x72: {  	_ =	shalt  }
0x73: {  	_ =	shalt  }
0x74: {  	_ =	shalt  }
0x75: {  	_ =	shalt  }
0x76: {  	_ =	shalt  }
0x77: {  	_ =	shalt  }
0x78: {  	_ =	shalt  }
0x79: {  	_ =	shalt  }
0x7a: {  	_ =	shalt  }
0x7b: {  	_ =	shalt  }
0x7c: {  	_ =	shalt  }
0x7d: {  	_ =	shalt  }
0x7e: {  	_ =	shalt  }
0x7f: {  	_ =	shalt  }
0x80: {  	_ =	shalt  }
0x81: {  	_ =	shalt  }
0x82: {  	_ =	shalt  }
0x83: {  	_ =	shalt  }
0x84: {  	_ =	shalt  }
0x85: {  	_ =	shalt  }
0x86: {  	_ =	shalt  }
0x87: {  	_ =	shalt  }
.Lfunc_end0:
.L_simem_size_0:
called_computation_lowered:
.L_overlay_start_0:
0x88: {  	s2 =	sld [smem:$0x3FD9]  }
0x89: {  	s3 =	sld [smem:$0x3FFE];
	_ =	sdelay $0x1  }
0x8a: {  	s1 =	srdreg.scid  }
0x8b: {  	s0 =	sand.u32 $0x1, s1  }
0x8c: {  	s17 =	sshll.u32 s0, $0xA;
	s2 =	sadd.s32 s3, s2  }
0x8d: {  	s2 =	sadd.s32 s2, s17  }
0x8e: {  	[smem:$0x3FBD] =	sst s2  }
0x8f: {  	_ = 	snop  }
0x90: {  	(tm) =	ssettm $0x1  }
0x91: {  	s18 =	sld [smem:$0x3FFB];
	_ =	sdelay $0x3  }
0x92: {  	_ =	strace s18  }
0x93: {  	s2 =	sld [smem:$0x3FFC];
	_ =	sdelay $0x3  }
0x94: {  	_ =	strace s2  }
0x95: {  	s2 =	sld [smem:$0x3FFD];
	_ =	sdelay $0x3  }
0x96: {  	_ =	strace s2  }
0x97: {  	_ =	strace $0x8FFFFFFF  }
0x98: {  	s19 =	sld [smem:$0x3FDB];
	_ =	sdelay $0x1  }
0x99: {  	s20 =	simm.s32 $_scs_section_size  }
0x9a: {  	s4 =	simm.s32 $_size__tile_overlayer_lowered;
	s5 =	simm.s32 $_tile_overlayer_lowered  }
0x9b: {  	s6 =	simm.s32 $0x1BFF;
	s21 =	sshll.u32 s5, $0x1;
	s3 =	sadd.s32 s20, s19  }
0x9c: {  	s22 =	simm.s32 $0x0;
	s4 =	sshll.u32 s4, $0x1;
	s5 =	sadd.s32 s21, s3  }
0x9d: {  	[timem:s22], [sflag:s6] =	dma.local [hbm:s5], s4  }
0x9e: {  	_ =	swait.ge [sflag:s6], s4  }
0x9f: {  	s4 =	ssub.s32 $0x0, s4;
	[sflag:s6] =	ssyncset.done $0x0  }
0xa0: {  	[sflag:s6] =	ssyncadd.s32 s4;
	_ =	sdelay $0x1  }
0xa1: {  	s23 =	simm.s32 $0x1B8B  }
0xa2: {  	_ =	swait.ge [sflag:s23], $0x1  }
0xa3: {  	[sflag:s23] =	ssyncset.done $0x0  }
0xa4: {  	[sflag:s23] =	ssyncadd.s32 $0xFFFFFFFF  }
0xa5: {  	s4 =	sld [smem:$0x0]  }
0xa6: {  	s5 =	sand.u32 $0xFFFFFFFE, s1  }
0xa7: {  	p0 =	sne.s32 s1, s5  }
0xa8: {  	s5 =	sshll.u32 @p0 s5, $0xE  }
0xa9: {  	s5 =	sadd.s32 @p0 $0x11B8D, s5;
	s6 =	sshll.u32 @p0 s4, $0x11  }
0xaa: {  	s5 =	sor.u32 @p0 s6, s5  }
0xab: {  	[sflag:s5] =	ssyncadd.remote.s32 @p0 $0x1;
	_ =	sdelay $0x1  }
0xac: {  	s5 =	simm.s32 @p0 $0x1B8D  }
0xad: {  	_ =	swait.eq @p0 [sflag:s5], $0x1  }
0xae: {  	[sflag:s5] =	ssyncadd.s32 @p0 $0xFFFFFFFF  }
0xaf: {  	s6 =	sshll.u32 @!p0 s1, $0xE  }
0xb0: {  	s6 =	sor.u32 @!p0 $0x4000, s6;
	s5 =	simm.s32 @!p0 $0x1B8D  }
0xb1: {  	s4 =	sshll.u32 @!p0 s4, $0x11;
	s6 =	sadd.s32 @!p0 $0x11B8D, s6;
	_ =	swait.eq @!p0 [sflag:s5], $0x1  }
0xb2: {  	s4 =	sor.u32 @!p0 s4, s6;
	[sflag:s5] =	ssyncadd.s32 @!p0 $0xFFFFFFFF  }
0xb3: {  	s25 =	simm.s32 $0x1B8E;
	s24 =	sld [smem:$0x3FFE];
	[sflag:s4] =	ssyncadd.remote.s32 @!p0 $0x1  }
0xb4: {  	s26 =	simm.s32 $execute0_lowered;
	[smem:$0x3FD2] =	sst s25  }
0xb5: {  	s5 =	sshll.u32 s26, $0x1;
	_ =	strace $0x80000049;
	[dreg:$0x1] =	wrdreg $0xFFFFFFFF  }
0xb6: {  	s28 =	simm.s32 $_size_execute0_lowered;
	s3 =	sadd.s32 s3, s5;
	[dreg:$0x0] =	wrdreg $0x0  }
0xb7: {  	s5 =	sshll.u32 s28, $0x1;
	[dreg:$0x2] =	wrdreg s3  }
0xb8: {  	[dreg:$0x3] =	wrdreg s5  }
0xb9: {  	[dreg:$0x4] =	wrdreg $0xC0  }
0xba: {  	_ =	task [dreg:s22], $0x5FFFF  }
0xbb: {  	[dreg:$0x1] =	wrdreg $0xFFFFFFFF  }
0xbc: {  	[dreg:$0x0] =	wrdreg $0x60  }
0xbd: {  	[dreg:$0x2] =	wrdreg s24  }
0xbe: {  	[dreg:$0x3] =	wrdreg $0x9  }
0xbf: {  	_ =	task.clear_ibuf [dreg:s22], $0x4FFFF;
	_ =	strace $0x90000049  }
0xc0: {  	s29 =	simm.s32 $0x9;
	_ =	strace $0x8000004B  }
0xc1: {  	_ =	swait.ge [sflag:s29], $0x1  }
0xc2: {  	[sflag:s29] =	ssyncadd.s32 $0xFFFFFFFF  }
0xc3: {  	_ =	strace $0x9000004B  }
0xc4: {  	_ =	sfence  }
0xc5: {  	s30 =	sld [smem:$0x0];
	_ =	sdelay $0x2  }
0xc6: {  	s31 =	sshll.u32 s1, $0xD;
	s1 =	sshrl.u32 s1, $0x2  }
0xc7: {  	s4 =	sand.u32 $0x4000, s31;
	s1 =	sadd.s32 s1, s30  }
0xc8: {  	s0 =	sor.u32 s4, s0;
	s1 =	sshll.u32 s1, $0x11  }
0xc9: {  	s0 =	sor.u32 s1, s0  }
0xca: {  	s0 =	sadd.s32 $0x8F2B, s0  }
0xcb: {  	[sflag:s0] =	ssyncadd.remote.s32 $0x1  }
0xcc: {  	_ =	sfence.sel $0xFFFF  }
0xcd: {  	[dreg:$0x0] =	wrdreg $0xFFFFFFFF;
	(pc) =	sbr.abs _section_cstart, $3  }
0xce: {  	[dreg:$0x1] =	wrdreg $0xFFFFFFFF  }
0xcf: {  	_ =	task.clear_ibuf [dreg:s22], $0x2FFFF;
	_ =	strace $0x9FFFFFFF  }
0xd0: {  	(tm) =	ssettm $0x7FFFFFFF  }
0xd1: {  	_ =	shalt  }
tec
execute0_lowered:
.L_overlay_start_1:
0x0: {  	(tag) =	ssettag $0x1  }
0x1: {  	s0 =	srdreg.scid  }
0x2: {  	s4 =	rddreg [dreg:$0x0];
	s3 =	sand.u32 $0x1, s0  }
0x3: {  	s2 =	simm.s32 $0x0;
	s0 =	stileid.u32;
	s1 =	sshll.u32 s3, $0x4  }
0x4: {  	s8 =	simm.s32 $0x1;
	s9 =	simm.s32 $0x80;
	s1 =	sor.u32 s0, s1  }
0x5: {  	s10 =	simm.s32 $0x400;
	s11 =	simm.s32 $0x0;
	s5 =	sshrl.u32 s1, $0x3  }
0x6: {  	[smem:$0x7FF] =	sst s2;
	s6 =	sshll.u32 s0, $0x7;
	s7 =	smul.u32 $0x13C00, s5  }
0x7: {  	s30 =	ssub.s32 $0x2, s3;
	s6 =	sand.u32 $0x380, s6;
	s5 =	smul.u32 $0x14000, s5  }
0x8: {  	s3 =	sadd.s32 $0x8F400, s4;
	s31 =	sshrl.u32 s30, $0x1;
	s7 =	sor.u32 s6, s7  }
0x9: {  	s1 =	rddreg [dreg:$0x1];
	s5 =	sor.u32 s6, s5;
	s7 =	sshrl.u32 s7, $0x3  }
0xa: {  	_ =	strace $0x8000004A;
	s5 =	sshrl.u32 s5, $0x3;
	s29 =	sadd.s32 s7, s4  }
0xb: {  	s5 =	sadd.s32 s5, s4;
	s7 =	ssub.s32 s30, s31;
	s4 =	sadd.s32 $0x85600, s29  }
0xc: {  	v0 =	vimm.f32 $1.000000000e+00;
	s5 =	sadd.s32 $0x8FA00, s5;
	s6 =	smax.u32 s7, $0x1;
	s7 =	simm.s32 $0x2780  }
.LBB2_1:
0xd: {  	[tilespmem:s7], [sflag:$0x1] =	stream.linear.gather [hbm4b:s3+s2], $0x2800, $0x38;
	[tilespmem:$0x4F80] =	vst v63  }
0xe: {  	_ =	swait.ge [sflag:s8], $0x2800  }
0xf: {  	[sflag:s8] =	ssyncset.done $0x0  }
0x10: {  	[sflag:s8] =	ssyncadd.s32 $0xFFFFD800  }
0x11: {  	[tilespmem:s2], [sflag:$0x1] =	stream.strided.gather [hbm4b:s4+s9], $0x2780, s10, s9, $0x38;
	[tilespmem:$0x4F80] =	vst v63  }
0x12: {  	_ =	swait.ge [sflag:s8], $0x2780  }
0x13: {  	[sflag:s8] =	ssyncset.done $0x0  }
0x14: {  	s12 =	simm.s32 $0x0;
	[sflag:s8] =	ssyncadd.s32 $0xFFFFD880  }
.LBB2_2:
0x15: {  	s13 =	sshra.s32 s12, $0x2  }
0x16: {  	v1 =	vld [tilespmem:s13+$0x0];
	_ =	sdelay $0x7  }
0x17: {  	[tilespmem:v1+s7+$0x0] =	vst.idx.add.f32.msk $0xffff, v0  }
0x18: {  	v1 =	vld [tilespmem:s13+$0x10];
	_ =	sdelay $0x7  }
0x19: {  	[tilespmem:v1+s7+$0x0] =	vst.idx.add.f32.msk $0xffff, v0  }
0x1a: {  	v1 =	vld [tilespmem:s13+$0x20];
	_ =	sdelay $0x7  }
0x1b: {  	[tilespmem:v1+s7+$0x0] =	vst.idx.add.f32.msk $0xffff, v0  }
0x1c: {  	v1 =	vld [tilespmem:s13+$0x30];
	_ =	sdelay $0x7  }
0x1d: {  	[tilespmem:v1+s7+$0x0] =	vst.idx.add.f32.msk $0xffff, v0  }
0x1e: {  	v1 =	vld [tilespmem:s13+$0x40];
	_ =	sdelay $0x2  }
0x1f: {  	p0 =	sne.s32 s12, $0x9B00  }
.Ltmp0:
0x20: {  	_ = 	snop;
	(pc) =	sbr.rel @p0 .LBB2_2-.Ltmp0, $2  }
0x21: {  	_ =	sdelay $0x2  }
0x22: {  	s12 =	sadd.s32 $0x140, s12;
	[tilespmem:v1+s7+$0x0] =	vst.idx.add.f32.msk $0xffff, v0  }
0x23: {  	s11 =	sadd.s32 $0x1, s11  }
0x24: {  	p0 =	sne.s32 s11, s6  }
.Ltmp1:
0x25: {  	_ = 	snop;
	(pc) =	sbr.rel @p0 .LBB2_1-.Ltmp1, $4  }
0x26: {  	[hbm4b:s5+s9] =	stream.strided.scatter [tilespmem:s7], [sflag:$0x1], $0x2800, s10, s9, $0x38;
	[tilespmem:$0x4F80] =	vst v63  }
0x27: {  	_ =	swait.ge [sflag:s8], $0x2800  }
0x28: {  	[sflag:s8] =	ssyncset.done $0x0  }
0x29: {  	[sflag:s8] =	ssyncadd.s32 $0xFFFFD800  }
0x2a: {  	_ =	sfence.sel $0x180000  }
0x2b: {  	[bflag:$0x0] =	sbarrier.arrive $0xFFFF  }
0x2c: {  	p0 =	sne.s32 s0, $0x0;
	_ =	strace $0x9000004A  }
0x2d: {  	s0 =	sadd.s32 @!p0 $0x100000, s1;
	[bflag:$0x2] =	sbarrier.arrive $0xFFFF  }
0x2e: {  	[sflag:s0] =	ssyncadd.tile.s32 @!p0 $0x1;
	_ =	shalt  }
.Lfunc_end2:
_tile_overlayer_lowered:
.L_overlay_start_2:
0x2f: {  	(tag) =	ssettag $0x2  }
0x30: {  	s0 =	rddreg [dreg:$0x0];
	s2 =	stileid.u32  }
0x31: {  	s1 =	rddreg [dreg:$0x1];
	p0 =	sne.s32 s2, $0x0  }
0x32: {  	s3 =	rddreg [dreg:$0x2];
	[bflag:$0x3] =	sbarrier.arrive $0xFFFF;
	s2 =	simm.s32 @!p0 $0x1C01  }
0x33: {  	[timem:s3], [sflag:s2] =	dma.local @!p0 [hbm:s0], s1  }
0x34: {  	s0 =	simm.s32 @!p0 $0x1  }
0x35: {  	_ =	swait.ge @!p0 [sflag:s0], s1  }
0x36: {  	s1 =	ssub.s32 @!p0 $0x0, s1;
	[sflag:s0] =	ssyncset.done @!p0 $0x0  }
0x37: {  	[sflag:s0] =	ssyncadd.s32 @!p0 s1  }
0x38: {  	[bflag:$0x3] =	sbarrier.arrive $0xFFFF  }
0x39: {  	_ =	shalt  }

</sc_bundles>
